<compile_context>
chip_gen: v7x
topology: tpu7x:2x2x1
jax: 0.10.2.dev20260603
libtpu: 0.0.44.dev20260713+nightly
codegen_flags: <defaults>
</compile_context>

<pallas_src>
import dataclasses
import functools

import jax
import jax.numpy as jnp
from jax import lax
from jax.experimental import pallas as pl
from jax.experimental.pallas import tpu as pltpu
from jax.experimental.pallas import tpu_sc as plsc

B, S, D = 8, 1024, 256
L, K = 4, 4096
N = B * S
COMMIT = 0.25
RBLK = 512
NRB = N // RBLK
SC_CORES = 2
SC_SUBCORES = 16
SC_WORKERS = SC_CORES * SC_SUBCORES
ROWS_PER_W = N // SC_WORKERS
MM_PREC = None


def _cnorm_body(cb_ref, cn_ref):
    cb = cb_ref[0]
    sq = cb * cb
    ones = jnp.ones((8, D), jnp.float32)
    r = lax.dot_general(ones, sq, (((1,), (1,)), ((), ())),
                        preferred_element_type=jnp.float32,
                        precision=lax.Precision.HIGHEST)
    cn_ref[0] = r[0:1, :]


def _cnorms(codebooks):
    return pl.pallas_call(
        _cnorm_body,
        grid=(L,),
        in_specs=[pl.BlockSpec((1, K, D), lambda l: (l, 0, 0))],
        out_specs=pl.BlockSpec((1, 1, K), lambda l: (l, 0, 0)),
        out_shape=jax.ShapeDtypeStruct((L, 1, K), jnp.float32),
    )(codebooks)


def _argmin_tail(res, cb, cn, idx_ref, lsum_ref, step):
    sm2 = lax.dot_general(res * -2.0, cb, (((1,), (1,)), ((), ())),
                          preferred_element_type=jnp.float32,
                          precision=MM_PREC)
    rn = jnp.sum(res * res, axis=1, keepdims=True)
    d = (rn + sm2) + cn
    mv = jnp.min(d, axis=1, keepdims=True)
    ii = lax.broadcasted_iota(jnp.int32, (1, K), 1).astype(jnp.float32)
    idxf = jnp.min(jnp.where(d == mv, ii, float(K)), axis=1, keepdims=True)
    idx_ref[...] = idxf.astype(jnp.int32)
    part = jnp.sum(mv, keepdims=True)

    @pl.when(step == 0)
    def _():
        lsum_ref[...] = part

    @pl.when(step != 0)
    def _():
        lsum_ref[...] = lsum_ref[...] + part


def _layer0_body(z_ref, cb_ref, cn_ref, idx_ref, lsum_ref):
    _argmin_tail(z_ref[...], cb_ref[...], cn_ref[...], idx_ref, lsum_ref,
                 pl.program_id(0))


def _layer1_body(res_ref, zq_ref, cb_ref, cn_ref,
                 resout_ref, qacc_ref, idx_ref, lsum_ref):
    rp = res_ref[...]
    q = rp + (zq_ref[...] - rp)
    qacc_ref[...] = q
    res = rp - q
    resout_ref[...] = res
    _argmin_tail(res, cb_ref[...], cn_ref[...], idx_ref, lsum_ref,
                 pl.program_id(0))


def _layerN_body(res_ref, zq_ref, qin_ref, cb_ref, cn_ref,
                 resout_ref, qacc_ref, idx_ref, lsum_ref):
    rp = res_ref[...]
    q = rp + (zq_ref[...] - rp)
    qacc_ref[...] = qin_ref[...] + q
    res = rp - q
    resout_ref[...] = res
    _argmin_tail(res, cb_ref[...], cn_ref[...], idx_ref, lsum_ref,
                 pl.program_id(0))


_ROWSPEC = pl.BlockSpec((RBLK, D), lambda i: (i, 0))
_CBSPEC = pl.BlockSpec((K, D), lambda i: (0, 0))
_CNSPEC = pl.BlockSpec((1, K), lambda i: (0, 0))
_IDXSPEC = pl.BlockSpec((RBLK, 1), lambda i: (i, 0))
_SCALSPEC = pl.BlockSpec((1, 1), lambda i: (0, 0))

_IDX_SHAPE = jax.ShapeDtypeStruct((N, 1), jnp.int32)
_SCAL_SHAPE = jax.ShapeDtypeStruct((1, 1), jnp.float32)
_ROW_SHAPE = jax.ShapeDtypeStruct((N, D), jnp.float32)


def _layer0(z, cb, cn):
    return pl.pallas_call(
        _layer0_body,
        grid=(NRB,),
        in_specs=[_ROWSPEC, _CBSPEC, _CNSPEC],
        out_specs=(_IDXSPEC, _SCALSPEC),
        out_shape=(_IDX_SHAPE, _SCAL_SHAPE),
    )(z, cb, cn)


def _layer1(res, zq, cb, cn):
    return pl.pallas_call(
        _layer1_body,
        grid=(NRB,),
        in_specs=[_ROWSPEC, _ROWSPEC, _CBSPEC, _CNSPEC],
        out_specs=(_ROWSPEC, _ROWSPEC, _IDXSPEC, _SCALSPEC),
        out_shape=(_ROW_SHAPE, _ROW_SHAPE, _IDX_SHAPE, _SCAL_SHAPE),
    )(res, zq, cb, cn)


def _layerN(res, zq, qacc, cb, cn):
    return pl.pallas_call(
        _layerN_body,
        grid=(NRB,),
        in_specs=[_ROWSPEC, _ROWSPEC, _ROWSPEC, _CBSPEC, _CNSPEC],
        out_specs=(_ROWSPEC, _ROWSPEC, _IDXSPEC, _SCALSPEC),
        out_shape=(_ROW_SHAPE, _ROW_SHAPE, _IDX_SHAPE, _SCAL_SHAPE),
    )(res, zq, qacc, cb, cn)


def _sc_gather_hist(cb, idx2d):
    mesh = plsc.VectorSubcoreMesh(core_axis_name="c", subcore_axis_name="s")
    cp = pltpu.CompilerParams()
    if "needs_layout_passes" in pltpu.CompilerParams.__dataclass_fields__:
        cp = dataclasses.replace(cp, needs_layout_passes=False)

    @functools.partial(
        pl.kernel,
        compiler_params=cp,
        out_type=(jax.ShapeDtypeStruct((N, D), jnp.float32),
                  jax.ShapeDtypeStruct((SC_CORES, K // 16, 16), jnp.float32)),
        mesh=mesh,
        scratch_types=[
            pltpu.VMEM((2, 128), jnp.int32),
            pltpu.VMEM((ROWS_PER_W, D), jnp.float32),
            pltpu.VMEM((K // 16, 16), jnp.float32),
            pltpu.VMEM((2, 128), jnp.int32),
            pltpu.VMEM_SHARED((K // 16, 16), jnp.float32),
            pltpu.SemaphoreType.DMA,
        ],
    )
    def k(cb_hbm, idx_hbm, zq_hbm, cnt_hbm, idx_v, rows_v, cnt_v, ridx_v,
          cnt_sh, sem):
        cid = lax.axis_index("c")
        sid = lax.axis_index("s")
        wid = sid * SC_CORES + cid
        base = wid * ROWS_PER_W

        pltpu.sync_copy(idx_hbm.at[pl.ds(wid * 2, 2)], idx_v)
        for j in range(2):
            pltpu.async_copy(cb_hbm.at[idx_v.at[j]],
                             rows_v.at[pl.ds(j * 128, 128)], sem).wait()
        pltpu.sync_copy(rows_v, zq_hbm.at[pl.ds(base, ROWS_PER_W)])

        @pl.loop(0, K // 16)
        def _(r):
            cnt_v[r] = jnp.zeros((16,), jnp.float32)

        @pl.when(sid == 0)
        def _():
            pltpu.sync_copy(cnt_v, cnt_sh)
        plsc.subcore_barrier()

        ones = jnp.ones((16,), jnp.float32)
        for j in range(2):
            for t in range(8):
                v = idx_v[j, pl.ds(t * 16, 16)]
                row = lax.shift_right_logical(v, 4)
                lane = lax.bitwise_and(v, 15)
                plsc.addupdate_scatter(cnt_v, [row, lane], ones)
            for t in range(8):
                ridx_v[j, pl.ds(t * 16, 16)] = (
                    lax.iota(jnp.int32, 16) + (j * 128 + t * 16))

        for j in range(2):
            pltpu.sync_copy(cnt_v.at[pl.ds(j * 128, 128)],
                            cnt_sh.at[ridx_v.at[j]], add=True)
        plsc.subcore_barrier()

        @pl.when(sid == 0)
        def _():
            pltpu.sync_copy(cnt_sh, cnt_hbm.at[cid])

    return k(cb, idx2d)


def _final_body(res_ref, zq_ref, qin_ref, cnt_ref, ls_ref,
                qsum_ref, commit_ref, perp_ref):
    i = pl.program_id(0)
    rp = res_ref[...]
    q = rp + (zq_ref[...] - rp)
    qsum_ref[...] = qin_ref[...] + q

    @pl.when(i == NRB - 1)
    def _():
        cnt = cnt_ref[...]
        counts = cnt[:, 0, :] + cnt[:, 1, :]
        probs = counts * (1.0 / N)
        ent = jnp.sum(probs * jnp.log(probs + 1e-10), axis=1, keepdims=True)
        perps = jnp.exp(-ent)
        perp_ref[...] = jnp.sum(perps, keepdims=True) * (1.0 / L)
        ls = ls_ref[...] * (COMMIT / (N * D))
        commit_ref[...] = jnp.sum(ls, keepdims=True)

    @pl.when(i == 0)
    def _():
        commit_ref[...] = jnp.zeros((1, 1), jnp.float32)
        perp_ref[...] = jnp.zeros((1, 1), jnp.float32)


def _final(res, zq, qacc, counts, lsums):
    return pl.pallas_call(
        _final_body,
        grid=(NRB,),
        in_specs=[
            _ROWSPEC, _ROWSPEC, _ROWSPEC,
            pl.BlockSpec((L, SC_CORES, K), lambda i: (0, 0, 0)),
            pl.BlockSpec((1, L), lambda i: (0, 0)),
        ],
        out_specs=(_ROWSPEC, _SCALSPEC, _SCALSPEC),
        out_shape=(_ROW_SHAPE, _SCAL_SHAPE, _SCAL_SHAPE),
    )(res, zq, qacc, counts, lsums)


def kernel(z, codebooks):
    zf = z.reshape(N, D)
    cns = _cnorms(codebooks)

    idx0, ls0 = _layer0(zf, codebooks[0], cns[0])
    zq0, cnt0 = _sc_gather_hist(codebooks[0], idx0.reshape(N // 128, 128))

    res1, qacc1, idx1, ls1 = _layer1(zf, zq0, codebooks[1], cns[1])
    zq1, cnt1 = _sc_gather_hist(codebooks[1], idx1.reshape(N // 128, 128))

    res2, qacc2, idx2, ls2 = _layerN(res1, zq1, qacc1, codebooks[2], cns[2])
    zq2, cnt2 = _sc_gather_hist(codebooks[2], idx2.reshape(N // 128, 128))

    res3, qacc3, idx3, ls3 = _layerN(res2, zq2, qacc2, codebooks[3], cns[3])
    zq3, cnt3 = _sc_gather_hist(codebooks[3], idx3.reshape(N // 128, 128))

    counts = jnp.stack([cnt0, cnt1, cnt2, cnt3]).reshape(L, SC_CORES, K)
    lsums = jnp.concatenate([ls0, ls1, ls2, ls3], axis=1)

    qsum, commit, perp = _final(res3, zq3, qacc3, counts, lsums)

    quantized_sum = qsum.reshape(B, S, D)
    indices = jnp.stack(
        [idx0.reshape(B, S), idx1.reshape(B, S),
         idx2.reshape(B, S), idx3.reshape(B, S)], axis=-1)
    total_commitment = commit[0, 0]
    codebook_loss = jnp.zeros((), jnp.float32)
    avg_perplexity = perp[0, 0]
    return (quantized_sum, indices, total_commitment, codebook_loss,
            avg_perplexity)

# --- scband reference (transcript-rebuilt; emitter-appended) ---
"""Pipeline reference for scband-residual-vq-6640019440247 (READ-ONLY COPY).

The authoritative reference and input builder live on the scoring server;
editing this copy changes nothing except your own understanding.
"""

import jax, jax.numpy as jnp
import numpy as np

B, S, D = 8, 1024, 256
L, K = 4, 4096
COMMIT = 0.25


def setup_inputs(seed: int = 0) -> dict:
    key = jax.random.key(seed)
    k1, k2 = jax.random.split(key)
    z = jax.random.normal(k1, (B, S, D), dtype=jnp.float32)
    # per-layer codebooks, init uniform(-1/K, 1/K) like the torch module
    codebooks = jax.random.uniform(k2, (L, K, D), dtype=jnp.float32,
                                   minval=-1.0 / K, maxval=1.0 / K)
    return {"z": z, "codebooks": codebooks}


def reference(z, codebooks):
    # ResidualVQ forward in eval mode (no EMA update).
    b, s, d = z.shape
    residual = z
    quantized_sum = jnp.zeros_like(z)
    all_indices = []
    all_losses = []
    all_perps = []
    for l in range(L):
        cb = codebooks[l]  # [K, D]
        z_flat = residual.reshape(-1, d)  # [N, D]
        # squared euclidean distances to codebook entries
        distances = (z_flat ** 2).sum(axis=-1, keepdims=True) \
            - 2.0 * (z_flat @ cb.T) \
            + (cb ** 2).sum(axis=-1)
        idx = jnp.argmin(distances, axis=-1)  # [N]
        z_q = jnp.take(cb, idx, axis=0)       # gather [N, D]
        commitment_loss = jnp.mean((z_flat - jax.lax.stop_gradient(z_q)) ** 2)
        # straight-through estimator
        z_q_st = z_flat + jax.lax.stop_gradient(z_q - z_flat)
        # perplexity (codebook usage)
        counts = jnp.zeros((K,), dtype=jnp.float32).at[idx].add(1.0)
        avg_probs = counts / z_flat.shape[0]
        perplexity = jnp.exp(-jnp.sum(avg_probs * jnp.log(avg_probs + 1e-10)))
        q = z_q_st.reshape(b, s, d)
        quantized_sum = quantized_sum + q
        residual = residual - jax.lax.stop_gradient(q)
        all_indices.append(idx.reshape(b, s))
        all_losses.append(COMMIT * commitment_loss)
        all_perps.append(perplexity)
    indices = jnp.stack(all_indices, axis=-1)  # [B, S, L]
    total_commitment = sum(all_losses)
    avg_perplexity = sum(all_perps) / float(L)
    codebook_loss = jnp.asarray(0.0, dtype=jnp.float32)
    return (quantized_sum, indices, total_commitment, codebook_loss, avg_perplexity)

if __name__ == "__main__":
    import jax
    _d = setup_inputs()
    print(jax.jit(kernel)(*tuple(_d.values())))

</pallas_src>

<mosaic_0001>
#map = affine_map<(d0, d1) -> (0, 0)>
#map1 = affine_map<(d0, d1) -> (0, 0, 0)>
module attributes {stable_mosaic.version = 14 : i64} {
  func.func @k(%arg0: i32, %arg1: i32, %arg2: memref<4096x256xf32, #tpu.memory_space<hbm>>, %arg3: memref<64x128xi32, #tpu.memory_space<hbm>>, %arg4: memref<8192x256xf32, #tpu.memory_space<hbm>>, %arg5: memref<2x256x16xf32, #tpu.memory_space<hbm>>, %arg6: memref<2x128xi32, #tpu.memory_space<vmem>>, %arg7: memref<256x256xf32, #tpu.memory_space<vmem>>, %arg8: memref<256x16xf32, #tpu.memory_space<vmem>>, %arg9: memref<2x128xi32, #tpu.memory_space<vmem>>, %arg10: memref<256x16xf32, #tpu.memory_space<vmem_shared>>, %arg11: memref<!tpu.dma_semaphore, #tpu.memory_space<semaphore_mem>>) attributes {dimension_semantics = [#tpu.dimension_semantics<core_parallel>, #tpu.dimension_semantics<subcore_parallel>], iteration_bounds = array<i64: 2, 16>, scalar_prefetch = 0 : i64, scratch_operands = 6 : i64, tpu.core_type = #tpu.core_type<sc_vector_subcore>, window_params = [{transform_indices = #map}, {transform_indices = #map}, {transform_indices = #map}, {transform_indices = #map1}]} {
    %mul3A = arith.constant 2 : i32
    %mul3A_0 = arith.muli %arg1, %mul3A : i32
    %add3A = arith.addi %mul3A_0, %arg0 : i32
    %mul3A_1 = arith.constant 256 : i32
    %mul3A_2 = arith.muli %add3A, %mul3A_1 : i32
    %mul3A_3 = arith.constant 2 : i32
    %mul3A_4 = arith.muli %add3A, %mul3A_3 : i32
    "tpu.region"() ({
      %run_scoped3A_340 = tpu.sem_alloc : memref<!tpu.dma_semaphore, #tpu.memory_space<semaphore_mem>>
      %dma_start3A_341 = arith.constant 0 : i32
      %dma_start3A_342 = tpu.memref_slice %arg3[%mul3A_4, %dma_start3A_341] : memref<64x128xi32, #tpu.memory_space<hbm>> -> memref<2x128xi32, #tpu.memory_space<hbm>>
      %dma_start3A_343 = arith.constant 0 : i32
      %dma_start3A_344 = tpu.memref_slice %arg3[%mul3A_4, %dma_start3A_343] : memref<64x128xi32, #tpu.memory_space<hbm>> -> memref<2x128xi32, #tpu.memory_space<hbm>>
      tpu.enqueue_dma source(%dma_start3A_344 : memref<2x128xi32, #tpu.memory_space<hbm>>) target(%arg6 : memref<2x128xi32, #tpu.memory_space<vmem>>) target_semaphore(%run_scoped3A_340 : memref<!tpu.dma_semaphore, #tpu.memory_space<semaphore_mem>>)
      %dma_wait3A_345 = arith.constant 0 : i32
      %dma_wait3A_346 = tpu.memref_slice %arg3[%mul3A_4, %dma_wait3A_345] : memref<64x128xi32, #tpu.memory_space<hbm>> -> memref<2x128xi32, #tpu.memory_space<hbm>>
      %dma_wait3A_347 = arith.constant 0 : i32
      %dma_wait3A_348 = tpu.memref_slice %arg3[%mul3A_4, %dma_wait3A_347] : memref<64x128xi32, #tpu.memory_space<hbm>> -> memref<2x128xi32, #tpu.memory_space<hbm>>
      tpu.wait_dma2 semaphore(%run_scoped3A_340 : memref<!tpu.dma_semaphore, #tpu.memory_space<semaphore_mem>>) src(%dma_wait3A_348 : memref<2x128xi32, #tpu.memory_space<hbm>>) dst(%arg6 : memref<2x128xi32, #tpu.memory_space<vmem>>)
      tpu.yield
    }) : () -> ()
    %dma_start3A = arith.constant 0 : i32
    %dma_start3A_5 = arith.constant 0 : i32
    %dma_start3A_6 = arith.constant 0 : i32
    %dma_start3A_7 = tpu.memref_slice %arg7[%dma_start3A_5, %dma_start3A_6] : memref<256x256xf32, #tpu.memory_space<vmem>> -> memref<128x256xf32, #tpu.memory_space<vmem>>
    %dma_start3A_8 = arith.constant 0 : i32
    %dma_start3A_9 = tpu.memref_slice %arg6[%dma_start3A, %dma_start3A_8] : memref<2x128xi32, #tpu.memory_space<vmem>> -> memref<1x128xi32, #tpu.memory_space<vmem>>
    %dma_start3A_10 = tpu.memref_squeeze %dma_start3A_9 : memref<1x128xi32, #tpu.memory_space<vmem>> -> memref<128xi32, #tpu.memory_space<vmem>>
    %dma_start3A_11 = arith.constant 0 : i32
    %dma_start3A_12 = arith.constant 0 : i32
    %dma_start3A_13 = tpu.memref_slice %arg2[%dma_start3A_11, %dma_start3A_12] : memref<4096x256xf32, #tpu.memory_space<hbm>> -> memref<4096x256xf32, #tpu.memory_space<hbm>>
    tpu.enqueue_indirect_dma source(%dma_start3A_13 : memref<4096x256xf32, #tpu.memory_space<hbm>>) target(%dma_start3A_7 : memref<128x256xf32, #tpu.memory_space<vmem>>) offsets(%dma_start3A_10 : memref<128xi32, #tpu.memory_space<vmem>>) semaphore(%arg11 : memref<!tpu.dma_semaphore, #tpu.memory_space<semaphore_mem>>)
    %dma_wait3A = arith.constant 0 : i32
    %dma_wait3A_14 = arith.constant 0 : i32
    %dma_wait3A_15 = arith.constant 0 : i32
    %dma_wait3A_16 = tpu.memref_slice %arg7[%dma_wait3A_14, %dma_wait3A_15] : memref<256x256xf32, #tpu.memory_space<vmem>> -> memref<128x256xf32, #tpu.memory_space<vmem>>
    %dma_wait3A_17 = arith.constant 0 : i32
    %dma_wait3A_18 = tpu.memref_slice %arg6[%dma_wait3A, %dma_wait3A_17] : memref<2x128xi32, #tpu.memory_space<vmem>> -> memref<1x128xi32, #tpu.memory_space<vmem>>
    %dma_wait3A_19 = tpu.memref_squeeze %dma_wait3A_18 : memref<1x128xi32, #tpu.memory_space<vmem>> -> memref<128xi32, #tpu.memory_space<vmem>>
    %dma_wait3A_20 = arith.constant 0 : i32
    %dma_wait3A_21 = arith.constant 0 : i32
    %dma_wait3A_22 = tpu.memref_slice %arg2[%dma_wait3A_20, %dma_wait3A_21] : memref<4096x256xf32, #tpu.memory_space<hbm>> -> memref<4096x256xf32, #tpu.memory_space<hbm>>
    tpu.wait_indirect_dma semaphore(%arg11 : memref<!tpu.dma_semaphore, #tpu.memory_space<semaphore_mem>>) src(%dma_wait3A_22 : memref<4096x256xf32, #tpu.memory_space<hbm>>) dst(%dma_wait3A_16 : memref<128x256xf32, #tpu.memory_space<vmem>>)
    %dma_start3A_23 = arith.constant 1 : i32
    %dma_start3A_24 = arith.constant 128 : i32
    %dma_start3A_25 = arith.constant 0 : i32
    %dma_start3A_26 = tpu.memref_slice %arg7[%dma_start3A_24, %dma_start3A_25] : memref<256x256xf32, #tpu.memory_space<vmem>> -> memref<128x256xf32, #tpu.memory_space<vmem>>
    %dma_start3A_27 = arith.constant 0 : i32
    %dma_start3A_28 = tpu.memref_slice %arg6[%dma_start3A_23, %dma_start3A_27] : memref<2x128xi32, #tpu.memory_space<vmem>> -> memref<1x128xi32, #tpu.memory_space<vmem>>
    %dma_start3A_29 = tpu.memref_squeeze %dma_start3A_28 : memref<1x128xi32, #tpu.memory_space<vmem>> -> memref<128xi32, #tpu.memory_space<vmem>>
    %dma_start3A_30 = arith.constant 0 : i32
    %dma_start3A_31 = arith.constant 0 : i32
    %dma_start3A_32 = tpu.memref_slice %arg2[%dma_start3A_30, %dma_start3A_31] : memref<4096x256xf32, #tpu.memory_space<hbm>> -> memref<4096x256xf32, #tpu.memory_space<hbm>>
    tpu.enqueue_indirect_dma source(%dma_start3A_32 : memref<4096x256xf32, #tpu.memory_space<hbm>>) target(%dma_start3A_26 : memref<128x256xf32, #tpu.memory_space<vmem>>) offsets(%dma_start3A_29 : memref<128xi32, #tpu.memory_space<vmem>>) semaphore(%arg11 : memref<!tpu.dma_semaphore, #tpu.memory_space<semaphore_mem>>)
    %dma_wait3A_33 = arith.constant 1 : i32
    %dma_wait3A_34 = arith.constant 128 : i32
    %dma_wait3A_35 = arith.constant 0 : i32
    %dma_wait3A_36 = tpu.memref_slice %arg7[%dma_wait3A_34, %dma_wait3A_35] : memref<256x256xf32, #tpu.memory_space<vmem>> -> memref<128x256xf32, #tpu.memory_space<vmem>>
    %dma_wait3A_37 = arith.constant 0 : i32
    %dma_wait3A_38 = tpu.memref_slice %arg6[%dma_wait3A_33, %dma_wait3A_37] : memref<2x128xi32, #tpu.memory_space<vmem>> -> memref<1x128xi32, #tpu.memory_space<vmem>>
    %dma_wait3A_39 = tpu.memref_squeeze %dma_wait3A_38 : memref<1x128xi32, #tpu.memory_space<vmem>> -> memref<128xi32, #tpu.memory_space<vmem>>
    %dma_wait3A_40 = arith.constant 0 : i32
    %dma_wait3A_41 = arith.constant 0 : i32
    %dma_wait3A_42 = tpu.memref_slice %arg2[%dma_wait3A_40, %dma_wait3A_41] : memref<4096x256xf32, #tpu.memory_space<hbm>> -> memref<4096x256xf32, #tpu.memory_space<hbm>>
    tpu.wait_indirect_dma semaphore(%arg11 : memref<!tpu.dma_semaphore, #tpu.memory_space<semaphore_mem>>) src(%dma_wait3A_42 : memref<4096x256xf32, #tpu.memory_space<hbm>>) dst(%dma_wait3A_36 : memref<128x256xf32, #tpu.memory_space<vmem>>)
    "tpu.region"() ({
      %run_scoped3A_340 = tpu.sem_alloc : memref<!tpu.dma_semaphore, #tpu.memory_space<semaphore_mem>>
      %dma_start3A_341 = arith.constant 0 : i32
      %dma_start3A_342 = tpu.memref_slice %arg4[%mul3A_2, %dma_start3A_341] : memref<8192x256xf32, #tpu.memory_space<hbm>> -> memref<256x256xf32, #tpu.memory_space<hbm>>
      %dma_start3A_343 = arith.constant 0 : i32
      %dma_start3A_344 = tpu.memref_slice %arg4[%mul3A_2, %dma_start3A_343] : memref<8192x256xf32, #tpu.memory_space<hbm>> -> memref<256x256xf32, #tpu.memory_space<hbm>>
      tpu.enqueue_dma source(%arg7 : memref<256x256xf32, #tpu.memory_space<vmem>>) target(%dma_start3A_344 : memref<256x256xf32, #tpu.memory_space<hbm>>) target_semaphore(%run_scoped3A_340 : memref<!tpu.dma_semaphore, #tpu.memory_space<semaphore_mem>>)
      %dma_wait3A_345 = arith.constant 0 : i32
      %dma_wait3A_346 = tpu.memref_slice %arg4[%mul3A_2, %dma_wait3A_345] : memref<8192x256xf32, #tpu.memory_space<hbm>> -> memref<256x256xf32, #tpu.memory_space<hbm>>
      %dma_wait3A_347 = arith.constant 0 : i32
      %dma_wait3A_348 = tpu.memref_slice %arg4[%mul3A_2, %dma_wait3A_347] : memref<8192x256xf32, #tpu.memory_space<hbm>> -> memref<256x256xf32, #tpu.memory_space<hbm>>
      tpu.wait_dma2 semaphore(%run_scoped3A_340 : memref<!tpu.dma_semaphore, #tpu.memory_space<semaphore_mem>>) src(%arg7 : memref<256x256xf32, #tpu.memory_space<vmem>>) dst(%dma_wait3A_348 : memref<256x256xf32, #tpu.memory_space<hbm>>)
      tpu.yield
    }) : () -> ()
    %scan3A = arith.constant 0 : i32
    %scan3A_43 = arith.constant 256 : i32
    %scan3A_44 = arith.addi %scan3A, %scan3A_43 : i32
    %scan3A_45 = arith.constant 1 : i32
    scf.for %scan3A_340 = %scan3A to %scan3A_44 step %scan3A_45  : i32 {
      %mul3A_341 = arith.constant 1 : i32
      %mul3A_342 = arith.muli %scan3A_340, %mul3A_341 : i32
      %add3A_343 = arith.constant 0 : i32
      %add3A_344 = arith.addi %add3A_343, %mul3A_342 : i32
      %broadcast_in_dim3A_345 = arith.constant 0.000000e+00 : f32
      %broadcast_in_dim3A_346 = vector.broadcast %broadcast_in_dim3A_345 : f32 to vector<16xf32>
      %swap3A_347 = arith.index_cast %add3A_344 : i32 to index
      %swap3A_348 = arith.constant 0 : index
      %swap3A_349 = tpu.vector_load %arg8[%swap3A_347, %swap3A_348] {strides = array<i32>} : memref<256x16xf32, #tpu.memory_space<vmem>>, vector<16xf32>,
      tpu.vector_store %arg8[%swap3A_347, %swap3A_348], %broadcast_in_dim3A_346 {strides = array<i32>} : memref<256x16xf32, #tpu.memory_space<vmem>>, vector<16xf32>,
    }
    %scan3A_46 = arith.constant 256 : i32
    %eq3A = arith.constant 0 : i32
    %eq3A_47 = arith.cmpi eq, %arg1, %eq3A : i32
    %convert_element_type3A = arith.extui %eq3A_47 : i1 to i32
    %cond3A = arith.constant 0 : i32
    %cond3A_48 = arith.cmpi ne, %convert_element_type3A, %cond3A : i32
    scf.if %cond3A_48 {
      "tpu.region"() ({
        %run_scoped3A_340 = tpu.sem_alloc : memref<!tpu.dma_semaphore, #tpu.memory_space<semaphore_mem>>
        tpu.enqueue_dma source(%arg8 : memref<256x16xf32, #tpu.memory_space<vmem>>) target(%arg10 : memref<256x16xf32, #tpu.memory_space<vmem_shared>>) target_semaphore(%run_scoped3A_340 : memref<!tpu.dma_semaphore, #tpu.memory_space<semaphore_mem>>)
        tpu.wait_dma2 semaphore(%run_scoped3A_340 : memref<!tpu.dma_semaphore, #tpu.memory_space<semaphore_mem>>) src(%arg8 : memref<256x16xf32, #tpu.memory_space<vmem>>) dst(%arg10 : memref<256x16xf32, #tpu.memory_space<vmem_shared>>)
        tpu.yield
      }) : () -> ()
    } else {
    }
    %barrier3A = arith.constant 0 : index
    tpu.barrier barrier_id(%barrier3A)
    %broadcast_in_dim3A = arith.constant 1.000000e+00 : f32
    %broadcast_in_dim3A_49 = vector.broadcast %broadcast_in_dim3A : f32 to vector<16xf32>
    %get3A = arith.constant 0 : i32
    %get3A_50 = arith.index_cast %get3A : i32 to index
    %get3A_51 = arith.constant 0 : index
    %get3A_52 = tpu.vector_load %arg6[%get3A_50, %get3A_51] {strides = array<i32>} : memref<2x128xi32, #tpu.memory_space<vmem>>, vector<16xi32>,
    %shift_right_logical3A = arith.constant 4 : i32
    %shift_right_logical3A_53 = vector.broadcast %shift_right_logical3A : i32 to vector<16xi32>
    %shift_right_logical3A_54 = arith.shrui %get3A_52, %shift_right_logical3A_53 : vector<16xi32>
    %and3A = arith.constant 15 : i32
    %and3A_55 = vector.broadcast %and3A : i32 to vector<16xi32>
    %and3A_56 = arith.andi %get3A_52, %and3A_55 : vector<16xi32>
    tpu.vector_store_idx %arg8[%shift_right_logical3A_54, %and3A_56], %broadcast_in_dim3A_49 {add = true} : memref<256x16xf32, #tpu.memory_space<vmem>>[vector<16xi32>, vector<16xi32>], vector<16xf32>,
    %get3A_57 = arith.constant 0 : i32
    %get3A_58 = arith.index_cast %get3A_57 : i32 to index
    %get3A_59 = arith.constant 16 : index
    %get3A_60 = tpu.vector_load %arg6[%get3A_58, %get3A_59] {strides = array<i32>} : memref<2x128xi32, #tpu.memory_space<vmem>>, vector<16xi32>,
    %shift_right_logical3A_61 = arith.constant 4 : i32
    %shift_right_logical3A_62 = vector.broadcast %shift_right_logical3A_61 : i32 to vector<16xi32>
    %shift_right_logical3A_63 = arith.shrui %get3A_60, %shift_right_logical3A_62 : vector<16xi32>
    %and3A_64 = arith.constant 15 : i32
    %and3A_65 = vector.broadcast %and3A_64 : i32 to vector<16xi32>
    %and3A_66 = arith.andi %get3A_60, %and3A_65 : vector<16xi32>
    tpu.vector_store_idx %arg8[%shift_right_logical3A_63, %and3A_66], %broadcast_in_dim3A_49 {add = true} : memref<256x16xf32, #tpu.memory_space<vmem>>[vector<16xi32>, vector<16xi32>], vector<16xf32>,
    %get3A_67 = arith.constant 0 : i32
    %get3A_68 = arith.index_cast %get3A_67 : i32 to index
    %get3A_69 = arith.constant 32 : index
    %get3A_70 = tpu.vector_load %arg6[%get3A_68, %get3A_69] {strides = array<i32>} : memref<2x128xi32, #tpu.memory_space<vmem>>, vector<16xi32>,
    %shift_right_logical3A_71 = arith.constant 4 : i32
    %shift_right_logical3A_72 = vector.broadcast %shift_right_logical3A_71 : i32 to vector<16xi32>
    %shift_right_logical3A_73 = arith.shrui %get3A_70, %shift_right_logical3A_72 : vector<16xi32>
    %and3A_74 = arith.constant 15 : i32
    %and3A_75 = vector.broadcast %and3A_74 : i32 to vector<16xi32>
    %and3A_76 = arith.andi %get3A_70, %and3A_75 : vector<16xi32>
    tpu.vector_store_idx %arg8[%shift_right_logical3A_73, %and3A_76], %broadcast_in_dim3A_49 {add = true} : memref<256x16xf32, #tpu.memory_space<vmem>>[vector<16xi32>, vector<16xi32>], vector<16xf32>,
    %get3A_77 = arith.constant 0 : i32
    %get3A_78 = arith.index_cast %get3A_77 : i32 to index
    %get3A_79 = arith.constant 48 : index
    %get3A_80 = tpu.vector_load %arg6[%get3A_78, %get3A_79] {strides = array<i32>} : memref<2x128xi32, #tpu.memory_space<vmem>>, vector<16xi32>,
    %shift_right_logical3A_81 = arith.constant 4 : i32
    %shift_right_logical3A_82 = vector.broadcast %shift_right_logical3A_81 : i32 to vector<16xi32>
    %shift_right_logical3A_83 = arith.shrui %get3A_80, %shift_right_logical3A_82 : vector<16xi32>
    %and3A_84 = arith.constant 15 : i32
    %and3A_85 = vector.broadcast %and3A_84 : i32 to vector<16xi32>
    %and3A_86 = arith.andi %get3A_80, %and3A_85 : vector<16xi32>
    tpu.vector_store_idx %arg8[%shift_right_logical3A_83, %and3A_86], %broadcast_in_dim3A_49 {add = true} : memref<256x16xf32, #tpu.memory_space<vmem>>[vector<16xi32>, vector<16xi32>], vector<16xf32>,
    %get3A_87 = arith.constant 0 : i32
    %get3A_88 = arith.index_cast %get3A_87 : i32 to index
    %get3A_89 = arith.constant 64 : index
    %get3A_90 = tpu.vector_load %arg6[%get3A_88, %get3A_89] {strides = array<i32>} : memref<2x128xi32, #tpu.memory_space<vmem>>, vector<16xi32>,
    %shift_right_logical3A_91 = arith.constant 4 : i32
    %shift_right_logical3A_92 = vector.broadcast %shift_right_logical3A_91 : i32 to vector<16xi32>
    %shift_right_logical3A_93 = arith.shrui %get3A_90, %shift_right_logical3A_92 : vector<16xi32>
    %and3A_94 = arith.constant 15 : i32
    %and3A_95 = vector.broadcast %and3A_94 : i32 to vector<16xi32>
    %and3A_96 = arith.andi %get3A_90, %and3A_95 : vector<16xi32>
    tpu.vector_store_idx %arg8[%shift_right_logical3A_93, %and3A_96], %broadcast_in_dim3A_49 {add = true} : memref<256x16xf32, #tpu.memory_space<vmem>>[vector<16xi32>, vector<16xi32>], vector<16xf32>,
    %get3A_97 = arith.constant 0 : i32
    %get3A_98 = arith.index_cast %get3A_97 : i32 to index
    %get3A_99 = arith.constant 80 : index
    %get3A_100 = tpu.vector_load %arg6[%get3A_98, %get3A_99] {strides = array<i32>} : memref<2x128xi32, #tpu.memory_space<vmem>>, vector<16xi32>,
    %shift_right_logical3A_101 = arith.constant 4 : i32
    %shift_right_logical3A_102 = vector.broadcast %shift_right_logical3A_101 : i32 to vector<16xi32>
    %shift_right_logical3A_103 = arith.shrui %get3A_100, %shift_right_logical3A_102 : vector<16xi32>
    %and3A_104 = arith.constant 15 : i32
    %and3A_105 = vector.broadcast %and3A_104 : i32 to vector<16xi32>
    %and3A_106 = arith.andi %get3A_100, %and3A_105 : vector<16xi32>
    tpu.vector_store_idx %arg8[%shift_right_logical3A_103, %and3A_106], %broadcast_in_dim3A_49 {add = true} : memref<256x16xf32, #tpu.memory_space<vmem>>[vector<16xi32>, vector<16xi32>], vector<16xf32>,
    %get3A_107 = arith.constant 0 : i32
    %get3A_108 = arith.index_cast %get3A_107 : i32 to index
    %get3A_109 = arith.constant 96 : index
    %get3A_110 = tpu.vector_load %arg6[%get3A_108, %get3A_109] {strides = array<i32>} : memref<2x128xi32, #tpu.memory_space<vmem>>, vector<16xi32>,
    %shift_right_logical3A_111 = arith.constant 4 : i32
    %shift_right_logical3A_112 = vector.broadcast %shift_right_logical3A_111 : i32 to vector<16xi32>
    %shift_right_logical3A_113 = arith.shrui %get3A_110, %shift_right_logical3A_112 : vector<16xi32>
    %and3A_114 = arith.constant 15 : i32
    %and3A_115 = vector.broadcast %and3A_114 : i32 to vector<16xi32>
    %and3A_116 = arith.andi %get3A_110, %and3A_115 : vector<16xi32>
    tpu.vector_store_idx %arg8[%shift_right_logical3A_113, %and3A_116], %broadcast_in_dim3A_49 {add = true} : memref<256x16xf32, #tpu.memory_space<vmem>>[vector<16xi32>, vector<16xi32>], vector<16xf32>,
    %get3A_117 = arith.constant 0 : i32
    %get3A_118 = arith.index_cast %get3A_117 : i32 to index
    %get3A_119 = arith.constant 112 : index
    %get3A_120 = tpu.vector_load %arg6[%get3A_118, %get3A_119] {strides = array<i32>} : memref<2x128xi32, #tpu.memory_space<vmem>>, vector<16xi32>,
    %shift_right_logical3A_121 = arith.constant 4 : i32
    %shift_right_logical3A_122 = vector.broadcast %shift_right_logical3A_121 : i32 to vector<16xi32>
    %shift_right_logical3A_123 = arith.shrui %get3A_120, %shift_right_logical3A_122 : vector<16xi32>
    %and3A_124 = arith.constant 15 : i32
    %and3A_125 = vector.broadcast %and3A_124 : i32 to vector<16xi32>
    %and3A_126 = arith.andi %get3A_120, %and3A_125 : vector<16xi32>
    tpu.vector_store_idx %arg8[%shift_right_logical3A_123, %and3A_126], %broadcast_in_dim3A_49 {add = true} : memref<256x16xf32, #tpu.memory_space<vmem>>[vector<16xi32>, vector<16xi32>], vector<16xf32>,
    %iota3A = tpu.iota {dimensions = array<i32: 0>} : vector<16xi32>
    %add3A_127 = arith.constant 0 : i32
    %add3A_128 = vector.broadcast %add3A_127 : i32 to vector<16xi32>
    %add3A_129 = arith.addi %iota3A, %add3A_128 : vector<16xi32>
    %swap3A = arith.constant 0 : i32
    %swap3A_130 = arith.index_cast %swap3A : i32 to index
    %swap3A_131 = arith.constant 0 : index
    %swap3A_132 = tpu.vector_load %arg9[%swap3A_130, %swap3A_131] {strides = array<i32>} : memref<2x128xi32, #tpu.memory_space<vmem>>, vector<16xi32>,
    tpu.vector_store %arg9[%swap3A_130, %swap3A_131], %add3A_129 {strides = array<i32>} : memref<2x128xi32, #tpu.memory_space<vmem>>, vector<16xi32>,
    %iota3A_133 = tpu.iota {dimensions = array<i32: 0>} : vector<16xi32>
    %add3A_134 = arith.constant 16 : i32
    %add3A_135 = vector.broadcast %add3A_134 : i32 to vector<16xi32>
    %add3A_136 = arith.addi %iota3A_133, %add3A_135 : vector<16xi32>
    %swap3A_137 = arith.constant 0 : i32
    %swap3A_138 = arith.index_cast %swap3A_137 : i32 to index
    %swap3A_139 = arith.constant 16 : index
    %swap3A_140 = tpu.vector_load %arg9[%swap3A_138, %swap3A_139] {strides = array<i32>} : memref<2x128xi32, #tpu.memory_space<vmem>>, vector<16xi32>,
    tpu.vector_store %arg9[%swap3A_138, %swap3A_139], %add3A_136 {strides = array<i32>} : memref<2x128xi32, #tpu.memory_space<vmem>>, vector<16xi32>,
    %iota3A_141 = tpu.iota {dimensions = array<i32: 0>} : vector<16xi32>
    %add3A_142 = arith.constant 32 : i32
    %add3A_143 = vector.broadcast %add3A_142 : i32 to vector<16xi32>
    %add3A_144 = arith.addi %iota3A_141, %add3A_143 : vector<16xi32>
    %swap3A_145 = arith.constant 0 : i32
    %swap3A_146 = arith.index_cast %swap3A_145 : i32 to index
    %swap3A_147 = arith.constant 32 : index
    %swap3A_148 = tpu.vector_load %arg9[%swap3A_146, %swap3A_147] {strides = array<i32>} : memref<2x128xi32, #tpu.memory_space<vmem>>, vector<16xi32>,
    tpu.vector_store %arg9[%swap3A_146, %swap3A_147], %add3A_144 {strides = array<i32>} : memref<2x128xi32, #tpu.memory_space<vmem>>, vector<16xi32>,
    %iota3A_149 = tpu.iota {dimensions = array<i32: 0>} : vector<16xi32>
    %add3A_150 = arith.constant 48 : i32
    %add3A_151 = vector.broadcast %add3A_150 : i32 to vector<16xi32>
    %add3A_152 = arith.addi %iota3A_149, %add3A_151 : vector<16xi32>
    %swap3A_153 = arith.constant 0 : i32
    %swap3A_154 = arith.index_cast %swap3A_153 : i32 to index
    %swap3A_155 = arith.constant 48 : index
    %swap3A_156 = tpu.vector_load %arg9[%swap3A_154, %swap3A_155] {strides = array<i32>} : memref<2x128xi32, #tpu.memory_space<vmem>>, vector<16xi32>,
    tpu.vector_store %arg9[%swap3A_154, %swap3A_155], %add3A_152 {strides = array<i32>} : memref<2x128xi32, #tpu.memory_space<vmem>>, vector<16xi32>,
    %iota3A_157 = tpu.iota {dimensions = array<i32: 0>} : vector<16xi32>
    %add3A_158 = arith.constant 64 : i32
    %add3A_159 = vector.broadcast %add3A_158 : i32 to vector<16xi32>
    %add3A_160 = arith.addi %iota3A_157, %add3A_159 : vector<16xi32>
    %swap3A_161 = arith.constant 0 : i32
    %swap3A_162 = arith.index_cast %swap3A_161 : i32 to index
    %swap3A_163 = arith.constant 64 : index
    %swap3A_164 = tpu.vector_load %arg9[%swap3A_162, %swap3A_163] {strides = array<i32>} : memref<2x128xi32, #tpu.memory_space<vmem>>, vector<16xi32>,
    tpu.vector_store %arg9[%swap3A_162, %swap3A_163], %add3A_160 {strides = array<i32>} : memref<2x128xi32, #tpu.memory_space<vmem>>, vector<16xi32>,
    %iota3A_165 = tpu.iota {dimensions = array<i32: 0>} : vector<16xi32>
    %add3A_166 = arith.constant 80 : i32
    %add3A_167 = vector.broadcast %add3A_166 : i32 to vector<16xi32>
    %add3A_168 = arith.addi %iota3A_165, %add3A_167 : vector<16xi32>
    %swap3A_169 = arith.constant 0 : i32
    %swap3A_170 = arith.index_cast %swap3A_169 : i32 to index
    %swap3A_171 = arith.constant 80 : index
    %swap3A_172 = tpu.vector_load %arg9[%swap3A_170, %swap3A_171] {strides = array<i32>} : memref<2x128xi32, #tpu.memory_space<vmem>>, vector<16xi32>,
    tpu.vector_store %arg9[%swap3A_170, %swap3A_171], %add3A_168 {strides = array<i32>} : memref<2x128xi32, #tpu.memory_space<vmem>>, vector<16xi32>,
    %iota3A_173 = tpu.iota {dimensions = array<i32: 0>} : vector<16xi32>
    %add3A_174 = arith.constant 96 : i32
    %add3A_175 = vector.broadcast %add3A_174 : i32 to vector<16xi32>
    %add3A_176 = arith.addi %iota3A_173, %add3A_175 : vector<16xi32>
    %swap3A_177 = arith.constant 0 : i32
    %swap3A_178 = arith.index_cast %swap3A_177 : i32 to index
    %swap3A_179 = arith.constant 96 : index
    %swap3A_180 = tpu.vector_load %arg9[%swap3A_178, %swap3A_179] {strides = array<i32>} : memref<2x128xi32, #tpu.memory_space<vmem>>, vector<16xi32>,
    tpu.vector_store %arg9[%swap3A_178, %swap3A_179], %add3A_176 {strides = array<i32>} : memref<2x128xi32, #tpu.memory_space<vmem>>, vector<16xi32>,
    %iota3A_181 = tpu.iota {dimensions = array<i32: 0>} : vector<16xi32>
    %add3A_182 = arith.constant 112 : i32
    %add3A_183 = vector.broadcast %add3A_182 : i32 to vector<16xi32>
    %add3A_184 = arith.addi %iota3A_181, %add3A_183 : vector<16xi32>
    %swap3A_185 = arith.constant 0 : i32
    %swap3A_186 = arith.index_cast %swap3A_185 : i32 to index
    %swap3A_187 = arith.constant 112 : index
    %swap3A_188 = tpu.vector_load %arg9[%swap3A_186, %swap3A_187] {strides = array<i32>} : memref<2x128xi32, #tpu.memory_space<vmem>>, vector<16xi32>,
    tpu.vector_store %arg9[%swap3A_186, %swap3A_187], %add3A_184 {strides = array<i32>} : memref<2x128xi32, #tpu.memory_space<vmem>>, vector<16xi32>,
    %get3A_189 = arith.constant 1 : i32
    %get3A_190 = arith.index_cast %get3A_189 : i32 to index
    %get3A_191 = arith.constant 0 : index
    %get3A_192 = tpu.vector_load %arg6[%get3A_190, %get3A_191] {strides = array<i32>} : memref<2x128xi32, #tpu.memory_space<vmem>>, vector<16xi32>,
    %shift_right_logical3A_193 = arith.constant 4 : i32
    %shift_right_logical3A_194 = vector.broadcast %shift_right_logical3A_193 : i32 to vector<16xi32>
    %shift_right_logical3A_195 = arith.shrui %get3A_192, %shift_right_logical3A_194 : vector<16xi32>
    %and3A_196 = arith.constant 15 : i32
    %and3A_197 = vector.broadcast %and3A_196 : i32 to vector<16xi32>
    %and3A_198 = arith.andi %get3A_192, %and3A_197 : vector<16xi32>
    tpu.vector_store_idx %arg8[%shift_right_logical3A_195, %and3A_198], %broadcast_in_dim3A_49 {add = true} : memref<256x16xf32, #tpu.memory_space<vmem>>[vector<16xi32>, vector<16xi32>], vector<16xf32>,
    %get3A_199 = arith.constant 1 : i32
    %get3A_200 = arith.index_cast %get3A_199 : i32 to index
    %get3A_201 = arith.constant 16 : index
    %get3A_202 = tpu.vector_load %arg6[%get3A_200, %get3A_201] {strides = array<i32>} : memref<2x128xi32, #tpu.memory_space<vmem>>, vector<16xi32>,
    %shift_right_logical3A_203 = arith.constant 4 : i32
    %shift_right_logical3A_204 = vector.broadcast %shift_right_logical3A_203 : i32 to vector<16xi32>
    %shift_right_logical3A_205 = arith.shrui %get3A_202, %shift_right_logical3A_204 : vector<16xi32>
    %and3A_206 = arith.constant 15 : i32
    %and3A_207 = vector.broadcast %and3A_206 : i32 to vector<16xi32>
    %and3A_208 = arith.andi %get3A_202, %and3A_207 : vector<16xi32>
    tpu.vector_store_idx %arg8[%shift_right_logical3A_205, %and3A_208], %broadcast_in_dim3A_49 {add = true} : memref<256x16xf32, #tpu.memory_space<vmem>>[vector<16xi32>, vector<16xi32>], vector<16xf32>,
    %get3A_209 = arith.constant 1 : i32
    %get3A_210 = arith.index_cast %get3A_209 : i32 to index
    %get3A_211 = arith.constant 32 : index
    %get3A_212 = tpu.vector_load %arg6[%get3A_210, %get3A_211] {strides = array<i32>} : memref<2x128xi32, #tpu.memory_space<vmem>>, vector<16xi32>,
    %shift_right_logical3A_213 = arith.constant 4 : i32
    %shift_right_logical3A_214 = vector.broadcast %shift_right_logical3A_213 : i32 to vector<16xi32>
    %shift_right_logical3A_215 = arith.shrui %get3A_212, %shift_right_logical3A_214 : vector<16xi32>
    %and3A_216 = arith.constant 15 : i32
    %and3A_217 = vector.broadcast %and3A_216 : i32 to vector<16xi32>
    %and3A_218 = arith.andi %get3A_212, %and3A_217 : vector<16xi32>
    tpu.vector_store_idx %arg8[%shift_right_logical3A_215, %and3A_218], %broadcast_in_dim3A_49 {add = true} : memref<256x16xf32, #tpu.memory_space<vmem>>[vector<16xi32>, vector<16xi32>], vector<16xf32>,
    %get3A_219 = arith.constant 1 : i32
    %get3A_220 = arith.index_cast %get3A_219 : i32 to index
    %get3A_221 = arith.constant 48 : index
    %get3A_222 = tpu.vector_load %arg6[%get3A_220, %get3A_221] {strides = array<i32>} : memref<2x128xi32, #tpu.memory_space<vmem>>, vector<16xi32>,
    %shift_right_logical3A_223 = arith.constant 4 : i32
    %shift_right_logical3A_224 = vector.broadcast %shift_right_logical3A_223 : i32 to vector<16xi32>
    %shift_right_logical3A_225 = arith.shrui %get3A_222, %shift_right_logical3A_224 : vector<16xi32>
    %and3A_226 = arith.constant 15 : i32
    %and3A_227 = vector.broadcast %and3A_226 : i32 to vector<16xi32>
    %and3A_228 = arith.andi %get3A_222, %and3A_227 : vector<16xi32>
    tpu.vector_store_idx %arg8[%shift_right_logical3A_225, %and3A_228], %broadcast_in_dim3A_49 {add = true} : memref<256x16xf32, #tpu.memory_space<vmem>>[vector<16xi32>, vector<16xi32>], vector<16xf32>,
    %get3A_229 = arith.constant 1 : i32
    %get3A_230 = arith.index_cast %get3A_229 : i32 to index
    %get3A_231 = arith.constant 64 : index
    %get3A_232 = tpu.vector_load %arg6[%get3A_230, %get3A_231] {strides = array<i32>} : memref<2x128xi32, #tpu.memory_space<vmem>>, vector<16xi32>,
    %shift_right_logical3A_233 = arith.constant 4 : i32
    %shift_right_logical3A_234 = vector.broadcast %shift_right_logical3A_233 : i32 to vector<16xi32>
    %shift_right_logical3A_235 = arith.shrui %get3A_232, %shift_right_logical3A_234 : vector<16xi32>
    %and3A_236 = arith.constant 15 : i32
    %and3A_237 = vector.broadcast %and3A_236 : i32 to vector<16xi32>
    %and3A_238 = arith.andi %get3A_232, %and3A_237 : vector<16xi32>
    tpu.vector_store_idx %arg8[%shift_right_logical3A_235, %and3A_238], %broadcast_in_dim3A_49 {add = true} : memref<256x16xf32, #tpu.memory_space<vmem>>[vector<16xi32>, vector<16xi32>], vector<16xf32>,
    %get3A_239 = arith.constant 1 : i32
    %get3A_240 = arith.index_cast %get3A_239 : i32 to index
    %get3A_241 = arith.constant 80 : index
    %get3A_242 = tpu.vector_load %arg6[%get3A_240, %get3A_241] {strides = array<i32>} : memref<2x128xi32, #tpu.memory_space<vmem>>, vector<16xi32>,
    %shift_right_logical3A_243 = arith.constant 4 : i32
    %shift_right_logical3A_244 = vector.broadcast %shift_right_logical3A_243 : i32 to vector<16xi32>
    %shift_right_logical3A_245 = arith.shrui %get3A_242, %shift_right_logical3A_244 : vector<16xi32>
    %and3A_246 = arith.constant 15 : i32
    %and3A_247 = vector.broadcast %and3A_246 : i32 to vector<16xi32>
    %and3A_248 = arith.andi %get3A_242, %and3A_247 : vector<16xi32>
    tpu.vector_store_idx %arg8[%shift_right_logical3A_245, %and3A_248], %broadcast_in_dim3A_49 {add = true} : memref<256x16xf32, #tpu.memory_space<vmem>>[vector<16xi32>, vector<16xi32>], vector<16xf32>,
    %get3A_249 = arith.constant 1 : i32
    %get3A_250 = arith.index_cast %get3A_249 : i32 to index
    %get3A_251 = arith.constant 96 : index
    %get3A_252 = tpu.vector_load %arg6[%get3A_250, %get3A_251] {strides = array<i32>} : memref<2x128xi32, #tpu.memory_space<vmem>>, vector<16xi32>,
    %shift_right_logical3A_253 = arith.constant 4 : i32
    %shift_right_logical3A_254 = vector.broadcast %shift_right_logical3A_253 : i32 to vector<16xi32>
    %shift_right_logical3A_255 = arith.shrui %get3A_252, %shift_right_logical3A_254 : vector<16xi32>
    %and3A_256 = arith.constant 15 : i32
    %and3A_257 = vector.broadcast %and3A_256 : i32 to vector<16xi32>
    %and3A_258 = arith.andi %get3A_252, %and3A_257 : vector<16xi32>
    tpu.vector_store_idx %arg8[%shift_right_logical3A_255, %and3A_258], %broadcast_in_dim3A_49 {add = true} : memref<256x16xf32, #tpu.memory_space<vmem>>[vector<16xi32>, vector<16xi32>], vector<16xf32>,
    %get3A_259 = arith.constant 1 : i32
    %get3A_260 = arith.index_cast %get3A_259 : i32 to index
    %get3A_261 = arith.constant 112 : index
    %get3A_262 = tpu.vector_load %arg6[%get3A_260, %get3A_261] {strides = array<i32>} : memref<2x128xi32, #tpu.memory_space<vmem>>, vector<16xi32>,
    %shift_right_logical3A_263 = arith.constant 4 : i32
    %shift_right_logical3A_264 = vector.broadcast %shift_right_logical3A_263 : i32 to vector<16xi32>
    %shift_right_logical3A_265 = arith.shrui %get3A_262, %shift_right_logical3A_264 : vector<16xi32>
    %and3A_266 = arith.constant 15 : i32
    %and3A_267 = vector.broadcast %and3A_266 : i32 to vector<16xi32>
    %and3A_268 = arith.andi %get3A_262, %and3A_267 : vector<16xi32>
    tpu.vector_store_idx %arg8[%shift_right_logical3A_265, %and3A_268], %broadcast_in_dim3A_49 {add = true} : memref<256x16xf32, #tpu.memory_space<vmem>>[vector<16xi32>, vector<16xi32>], vector<16xf32>,
    %iota3A_269 = tpu.iota {dimensions = array<i32: 0>} : vector<16xi32>
    %add3A_270 = arith.constant 128 : i32
    %add3A_271 = vector.broadcast %add3A_270 : i32 to vector<16xi32>
    %add3A_272 = arith.addi %iota3A_269, %add3A_271 : vector<16xi32>
    %swap3A_273 = arith.constant 1 : i32
    %swap3A_274 = arith.index_cast %swap3A_273 : i32 to index
    %swap3A_275 = arith.constant 0 : index
    %swap3A_276 = tpu.vector_load %arg9[%swap3A_274, %swap3A_275] {strides = array<i32>} : memref<2x128xi32, #tpu.memory_space<vmem>>, vector<16xi32>,
    tpu.vector_store %arg9[%swap3A_274, %swap3A_275], %add3A_272 {strides = array<i32>} : memref<2x128xi32, #tpu.memory_space<vmem>>, vector<16xi32>,
    %iota3A_277 = tpu.iota {dimensions = array<i32: 0>} : vector<16xi32>
    %add3A_278 = arith.constant 144 : i32
    %add3A_279 = vector.broadcast %add3A_278 : i32 to vector<16xi32>
    %add3A_280 = arith.addi %iota3A_277, %add3A_279 : vector<16xi32>
    %swap3A_281 = arith.constant 1 : i32
    %swap3A_282 = arith.index_cast %swap3A_281 : i32 to index
    %swap3A_283 = arith.constant 16 : index
    %swap3A_284 = tpu.vector_load %arg9[%swap3A_282, %swap3A_283] {strides = array<i32>} : memref<2x128xi32, #tpu.memory_space<vmem>>, vector<16xi32>,
    tpu.vector_store %arg9[%swap3A_282, %swap3A_283], %add3A_280 {strides = array<i32>} : memref<2x128xi32, #tpu.memory_space<vmem>>, vector<16xi32>,
    %iota3A_285 = tpu.iota {dimensions = array<i32: 0>} : vector<16xi32>
    %add3A_286 = arith.constant 160 : i32
    %add3A_287 = vector.broadcast %add3A_286 : i32 to vector<16xi32>
    %add3A_288 = arith.addi %iota3A_285, %add3A_287 : vector<16xi32>
    %swap3A_289 = arith.constant 1 : i32
    %swap3A_290 = arith.index_cast %swap3A_289 : i32 to index
    %swap3A_291 = arith.constant 32 : index
    %swap3A_292 = tpu.vector_load %arg9[%swap3A_290, %swap3A_291] {strides = array<i32>} : memref<2x128xi32, #tpu.memory_space<vmem>>, vector<16xi32>,
    tpu.vector_store %arg9[%swap3A_290, %swap3A_291], %add3A_288 {strides = array<i32>} : memref<2x128xi32, #tpu.memory_space<vmem>>, vector<16xi32>,
    %iota3A_293 = tpu.iota {dimensions = array<i32: 0>} : vector<16xi32>
    %add3A_294 = arith.constant 176 : i32
    %add3A_295 = vector.broadcast %add3A_294 : i32 to vector<16xi32>
    %add3A_296 = arith.addi %iota3A_293, %add3A_295 : vector<16xi32>
    %swap3A_297 = arith.constant 1 : i32
    %swap3A_298 = arith.index_cast %swap3A_297 : i32 to index
    %swap3A_299 = arith.constant 48 : index
    %swap3A_300 = tpu.vector_load %arg9[%swap3A_298, %swap3A_299] {strides = array<i32>} : memref<2x128xi32, #tpu.memory_space<vmem>>, vector<16xi32>,
    tpu.vector_store %arg9[%swap3A_298, %swap3A_299], %add3A_296 {strides = array<i32>} : memref<2x128xi32, #tpu.memory_space<vmem>>, vector<16xi32>,
    %iota3A_301 = tpu.iota {dimensions = array<i32: 0>} : vector<16xi32>
    %add3A_302 = arith.constant 192 : i32
    %add3A_303 = vector.broadcast %add3A_302 : i32 to vector<16xi32>
    %add3A_304 = arith.addi %iota3A_301, %add3A_303 : vector<16xi32>
    %swap3A_305 = arith.constant 1 : i32
    %swap3A_306 = arith.index_cast %swap3A_305 : i32 to index
    %swap3A_307 = arith.constant 64 : index
    %swap3A_308 = tpu.vector_load %arg9[%swap3A_306, %swap3A_307] {strides = array<i32>} : memref<2x128xi32, #tpu.memory_space<vmem>>, vector<16xi32>,
    tpu.vector_store %arg9[%swap3A_306, %swap3A_307], %add3A_304 {strides = array<i32>} : memref<2x128xi32, #tpu.memory_space<vmem>>, vector<16xi32>,
    %iota3A_309 = tpu.iota {dimensions = array<i32: 0>} : vector<16xi32>
    %add3A_310 = arith.constant 208 : i32
    %add3A_311 = vector.broadcast %add3A_310 : i32 to vector<16xi32>
    %add3A_312 = arith.addi %iota3A_309, %add3A_311 : vector<16xi32>
    %swap3A_313 = arith.constant 1 : i32
    %swap3A_314 = arith.index_cast %swap3A_313 : i32 to index
    %swap3A_315 = arith.constant 80 : index
    %swap3A_316 = tpu.vector_load %arg9[%swap3A_314, %swap3A_315] {strides = array<i32>} : memref<2x128xi32, #tpu.memory_space<vmem>>, vector<16xi32>,
    tpu.vector_store %arg9[%swap3A_314, %swap3A_315], %add3A_312 {strides = array<i32>} : memref<2x128xi32, #tpu.memory_space<vmem>>, vector<16xi32>,
    %iota3A_317 = tpu.iota {dimensions = array<i32: 0>} : vector<16xi32>
    %add3A_318 = arith.constant 224 : i32
    %add3A_319 = vector.broadcast %add3A_318 : i32 to vector<16xi32>
    %add3A_320 = arith.addi %iota3A_317, %add3A_319 : vector<16xi32>
    %swap3A_321 = arith.constant 1 : i32
    %swap3A_322 = arith.index_cast %swap3A_321 : i32 to index
    %swap3A_323 = arith.constant 96 : index
    %swap3A_324 = tpu.vector_load %arg9[%swap3A_322, %swap3A_323] {strides = array<i32>} : memref<2x128xi32, #tpu.memory_space<vmem>>, vector<16xi32>,
    tpu.vector_store %arg9[%swap3A_322, %swap3A_323], %add3A_320 {strides = array<i32>} : memref<2x128xi32, #tpu.memory_space<vmem>>, vector<16xi32>,
    %iota3A_325 = tpu.iota {dimensions = array<i32: 0>} : vector<16xi32>
    %add3A_326 = arith.constant 240 : i32
    %add3A_327 = vector.broadcast %add3A_326 : i32 to vector<16xi32>
    %add3A_328 = arith.addi %iota3A_325, %add3A_327 : vector<16xi32>
    %swap3A_329 = arith.constant 1 : i32
    %swap3A_330 = arith.index_cast %swap3A_329 : i32 to index
    %swap3A_331 = arith.constant 112 : index
    %swap3A_332 = tpu.vector_load %arg9[%swap3A_330, %swap3A_331] {strides = array<i32>} : memref<2x128xi32, #tpu.memory_space<vmem>>, vector<16xi32>,
    tpu.vector_store %arg9[%swap3A_330, %swap3A_331], %add3A_328 {strides = array<i32>} : memref<2x128xi32, #tpu.memory_space<vmem>>, vector<16xi32>,
    %run_scoped3A = arith.constant 0 : i32
    "tpu.region"() ({
      %run_scoped3A_340 = tpu.sem_alloc : memref<!tpu.dma_semaphore, #tpu.memory_space<semaphore_mem>>
      %dma_start3A_341 = arith.constant 0 : i32
      %dma_start3A_342 = arith.constant 0 : i32
      %dma_start3A_343 = tpu.memref_slice %arg8[%dma_start3A_341, %dma_start3A_342] : memref<256x16xf32, #tpu.memory_space<vmem>> -> memref<128x16xf32, #tpu.memory_space<vmem>>
      %dma_start3A_344 = arith.constant 0 : i32
      %dma_start3A_345 = tpu.memref_slice %arg9[%run_scoped3A, %dma_start3A_344] : memref<2x128xi32, #tpu.memory_space<vmem>> -> memref<1x128xi32, #tpu.memory_space<vmem>>
      %dma_start3A_346 = tpu.memref_squeeze %dma_start3A_345 : memref<1x128xi32, #tpu.memory_space<vmem>> -> memref<128xi32, #tpu.memory_space<vmem>>
      %dma_start3A_347 = arith.constant 0 : i32
      %dma_start3A_348 = arith.constant 0 : i32
      %dma_start3A_349 = tpu.memref_slice %arg10[%dma_start3A_347, %dma_start3A_348] : memref<256x16xf32, #tpu.memory_space<vmem_shared>> -> memref<256x16xf32, #tpu.memory_space<vmem_shared>>
      tpu.enqueue_indirect_dma source(%dma_start3A_343 : memref<128x16xf32, #tpu.memory_space<vmem>>) target(%dma_start3A_349 : memref<256x16xf32, #tpu.memory_space<vmem_shared>>) offsets(%dma_start3A_346 : memref<128xi32, #tpu.memory_space<vmem>>) semaphore(%run_scoped3A_340 : memref<!tpu.dma_semaphore, #tpu.memory_space<semaphore_mem>>) {add = true}
      %dma_wait3A_350 = arith.constant 0 : i32
      %dma_wait3A_351 = arith.constant 0 : i32
      %dma_wait3A_352 = tpu.memref_slice %arg8[%dma_wait3A_350, %dma_wait3A_351] : memref<256x16xf32, #tpu.memory_space<vmem>> -> memref<128x16xf32, #tpu.memory_space<vmem>>
      %dma_wait3A_353 = arith.constant 0 : i32
      %dma_wait3A_354 = tpu.memref_slice %arg9[%run_scoped3A, %dma_wait3A_353] : memref<2x128xi32, #tpu.memory_space<vmem>> -> memref<1x128xi32, #tpu.memory_space<vmem>>
      %dma_wait3A_355 = tpu.memref_squeeze %dma_wait3A_354 : memref<1x128xi32, #tpu.memory_space<vmem>> -> memref<128xi32, #tpu.memory_space<vmem>>
      %dma_wait3A_356 = arith.constant 0 : i32
      %dma_wait3A_357 = arith.constant 0 : i32
      %dma_wait3A_358 = tpu.memref_slice %arg10[%dma_wait3A_356, %dma_wait3A_357] : memref<256x16xf32, #tpu.memory_space<vmem_shared>> -> memref<256x16xf32, #tpu.memory_space<vmem_shared>>
      tpu.wait_indirect_dma semaphore(%run_scoped3A_340 : memref<!tpu.dma_semaphore, #tpu.memory_space<semaphore_mem>>) src(%dma_wait3A_352 : memref<128x16xf32, #tpu.memory_space<vmem>>) dst(%dma_wait3A_358 : memref<256x16xf32, #tpu.memory_space<vmem_shared>>)
      tpu.yield
    }) : () -> ()
    %run_scoped3A_333 = arith.constant 1 : i32
    "tpu.region"() ({
      %run_scoped3A_340 = tpu.sem_alloc : memref<!tpu.dma_semaphore, #tpu.memory_space<semaphore_mem>>
      %dma_start3A_341 = arith.constant 128 : i32
      %dma_start3A_342 = arith.constant 0 : i32
      %dma_start3A_343 = tpu.memref_slice %arg8[%dma_start3A_341, %dma_start3A_342] : memref<256x16xf32, #tpu.memory_space<vmem>> -> memref<128x16xf32, #tpu.memory_space<vmem>>
      %dma_start3A_344 = arith.constant 0 : i32
      %dma_start3A_345 = tpu.memref_slice %arg9[%run_scoped3A_333, %dma_start3A_344] : memref<2x128xi32, #tpu.memory_space<vmem>> -> memref<1x128xi32, #tpu.memory_space<vmem>>
      %dma_start3A_346 = tpu.memref_squeeze %dma_start3A_345 : memref<1x128xi32, #tpu.memory_space<vmem>> -> memref<128xi32, #tpu.memory_space<vmem>>
      %dma_start3A_347 = arith.constant 0 : i32
      %dma_start3A_348 = arith.constant 0 : i32
      %dma_start3A_349 = tpu.memref_slice %arg10[%dma_start3A_347, %dma_start3A_348] : memref<256x16xf32, #tpu.memory_space<vmem_shared>> -> memref<256x16xf32, #tpu.memory_space<vmem_shared>>
      tpu.enqueue_indirect_dma source(%dma_start3A_343 : memref<128x16xf32, #tpu.memory_space<vmem>>) target(%dma_start3A_349 : memref<256x16xf32, #tpu.memory_space<vmem_shared>>) offsets(%dma_start3A_346 : memref<128xi32, #tpu.memory_space<vmem>>) semaphore(%run_scoped3A_340 : memref<!tpu.dma_semaphore, #tpu.memory_space<semaphore_mem>>) {add = true}
      %dma_wait3A_350 = arith.constant 128 : i32
      %dma_wait3A_351 = arith.constant 0 : i32
      %dma_wait3A_352 = tpu.memref_slice %arg8[%dma_wait3A_350, %dma_wait3A_351] : memref<256x16xf32, #tpu.memory_space<vmem>> -> memref<128x16xf32, #tpu.memory_space<vmem>>
      %dma_wait3A_353 = arith.constant 0 : i32
      %dma_wait3A_354 = tpu.memref_slice %arg9[%run_scoped3A_333, %dma_wait3A_353] : memref<2x128xi32, #tpu.memory_space<vmem>> -> memref<1x128xi32, #tpu.memory_space<vmem>>
      %dma_wait3A_355 = tpu.memref_squeeze %dma_wait3A_354 : memref<1x128xi32, #tpu.memory_space<vmem>> -> memref<128xi32, #tpu.memory_space<vmem>>
      %dma_wait3A_356 = arith.constant 0 : i32
      %dma_wait3A_357 = arith.constant 0 : i32
      %dma_wait3A_358 = tpu.memref_slice %arg10[%dma_wait3A_356, %dma_wait3A_357] : memref<256x16xf32, #tpu.memory_space<vmem_shared>> -> memref<256x16xf32, #tpu.memory_space<vmem_shared>>
      tpu.wait_indirect_dma semaphore(%run_scoped3A_340 : memref<!tpu.dma_semaphore, #tpu.memory_space<semaphore_mem>>) src(%dma_wait3A_352 : memref<128x16xf32, #tpu.memory_space<vmem>>) dst(%dma_wait3A_358 : memref<256x16xf32, #tpu.memory_space<vmem_shared>>)
      tpu.yield
    }) : () -> ()
    %barrier3A_334 = arith.constant 0 : index
    tpu.barrier barrier_id(%barrier3A_334)
    %eq3A_335 = arith.constant 0 : i32
    %eq3A_336 = arith.cmpi eq, %arg1, %eq3A_335 : i32
    %convert_element_type3A_337 = arith.extui %eq3A_336 : i1 to i32
    %cond3A_338 = arith.constant 0 : i32
    %cond3A_339 = arith.cmpi ne, %convert_element_type3A_337, %cond3A_338 : i32
    scf.if %cond3A_339 {
      "tpu.region"() ({
        %run_scoped3A_340 = tpu.sem_alloc : memref<!tpu.dma_semaphore, #tpu.memory_space<semaphore_mem>>
        %dma_start3A_341 = arith.constant 0 : i32
        %dma_start3A_342 = arith.constant 0 : i32
        %dma_start3A_343 = tpu.memref_slice %arg5[%arg0, %dma_start3A_341, %dma_start3A_342] : memref<2x256x16xf32, #tpu.memory_space<hbm>> -> memref<1x256x16xf32, #tpu.memory_space<hbm>>
        %dma_start3A_344 = tpu.memref_squeeze %dma_start3A_343 : memref<1x256x16xf32, #tpu.memory_space<hbm>> -> memref<256x16xf32, #tpu.memory_space<hbm>>
        tpu.enqueue_dma source(%arg10 : memref<256x16xf32, #tpu.memory_space<vmem_shared>>) target(%dma_start3A_344 : memref<256x16xf32, #tpu.memory_space<hbm>>) target_semaphore(%run_scoped3A_340 : memref<!tpu.dma_semaphore, #tpu.memory_space<semaphore_mem>>)
        %dma_wait3A_345 = arith.constant 0 : i32
        %dma_wait3A_346 = arith.constant 0 : i32
        %dma_wait3A_347 = tpu.memref_slice %arg5[%arg0, %dma_wait3A_345, %dma_wait3A_346] : memref<2x256x16xf32, #tpu.memory_space<hbm>> -> memref<1x256x16xf32, #tpu.memory_space<hbm>>
        %dma_wait3A_348 = tpu.memref_squeeze %dma_wait3A_347 : memref<1x256x16xf32, #tpu.memory_space<hbm>> -> memref<256x16xf32, #tpu.memory_space<hbm>>
        tpu.wait_dma2 semaphore(%run_scoped3A_340 : memref<!tpu.dma_semaphore, #tpu.memory_space<semaphore_mem>>) src(%arg10 : memref<256x16xf32, #tpu.memory_space<vmem_shared>>) dst(%dma_wait3A_348 : memref<256x16xf32, #tpu.memory_space<hbm>>)
        tpu.yield
      }) : () -> ()
    } else {
    }
    return
  }
}

#map = affine_map<(d0, d1) -> (0, 0)>
#map1 = affine_map<(d0, d1) -> (0, 0, 0)>
module attributes {stable_mosaic.version = 14 : i64} {
  func.func @k(%arg0: i32, %arg1: i32, %arg2: memref<4096x256xf32, #tpu.memory_space<hbm>>, %arg3: memref<64x128xi32, #tpu.memory_space<hbm>>, %arg4: memref<8192x256xf32, #tpu.memory_space<hbm>>, %arg5: memref<2x256x16xf32, #tpu.memory_space<hbm>>, %arg6: memref<2x128xi32, #tpu.memory_space<vmem>>, %arg7: memref<256x256xf32, #tpu.memory_space<vmem>>, %arg8: memref<256x16xf32, #tpu.memory_space<vmem>>, %arg9: memref<2x128xi32, #tpu.memory_space<vmem>>, %arg10: memref<256x16xf32, #tpu.memory_space<vmem_shared>>, %arg11: memref<!tpu.dma_semaphore, #tpu.memory_space<semaphore_mem>>) attributes {dimension_semantics = [#tpu.dimension_semantics<core_parallel>, #tpu.dimension_semantics<subcore_parallel>], iteration_bounds = array<i64: 2, 16>, scalar_prefetch = 0 : i64, scratch_operands = 6 : i64, tpu.core_type = #tpu.core_type<sc_vector_subcore>, window_params = [{transform_indices = #map}, {transform_indices = #map}, {transform_indices = #map}, {transform_indices = #map1}]} {
    %mul3A = arith.constant 2 : i32
    %mul3A_0 = arith.muli %arg1, %mul3A : i32
    %add3A = arith.addi %mul3A_0, %arg0 : i32
    %mul3A_1 = arith.constant 256 : i32
    %mul3A_2 = arith.muli %add3A, %mul3A_1 : i32
    %mul3A_3 = arith.constant 2 : i32
    %mul3A_4 = arith.muli %add3A, %mul3A_3 : i32
    "tpu.region"() ({
      %run_scoped3A_340 = tpu.sem_alloc : memref<!tpu.dma_semaphore, #tpu.memory_space<semaphore_mem>>
      %dma_start3A_341 = arith.constant 0 : i32
      %dma_start3A_342 = tpu.memref_slice %arg3[%mul3A_4, %dma_start3A_341] : memref<64x128xi32, #tpu.memory_space<hbm>> -> memref<2x128xi32, #tpu.memory_space<hbm>>
      %dma_start3A_343 = arith.constant 0 : i32
      %dma_start3A_344 = tpu.memref_slice %arg3[%mul3A_4, %dma_start3A_343] : memref<64x128xi32, #tpu.memory_space<hbm>> -> memref<2x128xi32, #tpu.memory_space<hbm>>
      tpu.enqueue_dma source(%dma_start3A_344 : memref<2x128xi32, #tpu.memory_space<hbm>>) target(%arg6 : memref<2x128xi32, #tpu.memory_space<vmem>>) target_semaphore(%run_scoped3A_340 : memref<!tpu.dma_semaphore, #tpu.memory_space<semaphore_mem>>)
      %dma_wait3A_345 = arith.constant 0 : i32
      %dma_wait3A_346 = tpu.memref_slice %arg3[%mul3A_4, %dma_wait3A_345] : memref<64x128xi32, #tpu.memory_space<hbm>> -> memref<2x128xi32, #tpu.memory_space<hbm>>
      %dma_wait3A_347 = arith.constant 0 : i32
      %dma_wait3A_348 = tpu.memref_slice %arg3[%mul3A_4, %dma_wait3A_347] : memref<64x128xi32, #tpu.memory_space<hbm>> -> memref<2x128xi32, #tpu.memory_space<hbm>>
      tpu.wait_dma2 semaphore(%run_scoped3A_340 : memref<!tpu.dma_semaphore, #tpu.memory_space<semaphore_mem>>) src(%dma_wait3A_348 : memref<2x128xi32, #tpu.memory_space<hbm>>) dst(%arg6 : memref<2x128xi32, #tpu.memory_space<vmem>>)
      tpu.yield
    }) : () -> ()
    %dma_start3A = arith.constant 0 : i32
    %dma_start3A_5 = arith.constant 0 : i32
    %dma_start3A_6 = arith.constant 0 : i32
    %dma_start3A_7 = tpu.memref_slice %arg7[%dma_start3A_5, %dma_start3A_6] : memref<256x256xf32, #tpu.memory_space<vmem>> -> memref<128x256xf32, #tpu.memory_space<vmem>>
    %dma_start3A_8 = arith.constant 0 : i32
    %dma_start3A_9 = tpu.memref_slice %arg6[%dma_start3A, %dma_start3A_8] : memref<2x128xi32, #tpu.memory_space<vmem>> -> memref<1x128xi32, #tpu.memory_space<vmem>>
    %dma_start3A_10 = tpu.memref_squeeze %dma_start3A_9 : memref<1x128xi32, #tpu.memory_space<vmem>> -> memref<128xi32, #tpu.memory_space<vmem>>
    %dma_start3A_11 = arith.constant 0 : i32
    %dma_start3A_12 = arith.constant 0 : i32
    %dma_start3A_13 = tpu.memref_slice %arg2[%dma_start3A_11, %dma_start3A_12] : memref<4096x256xf32, #tpu.memory_space<hbm>> -> memref<4096x256xf32, #tpu.memory_space<hbm>>
    tpu.enqueue_indirect_dma source(%dma_start3A_13 : memref<4096x256xf32, #tpu.memory_space<hbm>>) target(%dma_start3A_7 : memref<128x256xf32, #tpu.memory_space<vmem>>) offsets(%dma_start3A_10 : memref<128xi32, #tpu.memory_space<vmem>>) semaphore(%arg11 : memref<!tpu.dma_semaphore, #tpu.memory_space<semaphore_mem>>)
    %dma_wait3A = arith.constant 0 : i32
    %dma_wait3A_14 = arith.constant 0 : i32
    %dma_wait3A_15 = arith.constant 0 : i32
    %dma_wait3A_16 = tpu.memref_slice %arg7[%dma_wait3A_14, %dma_wait3A_15] : memref<256x256xf32, #tpu.memory_space<vmem>> -> memref<128x256xf32, #tpu.memory_space<vmem>>
    %dma_wait3A_17 = arith.constant 0 : i32
    %dma_wait3A_18 = tpu.memref_slice %arg6[%dma_wait3A, %dma_wait3A_17] : memref<2x128xi32, #tpu.memory_space<vmem>> -> memref<1x128xi32, #tpu.memory_space<vmem>>
    %dma_wait3A_19 = tpu.memref_squeeze %dma_wait3A_18 : memref<1x128xi32, #tpu.memory_space<vmem>> -> memref<128xi32, #tpu.memory_space<vmem>>
    %dma_wait3A_20 = arith.constant 0 : i32
    %dma_wait3A_21 = arith.constant 0 : i32
    %dma_wait3A_22 = tpu.memref_slice %arg2[%dma_wait3A_20, %dma_wait3A_21] : memref<4096x256xf32, #tpu.memory_space<hbm>> -> memref<4096x256xf32, #tpu.memory_space<hbm>>
    tpu.wait_indirect_dma semaphore(%arg11 : memref<!tpu.dma_semaphore, #tpu.memory_space<semaphore_mem>>) src(%dma_wait3A_22 : memref<4096x256xf32, #tpu.memory_space<hbm>>) dst(%dma_wait3A_16 : memref<128x256xf32, #tpu.memory_space<vmem>>)
    %dma_start3A_23 = arith.constant 1 : i32
    %dma_start3A_24 = arith.constant 128 : i32
    %dma_start3A_25 = arith.constant 0 : i32
    %dma_start3A_26 = tpu.memref_slice %arg7[%dma_start3A_24, %dma_start3A_25] : memref<256x256xf32, #tpu.memory_space<vmem>> -> memref<128x256xf32, #tpu.memory_space<vmem>>
    %dma_start3A_27 = arith.constant 0 : i32
    %dma_start3A_28 = tpu.memref_slice %arg6[%dma_start3A_23, %dma_start3A_27] : memref<2x128xi32, #tpu.memory_space<vmem>> -> memref<1x128xi32, #tpu.memory_space<vmem>>
    %dma_start3A_29 = tpu.memref_squeeze %dma_start3A_28 : memref<1x128xi32, #tpu.memory_space<vmem>> -> memref<128xi32, #tpu.memory_space<vmem>>
    %dma_start3A_30 = arith.constant 0 : i32
    %dma_start3A_31 = arith.constant 0 : i32
    %dma_start3A_32 = tpu.memref_slice %arg2[%dma_start3A_30, %dma_start3A_31] : memref<4096x256xf32, #tpu.memory_space<hbm>> -> memref<4096x256xf32, #tpu.memory_space<hbm>>
    tpu.enqueue_indirect_dma source(%dma_start3A_32 : memref<4096x256xf32, #tpu.memory_space<hbm>>) target(%dma_start3A_26 : memref<128x256xf32, #tpu.memory_space<vmem>>) offsets(%dma_start3A_29 : memref<128xi32, #tpu.memory_space<vmem>>) semaphore(%arg11 : memref<!tpu.dma_semaphore, #tpu.memory_space<semaphore_mem>>)
    %dma_wait3A_33 = arith.constant 1 : i32
    %dma_wait3A_34 = arith.constant 128 : i32
    %dma_wait3A_35 = arith.constant 0 : i32
    %dma_wait3A_36 = tpu.memref_slice %arg7[%dma_wait3A_34, %dma_wait3A_35] : memref<256x256xf32, #tpu.memory_space<vmem>> -> memref<128x256xf32, #tpu.memory_space<vmem>>
    %dma_wait3A_37 = arith.constant 0 : i32
    %dma_wait3A_38 = tpu.memref_slice %arg6[%dma_wait3A_33, %dma_wait3A_37] : memref<2x128xi32, #tpu.memory_space<vmem>> -> memref<1x128xi32, #tpu.memory_space<vmem>>
    %dma_wait3A_39 = tpu.memref_squeeze %dma_wait3A_38 : memref<1x128xi32, #tpu.memory_space<vmem>> -> memref<128xi32, #tpu.memory_space<vmem>>
    %dma_wait3A_40 = arith.constant 0 : i32
    %dma_wait3A_41 = arith.constant 0 : i32
    %dma_wait3A_42 = tpu.memref_slice %arg2[%dma_wait3A_40, %dma_wait3A_41] : memref<4096x256xf32, #tpu.memory_space<hbm>> -> memref<4096x256xf32, #tpu.memory_space<hbm>>
    tpu.wait_indirect_dma semaphore(%arg11 : memref<!tpu.dma_semaphore, #tpu.memory_space<semaphore_mem>>) src(%dma_wait3A_42 : memref<4096x256xf32, #tpu.memory_space<hbm>>) dst(%dma_wait3A_36 : memref<128x256xf32, #tpu.memory_space<vmem>>)
    "tpu.region"() ({
      %run_scoped3A_340 = tpu.sem_alloc : memref<!tpu.dma_semaphore, #tpu.memory_space<semaphore_mem>>
      %dma_start3A_341 = arith.constant 0 : i32
      %dma_start3A_342 = tpu.memref_slice %arg4[%mul3A_2, %dma_start3A_341] : memref<8192x256xf32, #tpu.memory_space<hbm>> -> memref<256x256xf32, #tpu.memory_space<hbm>>
      %dma_start3A_343 = arith.constant 0 : i32
      %dma_start3A_344 = tpu.memref_slice %arg4[%mul3A_2, %dma_start3A_343] : memref<8192x256xf32, #tpu.memory_space<hbm>> -> memref<256x256xf32, #tpu.memory_space<hbm>>
      tpu.enqueue_dma source(%arg7 : memref<256x256xf32, #tpu.memory_space<vmem>>) target(%dma_start3A_344 : memref<256x256xf32, #tpu.memory_space<hbm>>) target_semaphore(%run_scoped3A_340 : memref<!tpu.dma_semaphore, #tpu.memory_space<semaphore_mem>>)
      %dma_wait3A_345 = arith.constant 0 : i32
      %dma_wait3A_346 = tpu.memref_slice %arg4[%mul3A_2, %dma_wait3A_345] : memref<8192x256xf32, #tpu.memory_space<hbm>> -> memref<256x256xf32, #tpu.memory_space<hbm>>
      %dma_wait3A_347 = arith.constant 0 : i32
      %dma_wait3A_348 = tpu.memref_slice %arg4[%mul3A_2, %dma_wait3A_347] : memref<8192x256xf32, #tpu.memory_space<hbm>> -> memref<256x256xf32, #tpu.memory_space<hbm>>
      tpu.wait_dma2 semaphore(%run_scoped3A_340 : memref<!tpu.dma_semaphore, #tpu.memory_space<semaphore_mem>>) src(%arg7 : memref<256x256xf32, #tpu.memory_space<vmem>>) dst(%dma_wait3A_348 : memref<256x256xf32, #tpu.memory_space<hbm>>)
      tpu.yield
    }) : () -> ()
    %scan3A = arith.constant 0 : i32
    %scan3A_43 = arith.constant 256 : i32
    %scan3A_44 = arith.addi %scan3A, %scan3A_43 : i32
    %scan3A_45 = arith.constant 1 : i32
    scf.for %scan3A_340 = %scan3A to %scan3A_44 step %scan3A_45  : i32 {
      %mul3A_341 = arith.constant 1 : i32
      %mul3A_342 = arith.muli %scan3A_340, %mul3A_341 : i32
      %add3A_343 = arith.constant 0 : i32
      %add3A_344 = arith.addi %add3A_343, %mul3A_342 : i32
      %broadcast_in_dim3A_345 = arith.constant 0.000000e+00 : f32
      %broadcast_in_dim3A_346 = vector.broadcast %broadcast_in_dim3A_345 : f32 to vector<16xf32>
      %swap3A_347 = arith.index_cast %add3A_344 : i32 to index
      %swap3A_348 = arith.constant 0 : index
      %swap3A_349 = tpu.vector_load %arg8[%swap3A_347, %swap3A_348] {strides = array<i32>} : memref<256x16xf32, #tpu.memory_space<vmem>>, vector<16xf32>,
      tpu.vector_store %arg8[%swap3A_347, %swap3A_348], %broadcast_in_dim3A_346 {strides = array<i32>} : memref<256x16xf32, #tpu.memory_space<vmem>>, vector<16xf32>,
    }
    %scan3A_46 = arith.constant 256 : i32
    %eq3A = arith.constant 0 : i32
    %eq3A_47 = arith.cmpi eq, %arg1, %eq3A : i32
    %convert_element_type3A = arith.extui %eq3A_47 : i1 to i32
    %cond3A = arith.constant 0 : i32
    %cond3A_48 = arith.cmpi ne, %convert_element_type3A, %cond3A : i32
    scf.if %cond3A_48 {
      "tpu.region"() ({
        %run_scoped3A_340 = tpu.sem_alloc : memref<!tpu.dma_semaphore, #tpu.memory_space<semaphore_mem>>
        tpu.enqueue_dma source(%arg8 : memref<256x16xf32, #tpu.memory_space<vmem>>) target(%arg10 : memref<256x16xf32, #tpu.memory_space<vmem_shared>>) target_semaphore(%run_scoped3A_340 : memref<!tpu.dma_semaphore, #tpu.memory_space<semaphore_mem>>)
        tpu.wait_dma2 semaphore(%run_scoped3A_340 : memref<!tpu.dma_semaphore, #tpu.memory_space<semaphore_mem>>) src(%arg8 : memref<256x16xf32, #tpu.memory_space<vmem>>) dst(%arg10 : memref<256x16xf32, #tpu.memory_space<vmem_shared>>)
        tpu.yield
      }) : () -> ()
    } else {
    }
    %barrier3A = arith.constant 0 : index
    tpu.barrier barrier_id(%barrier3A)
    %broadcast_in_dim3A = arith.constant 1.000000e+00 : f32
    %broadcast_in_dim3A_49 = vector.broadcast %broadcast_in_dim3A : f32 to vector<16xf32>
    %get3A = arith.constant 0 : i32
    %get3A_50 = arith.index_cast %get3A : i32 to index
    %get3A_51 = arith.constant 0 : index
    %get3A_52 = tpu.vector_load %arg6[%get3A_50, %get3A_51] {strides = array<i32>} : memref<2x128xi32, #tpu.memory_space<vmem>>, vector<16xi32>,
    %shift_right_logical3A = arith.constant 4 : i32
    %shift_right_logical3A_53 = vector.broadcast %shift_right_logical3A : i32 to vector<16xi32>
    %shift_right_logical3A_54 = arith.shrui %get3A_52, %shift_right_logical3A_53 : vector<16xi32>
    %and3A = arith.constant 15 : i32
    %and3A_55 = vector.broadcast %and3A : i32 to vector<16xi32>
    %and3A_56 = arith.andi %get3A_52, %and3A_55 : vector<16xi32>
    tpu.vector_store_idx %arg8[%shift_right_logical3A_54, %and3A_56], %broadcast_in_dim3A_49 {add = true} : memref<256x16xf32, #tpu.memory_space<vmem>>[vector<16xi32>, vector<16xi32>], vector<16xf32>,
    %get3A_57 = arith.constant 0 : i32
    %get3A_58 = arith.index_cast %get3A_57 : i32 to index
    %get3A_59 = arith.constant 16 : index
    %get3A_60 = tpu.vector_load %arg6[%get3A_58, %get3A_59] {strides = array<i32>} : memref<2x128xi32, #tpu.memory_space<vmem>>, vector<16xi32>,
    %shift_right_logical3A_61 = arith.constant 4 : i32
    %shift_right_logical3A_62 = vector.broadcast %shift_right_logical3A_61 : i32 to vector<16xi32>
    %shift_right_logical3A_63 = arith.shrui %get3A_60, %shift_right_logical3A_62 : vector<16xi32>
    %and3A_64 = arith.constant 15 : i32
    %and3A_65 = vector.broadcast %and3A_64 : i32 to vector<16xi32>
    %and3A_66 = arith.andi %get3A_60, %and3A_65 : vector<16xi32>
    tpu.vector_store_idx %arg8[%shift_right_logical3A_63, %and3A_66], %broadcast_in_dim3A_49 {add = true} : memref<256x16xf32, #tpu.memory_space<vmem>>[vector<16xi32>, vector<16xi32>], vector<16xf32>,
    %get3A_67 = arith.constant 0 : i32
    %get3A_68 = arith.index_cast %get3A_67 : i32 to index
    %get3A_69 = arith.constant 32 : index
    %get3A_70 = tpu.vector_load %arg6[%get3A_68, %get3A_69] {strides = array<i32>} : memref<2x128xi32, #tpu.memory_space<vmem>>, vector<16xi32>,
    %shift_right_logical3A_71 = arith.constant 4 : i32
    %shift_right_logical3A_72 = vector.broadcast %shift_right_logical3A_71 : i32 to vector<16xi32>
    %shift_right_logical3A_73 = arith.shrui %get3A_70, %shift_right_logical3A_72 : vector<16xi32>
    %and3A_74 = arith.constant 15 : i32
    %and3A_75 = vector.broadcast %and3A_74 : i32 to vector<16xi32>
    %and3A_76 = arith.andi %get3A_70, %and3A_75 : vector<16xi32>
    tpu.vector_store_idx %arg8[%shift_right_logical3A_73, %and3A_76], %broadcast_in_dim3A_49 {add = true} : memref<256x16xf32, #tpu.memory_space<vmem>>[vector<16xi32>, vector<16xi32>], vector<16xf32>,
    %get3A_77 = arith.constant 0 : i32
    %get3A_78 = arith.index_cast %get3A_77 : i32 to index
    %get3A_79 = arith.constant 48 : index
    %get3A_80 = tpu.vector_load %arg6[%get3A_78, %get3A_79] {strides = array<i32>} : memref<2x128xi32, #tpu.memory_space<vmem>>, vector<16xi32>,
    %shift_right_logical3A_81 = arith.constant 4 : i32
    %shift_right_logical3A_82 = vector.broadcast %shift_right_logical3A_81 : i32 to vector<16xi32>
    %shift_right_logical3A_83 = arith.shrui %get3A_80, %shift_right_logical3A_82 : vector<16xi32>
    %and3A_84 = arith.constant 15 : i32
    %and3A_85 = vector.broadcast %and3A_84 : i32 to vector<16xi32>
    %and3A_86 = arith.andi %get3A_80, %and3A_85 : vector<16xi32>
    tpu.vector_store_idx %arg8[%shift_right_logical3A_83, %and3A_86], %broadcast_in_dim3A_49 {add = true} : memref<256x16xf32, #tpu.memory_space<vmem>>[vector<16xi32>, vector<16xi32>], vector<16xf32>,
    %get3A_87 = arith.constant 0 : i32
    %get3A_88 = arith.index_cast %get3A_87 : i32 to index
    %get3A_89 = arith.constant 64 : index
    %get3A_90 = tpu.vector_load %arg6[%get3A_88, %get3A_89] {strides = array<i32>} : memref<2x128xi32, #tpu.memory_space<vmem>>, vector<16xi32>,
    %shift_right_logical3A_91 = arith.constant 4 : i32
    %shift_right_logical3A_92 = vector.broadcast %shift_right_logical3A_91 : i32 to vector<16xi32>
    %shift_right_logical3A_93 = arith.shrui %get3A_90, %shift_right_logical3A_92 : vector<16xi32>
    %and3A_94 = arith.constant 15 : i32
    %and3A_95 = vector.broadcast %and3A_94 : i32 to vector<16xi32>
    %and3A_96 = arith.andi %get3A_90, %and3A_95 : vector<16xi32>
    tpu.vector_store_idx %arg8[%shift_right_logical3A_93, %and3A_96], %broadcast_in_dim3A_49 {add = true} : memref<256x16xf32, #tpu.memory_space<vmem>>[vector<16xi32>, vector<16xi32>], vector<16xf32>,
    %get3A_97 = arith.constant 0 : i32
    %get3A_98 = arith.index_cast %get3A_97 : i32 to index
    %get3A_99 = arith.constant 80 : index
    %get3A_100 = tpu.vector_load %arg6[%get3A_98, %get3A_99] {strides = array<i32>} : memref<2x128xi32, #tpu.memory_space<vmem>>, vector<16xi32>,
    %shift_right_logical3A_101 = arith.constant 4 : i32
    %shift_right_logical3A_102 = vector.broadcast %shift_right_logical3A_101 : i32 to vector<16xi32>
    %shift_right_logical3A_103 = arith.shrui %get3A_100, %shift_right_logical3A_102 : vector<16xi32>
    %and3A_104 = arith.constant 15 : i32
    %and3A_105 = vector.broadcast %and3A_104 : i32 to vector<16xi32>
    %and3A_106 = arith.andi %get3A_100, %and3A_105 : vector<16xi32>
    tpu.vector_store_idx %arg8[%shift_right_logical3A_103, %and3A_106], %broadcast_in_dim3A_49 {add = true} : memref<256x16xf32, #tpu.memory_space<vmem>>[vector<16xi32>, vector<16xi32>], vector<16xf32>,
    %get3A_107 = arith.constant 0 : i32
    %get3A_108 = arith.index_cast %get3A_107 : i32 to index
    %get3A_109 = arith.constant 96 : index
    %get3A_110 = tpu.vector_load %arg6[%get3A_108, %get3A_109] {strides = array<i32>} : memref<2x128xi32, #tpu.memory_space<vmem>>, vector<16xi32>,
    %shift_right_logical3A_111 = arith.constant 4 : i32
    %shift_right_logical3A_112 = vector.broadcast %shift_right_logical3A_111 : i32 to vector<16xi32>
    %shift_right_logical3A_113 = arith.shrui %get3A_110, %shift_right_logical3A_112 : vector<16xi32>
    %and3A_114 = arith.constant 15 : i32
    %and3A_115 = vector.broadcast %and3A_114 : i32 to vector<16xi32>
    %and3A_116 = arith.andi %get3A_110, %and3A_115 : vector<16xi32>
    tpu.vector_store_idx %arg8[%shift_right_logical3A_113, %and3A_116], %broadcast_in_dim3A_49 {add = true} : memref<256x16xf32, #tpu.memory_space<vmem>>[vector<16xi32>, vector<16xi32>], vector<16xf32>,
    %get3A_117 = arith.constant 0 : i32
    %get3A_118 = arith.index_cast %get3A_117 : i32 to index
    %get3A_119 = arith.constant 112 : index
    %get3A_120 = tpu.vector_load %arg6[%get3A_118, %get3A_119] {strides = array<i32>} : memref<2x128xi32, #tpu.memory_space<vmem>>, vector<16xi32>,
    %shift_right_logical3A_121 = arith.constant 4 : i32
    %shift_right_logical3A_122 = vector.broadcast %shift_right_logical3A_121 : i32 to vector<16xi32>
    %shift_right_logical3A_123 = arith.shrui %get3A_120, %shift_right_logical3A_122 : vector<16xi32>
    %and3A_124 = arith.constant 15 : i32
    %and3A_125 = vector.broadcast %and3A_124 : i32 to vector<16xi32>
    %and3A_126 = arith.andi %get3A_120, %and3A_125 : vector<16xi32>
    tpu.vector_store_idx %arg8[%shift_right_logical3A_123, %and3A_126], %broadcast_in_dim3A_49 {add = true} : memref<256x16xf32, #tpu.memory_space<vmem>>[vector<16xi32>, vector<16xi32>], vector<16xf32>,
    %iota3A = tpu.iota {dimensions = array<i32: 0>} : vector<16xi32>
    %add3A_127 = arith.constant 0 : i32
    %add3A_128 = vector.broadcast %add3A_127 : i32 to vector<16xi32>
    %add3A_129 = arith.addi %iota3A, %add3A_128 : vector<16xi32>
    %swap3A = arith.constant 0 : i32
    %swap3A_130 = arith.index_cast %swap3A : i32 to index
    %swap3A_131 = arith.constant 0 : index
    %swap3A_132 = tpu.vector_load %arg9[%swap3A_130, %swap3A_131] {strides = array<i32>} : memref<2x128xi32, #tpu.memory_space<vmem>>, vector<16xi32>,
    tpu.vector_store %arg9[%swap3A_130, %swap3A_131], %add3A_129 {strides = array<i32>} : memref<2x128xi32, #tpu.memory_space<vmem>>, vector<16xi32>,
    %iota3A_133 = tpu.iota {dimensions = array<i32: 0>} : vector<16xi32>
    %add3A_134 = arith.constant 16 : i32
    %add3A_135 = vector.broadcast %add3A_134 : i32 to vector<16xi32>
    %add3A_136 = arith.addi %iota3A_133, %add3A_135 : vector<16xi32>
    %swap3A_137 = arith.constant 0 : i32
    %swap3A_138 = arith.index_cast %swap3A_137 : i32 to index
    %swap3A_139 = arith.constant 16 : index
    %swap3A_140 = tpu.vector_load %arg9[%swap3A_138, %swap3A_139] {strides = array<i32>} : memref<2x128xi32, #tpu.memory_space<vmem>>, vector<16xi32>,
    tpu.vector_store %arg9[%swap3A_138, %swap3A_139], %add3A_136 {strides = array<i32>} : memref<2x128xi32, #tpu.memory_space<vmem>>, vector<16xi32>,
    %iota3A_141 = tpu.iota {dimensions = array<i32: 0>} : vector<16xi32>
    %add3A_142 = arith.constant 32 : i32
    %add3A_143 = vector.broadcast %add3A_142 : i32 to vector<16xi32>
    %add3A_144 = arith.addi %iota3A_141, %add3A_143 : vector<16xi32>
    %swap3A_145 = arith.constant 0 : i32
    %swap3A_146 = arith.index_cast %swap3A_145 : i32 to index
    %swap3A_147 = arith.constant 32 : index
    %swap3A_148 = tpu.vector_load %arg9[%swap3A_146, %swap3A_147] {strides = array<i32>} : memref<2x128xi32, #tpu.memory_space<vmem>>, vector<16xi32>,
    tpu.vector_store %arg9[%swap3A_146, %swap3A_147], %add3A_144 {strides = array<i32>} : memref<2x128xi32, #tpu.memory_space<vmem>>, vector<16xi32>,
    %iota3A_149 = tpu.iota {dimensions = array<i32: 0>} : vector<16xi32>
    %add3A_150 = arith.constant 48 : i32
    %add3A_151 = vector.broadcast %add3A_150 : i32 to vector<16xi32>
    %add3A_152 = arith.addi %iota3A_149, %add3A_151 : vector<16xi32>
    %swap3A_153 = arith.constant 0 : i32
    %swap3A_154 = arith.index_cast %swap3A_153 : i32 to index
    %swap3A_155 = arith.constant 48 : index
    %swap3A_156 = tpu.vector_load %arg9[%swap3A_154, %swap3A_155] {strides = array<i32>} : memref<2x128xi32, #tpu.memory_space<vmem>>, vector<16xi32>,
    tpu.vector_store %arg9[%swap3A_154, %swap3A_155], %add3A_152 {strides = array<i32>} : memref<2x128xi32, #tpu.memory_space<vmem>>, vector<16xi32>,
    %iota3A_157 = tpu.iota {dimensions = array<i32: 0>} : vector<16xi32>
    %add3A_158 = arith.constant 64 : i32
    %add3A_159 = vector.broadcast %add3A_158 : i32 to vector<16xi32>
    %add3A_160 = arith.addi %iota3A_157, %add3A_159 : vector<16xi32>
    %swap3A_161 = arith.constant 0 : i32
    %swap3A_162 = arith.index_cast %swap3A_161 : i32 to index
    %swap3A_163 = arith.constant 64 : index
    %swap3A_164 = tpu.vector_load %arg9[%swap3A_162, %swap3A_163] {strides = array<i32>} : memref<2x128xi32, #tpu.memory_space<vmem>>, vector<16xi32>,
    tpu.vector_store %arg9[%swap3A_162, %swap3A_163], %add3A_160 {strides = array<i32>} : memref<2x128xi32, #tpu.memory_space<vmem>>, vector<16xi32>,
    %iota3A_165 = tpu.iota {dimensions = array<i32: 0>} : vector<16xi32>
    %add3A_166 = arith.constant 80 : i32
    %add3A_167 = vector.broadcast %add3A_166 : i32 to vector<16xi32>
    %add3A_168 = arith.addi %iota3A_165, %add3A_167 : vector<16xi32>
    %swap3A_169 = arith.constant 0 : i32
    %swap3A_170 = arith.index_cast %swap3A_169 : i32 to index
    %swap3A_171 = arith.constant 80 : index
    %swap3A_172 = tpu.vector_load %arg9[%swap3A_170, %swap3A_171] {strides = array<i32>} : memref<2x128xi32, #tpu.memory_space<vmem>>, vector<16xi32>,
    tpu.vector_store %arg9[%swap3A_170, %swap3A_171], %add3A_168 {strides = array<i32>} : memref<2x128xi32, #tpu.memory_space<vmem>>, vector<16xi32>,
    %iota3A_173 = tpu.iota {dimensions = array<i32: 0>} : vector<16xi32>
    %add3A_174 = arith.constant 96 : i32
    %add3A_175 = vector.broadcast %add3A_174 : i32 to vector<16xi32>
    %add3A_176 = arith.addi %iota3A_173, %add3A_175 : vector<16xi32>
    %swap3A_177 = arith.constant 0 : i32
    %swap3A_178 = arith.index_cast %swap3A_177 : i32 to index
    %swap3A_179 = arith.constant 96 : index
    %swap3A_180 = tpu.vector_load %arg9[%swap3A_178, %swap3A_179] {strides = array<i32>} : memref<2x128xi32, #tpu.memory_space<vmem>>, vector<16xi32>,
    tpu.vector_store %arg9[%swap3A_178, %swap3A_179], %add3A_176 {strides = array<i32>} : memref<2x128xi32, #tpu.memory_space<vmem>>, vector<16xi32>,
    %iota3A_181 = tpu.iota {dimensions = array<i32: 0>} : vector<16xi32>
    %add3A_182 = arith.constant 112 : i32
    %add3A_183 = vector.broadcast %add3A_182 : i32 to vector<16xi32>
    %add3A_184 = arith.addi %iota3A_181, %add3A_183 : vector<16xi32>
    %swap3A_185 = arith.constant 0 : i32
    %swap3A_186 = arith.index_cast %swap3A_185 : i32 to index
    %swap3A_187 = arith.constant 112 : index
    %swap3A_188 = tpu.vector_load %arg9[%swap3A_186, %swap3A_187] {strides = array<i32>} : memref<2x128xi32, #tpu.memory_space<vmem>>, vector<16xi32>,
    tpu.vector_store %arg9[%swap3A_186, %swap3A_187], %add3A_184 {strides = array<i32>} : memref<2x128xi32, #tpu.memory_space<vmem>>, vector<16xi32>,
    %get3A_189 = arith.constant 1 : i32
    %get3A_190 = arith.index_cast %get3A_189 : i32 to index
    %get3A_191 = arith.constant 0 : index
    %get3A_192 = tpu.vector_load %arg6[%get3A_190, %get3A_191] {strides = array<i32>} : memref<2x128xi32, #tpu.memory_space<vmem>>, vector<16xi32>,
    %shift_right_logical3A_193 = arith.constant 4 : i32
    %shift_right_logical3A_194 = vector.broadcast %shift_right_logical3A_193 : i32 to vector<16xi32>
    %shift_right_logical3A_195 = arith.shrui %get3A_192, %shift_right_logical3A_194 : vector<16xi32>
    %and3A_196 = arith.constant 15 : i32
    %and3A_197 = vector.broadcast %and3A_196 : i32 to vector<16xi32>
    %and3A_198 = arith.andi %get3A_192, %and3A_197 : vector<16xi32>
    tpu.vector_store_idx %arg8[%shift_right_logical3A_195, %and3A_198], %broadcast_in_dim3A_49 {add = true} : memref<256x16xf32, #tpu.memory_space<vmem>>[vector<16xi32>, vector<16xi32>], vector<16xf32>,
    %get3A_199 = arith.constant 1 : i32
    %get3A_200 = arith.index_cast %get3A_199 : i32 to index
    %get3A_201 = arith.constant 16 : index
    %get3A_202 = tpu.vector_load %arg6[%get3A_200, %get3A_201] {strides = array<i32>} : memref<2x128xi32, #tpu.memory_space<vmem>>, vector<16xi32>,
    %shift_right_logical3A_203 = arith.constant 4 : i32
    %shift_right_logical3A_204 = vector.broadcast %shift_right_logical3A_203 : i32 to vector<16xi32>
    %shift_right_logical3A_205 = arith.shrui %get3A_202, %shift_right_logical3A_204 : vector<16xi32>
    %and3A_206 = arith.constant 15 : i32
    %and3A_207 = vector.broadcast %and3A_206 : i32 to vector<16xi32>
    %and3A_208 = arith.andi %get3A_202, %and3A_207 : vector<16xi32>
    tpu.vector_store_idx %arg8[%shift_right_logical3A_205, %and3A_208], %broadcast_in_dim3A_49 {add = true} : memref<256x16xf32, #tpu.memory_space<vmem>>[vector<16xi32>, vector<16xi32>], vector<16xf32>,
    %get3A_209 = arith.constant 1 : i32
    %get3A_210 = arith.index_cast %get3A_209 : i32 to index
    %get3A_211 = arith.constant 32 : index
    %get3A_212 = tpu.vector_load %arg6[%get3A_210, %get3A_211] {strides = array<i32>} : memref<2x128xi32, #tpu.memory_space<vmem>>, vector<16xi32>,
    %shift_right_logical3A_213 = arith.constant 4 : i32
    %shift_right_logical3A_214 = vector.broadcast %shift_right_logical3A_213 : i32 to vector<16xi32>
    %shift_right_logical3A_215 = arith.shrui %get3A_212, %shift_right_logical3A_214 : vector<16xi32>
    %and3A_216 = arith.constant 15 : i32
    %and3A_217 = vector.broadcast %and3A_216 : i32 to vector<16xi32>
    %and3A_218 = arith.andi %get3A_212, %and3A_217 : vector<16xi32>
    tpu.vector_store_idx %arg8[%shift_right_logical3A_215, %and3A_218], %broadcast_in_dim3A_49 {add = true} : memref<256x16xf32, #tpu.memory_space<vmem>>[vector<16xi32>, vector<16xi32>], vector<16xf32>,
    %get3A_219 = arith.constant 1 : i32
    %get3A_220 = arith.index_cast %get3A_219 : i32 to index
    %get3A_221 = arith.constant 48 : index
    %get3A_222 = tpu.vector_load %arg6[%get3A_220, %get3A_221] {strides = array<i32>} : memref<2x128xi32, #tpu.memory_space<vmem>>, vector<16xi32>,
    %shift_right_logical3A_223 = arith.constant 4 : i32
    %shift_right_logical3A_224 = vector.broadcast %shift_right_logical3A_223 : i32 to vector<16xi32>
    %shift_right_logical3A_225 = arith.shrui %get3A_222, %shift_right_logical3A_224 : vector<16xi32>
    %and3A_226 = arith.constant 15 : i32
    %and3A_227 = vector.broadcast %and3A_226 : i32 to vector<16xi32>
    %and3A_228 = arith.andi %get3A_222, %and3A_227 : vector<16xi32>
    tpu.vector_store_idx %arg8[%shift_right_logical3A_225, %and3A_228], %broadcast_in_dim3A_49 {add = true} : memref<256x16xf32, #tpu.memory_space<vmem>>[vector<16xi32>, vector<16xi32>], vector<16xf32>,
    %get3A_229 = arith.constant 1 : i32
    %get3A_230 = arith.index_cast %get3A_229 : i32 to index
    %get3A_231 = arith.constant 64 : index
    %get3A_232 = tpu.vector_load %arg6[%get3A_230, %get3A_231] {strides = array<i32>} : memref<2x128xi32, #tpu.memory_space<vmem>>, vector<16xi32>,
    %shift_right_logical3A_233 = arith.constant 4 : i32
    %shift_right_logical3A_234 = vector.broadcast %shift_right_logical3A_233 : i32 to vector<16xi32>
    %shift_right_logical3A_235 = arith.shrui %get3A_232, %shift_right_logical3A_234 : vector<16xi32>
    %and3A_236 = arith.constant 15 : i32
    %and3A_237 = vector.broadcast %and3A_236 : i32 to vector<16xi32>
    %and3A_238 = arith.andi %get3A_232, %and3A_237 : vector<16xi32>
    tpu.vector_store_idx %arg8[%shift_right_logical3A_235, %and3A_238], %broadcast_in_dim3A_49 {add = true} : memref<256x16xf32, #tpu.memory_space<vmem>>[vector<16xi32>, vector<16xi32>], vector<16xf32>,
    %get3A_239 = arith.constant 1 : i32
    %get3A_240 = arith.index_cast %get3A_239 : i32 to index
    %get3A_241 = arith.constant 80 : index
    %get3A_242 = tpu.vector_load %arg6[%get3A_240, %get3A_241] {strides = array<i32>} : memref<2x128xi32, #tpu.memory_space<vmem>>, vector<16xi32>,
    %shift_right_logical3A_243 = arith.constant 4 : i32
    %shift_right_logical3A_244 = vector.broadcast %shift_right_logical3A_243 : i32 to vector<16xi32>
    %shift_right_logical3A_245 = arith.shrui %get3A_242, %shift_right_logical3A_244 : vector<16xi32>
    %and3A_246 = arith.constant 15 : i32
    %and3A_247 = vector.broadcast %and3A_246 : i32 to vector<16xi32>
    %and3A_248 = arith.andi %get3A_242, %and3A_247 : vector<16xi32>
    tpu.vector_store_idx %arg8[%shift_right_logical3A_245, %and3A_248], %broadcast_in_dim3A_49 {add = true} : memref<256x16xf32, #tpu.memory_space<vmem>>[vector<16xi32>, vector<16xi32>], vector<16xf32>,
    %get3A_249 = arith.constant 1 : i32
    %get3A_250 = arith.index_cast %get3A_249 : i32 to index
    %get3A_251 = arith.constant 96 : index
    %get3A_252 = tpu.vector_load %arg6[%get3A_250, %get3A_251] {strides = array<i32>} : memref<2x128xi32, #tpu.memory_space<vmem>>, vector<16xi32>,
    %shift_right_logical3A_253 = arith.constant 4 : i32
    %shift_right_logical3A_254 = vector.broadcast %shift_right_logical3A_253 : i32 to vector<16xi32>
    %shift_right_logical3A_255 = arith.shrui %get3A_252, %shift_right_logical3A_254 : vector<16xi32>
    %and3A_256 = arith.constant 15 : i32
    %and3A_257 = vector.broadcast %and3A_256 : i32 to vector<16xi32>
    %and3A_258 = arith.andi %get3A_252, %and3A_257 : vector<16xi32>
    tpu.vector_store_idx %arg8[%shift_right_logical3A_255, %and3A_258], %broadcast_in_dim3A_49 {add = true} : memref<256x16xf32, #tpu.memory_space<vmem>>[vector<16xi32>, vector<16xi32>], vector<16xf32>,
    %get3A_259 = arith.constant 1 : i32
    %get3A_260 = arith.index_cast %get3A_259 : i32 to index
    %get3A_261 = arith.constant 112 : index
    %get3A_262 = tpu.vector_load %arg6[%get3A_260, %get3A_261] {strides = array<i32>} : memref<2x128xi32, #tpu.memory_space<vmem>>, vector<16xi32>,
    %shift_right_logical3A_263 = arith.constant 4 : i32
    %shift_right_logical3A_264 = vector.broadcast %shift_right_logical3A_263 : i32 to vector<16xi32>
    %shift_right_logical3A_265 = arith.shrui %get3A_262, %shift_right_logical3A_264 : vector<16xi32>
    %and3A_266 = arith.constant 15 : i32
    %and3A_267 = vector.broadcast %and3A_266 : i32 to vector<16xi32>
    %and3A_268 = arith.andi %get3A_262, %and3A_267 : vector<16xi32>
    tpu.vector_store_idx %arg8[%shift_right_logical3A_265, %and3A_268], %broadcast_in_dim3A_49 {add = true} : memref<256x16xf32, #tpu.memory_space<vmem>>[vector<16xi32>, vector<16xi32>], vector<16xf32>,
    %iota3A_269 = tpu.iota {dimensions = array<i32: 0>} : vector<16xi32>
    %add3A_270 = arith.constant 128 : i32
    %add3A_271 = vector.broadcast %add3A_270 : i32 to vector<16xi32>
    %add3A_272 = arith.addi %iota3A_269, %add3A_271 : vector<16xi32>
    %swap3A_273 = arith.constant 1 : i32
    %swap3A_274 = arith.index_cast %swap3A_273 : i32 to index
    %swap3A_275 = arith.constant 0 : index
    %swap3A_276 = tpu.vector_load %arg9[%swap3A_274, %swap3A_275] {strides = array<i32>} : memref<2x128xi32, #tpu.memory_space<vmem>>, vector<16xi32>,
    tpu.vector_store %arg9[%swap3A_274, %swap3A_275], %add3A_272 {strides = array<i32>} : memref<2x128xi32, #tpu.memory_space<vmem>>, vector<16xi32>,
    %iota3A_277 = tpu.iota {dimensions = array<i32: 0>} : vector<16xi32>
    %add3A_278 = arith.constant 144 : i32
    %add3A_279 = vector.broadcast %add3A_278 : i32 to vector<16xi32>
    %add3A_280 = arith.addi %iota3A_277, %add3A_279 : vector<16xi32>
    %swap3A_281 = arith.constant 1 : i32
    %swap3A_282 = arith.index_cast %swap3A_281 : i32 to index
    %swap3A_283 = arith.constant 16 : index
    %swap3A_284 = tpu.vector_load %arg9[%swap3A_282, %swap3A_283] {strides = array<i32>} : memref<2x128xi32, #tpu.memory_space<vmem>>, vector<16xi32>,
    tpu.vector_store %arg9[%swap3A_282, %swap3A_283], %add3A_280 {strides = array<i32>} : memref<2x128xi32, #tpu.memory_space<vmem>>, vector<16xi32>,
    %iota3A_285 = tpu.iota {dimensions = array<i32: 0>} : vector<16xi32>
    %add3A_286 = arith.constant 160 : i32
    %add3A_287 = vector.broadcast %add3A_286 : i32 to vector<16xi32>
    %add3A_288 = arith.addi %iota3A_285, %add3A_287 : vector<16xi32>
    %swap3A_289 = arith.constant 1 : i32
    %swap3A_290 = arith.index_cast %swap3A_289 : i32 to index
    %swap3A_291 = arith.constant 32 : index
    %swap3A_292 = tpu.vector_load %arg9[%swap3A_290, %swap3A_291] {strides = array<i32>} : memref<2x128xi32, #tpu.memory_space<vmem>>, vector<16xi32>,
    tpu.vector_store %arg9[%swap3A_290, %swap3A_291], %add3A_288 {strides = array<i32>} : memref<2x128xi32, #tpu.memory_space<vmem>>, vector<16xi32>,
    %iota3A_293 = tpu.iota {dimensions = array<i32: 0>} : vector<16xi32>
    %add3A_294 = arith.constant 176 : i32
    %add3A_295 = vector.broadcast %add3A_294 : i32 to vector<16xi32>
    %add3A_296 = arith.addi %iota3A_293, %add3A_295 : vector<16xi32>
    %swap3A_297 = arith.constant 1 : i32
    %swap3A_298 = arith.index_cast %swap3A_297 : i32 to index
    %swap3A_299 = arith.constant 48 : index
    %swap3A_300 = tpu.vector_load %arg9[%swap3A_298, %swap3A_299] {strides = array<i32>} : memref<2x128xi32, #tpu.memory_space<vmem>>, vector<16xi32>,
    tpu.vector_store %arg9[%swap3A_298, %swap3A_299], %add3A_296 {strides = array<i32>} : memref<2x128xi32, #tpu.memory_space<vmem>>, vector<16xi32>,
    %iota3A_301 = tpu.iota {dimensions = array<i32: 0>} : vector<16xi32>
    %add3A_302 = arith.constant 192 : i32
    %add3A_303 = vector.broadcast %add3A_302 : i32 to vector<16xi32>
    %add3A_304 = arith.addi %iota3A_301, %add3A_303 : vector<16xi32>
    %swap3A_305 = arith.constant 1 : i32
    %swap3A_306 = arith.index_cast %swap3A_305 : i32 to index
    %swap3A_307 = arith.constant 64 : index
    %swap3A_308 = tpu.vector_load %arg9[%swap3A_306, %swap3A_307] {strides = array<i32>} : memref<2x128xi32, #tpu.memory_space<vmem>>, vector<16xi32>,
    tpu.vector_store %arg9[%swap3A_306, %swap3A_307], %add3A_304 {strides = array<i32>} : memref<2x128xi32, #tpu.memory_space<vmem>>, vector<16xi32>,
    %iota3A_309 = tpu.iota {dimensions = array<i32: 0>} : vector<16xi32>
    %add3A_310 = arith.constant 208 : i32
    %add3A_311 = vector.broadcast %add3A_310 : i32 to vector<16xi32>
    %add3A_312 = arith.addi %iota3A_309, %add3A_311 : vector<16xi32>
    %swap3A_313 = arith.constant 1 : i32
    %swap3A_314 = arith.index_cast %swap3A_313 : i32 to index
    %swap3A_315 = arith.constant 80 : index
    %swap3A_316 = tpu.vector_load %arg9[%swap3A_314, %swap3A_315] {strides = array<i32>} : memref<2x128xi32, #tpu.memory_space<vmem>>, vector<16xi32>,
    tpu.vector_store %arg9[%swap3A_314, %swap3A_315], %add3A_312 {strides = array<i32>} : memref<2x128xi32, #tpu.memory_space<vmem>>, vector<16xi32>,
    %iota3A_317 = tpu.iota {dimensions = array<i32: 0>} : vector<16xi32>
    %add3A_318 = arith.constant 224 : i32
    %add3A_319 = vector.broadcast %add3A_318 : i32 to vector<16xi32>
    %add3A_320 = arith.addi %iota3A_317, %add3A_319 : vector<16xi32>
    %swap3A_321 = arith.constant 1 : i32
    %swap3A_322 = arith.index_cast %swap3A_321 : i32 to index
    %swap3A_323 = arith.constant 96 : index
    %swap3A_324 = tpu.vector_load %arg9[%swap3A_322, %swap3A_323] {strides = array<i32>} : memref<2x128xi32, #tpu.memory_space<vmem>>, vector<16xi32>,
    tpu.vector_store %arg9[%swap3A_322, %swap3A_323], %add3A_320 {strides = array<i32>} : memref<2x128xi32, #tpu.memory_space<vmem>>, vector<16xi32>,
    %iota3A_325 = tpu.iota {dimensions = array<i32: 0>} : vector<16xi32>
    %add3A_326 = arith.constant 240 : i32
    %add3A_327 = vector.broadcast %add3A_326 : i32 to vector<16xi32>
    %add3A_328 = arith.addi %iota3A_325, %add3A_327 : vector<16xi32>
    %swap3A_329 = arith.constant 1 : i32
    %swap3A_330 = arith.index_cast %swap3A_329 : i32 to index
    %swap3A_331 = arith.constant 112 : index
    %swap3A_332 = tpu.vector_load %arg9[%swap3A_330, %swap3A_331] {strides = array<i32>} : memref<2x128xi32, #tpu.memory_space<vmem>>, vector<16xi32>,
    tpu.vector_store %arg9[%swap3A_330, %swap3A_331], %add3A_328 {strides = array<i32>} : memref<2x128xi32, #tpu.memory_space<vmem>>, vector<16xi32>,
    %run_scoped3A = arith.constant 0 : i32
    "tpu.region"() ({
      %run_scoped3A_340 = tpu.sem_alloc : memref<!tpu.dma_semaphore, #tpu.memory_space<semaphore_mem>>
      %dma_start3A_341 = arith.constant 0 : i32
      %dma_start3A_342 = arith.constant 0 : i32
      %dma_start3A_343 = tpu.memref_slice %arg8[%dma_start3A_341, %dma_start3A_342] : memref<256x16xf32, #tpu.memory_space<vmem>> -> memref<128x16xf32, #tpu.memory_space<vmem>>
      %dma_start3A_344 = arith.constant 0 : i32
      %dma_start3A_345 = tpu.memref_slice %arg9[%run_scoped3A, %dma_start3A_344] : memref<2x128xi32, #tpu.memory_space<vmem>> -> memref<1x128xi32, #tpu.memory_space<vmem>>
      %dma_start3A_346 = tpu.memref_squeeze %dma_start3A_345 : memref<1x128xi32, #tpu.memory_space<vmem>> -> memref<128xi32, #tpu.memory_space<vmem>>
      %dma_start3A_347 = arith.constant 0 : i32
      %dma_start3A_348 = arith.constant 0 : i32
      %dma_start3A_349 = tpu.memref_slice %arg10[%dma_start3A_347, %dma_start3A_348] : memref<256x16xf32, #tpu.memory_space<vmem_shared>> -> memref<256x16xf32, #tpu.memory_space<vmem_shared>>
      tpu.enqueue_indirect_dma source(%dma_start3A_343 : memref<128x16xf32, #tpu.memory_space<vmem>>) target(%dma_start3A_349 : memref<256x16xf32, #tpu.memory_space<vmem_shared>>) offsets(%dma_start3A_346 : memref<128xi32, #tpu.memory_space<vmem>>) semaphore(%run_scoped3A_340 : memref<!tpu.dma_semaphore, #tpu.memory_space<semaphore_mem>>) {add = true}
      %dma_wait3A_350 = arith.constant 0 : i32
      %dma_wait3A_351 = arith.constant 0 : i32
      %dma_wait3A_352 = tpu.memref_slice %arg8[%dma_wait3A_350, %dma_wait3A_351] : memref<256x16xf32, #tpu.memory_space<vmem>> -> memref<128x16xf32, #tpu.memory_space<vmem>>
      %dma_wait3A_353 = arith.constant 0 : i32
      %dma_wait3A_354 = tpu.memref_slice %arg9[%run_scoped3A, %dma_wait3A_353] : memref<2x128xi32, #tpu.memory_space<vmem>> -> memref<1x128xi32, #tpu.memory_space<vmem>>
      %dma_wait3A_355 = tpu.memref_squeeze %dma_wait3A_354 : memref<1x128xi32, #tpu.memory_space<vmem>> -> memref<128xi32, #tpu.memory_space<vmem>>
      %dma_wait3A_356 = arith.constant 0 : i32
      %dma_wait3A_357 = arith.constant 0 : i32
      %dma_wait3A_358 = tpu.memref_slice %arg10[%dma_wait3A_356, %dma_wait3A_357] : memref<256x16xf32, #tpu.memory_space<vmem_shared>> -> memref<256x16xf32, #tpu.memory_space<vmem_shared>>
      tpu.wait_indirect_dma semaphore(%run_scoped3A_340 : memref<!tpu.dma_semaphore, #tpu.memory_space<semaphore_mem>>) src(%dma_wait3A_352 : memref<128x16xf32, #tpu.memory_space<vmem>>) dst(%dma_wait3A_358 : memref<256x16xf32, #tpu.memory_space<vmem_shared>>)
      tpu.yield
    }) : () -> ()
    %run_scoped3A_333 = arith.constant 1 : i32
    "tpu.region"() ({
      %run_scoped3A_340 = tpu.sem_alloc : memref<!tpu.dma_semaphore, #tpu.memory_space<semaphore_mem>>
      %dma_start3A_341 = arith.constant 128 : i32
      %dma_start3A_342 = arith.constant 0 : i32
      %dma_start3A_343 = tpu.memref_slice %arg8[%dma_start3A_341, %dma_start3A_342] : memref<256x16xf32, #tpu.memory_space<vmem>> -> memref<128x16xf32, #tpu.memory_space<vmem>>
      %dma_start3A_344 = arith.constant 0 : i32
      %dma_start3A_345 = tpu.memref_slice %arg9[%run_scoped3A_333, %dma_start3A_344] : memref<2x128xi32, #tpu.memory_space<vmem>> -> memref<1x128xi32, #tpu.memory_space<vmem>>
      %dma_start3A_346 = tpu.memref_squeeze %dma_start3A_345 : memref<1x128xi32, #tpu.memory_space<vmem>> -> memref<128xi32, #tpu.memory_space<vmem>>
      %dma_start3A_347 = arith.constant 0 : i32
      %dma_start3A_348 = arith.constant 0 : i32
      %dma_start3A_349 = tpu.memref_slice %arg10[%dma_start3A_347, %dma_start3A_348] : memref<256x16xf32, #tpu.memory_space<vmem_shared>> -> memref<256x16xf32, #tpu.memory_space<vmem_shared>>
      tpu.enqueue_indirect_dma source(%dma_start3A_343 : memref<128x16xf32, #tpu.memory_space<vmem>>) target(%dma_start3A_349 : memref<256x16xf32, #tpu.memory_space<vmem_shared>>) offsets(%dma_start3A_346 : memref<128xi32, #tpu.memory_space<vmem>>) semaphore(%run_scoped3A_340 : memref<!tpu.dma_semaphore, #tpu.memory_space<semaphore_mem>>) {add = true}
      %dma_wait3A_350 = arith.constant 128 : i32
      %dma_wait3A_351 = arith.constant 0 : i32
      %dma_wait3A_352 = tpu.memref_slice %arg8[%dma_wait3A_350, %dma_wait3A_351] : memref<256x16xf32, #tpu.memory_space<vmem>> -> memref<128x16xf32, #tpu.memory_space<vmem>>
      %dma_wait3A_353 = arith.constant 0 : i32
      %dma_wait3A_354 = tpu.memref_slice %arg9[%run_scoped3A_333, %dma_wait3A_353] : memref<2x128xi32, #tpu.memory_space<vmem>> -> memref<1x128xi32, #tpu.memory_space<vmem>>
      %dma_wait3A_355 = tpu.memref_squeeze %dma_wait3A_354 : memref<1x128xi32, #tpu.memory_space<vmem>> -> memref<128xi32, #tpu.memory_space<vmem>>
      %dma_wait3A_356 = arith.constant 0 : i32
      %dma_wait3A_357 = arith.constant 0 : i32
      %dma_wait3A_358 = tpu.memref_slice %arg10[%dma_wait3A_356, %dma_wait3A_357] : memref<256x16xf32, #tpu.memory_space<vmem_shared>> -> memref<256x16xf32, #tpu.memory_space<vmem_shared>>
      tpu.wait_indirect_dma semaphore(%run_scoped3A_340 : memref<!tpu.dma_semaphore, #tpu.memory_space<semaphore_mem>>) src(%dma_wait3A_352 : memref<128x16xf32, #tpu.memory_space<vmem>>) dst(%dma_wait3A_358 : memref<256x16xf32, #tpu.memory_space<vmem_shared>>)
      tpu.yield
    }) : () -> ()
    %barrier3A_334 = arith.constant 0 : index
    tpu.barrier barrier_id(%barrier3A_334)
    %eq3A_335 = arith.constant 0 : i32
    %eq3A_336 = arith.cmpi eq, %arg1, %eq3A_335 : i32
    %convert_element_type3A_337 = arith.extui %eq3A_336 : i1 to i32
    %cond3A_338 = arith.constant 0 : i32
    %cond3A_339 = arith.cmpi ne, %convert_element_type3A_337, %cond3A_338 : i32
    scf.if %cond3A_339 {
      "tpu.region"() ({
        %run_scoped3A_340 = tpu.sem_alloc : memref<!tpu.dma_semaphore, #tpu.memory_space<semaphore_mem>>
        %dma_start3A_341 = arith.constant 0 : i32
        %dma_start3A_342 = arith.constant 0 : i32
        %dma_start3A_343 = tpu.memref_slice %arg5[%arg0, %dma_start3A_341, %dma_start3A_342] : memref<2x256x16xf32, #tpu.memory_space<hbm>> -> memref<1x256x16xf32, #tpu.memory_space<hbm>>
        %dma_start3A_344 = tpu.memref_squeeze %dma_start3A_343 : memref<1x256x16xf32, #tpu.memory_space<hbm>> -> memref<256x16xf32, #tpu.memory_space<hbm>>
        tpu.enqueue_dma source(%arg10 : memref<256x16xf32, #tpu.memory_space<vmem_shared>>) target(%dma_start3A_344 : memref<256x16xf32, #tpu.memory_space<hbm>>) target_semaphore(%run_scoped3A_340 : memref<!tpu.dma_semaphore, #tpu.memory_space<semaphore_mem>>)
        %dma_wait3A_345 = arith.constant 0 : i32
        %dma_wait3A_346 = arith.constant 0 : i32
        %dma_wait3A_347 = tpu.memref_slice %arg5[%arg0, %dma_wait3A_345, %dma_wait3A_346] : memref<2x256x16xf32, #tpu.memory_space<hbm>> -> memref<1x256x16xf32, #tpu.memory_space<hbm>>
        %dma_wait3A_348 = tpu.memref_squeeze %dma_wait3A_347 : memref<1x256x16xf32, #tpu.memory_space<hbm>> -> memref<256x16xf32, #tpu.memory_space<hbm>>
        tpu.wait_dma2 semaphore(%run_scoped3A_340 : memref<!tpu.dma_semaphore, #tpu.memory_space<semaphore_mem>>) src(%arg10 : memref<256x16xf32, #tpu.memory_space<vmem_shared>>) dst(%dma_wait3A_348 : memref<256x16xf32, #tpu.memory_space<hbm>>)
        tpu.yield
      }) : () -> ()
    } else {
    }
    return
  }
}

#map = affine_map<(d0, d1) -> (0, 0)>
#map1 = affine_map<(d0, d1) -> (0, 0, 0)>
module attributes {stable_mosaic.version = 14 : i64} {
  func.func @k(%arg0: i32, %arg1: i32, %arg2: memref<4096x256xf32, #tpu.memory_space<hbm>>, %arg3: memref<64x128xi32, #tpu.memory_space<hbm>>, %arg4: memref<8192x256xf32, #tpu.memory_space<hbm>>, %arg5: memref<2x256x16xf32, #tpu.memory_space<hbm>>, %arg6: memref<2x128xi32, #tpu.memory_space<vmem>>, %arg7: memref<256x256xf32, #tpu.memory_space<vmem>>, %arg8: memref<256x16xf32, #tpu.memory_space<vmem>>, %arg9: memref<2x128xi32, #tpu.memory_space<vmem>>, %arg10: memref<256x16xf32, #tpu.memory_space<vmem_shared>>, %arg11: memref<!tpu.dma_semaphore, #tpu.memory_space<semaphore_mem>>) attributes {dimension_semantics = [#tpu.dimension_semantics<core_parallel>, #tpu.dimension_semantics<subcore_parallel>], iteration_bounds = array<i64: 2, 16>, scalar_prefetch = 0 : i64, scratch_operands = 6 : i64, tpu.core_type = #tpu.core_type<sc_vector_subcore>, window_params = [{transform_indices = #map}, {transform_indices = #map}, {transform_indices = #map}, {transform_indices = #map1}]} {
    %mul3A = arith.constant 2 : i32
    %mul3A_0 = arith.muli %arg1, %mul3A : i32
    %add3A = arith.addi %mul3A_0, %arg0 : i32
    %mul3A_1 = arith.constant 256 : i32
    %mul3A_2 = arith.muli %add3A, %mul3A_1 : i32
    %mul3A_3 = arith.constant 2 : i32
    %mul3A_4 = arith.muli %add3A, %mul3A_3 : i32
    "tpu.region"() ({
      %run_scoped3A_340 = tpu.sem_alloc : memref<!tpu.dma_semaphore, #tpu.memory_space<semaphore_mem>>
      %dma_start3A_341 = arith.constant 0 : i32
      %dma_start3A_342 = tpu.memref_slice %arg3[%mul3A_4, %dma_start3A_341] : memref<64x128xi32, #tpu.memory_space<hbm>> -> memref<2x128xi32, #tpu.memory_space<hbm>>
      %dma_start3A_343 = arith.constant 0 : i32
      %dma_start3A_344 = tpu.memref_slice %arg3[%mul3A_4, %dma_start3A_343] : memref<64x128xi32, #tpu.memory_space<hbm>> -> memref<2x128xi32, #tpu.memory_space<hbm>>
      tpu.enqueue_dma source(%dma_start3A_344 : memref<2x128xi32, #tpu.memory_space<hbm>>) target(%arg6 : memref<2x128xi32, #tpu.memory_space<vmem>>) target_semaphore(%run_scoped3A_340 : memref<!tpu.dma_semaphore, #tpu.memory_space<semaphore_mem>>)
      %dma_wait3A_345 = arith.constant 0 : i32
      %dma_wait3A_346 = tpu.memref_slice %arg3[%mul3A_4, %dma_wait3A_345] : memref<64x128xi32, #tpu.memory_space<hbm>> -> memref<2x128xi32, #tpu.memory_space<hbm>>
      %dma_wait3A_347 = arith.constant 0 : i32
      %dma_wait3A_348 = tpu.memref_slice %arg3[%mul3A_4, %dma_wait3A_347] : memref<64x128xi32, #tpu.memory_space<hbm>> -> memref<2x128xi32, #tpu.memory_space<hbm>>
      tpu.wait_dma2 semaphore(%run_scoped3A_340 : memref<!tpu.dma_semaphore, #tpu.memory_space<semaphore_mem>>) src(%dma_wait3A_348 : memref<2x128xi32, #tpu.memory_space<hbm>>) dst(%arg6 : memref<2x128xi32, #tpu.memory_space<vmem>>)
      tpu.yield
    }) : () -> ()
    %dma_start3A = arith.constant 0 : i32
    %dma_start3A_5 = arith.constant 0 : i32
    %dma_start3A_6 = arith.constant 0 : i32
    %dma_start3A_7 = tpu.memref_slice %arg7[%dma_start3A_5, %dma_start3A_6] : memref<256x256xf32, #tpu.memory_space<vmem>> -> memref<128x256xf32, #tpu.memory_space<vmem>>
    %dma_start3A_8 = arith.constant 0 : i32
    %dma_start3A_9 = tpu.memref_slice %arg6[%dma_start3A, %dma_start3A_8] : memref<2x128xi32, #tpu.memory_space<vmem>> -> memref<1x128xi32, #tpu.memory_space<vmem>>
    %dma_start3A_10 = tpu.memref_squeeze %dma_start3A_9 : memref<1x128xi32, #tpu.memory_space<vmem>> -> memref<128xi32, #tpu.memory_space<vmem>>
    %dma_start3A_11 = arith.constant 0 : i32
    %dma_start3A_12 = arith.constant 0 : i32
    %dma_start3A_13 = tpu.memref_slice %arg2[%dma_start3A_11, %dma_start3A_12] : memref<4096x256xf32, #tpu.memory_space<hbm>> -> memref<4096x256xf32, #tpu.memory_space<hbm>>
    tpu.enqueue_indirect_dma source(%dma_start3A_13 : memref<4096x256xf32, #tpu.memory_space<hbm>>) target(%dma_start3A_7 : memref<128x256xf32, #tpu.memory_space<vmem>>) offsets(%dma_start3A_10 : memref<128xi32, #tpu.memory_space<vmem>>) semaphore(%arg11 : memref<!tpu.dma_semaphore, #tpu.memory_space<semaphore_mem>>)
    %dma_wait3A = arith.constant 0 : i32
    %dma_wait3A_14 = arith.constant 0 : i32
    %dma_wait3A_15 = arith.constant 0 : i32
    %dma_wait3A_16 = tpu.memref_slice %arg7[%dma_wait3A_14, %dma_wait3A_15] : memref<256x256xf32, #tpu.memory_space<vmem>> -> memref<128x256xf32, #tpu.memory_space<vmem>>
    %dma_wait3A_17 = arith.constant 0 : i32
    %dma_wait3A_18 = tpu.memref_slice %arg6[%dma_wait3A, %dma_wait3A_17] : memref<2x128xi32, #tpu.memory_space<vmem>> -> memref<1x128xi32, #tpu.memory_space<vmem>>
    %dma_wait3A_19 = tpu.memref_squeeze %dma_wait3A_18 : memref<1x128xi32, #tpu.memory_space<vmem>> -> memref<128xi32, #tpu.memory_space<vmem>>
    %dma_wait3A_20 = arith.constant 0 : i32
    %dma_wait3A_21 = arith.constant 0 : i32
    %dma_wait3A_22 = tpu.memref_slice %arg2[%dma_wait3A_20, %dma_wait3A_21] : memref<4096x256xf32, #tpu.memory_space<hbm>> -> memref<4096x256xf32, #tpu.memory_space<hbm>>
    tpu.wait_indirect_dma semaphore(%arg11 : memref<!tpu.dma_semaphore, #tpu.memory_space<semaphore_mem>>) src(%dma_wait3A_22 : memref<4096x256xf32, #tpu.memory_space<hbm>>) dst(%dma_wait3A_16 : memref<128x256xf32, #tpu.memory_space<vmem>>)
    %dma_start3A_23 = arith.constant 1 : i32
    %dma_start3A_24 = arith.constant 128 : i32
    %dma_start3A_25 = arith.constant 0 : i32
    %dma_start3A_26 = tpu.memref_slice %arg7[%dma_start3A_24, %dma_start3A_25] : memref<256x256xf32, #tpu.memory_space<vmem>> -> memref<128x256xf32, #tpu.memory_space<vmem>>
    %dma_start3A_27 = arith.constant 0 : i32
    %dma_start3A_28 = tpu.memref_slice %arg6[%dma_start3A_23, %dma_start3A_27] : memref<2x128xi32, #tpu.memory_space<vmem>> -> memref<1x128xi32, #tpu.memory_space<vmem>>
    %dma_start3A_29 = tpu.memref_squeeze %dma_start3A_28 : memref<1x128xi32, #tpu.memory_space<vmem>> -> memref<128xi32, #tpu.memory_space<vmem>>
    %dma_start3A_30 = arith.constant 0 : i32
    %dma_start3A_31 = arith.constant 0 : i32
    %dma_start3A_32 = tpu.memref_slice %arg2[%dma_start3A_30, %dma_start3A_31] : memref<4096x256xf32, #tpu.memory_space<hbm>> -> memref<4096x256xf32, #tpu.memory_space<hbm>>
    tpu.enqueue_indirect_dma source(%dma_start3A_32 : memref<4096x256xf32, #tpu.memory_space<hbm>>) target(%dma_start3A_26 : memref<128x256xf32, #tpu.memory_space<vmem>>) offsets(%dma_start3A_29 : memref<128xi32, #tpu.memory_space<vmem>>) semaphore(%arg11 : memref<!tpu.dma_semaphore, #tpu.memory_space<semaphore_mem>>)
    %dma_wait3A_33 = arith.constant 1 : i32
    %dma_wait3A_34 = arith.constant 128 : i32
    %dma_wait3A_35 = arith.constant 0 : i32
    %dma_wait3A_36 = tpu.memref_slice %arg7[%dma_wait3A_34, %dma_wait3A_35] : memref<256x256xf32, #tpu.memory_space<vmem>> -> memref<128x256xf32, #tpu.memory_space<vmem>>
    %dma_wait3A_37 = arith.constant 0 : i32
    %dma_wait3A_38 = tpu.memref_slice %arg6[%dma_wait3A_33, %dma_wait3A_37] : memref<2x128xi32, #tpu.memory_space<vmem>> -> memref<1x128xi32, #tpu.memory_space<vmem>>
    %dma_wait3A_39 = tpu.memref_squeeze %dma_wait3A_38 : memref<1x128xi32, #tpu.memory_space<vmem>> -> memref<128xi32, #tpu.memory_space<vmem>>
    %dma_wait3A_40 = arith.constant 0 : i32
    %dma_wait3A_41 = arith.constant 0 : i32
    %dma_wait3A_42 = tpu.memref_slice %arg2[%dma_wait3A_40, %dma_wait3A_41] : memref<4096x256xf32, #tpu.memory_space<hbm>> -> memref<4096x256xf32, #tpu.memory_space<hbm>>
    tpu.wait_indirect_dma semaphore(%arg11 : memref<!tpu.dma_semaphore, #tpu.memory_space<semaphore_mem>>) src(%dma_wait3A_42 : memref<4096x256xf32, #tpu.memory_space<hbm>>) dst(%dma_wait3A_36 : memref<128x256xf32, #tpu.memory_space<vmem>>)
    "tpu.region"() ({
      %run_scoped3A_340 = tpu.sem_alloc : memref<!tpu.dma_semaphore, #tpu.memory_space<semaphore_mem>>
      %dma_start3A_341 = arith.constant 0 : i32
      %dma_start3A_342 = tpu.memref_slice %arg4[%mul3A_2, %dma_start3A_341] : memref<8192x256xf32, #tpu.memory_space<hbm>> -> memref<256x256xf32, #tpu.memory_space<hbm>>
      %dma_start3A_343 = arith.constant 0 : i32
      %dma_start3A_344 = tpu.memref_slice %arg4[%mul3A_2, %dma_start3A_343] : memref<8192x256xf32, #tpu.memory_space<hbm>> -> memref<256x256xf32, #tpu.memory_space<hbm>>
      tpu.enqueue_dma source(%arg7 : memref<256x256xf32, #tpu.memory_space<vmem>>) target(%dma_start3A_344 : memref<256x256xf32, #tpu.memory_space<hbm>>) target_semaphore(%run_scoped3A_340 : memref<!tpu.dma_semaphore, #tpu.memory_space<semaphore_mem>>)
      %dma_wait3A_345 = arith.constant 0 : i32
      %dma_wait3A_346 = tpu.memref_slice %arg4[%mul3A_2, %dma_wait3A_345] : memref<8192x256xf32, #tpu.memory_space<hbm>> -> memref<256x256xf32, #tpu.memory_space<hbm>>
      %dma_wait3A_347 = arith.constant 0 : i32
      %dma_wait3A_348 = tpu.memref_slice %arg4[%mul3A_2, %dma_wait3A_347] : memref<8192x256xf32, #tpu.memory_space<hbm>> -> memref<256x256xf32, #tpu.memory_space<hbm>>
      tpu.wait_dma2 semaphore(%run_scoped3A_340 : memref<!tpu.dma_semaphore, #tpu.memory_space<semaphore_mem>>) src(%arg7 : memref<256x256xf32, #tpu.memory_space<vmem>>) dst(%dma_wait3A_348 : memref<256x256xf32, #tpu.memory_space<hbm>>)
      tpu.yield
    }) : () -> ()
    %scan3A = arith.constant 0 : i32
    %scan3A_43 = arith.constant 256 : i32
    %scan3A_44 = arith.addi %scan3A, %scan3A_43 : i32
    %scan3A_45 = arith.constant 1 : i32
    scf.for %scan3A_340 = %scan3A to %scan3A_44 step %scan3A_45  : i32 {
      %mul3A_341 = arith.constant 1 : i32
      %mul3A_342 = arith.muli %scan3A_340, %mul3A_341 : i32
      %add3A_343 = arith.constant 0 : i32
      %add3A_344 = arith.addi %add3A_343, %mul3A_342 : i32
      %broadcast_in_dim3A_345 = arith.constant 0.000000e+00 : f32
      %broadcast_in_dim3A_346 = vector.broadcast %broadcast_in_dim3A_345 : f32 to vector<16xf32>
      %swap3A_347 = arith.index_cast %add3A_344 : i32 to index
      %swap3A_348 = arith.constant 0 : index
      %swap3A_349 = tpu.vector_load %arg8[%swap3A_347, %swap3A_348] {strides = array<i32>} : memref<256x16xf32, #tpu.memory_space<vmem>>, vector<16xf32>,
      tpu.vector_store %arg8[%swap3A_347, %swap3A_348], %broadcast_in_dim3A_346 {strides = array<i32>} : memref<256x16xf32, #tpu.memory_space<vmem>>, vector<16xf32>,
    }
    %scan3A_46 = arith.constant 256 : i32
    %eq3A = arith.constant 0 : i32
    %eq3A_47 = arith.cmpi eq, %arg1, %eq3A : i32
    %convert_element_type3A = arith.extui %eq3A_47 : i1 to i32
    %cond3A = arith.constant 0 : i32
    %cond3A_48 = arith.cmpi ne, %convert_element_type3A, %cond3A : i32
    scf.if %cond3A_48 {
      "tpu.region"() ({
        %run_scoped3A_340 = tpu.sem_alloc : memref<!tpu.dma_semaphore, #tpu.memory_space<semaphore_mem>>
        tpu.enqueue_dma source(%arg8 : memref<256x16xf32, #tpu.memory_space<vmem>>) target(%arg10 : memref<256x16xf32, #tpu.memory_space<vmem_shared>>) target_semaphore(%run_scoped3A_340 : memref<!tpu.dma_semaphore, #tpu.memory_space<semaphore_mem>>)
        tpu.wait_dma2 semaphore(%run_scoped3A_340 : memref<!tpu.dma_semaphore, #tpu.memory_space<semaphore_mem>>) src(%arg8 : memref<256x16xf32, #tpu.memory_space<vmem>>) dst(%arg10 : memref<256x16xf32, #tpu.memory_space<vmem_shared>>)
        tpu.yield
      }) : () -> ()
    } else {
    }
    %barrier3A = arith.constant 0 : index
    tpu.barrier barrier_id(%barrier3A)
    %broadcast_in_dim3A = arith.constant 1.000000e+00 : f32
    %broadcast_in_dim3A_49 = vector.broadcast %broadcast_in_dim3A : f32 to vector<16xf32>
    %get3A = arith.constant 0 : i32
    %get3A_50 = arith.index_cast %get3A : i32 to index
    %get3A_51 = arith.constant 0 : index
    %get3A_52 = tpu.vector_load %arg6[%get3A_50, %get3A_51] {strides = array<i32>} : memref<2x128xi32, #tpu.memory_space<vmem>>, vector<16xi32>,
    %shift_right_logical3A = arith.constant 4 : i32
    %shift_right_logical3A_53 = vector.broadcast %shift_right_logical3A : i32 to vector<16xi32>
    %shift_right_logical3A_54 = arith.shrui %get3A_52, %shift_right_logical3A_53 : vector<16xi32>
    %and3A = arith.constant 15 : i32
    %and3A_55 = vector.broadcast %and3A : i32 to vector<16xi32>
    %and3A_56 = arith.andi %get3A_52, %and3A_55 : vector<16xi32>
    tpu.vector_store_idx %arg8[%shift_right_logical3A_54, %and3A_56], %broadcast_in_dim3A_49 {add = true} : memref<256x16xf32, #tpu.memory_space<vmem>>[vector<16xi32>, vector<16xi32>], vector<16xf32>,
    %get3A_57 = arith.constant 0 : i32
    %get3A_58 = arith.index_cast %get3A_57 : i32 to index
    %get3A_59 = arith.constant 16 : index
    %get3A_60 = tpu.vector_load %arg6[%get3A_58, %get3A_59] {strides = array<i32>} : memref<2x128xi32, #tpu.memory_space<vmem>>, vector<16xi32>,
    %shift_right_logical3A_61 = arith.constant 4 : i32
    %shift_right_logical3A_62 = vector.broadcast %shift_right_logical3A_61 : i32 to vector<16xi32>
    %shift_right_logical3A_63 = arith.shrui %get3A_60, %shift_right_logical3A_62 : vector<16xi32>
    %and3A_64 = arith.constant 15 : i32
    %and3A_65 = vector.broadcast %and3A_64 : i32 to vector<16xi32>
    %and3A_66 = arith.andi %get3A_60, %and3A_65 : vector<16xi32>
    tpu.vector_store_idx %arg8[%shift_right_logical3A_63, %and3A_66], %broadcast_in_dim3A_49 {add = true} : memref<256x16xf32, #tpu.memory_space<vmem>>[vector<16xi32>, vector<16xi32>], vector<16xf32>,
    %get3A_67 = arith.constant 0 : i32
    %get3A_68 = arith.index_cast %get3A_67 : i32 to index
    %get3A_69 = arith.constant 32 : index
    %get3A_70 = tpu.vector_load %arg6[%get3A_68, %get3A_69] {strides = array<i32>} : memref<2x128xi32, #tpu.memory_space<vmem>>, vector<16xi32>,
    %shift_right_logical3A_71 = arith.constant 4 : i32
    %shift_right_logical3A_72 = vector.broadcast %shift_right_logical3A_71 : i32 to vector<16xi32>
    %shift_right_logical3A_73 = arith.shrui %get3A_70, %shift_right_logical3A_72 : vector<16xi32>
    %and3A_74 = arith.constant 15 : i32
    %and3A_75 = vector.broadcast %and3A_74 : i32 to vector<16xi32>
    %and3A_76 = arith.andi %get3A_70, %and3A_75 : vector<16xi32>
    tpu.vector_store_idx %arg8[%shift_right_logical3A_73, %and3A_76], %broadcast_in_dim3A_49 {add = true} : memref<256x16xf32, #tpu.memory_space<vmem>>[vector<16xi32>, vector<16xi32>], vector<16xf32>,
    %get3A_77 = arith.constant 0 : i32
    %get3A_78 = arith.index_cast %get3A_77 : i32 to index
    %get3A_79 = arith.constant 48 : index
    %get3A_80 = tpu.vector_load %arg6[%get3A_78, %get3A_79] {strides = array<i32>} : memref<2x128xi32, #tpu.memory_space<vmem>>, vector<16xi32>,
    %shift_right_logical3A_81 = arith.constant 4 : i32
    %shift_right_logical3A_82 = vector.broadcast %shift_right_logical3A_81 : i32 to vector<16xi32>
    %shift_right_logical3A_83 = arith.shrui %get3A_80, %shift_right_logical3A_82 : vector<16xi32>
    %and3A_84 = arith.constant 15 : i32
    %and3A_85 = vector.broadcast %and3A_84 : i32 to vector<16xi32>
    %and3A_86 = arith.andi %get3A_80, %and3A_85 : vector<16xi32>
    tpu.vector_store_idx %arg8[%shift_right_logical3A_83, %and3A_86], %broadcast_in_dim3A_49 {add = true} : memref<256x16xf32, #tpu.memory_space<vmem>>[vector<16xi32>, vector<16xi32>], vector<16xf32>,
    %get3A_87 = arith.constant 0 : i32
    %get3A_88 = arith.index_cast %get3A_87 : i32 to index
    %get3A_89 = arith.constant 64 : index
    %get3A_90 = tpu.vector_load %arg6[%get3A_88, %get3A_89] {strides = array<i32>} : memref<2x128xi32, #tpu.memory_space<vmem>>, vector<16xi32>,
    %shift_right_logical3A_91 = arith.constant 4 : i32
    %shift_right_logical3A_92 = vector.broadcast %shift_right_logical3A_91 : i32 to vector<16xi32>
    %shift_right_logical3A_93 = arith.shrui %get3A_90, %shift_right_logical3A_92 : vector<16xi32>
    %and3A_94 = arith.constant 15 : i32
    %and3A_95 = vector.broadcast %and3A_94 : i32 to vector<16xi32>
    %and3A_96 = arith.andi %get3A_90, %and3A_95 : vector<16xi32>
    tpu.vector_store_idx %arg8[%shift_right_logical3A_93, %and3A_96], %broadcast_in_dim3A_49 {add = true} : memref<256x16xf32, #tpu.memory_space<vmem>>[vector<16xi32>, vector<16xi32>], vector<16xf32>,
    %get3A_97 = arith.constant 0 : i32
    %get3A_98 = arith.index_cast %get3A_97 : i32 to index
    %get3A_99 = arith.constant 80 : index
    %get3A_100 = tpu.vector_load %arg6[%get3A_98, %get3A_99] {strides = array<i32>} : memref<2x128xi32, #tpu.memory_space<vmem>>, vector<16xi32>,
    %shift_right_logical3A_101 = arith.constant 4 : i32
    %shift_right_logical3A_102 = vector.broadcast %shift_right_logical3A_101 : i32 to vector<16xi32>
    %shift_right_logical3A_103 = arith.shrui %get3A_100, %shift_right_logical3A_102 : vector<16xi32>
    %and3A_104 = arith.constant 15 : i32
    %and3A_105 = vector.broadcast %and3A_104 : i32 to vector<16xi32>
    %and3A_106 = arith.andi %get3A_100, %and3A_105 : vector<16xi32>
    tpu.vector_store_idx %arg8[%shift_right_logical3A_103, %and3A_106], %broadcast_in_dim3A_49 {add = true} : memref<256x16xf32, #tpu.memory_space<vmem>>[vector<16xi32>, vector<16xi32>], vector<16xf32>,
    %get3A_107 = arith.constant 0 : i32
    %get3A_108 = arith.index_cast %get3A_107 : i32 to index
    %get3A_109 = arith.constant 96 : index
    %get3A_110 = tpu.vector_load %arg6[%get3A_108, %get3A_109] {strides = array<i32>} : memref<2x128xi32, #tpu.memory_space<vmem>>, vector<16xi32>,
    %shift_right_logical3A_111 = arith.constant 4 : i32
    %shift_right_logical3A_112 = vector.broadcast %shift_right_logical3A_111 : i32 to vector<16xi32>
    %shift_right_logical3A_113 = arith.shrui %get3A_110, %shift_right_logical3A_112 : vector<16xi32>
    %and3A_114 = arith.constant 15 : i32
    %and3A_115 = vector.broadcast %and3A_114 : i32 to vector<16xi32>
    %and3A_116 = arith.andi %get3A_110, %and3A_115 : vector<16xi32>
    tpu.vector_store_idx %arg8[%shift_right_logical3A_113, %and3A_116], %broadcast_in_dim3A_49 {add = true} : memref<256x16xf32, #tpu.memory_space<vmem>>[vector<16xi32>, vector<16xi32>], vector<16xf32>,
    %get3A_117 = arith.constant 0 : i32
    %get3A_118 = arith.index_cast %get3A_117 : i32 to index
    %get3A_119 = arith.constant 112 : index
    %get3A_120 = tpu.vector_load %arg6[%get3A_118, %get3A_119] {strides = array<i32>} : memref<2x128xi32, #tpu.memory_space<vmem>>, vector<16xi32>,
    %shift_right_logical3A_121 = arith.constant 4 : i32
    %shift_right_logical3A_122 = vector.broadcast %shift_right_logical3A_121 : i32 to vector<16xi32>
    %shift_right_logical3A_123 = arith.shrui %get3A_120, %shift_right_logical3A_122 : vector<16xi32>
    %and3A_124 = arith.constant 15 : i32
    %and3A_125 = vector.broadcast %and3A_124 : i32 to vector<16xi32>
    %and3A_126 = arith.andi %get3A_120, %and3A_125 : vector<16xi32>
    tpu.vector_store_idx %arg8[%shift_right_logical3A_123, %and3A_126], %broadcast_in_dim3A_49 {add = true} : memref<256x16xf32, #tpu.memory_space<vmem>>[vector<16xi32>, vector<16xi32>], vector<16xf32>,
    %iota3A = tpu.iota {dimensions = array<i32: 0>} : vector<16xi32>
    %add3A_127 = arith.constant 0 : i32
    %add3A_128 = vector.broadcast %add3A_127 : i32 to vector<16xi32>
    %add3A_129 = arith.addi %iota3A, %add3A_128 : vector<16xi32>
    %swap3A = arith.constant 0 : i32
    %swap3A_130 = arith.index_cast %swap3A : i32 to index
    %swap3A_131 = arith.constant 0 : index
    %swap3A_132 = tpu.vector_load %arg9[%swap3A_130, %swap3A_131] {strides = array<i32>} : memref<2x128xi32, #tpu.memory_space<vmem>>, vector<16xi32>,
    tpu.vector_store %arg9[%swap3A_130, %swap3A_131], %add3A_129 {strides = array<i32>} : memref<2x128xi32, #tpu.memory_space<vmem>>, vector<16xi32>,
    %iota3A_133 = tpu.iota {dimensions = array<i32: 0>} : vector<16xi32>
    %add3A_134 = arith.constant 16 : i32
    %add3A_135 = vector.broadcast %add3A_134 : i32 to vector<16xi32>
    %add3A_136 = arith.addi %iota3A_133, %add3A_135 : vector<16xi32>
    %swap3A_137 = arith.constant 0 : i32
    %swap3A_138 = arith.index_cast %swap3A_137 : i32 to index
    %swap3A_139 = arith.constant 16 : index
    %swap3A_140 = tpu.vector_load %arg9[%swap3A_138, %swap3A_139] {strides = array<i32>} : memref<2x128xi32, #tpu.memory_space<vmem>>, vector<16xi32>,
    tpu.vector_store %arg9[%swap3A_138, %swap3A_139], %add3A_136 {strides = array<i32>} : memref<2x128xi32, #tpu.memory_space<vmem>>, vector<16xi32>,
    %iota3A_141 = tpu.iota {dimensions = array<i32: 0>} : vector<16xi32>
    %add3A_142 = arith.constant 32 : i32
    %add3A_143 = vector.broadcast %add3A_142 : i32 to vector<16xi32>
    %add3A_144 = arith.addi %iota3A_141, %add3A_143 : vector<16xi32>
    %swap3A_145 = arith.constant 0 : i32
    %swap3A_146 = arith.index_cast %swap3A_145 : i32 to index
    %swap3A_147 = arith.constant 32 : index
    %swap3A_148 = tpu.vector_load %arg9[%swap3A_146, %swap3A_147] {strides = array<i32>} : memref<2x128xi32, #tpu.memory_space<vmem>>, vector<16xi32>,
    tpu.vector_store %arg9[%swap3A_146, %swap3A_147], %add3A_144 {strides = array<i32>} : memref<2x128xi32, #tpu.memory_space<vmem>>, vector<16xi32>,
    %iota3A_149 = tpu.iota {dimensions = array<i32: 0>} : vector<16xi32>
    %add3A_150 = arith.constant 48 : i32
    %add3A_151 = vector.broadcast %add3A_150 : i32 to vector<16xi32>
    %add3A_152 = arith.addi %iota3A_149, %add3A_151 : vector<16xi32>
    %swap3A_153 = arith.constant 0 : i32
    %swap3A_154 = arith.index_cast %swap3A_153 : i32 to index
    %swap3A_155 = arith.constant 48 : index
    %swap3A_156 = tpu.vector_load %arg9[%swap3A_154, %swap3A_155] {strides = array<i32>} : memref<2x128xi32, #tpu.memory_space<vmem>>, vector<16xi32>,
    tpu.vector_store %arg9[%swap3A_154, %swap3A_155], %add3A_152 {strides = array<i32>} : memref<2x128xi32, #tpu.memory_space<vmem>>, vector<16xi32>,
    %iota3A_157 = tpu.iota {dimensions = array<i32: 0>} : vector<16xi32>
    %add3A_158 = arith.constant 64 : i32
    %add3A_159 = vector.broadcast %add3A_158 : i32 to vector<16xi32>
    %add3A_160 = arith.addi %iota3A_157, %add3A_159 : vector<16xi32>
    %swap3A_161 = arith.constant 0 : i32
    %swap3A_162 = arith.index_cast %swap3A_161 : i32 to index
    %swap3A_163 = arith.constant 64 : index
    %swap3A_164 = tpu.vector_load %arg9[%swap3A_162, %swap3A_163] {strides = array<i32>} : memref<2x128xi32, #tpu.memory_space<vmem>>, vector<16xi32>,
    tpu.vector_store %arg9[%swap3A_162, %swap3A_163], %add3A_160 {strides = array<i32>} : memref<2x128xi32, #tpu.memory_space<vmem>>, vector<16xi32>,
    %iota3A_165 = tpu.iota {dimensions = array<i32: 0>} : vector<16xi32>
    %add3A_166 = arith.constant 80 : i32
    %add3A_167 = vector.broadcast %add3A_166 : i32 to vector<16xi32>
    %add3A_168 = arith.addi %iota3A_165, %add3A_167 : vector<16xi32>
    %swap3A_169 = arith.constant 0 : i32
    %swap3A_170 = arith.index_cast %swap3A_169 : i32 to index
    %swap3A_171 = arith.constant 80 : index
    %swap3A_172 = tpu.vector_load %arg9[%swap3A_170, %swap3A_171] {strides = array<i32>} : memref<2x128xi32, #tpu.memory_space<vmem>>, vector<16xi32>,
    tpu.vector_store %arg9[%swap3A_170, %swap3A_171], %add3A_168 {strides = array<i32>} : memref<2x128xi32, #tpu.memory_space<vmem>>, vector<16xi32>,
    %iota3A_173 = tpu.iota {dimensions = array<i32: 0>} : vector<16xi32>
    %add3A_174 = arith.constant 96 : i32
    %add3A_175 = vector.broadcast %add3A_174 : i32 to vector<16xi32>
    %add3A_176 = arith.addi %iota3A_173, %add3A_175 : vector<16xi32>
    %swap3A_177 = arith.constant 0 : i32
    %swap3A_178 = arith.index_cast %swap3A_177 : i32 to index
    %swap3A_179 = arith.constant 96 : index
    %swap3A_180 = tpu.vector_load %arg9[%swap3A_178, %swap3A_179] {strides = array<i32>} : memref<2x128xi32, #tpu.memory_space<vmem>>, vector<16xi32>,
    tpu.vector_store %arg9[%swap3A_178, %swap3A_179], %add3A_176 {strides = array<i32>} : memref<2x128xi32, #tpu.memory_space<vmem>>, vector<16xi32>,
    %iota3A_181 = tpu.iota {dimensions = array<i32: 0>} : vector<16xi32>
    %add3A_182 = arith.constant 112 : i32
    %add3A_183 = vector.broadcast %add3A_182 : i32 to vector<16xi32>
    %add3A_184 = arith.addi %iota3A_181, %add3A_183 : vector<16xi32>
    %swap3A_185 = arith.constant 0 : i32
    %swap3A_186 = arith.index_cast %swap3A_185 : i32 to index
    %swap3A_187 = arith.constant 112 : index
    %swap3A_188 = tpu.vector_load %arg9[%swap3A_186, %swap3A_187] {strides = array<i32>} : memref<2x128xi32, #tpu.memory_space<vmem>>, vector<16xi32>,
    tpu.vector_store %arg9[%swap3A_186, %swap3A_187], %add3A_184 {strides = array<i32>} : memref<2x128xi32, #tpu.memory_space<vmem>>, vector<16xi32>,
    %get3A_189 = arith.constant 1 : i32
    %get3A_190 = arith.index_cast %get3A_189 : i32 to index
    %get3A_191 = arith.constant 0 : index
    %get3A_192 = tpu.vector_load %arg6[%get3A_190, %get3A_191] {strides = array<i32>} : memref<2x128xi32, #tpu.memory_space<vmem>>, vector<16xi32>,
    %shift_right_logical3A_193 = arith.constant 4 : i32
    %shift_right_logical3A_194 = vector.broadcast %shift_right_logical3A_193 : i32 to vector<16xi32>
    %shift_right_logical3A_195 = arith.shrui %get3A_192, %shift_right_logical3A_194 : vector<16xi32>
    %and3A_196 = arith.constant 15 : i32
    %and3A_197 = vector.broadcast %and3A_196 : i32 to vector<16xi32>
    %and3A_198 = arith.andi %get3A_192, %and3A_197 : vector<16xi32>
    tpu.vector_store_idx %arg8[%shift_right_logical3A_195, %and3A_198], %broadcast_in_dim3A_49 {add = true} : memref<256x16xf32, #tpu.memory_space<vmem>>[vector<16xi32>, vector<16xi32>], vector<16xf32>,
    %get3A_199 = arith.constant 1 : i32
    %get3A_200 = arith.index_cast %get3A_199 : i32 to index
    %get3A_201 = arith.constant 16 : index
    %get3A_202 = tpu.vector_load %arg6[%get3A_200, %get3A_201] {strides = array<i32>} : memref<2x128xi32, #tpu.memory_space<vmem>>, vector<16xi32>,
    %shift_right_logical3A_203 = arith.constant 4 : i32
    %shift_right_logical3A_204 = vector.broadcast %shift_right_logical3A_203 : i32 to vector<16xi32>
    %shift_right_logical3A_205 = arith.shrui %get3A_202, %shift_right_logical3A_204 : vector<16xi32>
    %and3A_206 = arith.constant 15 : i32
    %and3A_207 = vector.broadcast %and3A_206 : i32 to vector<16xi32>
    %and3A_208 = arith.andi %get3A_202, %and3A_207 : vector<16xi32>
    tpu.vector_store_idx %arg8[%shift_right_logical3A_205, %and3A_208], %broadcast_in_dim3A_49 {add = true} : memref<256x16xf32, #tpu.memory_space<vmem>>[vector<16xi32>, vector<16xi32>], vector<16xf32>,
    %get3A_209 = arith.constant 1 : i32
    %get3A_210 = arith.index_cast %get3A_209 : i32 to index
    %get3A_211 = arith.constant 32 : index
    %get3A_212 = tpu.vector_load %arg6[%get3A_210, %get3A_211] {strides = array<i32>} : memref<2x128xi32, #tpu.memory_space<vmem>>, vector<16xi32>,
    %shift_right_logical3A_213 = arith.constant 4 : i32
    %shift_right_logical3A_214 = vector.broadcast %shift_right_logical3A_213 : i32 to vector<16xi32>
    %shift_right_logical3A_215 = arith.shrui %get3A_212, %shift_right_logical3A_214 : vector<16xi32>
    %and3A_216 = arith.constant 15 : i32
    %and3A_217 = vector.broadcast %and3A_216 : i32 to vector<16xi32>
    %and3A_218 = arith.andi %get3A_212, %and3A_217 : vector<16xi32>
    tpu.vector_store_idx %arg8[%shift_right_logical3A_215, %and3A_218], %broadcast_in_dim3A_49 {add = true} : memref<256x16xf32, #tpu.memory_space<vmem>>[vector<16xi32>, vector<16xi32>], vector<16xf32>,
    %get3A_219 = arith.constant 1 : i32
    %get3A_220 = arith.index_cast %get3A_219 : i32 to index
    %get3A_221 = arith.constant 48 : index
    %get3A_222 = tpu.vector_load %arg6[%get3A_220, %get3A_221] {strides = array<i32>} : memref<2x128xi32, #tpu.memory_space<vmem>>, vector<16xi32>,
    %shift_right_logical3A_223 = arith.constant 4 : i32
    %shift_right_logical3A_224 = vector.broadcast %shift_right_logical3A_223 : i32 to vector<16xi32>
    %shift_right_logical3A_225 = arith.shrui %get3A_222, %shift_right_logical3A_224 : vector<16xi32>
    %and3A_226 = arith.constant 15 : i32
    %and3A_227 = vector.broadcast %and3A_226 : i32 to vector<16xi32>
    %and3A_228 = arith.andi %get3A_222, %and3A_227 : vector<16xi32>
    tpu.vector_store_idx %arg8[%shift_right_logical3A_225, %and3A_228], %broadcast_in_dim3A_49 {add = true} : memref<256x16xf32, #tpu.memory_space<vmem>>[vector<16xi32>, vector<16xi32>], vector<16xf32>,
    %get3A_229 = arith.constant 1 : i32
    %get3A_230 = arith.index_cast %get3A_229 : i32 to index
    %get3A_231 = arith.constant 64 : index
    %get3A_232 = tpu.vector_load %arg6[%get3A_230, %get3A_231] {strides = array<i32>} : memref<2x128xi32, #tpu.memory_space<vmem>>, vector<16xi32>,
    %shift_right_logical3A_233 = arith.constant 4 : i32
    %shift_right_logical3A_234 = vector.broadcast %shift_right_logical3A_233 : i32 to vector<16xi32>
    %shift_right_logical3A_235 = arith.shrui %get3A_232, %shift_right_logical3A_234 : vector<16xi32>
    %and3A_236 = arith.constant 15 : i32
    %and3A_237 = vector.broadcast %and3A_236 : i32 to vector<16xi32>
    %and3A_238 = arith.andi %get3A_232, %and3A_237 : vector<16xi32>
    tpu.vector_store_idx %arg8[%shift_right_logical3A_235, %and3A_238], %broadcast_in_dim3A_49 {add = true} : memref<256x16xf32, #tpu.memory_space<vmem>>[vector<16xi32>, vector<16xi32>], vector<16xf32>,
    %get3A_239 = arith.constant 1 : i32
    %get3A_240 = arith.index_cast %get3A_239 : i32 to index
    %get3A_241 = arith.constant 80 : index
    %get3A_242 = tpu.vector_load %arg6[%get3A_240, %get3A_241] {strides = array<i32>} : memref<2x128xi32, #tpu.memory_space<vmem>>, vector<16xi32>,
    %shift_right_logical3A_243 = arith.constant 4 : i32
    %shift_right_logical3A_244 = vector.broadcast %shift_right_logical3A_243 : i32 to vector<16xi32>
    %shift_right_logical3A_245 = arith.shrui %get3A_242, %shift_right_logical3A_244 : vector<16xi32>
    %and3A_246 = arith.constant 15 : i32
    %and3A_247 = vector.broadcast %and3A_246 : i32 to vector<16xi32>
    %and3A_248 = arith.andi %get3A_242, %and3A_247 : vector<16xi32>
    tpu.vector_store_idx %arg8[%shift_right_logical3A_245, %and3A_248], %broadcast_in_dim3A_49 {add = true} : memref<256x16xf32, #tpu.memory_space<vmem>>[vector<16xi32>, vector<16xi32>], vector<16xf32>,
    %get3A_249 = arith.constant 1 : i32
    %get3A_250 = arith.index_cast %get3A_249 : i32 to index
    %get3A_251 = arith.constant 96 : index
    %get3A_252 = tpu.vector_load %arg6[%get3A_250, %get3A_251] {strides = array<i32>} : memref<2x128xi32, #tpu.memory_space<vmem>>, vector<16xi32>,
    %shift_right_logical3A_253 = arith.constant 4 : i32
    %shift_right_logical3A_254 = vector.broadcast %shift_right_logical3A_253 : i32 to vector<16xi32>
    %shift_right_logical3A_255 = arith.shrui %get3A_252, %shift_right_logical3A_254 : vector<16xi32>
    %and3A_256 = arith.constant 15 : i32
    %and3A_257 = vector.broadcast %and3A_256 : i32 to vector<16xi32>
    %and3A_258 = arith.andi %get3A_252, %and3A_257 : vector<16xi32>
    tpu.vector_store_idx %arg8[%shift_right_logical3A_255, %and3A_258], %broadcast_in_dim3A_49 {add = true} : memref<256x16xf32, #tpu.memory_space<vmem>>[vector<16xi32>, vector<16xi32>], vector<16xf32>,
    %get3A_259 = arith.constant 1 : i32
    %get3A_260 = arith.index_cast %get3A_259 : i32 to index
    %get3A_261 = arith.constant 112 : index
    %get3A_262 = tpu.vector_load %arg6[%get3A_260, %get3A_261] {strides = array<i32>} : memref<2x128xi32, #tpu.memory_space<vmem>>, vector<16xi32>,
    %shift_right_logical3A_263 = arith.constant 4 : i32
    %shift_right_logical3A_264 = vector.broadcast %shift_right_logical3A_263 : i32 to vector<16xi32>
    %shift_right_logical3A_265 = arith.shrui %get3A_262, %shift_right_logical3A_264 : vector<16xi32>
    %and3A_266 = arith.constant 15 : i32
    %and3A_267 = vector.broadcast %and3A_266 : i32 to vector<16xi32>
    %and3A_268 = arith.andi %get3A_262, %and3A_267 : vector<16xi32>
    tpu.vector_store_idx %arg8[%shift_right_logical3A_265, %and3A_268], %broadcast_in_dim3A_49 {add = true} : memref<256x16xf32, #tpu.memory_space<vmem>>[vector<16xi32>, vector<16xi32>], vector<16xf32>,
    %iota3A_269 = tpu.iota {dimensions = array<i32: 0>} : vector<16xi32>
    %add3A_270 = arith.constant 128 : i32
    %add3A_271 = vector.broadcast %add3A_270 : i32 to vector<16xi32>
    %add3A_272 = arith.addi %iota3A_269, %add3A_271 : vector<16xi32>
    %swap3A_273 = arith.constant 1 : i32
    %swap3A_274 = arith.index_cast %swap3A_273 : i32 to index
    %swap3A_275 = arith.constant 0 : index
    %swap3A_276 = tpu.vector_load %arg9[%swap3A_274, %swap3A_275] {strides = array<i32>} : memref<2x128xi32, #tpu.memory_space<vmem>>, vector<16xi32>,
    tpu.vector_store %arg9[%swap3A_274, %swap3A_275], %add3A_272 {strides = array<i32>} : memref<2x128xi32, #tpu.memory_space<vmem>>, vector<16xi32>,
    %iota3A_277 = tpu.iota {dimensions = array<i32: 0>} : vector<16xi32>
    %add3A_278 = arith.constant 144 : i32
    %add3A_279 = vector.broadcast %add3A_278 : i32 to vector<16xi32>
    %add3A_280 = arith.addi %iota3A_277, %add3A_279 : vector<16xi32>
    %swap3A_281 = arith.constant 1 : i32
    %swap3A_282 = arith.index_cast %swap3A_281 : i32 to index
    %swap3A_283 = arith.constant 16 : index
    %swap3A_284 = tpu.vector_load %arg9[%swap3A_282, %swap3A_283] {strides = array<i32>} : memref<2x128xi32, #tpu.memory_space<vmem>>, vector<16xi32>,
    tpu.vector_store %arg9[%swap3A_282, %swap3A_283], %add3A_280 {strides = array<i32>} : memref<2x128xi32, #tpu.memory_space<vmem>>, vector<16xi32>,
    %iota3A_285 = tpu.iota {dimensions = array<i32: 0>} : vector<16xi32>
    %add3A_286 = arith.constant 160 : i32
    %add3A_287 = vector.broadcast %add3A_286 : i32 to vector<16xi32>
    %add3A_288 = arith.addi %iota3A_285, %add3A_287 : vector<16xi32>
    %swap3A_289 = arith.constant 1 : i32
    %swap3A_290 = arith.index_cast %swap3A_289 : i32 to index
    %swap3A_291 = arith.constant 32 : index
    %swap3A_292 = tpu.vector_load %arg9[%swap3A_290, %swap3A_291] {strides = array<i32>} : memref<2x128xi32, #tpu.memory_space<vmem>>, vector<16xi32>,
    tpu.vector_store %arg9[%swap3A_290, %swap3A_291], %add3A_288 {strides = array<i32>} : memref<2x128xi32, #tpu.memory_space<vmem>>, vector<16xi32>,
    %iota3A_293 = tpu.iota {dimensions = array<i32: 0>} : vector<16xi32>
    %add3A_294 = arith.constant 176 : i32
    %add3A_295 = vector.broadcast %add3A_294 : i32 to vector<16xi32>
    %add3A_296 = arith.addi %iota3A_293, %add3A_295 : vector<16xi32>
    %swap3A_297 = arith.constant 1 : i32
    %swap3A_298 = arith.index_cast %swap3A_297 : i32 to index
    %swap3A_299 = arith.constant 48 : index
    %swap3A_300 = tpu.vector_load %arg9[%swap3A_298, %swap3A_299] {strides = array<i32>} : memref<2x128xi32, #tpu.memory_space<vmem>>, vector<16xi32>,
    tpu.vector_store %arg9[%swap3A_298, %swap3A_299], %add3A_296 {strides = array<i32>} : memref<2x128xi32, #tpu.memory_space<vmem>>, vector<16xi32>,
    %iota3A_301 = tpu.iota {dimensions = array<i32: 0>} : vector<16xi32>
    %add3A_302 = arith.constant 192 : i32
    %add3A_303 = vector.broadcast %add3A_302 : i32 to vector<16xi32>
    %add3A_304 = arith.addi %iota3A_301, %add3A_303 : vector<16xi32>
    %swap3A_305 = arith.constant 1 : i32
    %swap3A_306 = arith.index_cast %swap3A_305 : i32 to index
    %swap3A_307 = arith.constant 64 : index
    %swap3A_308 = tpu.vector_load %arg9[%swap3A_306, %swap3A_307] {strides = array<i32>} : memref<2x128xi32, #tpu.memory_space<vmem>>, vector<16xi32>,
    tpu.vector_store %arg9[%swap3A_306, %swap3A_307], %add3A_304 {strides = array<i32>} : memref<2x128xi32, #tpu.memory_space<vmem>>, vector<16xi32>,
    %iota3A_309 = tpu.iota {dimensions = array<i32: 0>} : vector<16xi32>
    %add3A_310 = arith.constant 208 : i32
    %add3A_311 = vector.broadcast %add3A_310 : i32 to vector<16xi32>
    %add3A_312 = arith.addi %iota3A_309, %add3A_311 : vector<16xi32>
    %swap3A_313 = arith.constant 1 : i32
    %swap3A_314 = arith.index_cast %swap3A_313 : i32 to index
    %swap3A_315 = arith.constant 80 : index
    %swap3A_316 = tpu.vector_load %arg9[%swap3A_314, %swap3A_315] {strides = array<i32>} : memref<2x128xi32, #tpu.memory_space<vmem>>, vector<16xi32>,
    tpu.vector_store %arg9[%swap3A_314, %swap3A_315], %add3A_312 {strides = array<i32>} : memref<2x128xi32, #tpu.memory_space<vmem>>, vector<16xi32>,
    %iota3A_317 = tpu.iota {dimensions = array<i32: 0>} : vector<16xi32>
    %add3A_318 = arith.constant 224 : i32
    %add3A_319 = vector.broadcast %add3A_318 : i32 to vector<16xi32>
    %add3A_320 = arith.addi %iota3A_317, %add3A_319 : vector<16xi32>
    %swap3A_321 = arith.constant 1 : i32
    %swap3A_322 = arith.index_cast %swap3A_321 : i32 to index
    %swap3A_323 = arith.constant 96 : index
    %swap3A_324 = tpu.vector_load %arg9[%swap3A_322, %swap3A_323] {strides = array<i32>} : memref<2x128xi32, #tpu.memory_space<vmem>>, vector<16xi32>,
    tpu.vector_store %arg9[%swap3A_322, %swap3A_323], %add3A_320 {strides = array<i32>} : memref<2x128xi32, #tpu.memory_space<vmem>>, vector<16xi32>,
    %iota3A_325 = tpu.iota {dimensions = array<i32: 0>} : vector<16xi32>
    %add3A_326 = arith.constant 240 : i32
    %add3A_327 = vector.broadcast %add3A_326 : i32 to vector<16xi32>
    %add3A_328 = arith.addi %iota3A_325, %add3A_327 : vector<16xi32>
    %swap3A_329 = arith.constant 1 : i32
    %swap3A_330 = arith.index_cast %swap3A_329 : i32 to index
    %swap3A_331 = arith.constant 112 : index
    %swap3A_332 = tpu.vector_load %arg9[%swap3A_330, %swap3A_331] {strides = array<i32>} : memref<2x128xi32, #tpu.memory_space<vmem>>, vector<16xi32>,
    tpu.vector_store %arg9[%swap3A_330, %swap3A_331], %add3A_328 {strides = array<i32>} : memref<2x128xi32, #tpu.memory_space<vmem>>, vector<16xi32>,
    %run_scoped3A = arith.constant 0 : i32
    "tpu.region"() ({
      %run_scoped3A_340 = tpu.sem_alloc : memref<!tpu.dma_semaphore, #tpu.memory_space<semaphore_mem>>
      %dma_start3A_341 = arith.constant 0 : i32
      %dma_start3A_342 = arith.constant 0 : i32
      %dma_start3A_343 = tpu.memref_slice %arg8[%dma_start3A_341, %dma_start3A_342] : memref<256x16xf32, #tpu.memory_space<vmem>> -> memref<128x16xf32, #tpu.memory_space<vmem>>
      %dma_start3A_344 = arith.constant 0 : i32
      %dma_start3A_345 = tpu.memref_slice %arg9[%run_scoped3A, %dma_start3A_344] : memref<2x128xi32, #tpu.memory_space<vmem>> -> memref<1x128xi32, #tpu.memory_space<vmem>>
      %dma_start3A_346 = tpu.memref_squeeze %dma_start3A_345 : memref<1x128xi32, #tpu.memory_space<vmem>> -> memref<128xi32, #tpu.memory_space<vmem>>
      %dma_start3A_347 = arith.constant 0 : i32
      %dma_start3A_348 = arith.constant 0 : i32
      %dma_start3A_349 = tpu.memref_slice %arg10[%dma_start3A_347, %dma_start3A_348] : memref<256x16xf32, #tpu.memory_space<vmem_shared>> -> memref<256x16xf32, #tpu.memory_space<vmem_shared>>
      tpu.enqueue_indirect_dma source(%dma_start3A_343 : memref<128x16xf32, #tpu.memory_space<vmem>>) target(%dma_start3A_349 : memref<256x16xf32, #tpu.memory_space<vmem_shared>>) offsets(%dma_start3A_346 : memref<128xi32, #tpu.memory_space<vmem>>) semaphore(%run_scoped3A_340 : memref<!tpu.dma_semaphore, #tpu.memory_space<semaphore_mem>>) {add = true}
      %dma_wait3A_350 = arith.constant 0 : i32
      %dma_wait3A_351 = arith.constant 0 : i32
      %dma_wait3A_352 = tpu.memref_slice %arg8[%dma_wait3A_350, %dma_wait3A_351] : memref<256x16xf32, #tpu.memory_space<vmem>> -> memref<128x16xf32, #tpu.memory_space<vmem>>
      %dma_wait3A_353 = arith.constant 0 : i32
      %dma_wait3A_354 = tpu.memref_slice %arg9[%run_scoped3A, %dma_wait3A_353] : memref<2x128xi32, #tpu.memory_space<vmem>> -> memref<1x128xi32, #tpu.memory_space<vmem>>
      %dma_wait3A_355 = tpu.memref_squeeze %dma_wait3A_354 : memref<1x128xi32, #tpu.memory_space<vmem>> -> memref<128xi32, #tpu.memory_space<vmem>>
      %dma_wait3A_356 = arith.constant 0 : i32
      %dma_wait3A_357 = arith.constant 0 : i32
      %dma_wait3A_358 = tpu.memref_slice %arg10[%dma_wait3A_356, %dma_wait3A_357] : memref<256x16xf32, #tpu.memory_space<vmem_shared>> -> memref<256x16xf32, #tpu.memory_space<vmem_shared>>
      tpu.wait_indirect_dma semaphore(%run_scoped3A_340 : memref<!tpu.dma_semaphore, #tpu.memory_space<semaphore_mem>>) src(%dma_wait3A_352 : memref<128x16xf32, #tpu.memory_space<vmem>>) dst(%dma_wait3A_358 : memref<256x16xf32, #tpu.memory_space<vmem_shared>>)
      tpu.yield
    }) : () -> ()
    %run_scoped3A_333 = arith.constant 1 : i32
    "tpu.region"() ({
      %run_scoped3A_340 = tpu.sem_alloc : memref<!tpu.dma_semaphore, #tpu.memory_space<semaphore_mem>>
      %dma_start3A_341 = arith.constant 128 : i32
      %dma_start3A_342 = arith.constant 0 : i32
      %dma_start3A_343 = tpu.memref_slice %arg8[%dma_start3A_341, %dma_start3A_342] : memref<256x16xf32, #tpu.memory_space<vmem>> -> memref<128x16xf32, #tpu.memory_space<vmem>>
      %dma_start3A_344 = arith.constant 0 : i32
      %dma_start3A_345 = tpu.memref_slice %arg9[%run_scoped3A_333, %dma_start3A_344] : memref<2x128xi32, #tpu.memory_space<vmem>> -> memref<1x128xi32, #tpu.memory_space<vmem>>
      %dma_start3A_346 = tpu.memref_squeeze %dma_start3A_345 : memref<1x128xi32, #tpu.memory_space<vmem>> -> memref<128xi32, #tpu.memory_space<vmem>>
      %dma_start3A_347 = arith.constant 0 : i32
      %dma_start3A_348 = arith.constant 0 : i32
      %dma_start3A_349 = tpu.memref_slice %arg10[%dma_start3A_347, %dma_start3A_348] : memref<256x16xf32, #tpu.memory_space<vmem_shared>> -> memref<256x16xf32, #tpu.memory_space<vmem_shared>>
      tpu.enqueue_indirect_dma source(%dma_start3A_343 : memref<128x16xf32, #tpu.memory_space<vmem>>) target(%dma_start3A_349 : memref<256x16xf32, #tpu.memory_space<vmem_shared>>) offsets(%dma_start3A_346 : memref<128xi32, #tpu.memory_space<vmem>>) semaphore(%run_scoped3A_340 : memref<!tpu.dma_semaphore, #tpu.memory_space<semaphore_mem>>) {add = true}
      %dma_wait3A_350 = arith.constant 128 : i32
      %dma_wait3A_351 = arith.constant 0 : i32
      %dma_wait3A_352 = tpu.memref_slice %arg8[%dma_wait3A_350, %dma_wait3A_351] : memref<256x16xf32, #tpu.memory_space<vmem>> -> memref<128x16xf32, #tpu.memory_space<vmem>>
      %dma_wait3A_353 = arith.constant 0 : i32
      %dma_wait3A_354 = tpu.memref_slice %arg9[%run_scoped3A_333, %dma_wait3A_353] : memref<2x128xi32, #tpu.memory_space<vmem>> -> memref<1x128xi32, #tpu.memory_space<vmem>>
      %dma_wait3A_355 = tpu.memref_squeeze %dma_wait3A_354 : memref<1x128xi32, #tpu.memory_space<vmem>> -> memref<128xi32, #tpu.memory_space<vmem>>
      %dma_wait3A_356 = arith.constant 0 : i32
      %dma_wait3A_357 = arith.constant 0 : i32
      %dma_wait3A_358 = tpu.memref_slice %arg10[%dma_wait3A_356, %dma_wait3A_357] : memref<256x16xf32, #tpu.memory_space<vmem_shared>> -> memref<256x16xf32, #tpu.memory_space<vmem_shared>>
      tpu.wait_indirect_dma semaphore(%run_scoped3A_340 : memref<!tpu.dma_semaphore, #tpu.memory_space<semaphore_mem>>) src(%dma_wait3A_352 : memref<128x16xf32, #tpu.memory_space<vmem>>) dst(%dma_wait3A_358 : memref<256x16xf32, #tpu.memory_space<vmem_shared>>)
      tpu.yield
    }) : () -> ()
    %barrier3A_334 = arith.constant 0 : index
    tpu.barrier barrier_id(%barrier3A_334)
    %eq3A_335 = arith.constant 0 : i32
    %eq3A_336 = arith.cmpi eq, %arg1, %eq3A_335 : i32
    %convert_element_type3A_337 = arith.extui %eq3A_336 : i1 to i32
    %cond3A_338 = arith.constant 0 : i32
    %cond3A_339 = arith.cmpi ne, %convert_element_type3A_337, %cond3A_338 : i32
    scf.if %cond3A_339 {
      "tpu.region"() ({
        %run_scoped3A_340 = tpu.sem_alloc : memref<!tpu.dma_semaphore, #tpu.memory_space<semaphore_mem>>
        %dma_start3A_341 = arith.constant 0 : i32
        %dma_start3A_342 = arith.constant 0 : i32
        %dma_start3A_343 = tpu.memref_slice %arg5[%arg0, %dma_start3A_341, %dma_start3A_342] : memref<2x256x16xf32, #tpu.memory_space<hbm>> -> memref<1x256x16xf32, #tpu.memory_space<hbm>>
        %dma_start3A_344 = tpu.memref_squeeze %dma_start3A_343 : memref<1x256x16xf32, #tpu.memory_space<hbm>> -> memref<256x16xf32, #tpu.memory_space<hbm>>
        tpu.enqueue_dma source(%arg10 : memref<256x16xf32, #tpu.memory_space<vmem_shared>>) target(%dma_start3A_344 : memref<256x16xf32, #tpu.memory_space<hbm>>) target_semaphore(%run_scoped3A_340 : memref<!tpu.dma_semaphore, #tpu.memory_space<semaphore_mem>>)
        %dma_wait3A_345 = arith.constant 0 : i32
        %dma_wait3A_346 = arith.constant 0 : i32
        %dma_wait3A_347 = tpu.memref_slice %arg5[%arg0, %dma_wait3A_345, %dma_wait3A_346] : memref<2x256x16xf32, #tpu.memory_space<hbm>> -> memref<1x256x16xf32, #tpu.memory_space<hbm>>
        %dma_wait3A_348 = tpu.memref_squeeze %dma_wait3A_347 : memref<1x256x16xf32, #tpu.memory_space<hbm>> -> memref<256x16xf32, #tpu.memory_space<hbm>>
        tpu.wait_dma2 semaphore(%run_scoped3A_340 : memref<!tpu.dma_semaphore, #tpu.memory_space<semaphore_mem>>) src(%arg10 : memref<256x16xf32, #tpu.memory_space<vmem_shared>>) dst(%dma_wait3A_348 : memref<256x16xf32, #tpu.memory_space<hbm>>)
        tpu.yield
      }) : () -> ()
    } else {
    }
    return
  }
}

#map = affine_map<(d0, d1) -> (0, 0)>
#map1 = affine_map<(d0, d1) -> (0, 0, 0)>
module attributes {stable_mosaic.version = 14 : i64} {
  func.func @k(%arg0: i32, %arg1: i32, %arg2: memref<4096x256xf32, #tpu.memory_space<hbm>>, %arg3: memref<64x128xi32, #tpu.memory_space<hbm>>, %arg4: memref<8192x256xf32, #tpu.memory_space<hbm>>, %arg5: memref<2x256x16xf32, #tpu.memory_space<hbm>>, %arg6: memref<2x128xi32, #tpu.memory_space<vmem>>, %arg7: memref<256x256xf32, #tpu.memory_space<vmem>>, %arg8: memref<256x16xf32, #tpu.memory_space<vmem>>, %arg9: memref<2x128xi32, #tpu.memory_space<vmem>>, %arg10: memref<256x16xf32, #tpu.memory_space<vmem_shared>>, %arg11: memref<!tpu.dma_semaphore, #tpu.memory_space<semaphore_mem>>) attributes {dimension_semantics = [#tpu.dimension_semantics<core_parallel>, #tpu.dimension_semantics<subcore_parallel>], iteration_bounds = array<i64: 2, 16>, scalar_prefetch = 0 : i64, scratch_operands = 6 : i64, tpu.core_type = #tpu.core_type<sc_vector_subcore>, window_params = [{transform_indices = #map}, {transform_indices = #map}, {transform_indices = #map}, {transform_indices = #map1}]} {
    %mul3A = arith.constant 2 : i32
    %mul3A_0 = arith.muli %arg1, %mul3A : i32
    %add3A = arith.addi %mul3A_0, %arg0 : i32
    %mul3A_1 = arith.constant 256 : i32
    %mul3A_2 = arith.muli %add3A, %mul3A_1 : i32
    %mul3A_3 = arith.constant 2 : i32
    %mul3A_4 = arith.muli %add3A, %mul3A_3 : i32
    "tpu.region"() ({
      %run_scoped3A_340 = tpu.sem_alloc : memref<!tpu.dma_semaphore, #tpu.memory_space<semaphore_mem>>
      %dma_start3A_341 = arith.constant 0 : i32
      %dma_start3A_342 = tpu.memref_slice %arg3[%mul3A_4, %dma_start3A_341] : memref<64x128xi32, #tpu.memory_space<hbm>> -> memref<2x128xi32, #tpu.memory_space<hbm>>
      %dma_start3A_343 = arith.constant 0 : i32
      %dma_start3A_344 = tpu.memref_slice %arg3[%mul3A_4, %dma_start3A_343] : memref<64x128xi32, #tpu.memory_space<hbm>> -> memref<2x128xi32, #tpu.memory_space<hbm>>
      tpu.enqueue_dma source(%dma_start3A_344 : memref<2x128xi32, #tpu.memory_space<hbm>>) target(%arg6 : memref<2x128xi32, #tpu.memory_space<vmem>>) target_semaphore(%run_scoped3A_340 : memref<!tpu.dma_semaphore, #tpu.memory_space<semaphore_mem>>)
      %dma_wait3A_345 = arith.constant 0 : i32
      %dma_wait3A_346 = tpu.memref_slice %arg3[%mul3A_4, %dma_wait3A_345] : memref<64x128xi32, #tpu.memory_space<hbm>> -> memref<2x128xi32, #tpu.memory_space<hbm>>
      %dma_wait3A_347 = arith.constant 0 : i32
      %dma_wait3A_348 = tpu.memref_slice %arg3[%mul3A_4, %dma_wait3A_347] : memref<64x128xi32, #tpu.memory_space<hbm>> -> memref<2x128xi32, #tpu.memory_space<hbm>>
      tpu.wait_dma2 semaphore(%run_scoped3A_340 : memref<!tpu.dma_semaphore, #tpu.memory_space<semaphore_mem>>) src(%dma_wait3A_348 : memref<2x128xi32, #tpu.memory_space<hbm>>) dst(%arg6 : memref<2x128xi32, #tpu.memory_space<vmem>>)
      tpu.yield
    }) : () -> ()
    %dma_start3A = arith.constant 0 : i32
    %dma_start3A_5 = arith.constant 0 : i32
    %dma_start3A_6 = arith.constant 0 : i32
    %dma_start3A_7 = tpu.memref_slice %arg7[%dma_start3A_5, %dma_start3A_6] : memref<256x256xf32, #tpu.memory_space<vmem>> -> memref<128x256xf32, #tpu.memory_space<vmem>>
    %dma_start3A_8 = arith.constant 0 : i32
    %dma_start3A_9 = tpu.memref_slice %arg6[%dma_start3A, %dma_start3A_8] : memref<2x128xi32, #tpu.memory_space<vmem>> -> memref<1x128xi32, #tpu.memory_space<vmem>>
    %dma_start3A_10 = tpu.memref_squeeze %dma_start3A_9 : memref<1x128xi32, #tpu.memory_space<vmem>> -> memref<128xi32, #tpu.memory_space<vmem>>
    %dma_start3A_11 = arith.constant 0 : i32
    %dma_start3A_12 = arith.constant 0 : i32
    %dma_start3A_13 = tpu.memref_slice %arg2[%dma_start3A_11, %dma_start3A_12] : memref<4096x256xf32, #tpu.memory_space<hbm>> -> memref<4096x256xf32, #tpu.memory_space<hbm>>
    tpu.enqueue_indirect_dma source(%dma_start3A_13 : memref<4096x256xf32, #tpu.memory_space<hbm>>) target(%dma_start3A_7 : memref<128x256xf32, #tpu.memory_space<vmem>>) offsets(%dma_start3A_10 : memref<128xi32, #tpu.memory_space<vmem>>) semaphore(%arg11 : memref<!tpu.dma_semaphore, #tpu.memory_space<semaphore_mem>>)
    %dma_wait3A = arith.constant 0 : i32
    %dma_wait3A_14 = arith.constant 0 : i32
    %dma_wait3A_15 = arith.constant 0 : i32
    %dma_wait3A_16 = tpu.memref_slice %arg7[%dma_wait3A_14, %dma_wait3A_15] : memref<256x256xf32, #tpu.memory_space<vmem>> -> memref<128x256xf32, #tpu.memory_space<vmem>>
    %dma_wait3A_17 = arith.constant 0 : i32
    %dma_wait3A_18 = tpu.memref_slice %arg6[%dma_wait3A, %dma_wait3A_17] : memref<2x128xi32, #tpu.memory_space<vmem>> -> memref<1x128xi32, #tpu.memory_space<vmem>>
    %dma_wait3A_19 = tpu.memref_squeeze %dma_wait3A_18 : memref<1x128xi32, #tpu.memory_space<vmem>> -> memref<128xi32, #tpu.memory_space<vmem>>
    %dma_wait3A_20 = arith.constant 0 : i32
    %dma_wait3A_21 = arith.constant 0 : i32
    %dma_wait3A_22 = tpu.memref_slice %arg2[%dma_wait3A_20, %dma_wait3A_21] : memref<4096x256xf32, #tpu.memory_space<hbm>> -> memref<4096x256xf32, #tpu.memory_space<hbm>>
    tpu.wait_indirect_dma semaphore(%arg11 : memref<!tpu.dma_semaphore, #tpu.memory_space<semaphore_mem>>) src(%dma_wait3A_22 : memref<4096x256xf32, #tpu.memory_space<hbm>>) dst(%dma_wait3A_16 : memref<128x256xf32, #tpu.memory_space<vmem>>)
    %dma_start3A_23 = arith.constant 1 : i32
    %dma_start3A_24 = arith.constant 128 : i32
    %dma_start3A_25 = arith.constant 0 : i32
    %dma_start3A_26 = tpu.memref_slice %arg7[%dma_start3A_24, %dma_start3A_25] : memref<256x256xf32, #tpu.memory_space<vmem>> -> memref<128x256xf32, #tpu.memory_space<vmem>>
    %dma_start3A_27 = arith.constant 0 : i32
    %dma_start3A_28 = tpu.memref_slice %arg6[%dma_start3A_23, %dma_start3A_27] : memref<2x128xi32, #tpu.memory_space<vmem>> -> memref<1x128xi32, #tpu.memory_space<vmem>>
    %dma_start3A_29 = tpu.memref_squeeze %dma_start3A_28 : memref<1x128xi32, #tpu.memory_space<vmem>> -> memref<128xi32, #tpu.memory_space<vmem>>
    %dma_start3A_30 = arith.constant 0 : i32
    %dma_start3A_31 = arith.constant 0 : i32
    %dma_start3A_32 = tpu.memref_slice %arg2[%dma_start3A_30, %dma_start3A_31] : memref<4096x256xf32, #tpu.memory_space<hbm>> -> memref<4096x256xf32, #tpu.memory_space<hbm>>
    tpu.enqueue_indirect_dma source(%dma_start3A_32 : memref<4096x256xf32, #tpu.memory_space<hbm>>) target(%dma_start3A_26 : memref<128x256xf32, #tpu.memory_space<vmem>>) offsets(%dma_start3A_29 : memref<128xi32, #tpu.memory_space<vmem>>) semaphore(%arg11 : memref<!tpu.dma_semaphore, #tpu.memory_space<semaphore_mem>>)
    %dma_wait3A_33 = arith.constant 1 : i32
    %dma_wait3A_34 = arith.constant 128 : i32
    %dma_wait3A_35 = arith.constant 0 : i32
    %dma_wait3A_36 = tpu.memref_slice %arg7[%dma_wait3A_34, %dma_wait3A_35] : memref<256x256xf32, #tpu.memory_space<vmem>> -> memref<128x256xf32, #tpu.memory_space<vmem>>
    %dma_wait3A_37 = arith.constant 0 : i32
    %dma_wait3A_38 = tpu.memref_slice %arg6[%dma_wait3A_33, %dma_wait3A_37] : memref<2x128xi32, #tpu.memory_space<vmem>> -> memref<1x128xi32, #tpu.memory_space<vmem>>
    %dma_wait3A_39 = tpu.memref_squeeze %dma_wait3A_38 : memref<1x128xi32, #tpu.memory_space<vmem>> -> memref<128xi32, #tpu.memory_space<vmem>>
    %dma_wait3A_40 = arith.constant 0 : i32
    %dma_wait3A_41 = arith.constant 0 : i32
    %dma_wait3A_42 = tpu.memref_slice %arg2[%dma_wait3A_40, %dma_wait3A_41] : memref<4096x256xf32, #tpu.memory_space<hbm>> -> memref<4096x256xf32, #tpu.memory_space<hbm>>
    tpu.wait_indirect_dma semaphore(%arg11 : memref<!tpu.dma_semaphore, #tpu.memory_space<semaphore_mem>>) src(%dma_wait3A_42 : memref<4096x256xf32, #tpu.memory_space<hbm>>) dst(%dma_wait3A_36 : memref<128x256xf32, #tpu.memory_space<vmem>>)
    "tpu.region"() ({
      %run_scoped3A_340 = tpu.sem_alloc : memref<!tpu.dma_semaphore, #tpu.memory_space<semaphore_mem>>
      %dma_start3A_341 = arith.constant 0 : i32
      %dma_start3A_342 = tpu.memref_slice %arg4[%mul3A_2, %dma_start3A_341] : memref<8192x256xf32, #tpu.memory_space<hbm>> -> memref<256x256xf32, #tpu.memory_space<hbm>>
      %dma_start3A_343 = arith.constant 0 : i32
      %dma_start3A_344 = tpu.memref_slice %arg4[%mul3A_2, %dma_start3A_343] : memref<8192x256xf32, #tpu.memory_space<hbm>> -> memref<256x256xf32, #tpu.memory_space<hbm>>
      tpu.enqueue_dma source(%arg7 : memref<256x256xf32, #tpu.memory_space<vmem>>) target(%dma_start3A_344 : memref<256x256xf32, #tpu.memory_space<hbm>>) target_semaphore(%run_scoped3A_340 : memref<!tpu.dma_semaphore, #tpu.memory_space<semaphore_mem>>)
      %dma_wait3A_345 = arith.constant 0 : i32
      %dma_wait3A_346 = tpu.memref_slice %arg4[%mul3A_2, %dma_wait3A_345] : memref<8192x256xf32, #tpu.memory_space<hbm>> -> memref<256x256xf32, #tpu.memory_space<hbm>>
      %dma_wait3A_347 = arith.constant 0 : i32
      %dma_wait3A_348 = tpu.memref_slice %arg4[%mul3A_2, %dma_wait3A_347] : memref<8192x256xf32, #tpu.memory_space<hbm>> -> memref<256x256xf32, #tpu.memory_space<hbm>>
      tpu.wait_dma2 semaphore(%run_scoped3A_340 : memref<!tpu.dma_semaphore, #tpu.memory_space<semaphore_mem>>) src(%arg7 : memref<256x256xf32, #tpu.memory_space<vmem>>) dst(%dma_wait3A_348 : memref<256x256xf32, #tpu.memory_space<hbm>>)
      tpu.yield
    }) : () -> ()
    %scan3A = arith.constant 0 : i32
    %scan3A_43 = arith.constant 256 : i32
    %scan3A_44 = arith.addi %scan3A, %scan3A_43 : i32
    %scan3A_45 = arith.constant 1 : i32
    scf.for %scan3A_340 = %scan3A to %scan3A_44 step %scan3A_45  : i32 {
      %mul3A_341 = arith.constant 1 : i32
      %mul3A_342 = arith.muli %scan3A_340, %mul3A_341 : i32
      %add3A_343 = arith.constant 0 : i32
      %add3A_344 = arith.addi %add3A_343, %mul3A_342 : i32
      %broadcast_in_dim3A_345 = arith.constant 0.000000e+00 : f32
      %broadcast_in_dim3A_346 = vector.broadcast %broadcast_in_dim3A_345 : f32 to vector<16xf32>
      %swap3A_347 = arith.index_cast %add3A_344 : i32 to index
      %swap3A_348 = arith.constant 0 : index
      %swap3A_349 = tpu.vector_load %arg8[%swap3A_347, %swap3A_348] {strides = array<i32>} : memref<256x16xf32, #tpu.memory_space<vmem>>, vector<16xf32>,
      tpu.vector_store %arg8[%swap3A_347, %swap3A_348], %broadcast_in_dim3A_346 {strides = array<i32>} : memref<256x16xf32, #tpu.memory_space<vmem>>, vector<16xf32>,
    }
    %scan3A_46 = arith.constant 256 : i32
    %eq3A = arith.constant 0 : i32
    %eq3A_47 = arith.cmpi eq, %arg1, %eq3A : i32
    %convert_element_type3A = arith.extui %eq3A_47 : i1 to i32
    %cond3A = arith.constant 0 : i32
    %cond3A_48 = arith.cmpi ne, %convert_element_type3A, %cond3A : i32
    scf.if %cond3A_48 {
      "tpu.region"() ({
        %run_scoped3A_340 = tpu.sem_alloc : memref<!tpu.dma_semaphore, #tpu.memory_space<semaphore_mem>>
        tpu.enqueue_dma source(%arg8 : memref<256x16xf32, #tpu.memory_space<vmem>>) target(%arg10 : memref<256x16xf32, #tpu.memory_space<vmem_shared>>) target_semaphore(%run_scoped3A_340 : memref<!tpu.dma_semaphore, #tpu.memory_space<semaphore_mem>>)
        tpu.wait_dma2 semaphore(%run_scoped3A_340 : memref<!tpu.dma_semaphore, #tpu.memory_space<semaphore_mem>>) src(%arg8 : memref<256x16xf32, #tpu.memory_space<vmem>>) dst(%arg10 : memref<256x16xf32, #tpu.memory_space<vmem_shared>>)
        tpu.yield
      }) : () -> ()
    } else {
    }
    %barrier3A = arith.constant 0 : index
    tpu.barrier barrier_id(%barrier3A)
    %broadcast_in_dim3A = arith.constant 1.000000e+00 : f32
    %broadcast_in_dim3A_49 = vector.broadcast %broadcast_in_dim3A : f32 to vector<16xf32>
    %get3A = arith.constant 0 : i32
    %get3A_50 = arith.index_cast %get3A : i32 to index
    %get3A_51 = arith.constant 0 : index
    %get3A_52 = tpu.vector_load %arg6[%get3A_50, %get3A_51] {strides = array<i32>} : memref<2x128xi32, #tpu.memory_space<vmem>>, vector<16xi32>,
    %shift_right_logical3A = arith.constant 4 : i32
    %shift_right_logical3A_53 = vector.broadcast %shift_right_logical3A : i32 to vector<16xi32>
    %shift_right_logical3A_54 = arith.shrui %get3A_52, %shift_right_logical3A_53 : vector<16xi32>
    %and3A = arith.constant 15 : i32
    %and3A_55 = vector.broadcast %and3A : i32 to vector<16xi32>
    %and3A_56 = arith.andi %get3A_52, %and3A_55 : vector<16xi32>
    tpu.vector_store_idx %arg8[%shift_right_logical3A_54, %and3A_56], %broadcast_in_dim3A_49 {add = true} : memref<256x16xf32, #tpu.memory_space<vmem>>[vector<16xi32>, vector<16xi32>], vector<16xf32>,
    %get3A_57 = arith.constant 0 : i32
    %get3A_58 = arith.index_cast %get3A_57 : i32 to index
    %get3A_59 = arith.constant 16 : index
    %get3A_60 = tpu.vector_load %arg6[%get3A_58, %get3A_59] {strides = array<i32>} : memref<2x128xi32, #tpu.memory_space<vmem>>, vector<16xi32>,
    %shift_right_logical3A_61 = arith.constant 4 : i32
    %shift_right_logical3A_62 = vector.broadcast %shift_right_logical3A_61 : i32 to vector<16xi32>
    %shift_right_logical3A_63 = arith.shrui %get3A_60, %shift_right_logical3A_62 : vector<16xi32>
    %and3A_64 = arith.constant 15 : i32
    %and3A_65 = vector.broadcast %and3A_64 : i32 to vector<16xi32>
    %and3A_66 = arith.andi %get3A_60, %and3A_65 : vector<16xi32>
    tpu.vector_store_idx %arg8[%shift_right_logical3A_63, %and3A_66], %broadcast_in_dim3A_49 {add = true} : memref<256x16xf32, #tpu.memory_space<vmem>>[vector<16xi32>, vector<16xi32>], vector<16xf32>,
    %get3A_67 = arith.constant 0 : i32
    %get3A_68 = arith.index_cast %get3A_67 : i32 to index
    %get3A_69 = arith.constant 32 : index
    %get3A_70 = tpu.vector_load %arg6[%get3A_68, %get3A_69] {strides = array<i32>} : memref<2x128xi32, #tpu.memory_space<vmem>>, vector<16xi32>,
    %shift_right_logical3A_71 = arith.constant 4 : i32
    %shift_right_logical3A_72 = vector.broadcast %shift_right_logical3A_71 : i32 to vector<16xi32>
    %shift_right_logical3A_73 = arith.shrui %get3A_70, %shift_right_logical3A_72 : vector<16xi32>
    %and3A_74 = arith.constant 15 : i32
    %and3A_75 = vector.broadcast %and3A_74 : i32 to vector<16xi32>
    %and3A_76 = arith.andi %get3A_70, %and3A_75 : vector<16xi32>
    tpu.vector_store_idx %arg8[%shift_right_logical3A_73, %and3A_76], %broadcast_in_dim3A_49 {add = true} : memref<256x16xf32, #tpu.memory_space<vmem>>[vector<16xi32>, vector<16xi32>], vector<16xf32>,
    %get3A_77 = arith.constant 0 : i32
    %get3A_78 = arith.index_cast %get3A_77 : i32 to index
    %get3A_79 = arith.constant 48 : index
    %get3A_80 = tpu.vector_load %arg6[%get3A_78, %get3A_79] {strides = array<i32>} : memref<2x128xi32, #tpu.memory_space<vmem>>, vector<16xi32>,
    %shift_right_logical3A_81 = arith.constant 4 : i32
    %shift_right_logical3A_82 = vector.broadcast %shift_right_logical3A_81 : i32 to vector<16xi32>
    %shift_right_logical3A_83 = arith.shrui %get3A_80, %shift_right_logical3A_82 : vector<16xi32>
    %and3A_84 = arith.constant 15 : i32
    %and3A_85 = vector.broadcast %and3A_84 : i32 to vector<16xi32>
    %and3A_86 = arith.andi %get3A_80, %and3A_85 : vector<16xi32>
    tpu.vector_store_idx %arg8[%shift_right_logical3A_83, %and3A_86], %broadcast_in_dim3A_49 {add = true} : memref<256x16xf32, #tpu.memory_space<vmem>>[vector<16xi32>, vector<16xi32>], vector<16xf32>,
    %get3A_87 = arith.constant 0 : i32
    %get3A_88 = arith.index_cast %get3A_87 : i32 to index
    %get3A_89 = arith.constant 64 : index
    %get3A_90 = tpu.vector_load %arg6[%get3A_88, %get3A_89] {strides = array<i32>} : memref<2x128xi32, #tpu.memory_space<vmem>>, vector<16xi32>,
    %shift_right_logical3A_91 = arith.constant 4 : i32
    %shift_right_logical3A_92 = vector.broadcast %shift_right_logical3A_91 : i32 to vector<16xi32>
    %shift_right_logical3A_93 = arith.shrui %get3A_90, %shift_right_logical3A_92 : vector<16xi32>
    %and3A_94 = arith.constant 15 : i32
    %and3A_95 = vector.broadcast %and3A_94 : i32 to vector<16xi32>
    %and3A_96 = arith.andi %get3A_90, %and3A_95 : vector<16xi32>
    tpu.vector_store_idx %arg8[%shift_right_logical3A_93, %and3A_96], %broadcast_in_dim3A_49 {add = true} : memref<256x16xf32, #tpu.memory_space<vmem>>[vector<16xi32>, vector<16xi32>], vector<16xf32>,
    %get3A_97 = arith.constant 0 : i32
    %get3A_98 = arith.index_cast %get3A_97 : i32 to index
    %get3A_99 = arith.constant 80 : index
    %get3A_100 = tpu.vector_load %arg6[%get3A_98, %get3A_99] {strides = array<i32>} : memref<2x128xi32, #tpu.memory_space<vmem>>, vector<16xi32>,
    %shift_right_logical3A_101 = arith.constant 4 : i32
    %shift_right_logical3A_102 = vector.broadcast %shift_right_logical3A_101 : i32 to vector<16xi32>
    %shift_right_logical3A_103 = arith.shrui %get3A_100, %shift_right_logical3A_102 : vector<16xi32>
    %and3A_104 = arith.constant 15 : i32
    %and3A_105 = vector.broadcast %and3A_104 : i32 to vector<16xi32>
    %and3A_106 = arith.andi %get3A_100, %and3A_105 : vector<16xi32>
    tpu.vector_store_idx %arg8[%shift_right_logical3A_103, %and3A_106], %broadcast_in_dim3A_49 {add = true} : memref<256x16xf32, #tpu.memory_space<vmem>>[vector<16xi32>, vector<16xi32>], vector<16xf32>,
    %get3A_107 = arith.constant 0 : i32
    %get3A_108 = arith.index_cast %get3A_107 : i32 to index
    %get3A_109 = arith.constant 96 : index
    %get3A_110 = tpu.vector_load %arg6[%get3A_108, %get3A_109] {strides = array<i32>} : memref<2x128xi32, #tpu.memory_space<vmem>>, vector<16xi32>,
    %shift_right_logical3A_111 = arith.constant 4 : i32
    %shift_right_logical3A_112 = vector.broadcast %shift_right_logical3A_111 : i32 to vector<16xi32>
    %shift_right_logical3A_113 = arith.shrui %get3A_110, %shift_right_logical3A_112 : vector<16xi32>
    %and3A_114 = arith.constant 15 : i32
    %and3A_115 = vector.broadcast %and3A_114 : i32 to vector<16xi32>
    %and3A_116 = arith.andi %get3A_110, %and3A_115 : vector<16xi32>
    tpu.vector_store_idx %arg8[%shift_right_logical3A_113, %and3A_116], %broadcast_in_dim3A_49 {add = true} : memref<256x16xf32, #tpu.memory_space<vmem>>[vector<16xi32>, vector<16xi32>], vector<16xf32>,
    %get3A_117 = arith.constant 0 : i32
    %get3A_118 = arith.index_cast %get3A_117 : i32 to index
    %get3A_119 = arith.constant 112 : index
    %get3A_120 = tpu.vector_load %arg6[%get3A_118, %get3A_119] {strides = array<i32>} : memref<2x128xi32, #tpu.memory_space<vmem>>, vector<16xi32>,
    %shift_right_logical3A_121 = arith.constant 4 : i32
    %shift_right_logical3A_122 = vector.broadcast %shift_right_logical3A_121 : i32 to vector<16xi32>
    %shift_right_logical3A_123 = arith.shrui %get3A_120, %shift_right_logical3A_122 : vector<16xi32>
    %and3A_124 = arith.constant 15 : i32
    %and3A_125 = vector.broadcast %and3A_124 : i32 to vector<16xi32>
    %and3A_126 = arith.andi %get3A_120, %and3A_125 : vector<16xi32>
    tpu.vector_store_idx %arg8[%shift_right_logical3A_123, %and3A_126], %broadcast_in_dim3A_49 {add = true} : memref<256x16xf32, #tpu.memory_space<vmem>>[vector<16xi32>, vector<16xi32>], vector<16xf32>,
    %iota3A = tpu.iota {dimensions = array<i32: 0>} : vector<16xi32>
    %add3A_127 = arith.constant 0 : i32
    %add3A_128 = vector.broadcast %add3A_127 : i32 to vector<16xi32>
    %add3A_129 = arith.addi %iota3A, %add3A_128 : vector<16xi32>
    %swap3A = arith.constant 0 : i32
    %swap3A_130 = arith.index_cast %swap3A : i32 to index
    %swap3A_131 = arith.constant 0 : index
    %swap3A_132 = tpu.vector_load %arg9[%swap3A_130, %swap3A_131] {strides = array<i32>} : memref<2x128xi32, #tpu.memory_space<vmem>>, vector<16xi32>,
    tpu.vector_store %arg9[%swap3A_130, %swap3A_131], %add3A_129 {strides = array<i32>} : memref<2x128xi32, #tpu.memory_space<vmem>>, vector<16xi32>,
    %iota3A_133 = tpu.iota {dimensions = array<i32: 0>} : vector<16xi32>
    %add3A_134 = arith.constant 16 : i32
    %add3A_135 = vector.broadcast %add3A_134 : i32 to vector<16xi32>
    %add3A_136 = arith.addi %iota3A_133, %add3A_135 : vector<16xi32>
    %swap3A_137 = arith.constant 0 : i32
    %swap3A_138 = arith.index_cast %swap3A_137 : i32 to index
    %swap3A_139 = arith.constant 16 : index
    %swap3A_140 = tpu.vector_load %arg9[%swap3A_138, %swap3A_139] {strides = array<i32>} : memref<2x128xi32, #tpu.memory_space<vmem>>, vector<16xi32>,
    tpu.vector_store %arg9[%swap3A_138, %swap3A_139], %add3A_136 {strides = array<i32>} : memref<2x128xi32, #tpu.memory_space<vmem>>, vector<16xi32>,
    %iota3A_141 = tpu.iota {dimensions = array<i32: 0>} : vector<16xi32>
    %add3A_142 = arith.constant 32 : i32
    %add3A_143 = vector.broadcast %add3A_142 : i32 to vector<16xi32>
    %add3A_144 = arith.addi %iota3A_141, %add3A_143 : vector<16xi32>
    %swap3A_145 = arith.constant 0 : i32
    %swap3A_146 = arith.index_cast %swap3A_145 : i32 to index
    %swap3A_147 = arith.constant 32 : index
    %swap3A_148 = tpu.vector_load %arg9[%swap3A_146, %swap3A_147] {strides = array<i32>} : memref<2x128xi32, #tpu.memory_space<vmem>>, vector<16xi32>,
    tpu.vector_store %arg9[%swap3A_146, %swap3A_147], %add3A_144 {strides = array<i32>} : memref<2x128xi32, #tpu.memory_space<vmem>>, vector<16xi32>,
    %iota3A_149 = tpu.iota {dimensions = array<i32: 0>} : vector<16xi32>
    %add3A_150 = arith.constant 48 : i32
    %add3A_151 = vector.broadcast %add3A_150 : i32 to vector<16xi32>
    %add3A_152 = arith.addi %iota3A_149, %add3A_151 : vector<16xi32>
    %swap3A_153 = arith.constant 0 : i32
    %swap3A_154 = arith.index_cast %swap3A_153 : i32 to index
    %swap3A_155 = arith.constant 48 : index
    %swap3A_156 = tpu.vector_load %arg9[%swap3A_154, %swap3A_155] {strides = array<i32>} : memref<2x128xi32, #tpu.memory_space<vmem>>, vector<16xi32>,
    tpu.vector_store %arg9[%swap3A_154, %swap3A_155], %add3A_152 {strides = array<i32>} : memref<2x128xi32, #tpu.memory_space<vmem>>, vector<16xi32>,
    %iota3A_157 = tpu.iota {dimensions = array<i32: 0>} : vector<16xi32>
    %add3A_158 = arith.constant 64 : i32
    %add3A_159 = vector.broadcast %add3A_158 : i32 to vector<16xi32>
    %add3A_160 = arith.addi %iota3A_157, %add3A_159 : vector<16xi32>
    %swap3A_161 = arith.constant 0 : i32
    %swap3A_162 = arith.index_cast %swap3A_161 : i32 to index
    %swap3A_163 = arith.constant 64 : index
    %swap3A_164 = tpu.vector_load %arg9[%swap3A_162, %swap3A_163] {strides = array<i32>} : memref<2x128xi32, #tpu.memory_space<vmem>>, vector<16xi32>,
    tpu.vector_store %arg9[%swap3A_162, %swap3A_163], %add3A_160 {strides = array<i32>} : memref<2x128xi32, #tpu.memory_space<vmem>>, vector<16xi32>,
    %iota3A_165 = tpu.iota {dimensions = array<i32: 0>} : vector<16xi32>
    %add3A_166 = arith.constant 80 : i32
    %add3A_167 = vector.broadcast %add3A_166 : i32 to vector<16xi32>
    %add3A_168 = arith.addi %iota3A_165, %add3A_167 : vector<16xi32>
    %swap3A_169 = arith.constant 0 : i32
    %swap3A_170 = arith.index_cast %swap3A_169 : i32 to index
    %swap3A_171 = arith.constant 80 : index
    %swap3A_172 = tpu.vector_load %arg9[%swap3A_170, %swap3A_171] {strides = array<i32>} : memref<2x128xi32, #tpu.memory_space<vmem>>, vector<16xi32>,
    tpu.vector_store %arg9[%swap3A_170, %swap3A_171], %add3A_168 {strides = array<i32>} : memref<2x128xi32, #tpu.memory_space<vmem>>, vector<16xi32>,
    %iota3A_173 = tpu.iota {dimensions = array<i32: 0>} : vector<16xi32>
    %add3A_174 = arith.constant 96 : i32
    %add3A_175 = vector.broadcast %add3A_174 : i32 to vector<16xi32>
    %add3A_176 = arith.addi %iota3A_173, %add3A_175 : vector<16xi32>
    %swap3A_177 = arith.constant 0 : i32
    %swap3A_178 = arith.index_cast %swap3A_177 : i32 to index
    %swap3A_179 = arith.constant 96 : index
    %swap3A_180 = tpu.vector_load %arg9[%swap3A_178, %swap3A_179] {strides = array<i32>} : memref<2x128xi32, #tpu.memory_space<vmem>>, vector<16xi32>,
    tpu.vector_store %arg9[%swap3A_178, %swap3A_179], %add3A_176 {strides = array<i32>} : memref<2x128xi32, #tpu.memory_space<vmem>>, vector<16xi32>,
    %iota3A_181 = tpu.iota {dimensions = array<i32: 0>} : vector<16xi32>
    %add3A_182 = arith.constant 112 : i32
    %add3A_183 = vector.broadcast %add3A_182 : i32 to vector<16xi32>
    %add3A_184 = arith.addi %iota3A_181, %add3A_183 : vector<16xi32>
    %swap3A_185 = arith.constant 0 : i32
    %swap3A_186 = arith.index_cast %swap3A_185 : i32 to index
    %swap3A_187 = arith.constant 112 : index
    %swap3A_188 = tpu.vector_load %arg9[%swap3A_186, %swap3A_187] {strides = array<i32>} : memref<2x128xi32, #tpu.memory_space<vmem>>, vector<16xi32>,
    tpu.vector_store %arg9[%swap3A_186, %swap3A_187], %add3A_184 {strides = array<i32>} : memref<2x128xi32, #tpu.memory_space<vmem>>, vector<16xi32>,
    %get3A_189 = arith.constant 1 : i32
    %get3A_190 = arith.index_cast %get3A_189 : i32 to index
    %get3A_191 = arith.constant 0 : index
    %get3A_192 = tpu.vector_load %arg6[%get3A_190, %get3A_191] {strides = array<i32>} : memref<2x128xi32, #tpu.memory_space<vmem>>, vector<16xi32>,
    %shift_right_logical3A_193 = arith.constant 4 : i32
    %shift_right_logical3A_194 = vector.broadcast %shift_right_logical3A_193 : i32 to vector<16xi32>
    %shift_right_logical3A_195 = arith.shrui %get3A_192, %shift_right_logical3A_194 : vector<16xi32>
    %and3A_196 = arith.constant 15 : i32
    %and3A_197 = vector.broadcast %and3A_196 : i32 to vector<16xi32>
    %and3A_198 = arith.andi %get3A_192, %and3A_197 : vector<16xi32>
    tpu.vector_store_idx %arg8[%shift_right_logical3A_195, %and3A_198], %broadcast_in_dim3A_49 {add = true} : memref<256x16xf32, #tpu.memory_space<vmem>>[vector<16xi32>, vector<16xi32>], vector<16xf32>,
    %get3A_199 = arith.constant 1 : i32
    %get3A_200 = arith.index_cast %get3A_199 : i32 to index
    %get3A_201 = arith.constant 16 : index
    %get3A_202 = tpu.vector_load %arg6[%get3A_200, %get3A_201] {strides = array<i32>} : memref<2x128xi32, #tpu.memory_space<vmem>>, vector<16xi32>,
    %shift_right_logical3A_203 = arith.constant 4 : i32
    %shift_right_logical3A_204 = vector.broadcast %shift_right_logical3A_203 : i32 to vector<16xi32>
    %shift_right_logical3A_205 = arith.shrui %get3A_202, %shift_right_logical3A_204 : vector<16xi32>
    %and3A_206 = arith.constant 15 : i32
    %and3A_207 = vector.broadcast %and3A_206 : i32 to vector<16xi32>
    %and3A_208 = arith.andi %get3A_202, %and3A_207 : vector<16xi32>
    tpu.vector_store_idx %arg8[%shift_right_logical3A_205, %and3A_208], %broadcast_in_dim3A_49 {add = true} : memref<256x16xf32, #tpu.memory_space<vmem>>[vector<16xi32>, vector<16xi32>], vector<16xf32>,
    %get3A_209 = arith.constant 1 : i32
    %get3A_210 = arith.index_cast %get3A_209 : i32 to index
    %get3A_211 = arith.constant 32 : index
    %get3A_212 = tpu.vector_load %arg6[%get3A_210, %get3A_211] {strides = array<i32>} : memref<2x128xi32, #tpu.memory_space<vmem>>, vector<16xi32>,
    %shift_right_logical3A_213 = arith.constant 4 : i32
    %shift_right_logical3A_214 = vector.broadcast %shift_right_logical3A_213 : i32 to vector<16xi32>
    %shift_right_logical3A_215 = arith.shrui %get3A_212, %shift_right_logical3A_214 : vector<16xi32>
    %and3A_216 = arith.constant 15 : i32
    %and3A_217 = vector.broadcast %and3A_216 : i32 to vector<16xi32>
    %and3A_218 = arith.andi %get3A_212, %and3A_217 : vector<16xi32>
    tpu.vector_store_idx %arg8[%shift_right_logical3A_215, %and3A_218], %broadcast_in_dim3A_49 {add = true} : memref<256x16xf32, #tpu.memory_space<vmem>>[vector<16xi32>, vector<16xi32>], vector<16xf32>,
    %get3A_219 = arith.constant 1 : i32
    %get3A_220 = arith.index_cast %get3A_219 : i32 to index
    %get3A_221 = arith.constant 48 : index
    %get3A_222 = tpu.vector_load %arg6[%get3A_220, %get3A_221] {strides = array<i32>} : memref<2x128xi32, #tpu.memory_space<vmem>>, vector<16xi32>,
    %shift_right_logical3A_223 = arith.constant 4 : i32
    %shift_right_logical3A_224 = vector.broadcast %shift_right_logical3A_223 : i32 to vector<16xi32>
    %shift_right_logical3A_225 = arith.shrui %get3A_222, %shift_right_logical3A_224 : vector<16xi32>
    %and3A_226 = arith.constant 15 : i32
    %and3A_227 = vector.broadcast %and3A_226 : i32 to vector<16xi32>
    %and3A_228 = arith.andi %get3A_222, %and3A_227 : vector<16xi32>
    tpu.vector_store_idx %arg8[%shift_right_logical3A_225, %and3A_228], %broadcast_in_dim3A_49 {add = true} : memref<256x16xf32, #tpu.memory_space<vmem>>[vector<16xi32>, vector<16xi32>], vector<16xf32>,
    %get3A_229 = arith.constant 1 : i32
    %get3A_230 = arith.index_cast %get3A_229 : i32 to index
    %get3A_231 = arith.constant 64 : index
    %get3A_232 = tpu.vector_load %arg6[%get3A_230, %get3A_231] {strides = array<i32>} : memref<2x128xi32, #tpu.memory_space<vmem>>, vector<16xi32>,
    %shift_right_logical3A_233 = arith.constant 4 : i32
    %shift_right_logical3A_234 = vector.broadcast %shift_right_logical3A_233 : i32 to vector<16xi32>
    %shift_right_logical3A_235 = arith.shrui %get3A_232, %shift_right_logical3A_234 : vector<16xi32>
    %and3A_236 = arith.constant 15 : i32
    %and3A_237 = vector.broadcast %and3A_236 : i32 to vector<16xi32>
    %and3A_238 = arith.andi %get3A_232, %and3A_237 : vector<16xi32>
    tpu.vector_store_idx %arg8[%shift_right_logical3A_235, %and3A_238], %broadcast_in_dim3A_49 {add = true} : memref<256x16xf32, #tpu.memory_space<vmem>>[vector<16xi32>, vector<16xi32>], vector<16xf32>,
    %get3A_239 = arith.constant 1 : i32
    %get3A_240 = arith.index_cast %get3A_239 : i32 to index
    %get3A_241 = arith.constant 80 : index
    %get3A_242 = tpu.vector_load %arg6[%get3A_240, %get3A_241] {strides = array<i32>} : memref<2x128xi32, #tpu.memory_space<vmem>>, vector<16xi32>,
    %shift_right_logical3A_243 = arith.constant 4 : i32
    %shift_right_logical3A_244 = vector.broadcast %shift_right_logical3A_243 : i32 to vector<16xi32>
    %shift_right_logical3A_245 = arith.shrui %get3A_242, %shift_right_logical3A_244 : vector<16xi32>
    %and3A_246 = arith.constant 15 : i32
    %and3A_247 = vector.broadcast %and3A_246 : i32 to vector<16xi32>
    %and3A_248 = arith.andi %get3A_242, %and3A_247 : vector<16xi32>
    tpu.vector_store_idx %arg8[%shift_right_logical3A_245, %and3A_248], %broadcast_in_dim3A_49 {add = true} : memref<256x16xf32, #tpu.memory_space<vmem>>[vector<16xi32>, vector<16xi32>], vector<16xf32>,
    %get3A_249 = arith.constant 1 : i32
    %get3A_250 = arith.index_cast %get3A_249 : i32 to index
    %get3A_251 = arith.constant 96 : index
    %get3A_252 = tpu.vector_load %arg6[%get3A_250, %get3A_251] {strides = array<i32>} : memref<2x128xi32, #tpu.memory_space<vmem>>, vector<16xi32>,
    %shift_right_logical3A_253 = arith.constant 4 : i32
    %shift_right_logical3A_254 = vector.broadcast %shift_right_logical3A_253 : i32 to vector<16xi32>
    %shift_right_logical3A_255 = arith.shrui %get3A_252, %shift_right_logical3A_254 : vector<16xi32>
    %and3A_256 = arith.constant 15 : i32
    %and3A_257 = vector.broadcast %and3A_256 : i32 to vector<16xi32>
    %and3A_258 = arith.andi %get3A_252, %and3A_257 : vector<16xi32>
    tpu.vector_store_idx %arg8[%shift_right_logical3A_255, %and3A_258], %broadcast_in_dim3A_49 {add = true} : memref<256x16xf32, #tpu.memory_space<vmem>>[vector<16xi32>, vector<16xi32>], vector<16xf32>,
    %get3A_259 = arith.constant 1 : i32
    %get3A_260 = arith.index_cast %get3A_259 : i32 to index
    %get3A_261 = arith.constant 112 : index
    %get3A_262 = tpu.vector_load %arg6[%get3A_260, %get3A_261] {strides = array<i32>} : memref<2x128xi32, #tpu.memory_space<vmem>>, vector<16xi32>,
    %shift_right_logical3A_263 = arith.constant 4 : i32
    %shift_right_logical3A_264 = vector.broadcast %shift_right_logical3A_263 : i32 to vector<16xi32>
    %shift_right_logical3A_265 = arith.shrui %get3A_262, %shift_right_logical3A_264 : vector<16xi32>
    %and3A_266 = arith.constant 15 : i32
    %and3A_267 = vector.broadcast %and3A_266 : i32 to vector<16xi32>
    %and3A_268 = arith.andi %get3A_262, %and3A_267 : vector<16xi32>
    tpu.vector_store_idx %arg8[%shift_right_logical3A_265, %and3A_268], %broadcast_in_dim3A_49 {add = true} : memref<256x16xf32, #tpu.memory_space<vmem>>[vector<16xi32>, vector<16xi32>], vector<16xf32>,
    %iota3A_269 = tpu.iota {dimensions = array<i32: 0>} : vector<16xi32>
    %add3A_270 = arith.constant 128 : i32
    %add3A_271 = vector.broadcast %add3A_270 : i32 to vector<16xi32>
    %add3A_272 = arith.addi %iota3A_269, %add3A_271 : vector<16xi32>
    %swap3A_273 = arith.constant 1 : i32
    %swap3A_274 = arith.index_cast %swap3A_273 : i32 to index
    %swap3A_275 = arith.constant 0 : index
    %swap3A_276 = tpu.vector_load %arg9[%swap3A_274, %swap3A_275] {strides = array<i32>} : memref<2x128xi32, #tpu.memory_space<vmem>>, vector<16xi32>,
    tpu.vector_store %arg9[%swap3A_274, %swap3A_275], %add3A_272 {strides = array<i32>} : memref<2x128xi32, #tpu.memory_space<vmem>>, vector<16xi32>,
    %iota3A_277 = tpu.iota {dimensions = array<i32: 0>} : vector<16xi32>
    %add3A_278 = arith.constant 144 : i32
    %add3A_279 = vector.broadcast %add3A_278 : i32 to vector<16xi32>
    %add3A_280 = arith.addi %iota3A_277, %add3A_279 : vector<16xi32>
    %swap3A_281 = arith.constant 1 : i32
    %swap3A_282 = arith.index_cast %swap3A_281 : i32 to index
    %swap3A_283 = arith.constant 16 : index
    %swap3A_284 = tpu.vector_load %arg9[%swap3A_282, %swap3A_283] {strides = array<i32>} : memref<2x128xi32, #tpu.memory_space<vmem>>, vector<16xi32>,
    tpu.vector_store %arg9[%swap3A_282, %swap3A_283], %add3A_280 {strides = array<i32>} : memref<2x128xi32, #tpu.memory_space<vmem>>, vector<16xi32>,
    %iota3A_285 = tpu.iota {dimensions = array<i32: 0>} : vector<16xi32>
    %add3A_286 = arith.constant 160 : i32
    %add3A_287 = vector.broadcast %add3A_286 : i32 to vector<16xi32>
    %add3A_288 = arith.addi %iota3A_285, %add3A_287 : vector<16xi32>
    %swap3A_289 = arith.constant 1 : i32
    %swap3A_290 = arith.index_cast %swap3A_289 : i32 to index
    %swap3A_291 = arith.constant 32 : index
    %swap3A_292 = tpu.vector_load %arg9[%swap3A_290, %swap3A_291] {strides = array<i32>} : memref<2x128xi32, #tpu.memory_space<vmem>>, vector<16xi32>,
    tpu.vector_store %arg9[%swap3A_290, %swap3A_291], %add3A_288 {strides = array<i32>} : memref<2x128xi32, #tpu.memory_space<vmem>>, vector<16xi32>,
    %iota3A_293 = tpu.iota {dimensions = array<i32: 0>} : vector<16xi32>
    %add3A_294 = arith.constant 176 : i32
    %add3A_295 = vector.broadcast %add3A_294 : i32 to vector<16xi32>
    %add3A_296 = arith.addi %iota3A_293, %add3A_295 : vector<16xi32>
    %swap3A_297 = arith.constant 1 : i32
    %swap3A_298 = arith.index_cast %swap3A_297 : i32 to index
    %swap3A_299 = arith.constant 48 : index
    %swap3A_300 = tpu.vector_load %arg9[%swap3A_298, %swap3A_299] {strides = array<i32>} : memref<2x128xi32, #tpu.memory_space<vmem>>, vector<16xi32>,
    tpu.vector_store %arg9[%swap3A_298, %swap3A_299], %add3A_296 {strides = array<i32>} : memref<2x128xi32, #tpu.memory_space<vmem>>, vector<16xi32>,
    %iota3A_301 = tpu.iota {dimensions = array<i32: 0>} : vector<16xi32>
    %add3A_302 = arith.constant 192 : i32
    %add3A_303 = vector.broadcast %add3A_302 : i32 to vector<16xi32>
    %add3A_304 = arith.addi %iota3A_301, %add3A_303 : vector<16xi32>
    %swap3A_305 = arith.constant 1 : i32
    %swap3A_306 = arith.index_cast %swap3A_305 : i32 to index
    %swap3A_307 = arith.constant 64 : index
    %swap3A_308 = tpu.vector_load %arg9[%swap3A_306, %swap3A_307] {strides = array<i32>} : memref<2x128xi32, #tpu.memory_space<vmem>>, vector<16xi32>,
    tpu.vector_store %arg9[%swap3A_306, %swap3A_307], %add3A_304 {strides = array<i32>} : memref<2x128xi32, #tpu.memory_space<vmem>>, vector<16xi32>,
    %iota3A_309 = tpu.iota {dimensions = array<i32: 0>} : vector<16xi32>
    %add3A_310 = arith.constant 208 : i32
    %add3A_311 = vector.broadcast %add3A_310 : i32 to vector<16xi32>
    %add3A_312 = arith.addi %iota3A_309, %add3A_311 : vector<16xi32>
    %swap3A_313 = arith.constant 1 : i32
    %swap3A_314 = arith.index_cast %swap3A_313 : i32 to index
    %swap3A_315 = arith.constant 80 : index
    %swap3A_316 = tpu.vector_load %arg9[%swap3A_314, %swap3A_315] {strides = array<i32>} : memref<2x128xi32, #tpu.memory_space<vmem>>, vector<16xi32>,
    tpu.vector_store %arg9[%swap3A_314, %swap3A_315], %add3A_312 {strides = array<i32>} : memref<2x128xi32, #tpu.memory_space<vmem>>, vector<16xi32>,
    %iota3A_317 = tpu.iota {dimensions = array<i32: 0>} : vector<16xi32>
    %add3A_318 = arith.constant 224 : i32
    %add3A_319 = vector.broadcast %add3A_318 : i32 to vector<16xi32>
    %add3A_320 = arith.addi %iota3A_317, %add3A_319 : vector<16xi32>
    %swap3A_321 = arith.constant 1 : i32
    %swap3A_322 = arith.index_cast %swap3A_321 : i32 to index
    %swap3A_323 = arith.constant 96 : index
    %swap3A_324 = tpu.vector_load %arg9[%swap3A_322, %swap3A_323] {strides = array<i32>} : memref<2x128xi32, #tpu.memory_space<vmem>>, vector<16xi32>,
    tpu.vector_store %arg9[%swap3A_322, %swap3A_323], %add3A_320 {strides = array<i32>} : memref<2x128xi32, #tpu.memory_space<vmem>>, vector<16xi32>,
    %iota3A_325 = tpu.iota {dimensions = array<i32: 0>} : vector<16xi32>
    %add3A_326 = arith.constant 240 : i32
    %add3A_327 = vector.broadcast %add3A_326 : i32 to vector<16xi32>
    %add3A_328 = arith.addi %iota3A_325, %add3A_327 : vector<16xi32>
    %swap3A_329 = arith.constant 1 : i32
    %swap3A_330 = arith.index_cast %swap3A_329 : i32 to index
    %swap3A_331 = arith.constant 112 : index
    %swap3A_332 = tpu.vector_load %arg9[%swap3A_330, %swap3A_331] {strides = array<i32>} : memref<2x128xi32, #tpu.memory_space<vmem>>, vector<16xi32>,
    tpu.vector_store %arg9[%swap3A_330, %swap3A_331], %add3A_328 {strides = array<i32>} : memref<2x128xi32, #tpu.memory_space<vmem>>, vector<16xi32>,
    %run_scoped3A = arith.constant 0 : i32
    "tpu.region"() ({
      %run_scoped3A_340 = tpu.sem_alloc : memref<!tpu.dma_semaphore, #tpu.memory_space<semaphore_mem>>
      %dma_start3A_341 = arith.constant 0 : i32
      %dma_start3A_342 = arith.constant 0 : i32
      %dma_start3A_343 = tpu.memref_slice %arg8[%dma_start3A_341, %dma_start3A_342] : memref<256x16xf32, #tpu.memory_space<vmem>> -> memref<128x16xf32, #tpu.memory_space<vmem>>
      %dma_start3A_344 = arith.constant 0 : i32
      %dma_start3A_345 = tpu.memref_slice %arg9[%run_scoped3A, %dma_start3A_344] : memref<2x128xi32, #tpu.memory_space<vmem>> -> memref<1x128xi32, #tpu.memory_space<vmem>>
      %dma_start3A_346 = tpu.memref_squeeze %dma_start3A_345 : memref<1x128xi32, #tpu.memory_space<vmem>> -> memref<128xi32, #tpu.memory_space<vmem>>
      %dma_start3A_347 = arith.constant 0 : i32
      %dma_start3A_348 = arith.constant 0 : i32
      %dma_start3A_349 = tpu.memref_slice %arg10[%dma_start3A_347, %dma_start3A_348] : memref<256x16xf32, #tpu.memory_space<vmem_shared>> -> memref<256x16xf32, #tpu.memory_space<vmem_shared>>
      tpu.enqueue_indirect_dma source(%dma_start3A_343 : memref<128x16xf32, #tpu.memory_space<vmem>>) target(%dma_start3A_349 : memref<256x16xf32, #tpu.memory_space<vmem_shared>>) offsets(%dma_start3A_346 : memref<128xi32, #tpu.memory_space<vmem>>) semaphore(%run_scoped3A_340 : memref<!tpu.dma_semaphore, #tpu.memory_space<semaphore_mem>>) {add = true}
      %dma_wait3A_350 = arith.constant 0 : i32
      %dma_wait3A_351 = arith.constant 0 : i32
      %dma_wait3A_352 = tpu.memref_slice %arg8[%dma_wait3A_350, %dma_wait3A_351] : memref<256x16xf32, #tpu.memory_space<vmem>> -> memref<128x16xf32, #tpu.memory_space<vmem>>
      %dma_wait3A_353 = arith.constant 0 : i32
      %dma_wait3A_354 = tpu.memref_slice %arg9[%run_scoped3A, %dma_wait3A_353] : memref<2x128xi32, #tpu.memory_space<vmem>> -> memref<1x128xi32, #tpu.memory_space<vmem>>
      %dma_wait3A_355 = tpu.memref_squeeze %dma_wait3A_354 : memref<1x128xi32, #tpu.memory_space<vmem>> -> memref<128xi32, #tpu.memory_space<vmem>>
      %dma_wait3A_356 = arith.constant 0 : i32
      %dma_wait3A_357 = arith.constant 0 : i32
      %dma_wait3A_358 = tpu.memref_slice %arg10[%dma_wait3A_356, %dma_wait3A_357] : memref<256x16xf32, #tpu.memory_space<vmem_shared>> -> memref<256x16xf32, #tpu.memory_space<vmem_shared>>
      tpu.wait_indirect_dma semaphore(%run_scoped3A_340 : memref<!tpu.dma_semaphore, #tpu.memory_space<semaphore_mem>>) src(%dma_wait3A_352 : memref<128x16xf32, #tpu.memory_space<vmem>>) dst(%dma_wait3A_358 : memref<256x16xf32, #tpu.memory_space<vmem_shared>>)
      tpu.yield
    }) : () -> ()
    %run_scoped3A_333 = arith.constant 1 : i32
    "tpu.region"() ({
      %run_scoped3A_340 = tpu.sem_alloc : memref<!tpu.dma_semaphore, #tpu.memory_space<semaphore_mem>>
      %dma_start3A_341 = arith.constant 128 : i32
      %dma_start3A_342 = arith.constant 0 : i32
      %dma_start3A_343 = tpu.memref_slice %arg8[%dma_start3A_341, %dma_start3A_342] : memref<256x16xf32, #tpu.memory_space<vmem>> -> memref<128x16xf32, #tpu.memory_space<vmem>>
      %dma_start3A_344 = arith.constant 0 : i32
      %dma_start3A_345 = tpu.memref_slice %arg9[%run_scoped3A_333, %dma_start3A_344] : memref<2x128xi32, #tpu.memory_space<vmem>> -> memref<1x128xi32, #tpu.memory_space<vmem>>
      %dma_start3A_346 = tpu.memref_squeeze %dma_start3A_345 : memref<1x128xi32, #tpu.memory_space<vmem>> -> memref<128xi32, #tpu.memory_space<vmem>>
      %dma_start3A_347 = arith.constant 0 : i32
      %dma_start3A_348 = arith.constant 0 : i32
      %dma_start3A_349 = tpu.memref_slice %arg10[%dma_start3A_347, %dma_start3A_348] : memref<256x16xf32, #tpu.memory_space<vmem_shared>> -> memref<256x16xf32, #tpu.memory_space<vmem_shared>>
      tpu.enqueue_indirect_dma source(%dma_start3A_343 : memref<128x16xf32, #tpu.memory_space<vmem>>) target(%dma_start3A_349 : memref<256x16xf32, #tpu.memory_space<vmem_shared>>) offsets(%dma_start3A_346 : memref<128xi32, #tpu.memory_space<vmem>>) semaphore(%run_scoped3A_340 : memref<!tpu.dma_semaphore, #tpu.memory_space<semaphore_mem>>) {add = true}
      %dma_wait3A_350 = arith.constant 128 : i32
      %dma_wait3A_351 = arith.constant 0 : i32
      %dma_wait3A_352 = tpu.memref_slice %arg8[%dma_wait3A_350, %dma_wait3A_351] : memref<256x16xf32, #tpu.memory_space<vmem>> -> memref<128x16xf32, #tpu.memory_space<vmem>>
      %dma_wait3A_353 = arith.constant 0 : i32
      %dma_wait3A_354 = tpu.memref_slice %arg9[%run_scoped3A_333, %dma_wait3A_353] : memref<2x128xi32, #tpu.memory_space<vmem>> -> memref<1x128xi32, #tpu.memory_space<vmem>>
      %dma_wait3A_355 = tpu.memref_squeeze %dma_wait3A_354 : memref<1x128xi32, #tpu.memory_space<vmem>> -> memref<128xi32, #tpu.memory_space<vmem>>
      %dma_wait3A_356 = arith.constant 0 : i32
      %dma_wait3A_357 = arith.constant 0 : i32
      %dma_wait3A_358 = tpu.memref_slice %arg10[%dma_wait3A_356, %dma_wait3A_357] : memref<256x16xf32, #tpu.memory_space<vmem_shared>> -> memref<256x16xf32, #tpu.memory_space<vmem_shared>>
      tpu.wait_indirect_dma semaphore(%run_scoped3A_340 : memref<!tpu.dma_semaphore, #tpu.memory_space<semaphore_mem>>) src(%dma_wait3A_352 : memref<128x16xf32, #tpu.memory_space<vmem>>) dst(%dma_wait3A_358 : memref<256x16xf32, #tpu.memory_space<vmem_shared>>)
      tpu.yield
    }) : () -> ()
    %barrier3A_334 = arith.constant 0 : index
    tpu.barrier barrier_id(%barrier3A_334)
    %eq3A_335 = arith.constant 0 : i32
    %eq3A_336 = arith.cmpi eq, %arg1, %eq3A_335 : i32
    %convert_element_type3A_337 = arith.extui %eq3A_336 : i1 to i32
    %cond3A_338 = arith.constant 0 : i32
    %cond3A_339 = arith.cmpi ne, %convert_element_type3A_337, %cond3A_338 : i32
    scf.if %cond3A_339 {
      "tpu.region"() ({
        %run_scoped3A_340 = tpu.sem_alloc : memref<!tpu.dma_semaphore, #tpu.memory_space<semaphore_mem>>
        %dma_start3A_341 = arith.constant 0 : i32
        %dma_start3A_342 = arith.constant 0 : i32
        %dma_start3A_343 = tpu.memref_slice %arg5[%arg0, %dma_start3A_341, %dma_start3A_342] : memref<2x256x16xf32, #tpu.memory_space<hbm>> -> memref<1x256x16xf32, #tpu.memory_space<hbm>>
        %dma_start3A_344 = tpu.memref_squeeze %dma_start3A_343 : memref<1x256x16xf32, #tpu.memory_space<hbm>> -> memref<256x16xf32, #tpu.memory_space<hbm>>
        tpu.enqueue_dma source(%arg10 : memref<256x16xf32, #tpu.memory_space<vmem_shared>>) target(%dma_start3A_344 : memref<256x16xf32, #tpu.memory_space<hbm>>) target_semaphore(%run_scoped3A_340 : memref<!tpu.dma_semaphore, #tpu.memory_space<semaphore_mem>>)
        %dma_wait3A_345 = arith.constant 0 : i32
        %dma_wait3A_346 = arith.constant 0 : i32
        %dma_wait3A_347 = tpu.memref_slice %arg5[%arg0, %dma_wait3A_345, %dma_wait3A_346] : memref<2x256x16xf32, #tpu.memory_space<hbm>> -> memref<1x256x16xf32, #tpu.memory_space<hbm>>
        %dma_wait3A_348 = tpu.memref_squeeze %dma_wait3A_347 : memref<1x256x16xf32, #tpu.memory_space<hbm>> -> memref<256x16xf32, #tpu.memory_space<hbm>>
        tpu.wait_dma2 semaphore(%run_scoped3A_340 : memref<!tpu.dma_semaphore, #tpu.memory_space<semaphore_mem>>) src(%arg10 : memref<256x16xf32, #tpu.memory_space<vmem_shared>>) dst(%dma_wait3A_348 : memref<256x16xf32, #tpu.memory_space<hbm>>)
        tpu.yield
      }) : () -> ()
    } else {
    }
    return
  }
}

module attributes {stable_mosaic.version = 14 : i64} {
  func.func @_layer0_body(%arg0: i32, %arg1: memref<512x256xf32, #tpu.memory_space<vmem>>, %arg2: memref<4096x256xf32, #tpu.memory_space<vmem>>, %arg3: memref<1x4096xf32, #tpu.memory_space<vmem>>, %arg4: memref<512x1xi32, #tpu.memory_space<vmem>>, %arg5: memref<1x1xf32, #tpu.memory_space<vmem>>) attributes {dimension_semantics = [#tpu.dimension_semantics<arbitrary>], iteration_bounds = array<i64: 16>, scalar_prefetch = 0 : i64, scratch_operands = 0 : i64, tpu.core_type = #tpu.core_type<tc>, window_params = [{transform_indices = @transform_0, window_bounds = array<i64: 512, 256>}, {pipeline_mode = #tpu.pipeline_mode<synchronous>, transform_indices = @transform_1, window_bounds = array<i64: 4096, 256>}, {pipeline_mode = #tpu.pipeline_mode<synchronous>, transform_indices = @transform_2, window_bounds = array<i64: 1, 4096>}, {transform_indices = @transform_3, window_bounds = array<i64: 512, 1>}, {pipeline_mode = #tpu.pipeline_mode<synchronous>, transform_indices = @transform_4, window_bounds = array<i64: 1, 1>}]} {
    %get3A = arith.constant 0 : index
    %get3A_0 = arith.constant 0 : index
    %get3A_1 = vector.load %arg1[%get3A, %get3A_0] : memref<512x256xf32, #tpu.memory_space<vmem>>, vector<512x256xf32>
    %get3A_2 = arith.constant 0 : index
    %get3A_3 = arith.constant 0 : index
    %get3A_4 = vector.load %arg2[%get3A_2, %get3A_3] : memref<4096x256xf32, #tpu.memory_space<vmem>>, vector<4096x256xf32>
    %get3A_5 = arith.constant 0 : index
    %get3A_6 = arith.constant 0 : index
    %get3A_7 = vector.load %arg3[%get3A_5, %get3A_6] : memref<1x4096xf32, #tpu.memory_space<vmem>>, vector<1x4096xf32>
    %mul3A = arith.constant -2.000000e+00 : f32
    %mul3A_8 = vector.broadcast %mul3A : f32 to vector<512x256xf32>
    %mul3A_9 = arith.mulf %get3A_1, %mul3A_8 : vector<512x256xf32>
    %dot_general3A = arith.constant dense<0.000000e+00> : vector<512x4096xf32>
    %dot_general3A_10 = tpu.matmul %mul3A_9, %get3A_4, %dot_general3A {dimension_numbers = #tpu.dot_dimension_numbers<[1], [1], [0], [0], [0, 0, 1, 0], [], []>, transpose_lhs_hint = false} : vector<512x256xf32>, vector<4096x256xf32>, vector<512x4096xf32> -> vector<512x4096xf32>
    %mul3A_11 = arith.mulf %get3A_1, %get3A_1 : vector<512x256xf32>
    %reduce_sum3A = arith.constant dense<0.000000e+00> : vector<512xf32>
    %reduce_sum3A_12 = vector.multi_reduction <add>, %mul3A_11, %reduce_sum3A [1] : vector<512x256xf32> to vector<512xf32>
    %broadcast_in_dim3A = vector.shape_cast %reduce_sum3A_12 : vector<512xf32> to vector<512x1xf32>
    %add3A = vector.broadcast %broadcast_in_dim3A : vector<512x1xf32> to vector<512x4096xf32>
    %add3A_13 = arith.addf %add3A, %dot_general3A_10 : vector<512x4096xf32>
    %add3A_14 = vector.broadcast %get3A_7 : vector<1x4096xf32> to vector<512x4096xf32>
    %add3A_15 = arith.addf %add3A_13, %add3A_14 : vector<512x4096xf32>
    %reduce_min3A = arith.constant dense<0x7F800000> : vector<512xf32>
    %reduce_min3A_16 = vector.multi_reduction <minimumf>, %add3A_15, %reduce_min3A [1] : vector<512x4096xf32> to vector<512xf32>
    %broadcast_in_dim3A_17 = vector.shape_cast %reduce_min3A_16 : vector<512xf32> to vector<512x1xf32>
    %iota3A = tpu.iota {dimensions = array<i32: 1>} : vector<1x4096xi32>
    %convert_element_type3A = arith.sitofp %iota3A : vector<1x4096xi32> to vector<1x4096xf32>
    %eq3A = vector.broadcast %broadcast_in_dim3A_17 : vector<512x1xf32> to vector<512x4096xf32>
    %eq3A_18 = arith.cmpf oeq, %add3A_15, %eq3A : vector<512x4096xf32>
    %jit3A = arith.constant 4.096000e+03 : f32
    %broadcast_in_dim3A_19 = vector.shape_cast %convert_element_type3A : vector<1x4096xf32> to vector<1x4096xf32>
    %broadcast_in_dim3A_20 = vector.broadcast %broadcast_in_dim3A_19 : vector<1x4096xf32> to vector<512x4096xf32>
    %broadcast_in_dim3A_21 = vector.broadcast %jit3A : f32 to vector<512x4096xf32>
    %select_n3A = arith.select %eq3A_18, %broadcast_in_dim3A_20, %broadcast_in_dim3A_21 : vector<512x4096xi1>, vector<512x4096xf32>
    %reduce_min3A_22 = arith.constant dense<0x7F800000> : vector<512xf32>
    %reduce_min3A_23 = vector.multi_reduction <minimumf>, %select_n3A, %reduce_min3A_22 [1] : vector<512x4096xf32> to vector<512xf32>
    %broadcast_in_dim3A_24 = vector.shape_cast %reduce_min3A_23 : vector<512xf32> to vector<512x1xf32>
    %convert_element_type3A_25 = arith.fptosi %broadcast_in_dim3A_24 : vector<512x1xf32> to vector<512x1xi32>
    %swap3A = arith.constant 0 : index
    %swap3A_26 = arith.constant 0 : index
    %swap3A_27 = vector.load %arg4[%swap3A, %swap3A_26] : memref<512x1xi32, #tpu.memory_space<vmem>>, vector<512x1xi32>
    tpu.vector_store %arg4[%swap3A, %swap3A_26], %convert_element_type3A_25 {strides = array<i32>} : memref<512x1xi32, #tpu.memory_space<vmem>>, vector<512x1xi32>,
    %reduce_sum3A_28 = vector.shape_cast %broadcast_in_dim3A_17 : vector<512x1xf32> to vector<1x512x1xf32>
    %reduce_sum3A_29 = arith.constant dense<0.000000e+00> : vector<1xf32>
    %reduce_sum3A_30 = vector.multi_reduction <add>, %reduce_sum3A_28, %reduce_sum3A_29 [1, 2] : vector<1x512x1xf32> to vector<1xf32>
    %reduce_sum3A_31 = vector.shape_cast %reduce_sum3A_30 : vector<1xf32> to vector<1x1x1xf32>
    %reduce_sum3A_32 = vector.extract %reduce_sum3A_31[0, 0, 0] : f32 from vector<1x1x1xf32>
    %broadcast_in_dim3A_33 = vector.broadcast %reduce_sum3A_32 : f32 to vector<1x1xf32>
    %eq3A_34 = arith.constant 0 : i32
    %eq3A_35 = arith.cmpi eq, %arg0, %eq3A_34 : i32
    %convert_element_type3A_36 = arith.extui %eq3A_35 : i1 to i32
    %cond3A = arith.constant 0 : i32
    %cond3A_37 = arith.cmpi ne, %convert_element_type3A_36, %cond3A : i32
    scf.if %cond3A_37 {
      %swap3A_42 = arith.constant 0 : index
      %swap3A_43 = arith.constant 0 : index
      %swap3A_44 = vector.load %arg5[%swap3A_42, %swap3A_43] : memref<1x1xf32, #tpu.memory_space<vmem>>, vector<1x1xf32>
      tpu.vector_store %arg5[%swap3A_42, %swap3A_43], %broadcast_in_dim3A_33 {strides = array<i32>} : memref<1x1xf32, #tpu.memory_space<vmem>>, vector<1x1xf32>,
    } else {
    }
    %ne3A = arith.constant 0 : i32
    %ne3A_38 = arith.cmpi ne, %arg0, %ne3A : i32
    %convert_element_type3A_39 = arith.extui %ne3A_38 : i1 to i32
    %cond3A_40 = arith.constant 0 : i32
    %cond3A_41 = arith.cmpi ne, %convert_element_type3A_39, %cond3A_40 : i32
    scf.if %cond3A_41 {
      %get3A_42 = arith.constant 0 : index
      %get3A_43 = arith.constant 0 : index
      %get3A_44 = vector.load %arg5[%get3A_42, %get3A_43] : memref<1x1xf32, #tpu.memory_space<vmem>>, vector<1x1xf32>
      %add3A_45 = arith.addf %get3A_44, %broadcast_in_dim3A_33 : vector<1x1xf32>
      %swap3A_46 = arith.constant 0 : index
      %swap3A_47 = arith.constant 0 : index
      %swap3A_48 = vector.load %arg5[%swap3A_46, %swap3A_47] : memref<1x1xf32, #tpu.memory_space<vmem>>, vector<1x1xf32>
      tpu.vector_store %arg5[%swap3A_46, %swap3A_47], %add3A_45 {strides = array<i32>} : memref<1x1xf32, #tpu.memory_space<vmem>>, vector<1x1xf32>,
    } else {
    }
    return
  }
  func.func @transform_0(%arg0: i32) -> (i32, i32) {
    %c0_i32 = arith.constant 0 : i32
    %c0_i32_0 = arith.constant 0 : i32
    return %arg0, %c0_i32 : i32, i32
  }
  func.func @transform_1(%arg0: i32) -> (i32, i32) {
    %c0_i32 = arith.constant 0 : i32
    %c0_i32_0 = arith.constant 0 : i32
    %c0_i32_1 = arith.constant 0 : i32
    return %c0_i32, %c0_i32_0 : i32, i32
  }
  func.func @transform_2(%arg0: i32) -> (i32, i32) {
    %c0_i32 = arith.constant 0 : i32
    %c0_i32_0 = arith.constant 0 : i32
    %c0_i32_1 = arith.constant 0 : i32
    return %c0_i32, %c0_i32_0 : i32, i32
  }
  func.func @transform_3(%arg0: i32) -> (i32, i32) {
    %c0_i32 = arith.constant 0 : i32
    %c0_i32_0 = arith.constant 0 : i32
    return %arg0, %c0_i32 : i32, i32
  }
  func.func @transform_4(%arg0: i32) -> (i32, i32) {
    %c0_i32 = arith.constant 0 : i32
    %c0_i32_0 = arith.constant 0 : i32
    %c0_i32_1 = arith.constant 0 : i32
    return %c0_i32, %c0_i32_0 : i32, i32
  }
}

module attributes {stable_mosaic.version = 14 : i64} {
  func.func @_cnorm_body(%arg0: i32, %arg1: memref<1x4096x256xf32, #tpu.memory_space<vmem>>, %arg2: memref<1x1x4096xf32, #tpu.memory_space<vmem>>) attributes {dimension_semantics = [#tpu.dimension_semantics<arbitrary>], iteration_bounds = array<i64: 4>, scalar_prefetch = 0 : i64, scratch_operands = 0 : i64, tpu.core_type = #tpu.core_type<tc>, window_params = [{transform_indices = @transform_0, window_bounds = array<i64: 1, 4096, 256>}, {transform_indices = @transform_1, window_bounds = array<i64: 1, 1, 4096>}]} {
    %get3A = arith.constant 0 : index
    %get3A_0 = arith.constant 0 : index
    %get3A_1 = arith.constant 0 : index
    %get3A_2 = vector.load %arg1[%get3A, %get3A_0, %get3A_1] : memref<1x4096x256xf32, #tpu.memory_space<vmem>>, vector<1x4096x256xf32>
    %get3A_3 = vector.shape_cast %get3A_2 : vector<1x4096x256xf32> to vector<4096x256xf32>
    %mul3A = arith.mulf %get3A_3, %get3A_3 : vector<4096x256xf32>
    %broadcast_in_dim3A = arith.constant 1.000000e+00 : f32
    %broadcast_in_dim3A_4 = vector.broadcast %broadcast_in_dim3A : f32 to vector<8x256xf32>
    %dot_general3A = arith.constant dense<0.000000e+00> : vector<8x4096xf32>
    %dot_general3A_5 = tpu.matmul %broadcast_in_dim3A_4, %mul3A, %dot_general3A {dimension_numbers = #tpu.dot_dimension_numbers<[1], [1], [0], [0], [0, 0, 1, 0], [], []>, precision = #tpu.contract_precision<fp32>, transpose_lhs_hint = false} : vector<8x256xf32>, vector<4096x256xf32>, vector<8x4096xf32> -> vector<8x4096xf32>
    %slice3A = vector.extract_strided_slice %dot_general3A_5 {offsets = [0, 0], sizes = [1, 4096], strides = [1, 1]} : vector<8x4096xf32> to vector<1x4096xf32>
    %swap3A = arith.constant 0 : index
    %swap3A_6 = arith.constant 0 : index
    %swap3A_7 = arith.constant 0 : index
    %swap3A_8 = vector.load %arg2[%swap3A, %swap3A_6, %swap3A_7] : memref<1x1x4096xf32, #tpu.memory_space<vmem>>, vector<1x1x4096xf32>
    %swap3A_9 = vector.shape_cast %swap3A_8 : vector<1x1x4096xf32> to vector<1x4096xf32>
    %swap3A_10 = vector.shape_cast %slice3A : vector<1x4096xf32> to vector<1x1x4096xf32>
    tpu.vector_store %arg2[%swap3A, %swap3A_6, %swap3A_7], %swap3A_10 {strides = array<i32>} : memref<1x1x4096xf32, #tpu.memory_space<vmem>>, vector<1x1x4096xf32>,
    return
  }
  func.func @transform_0(%arg0: i32) -> (i32, i32, i32) {
    %c0_i32 = arith.constant 0 : i32
    %c0_i32_0 = arith.constant 0 : i32
    %c0_i32_1 = arith.constant 0 : i32
    return %arg0, %c0_i32, %c0_i32_0 : i32, i32, i32
  }
  func.func @transform_1(%arg0: i32) -> (i32, i32, i32) {
    %c0_i32 = arith.constant 0 : i32
    %c0_i32_0 = arith.constant 0 : i32
    %c0_i32_1 = arith.constant 0 : i32
    return %arg0, %c0_i32, %c0_i32_0 : i32, i32, i32
  }
}

module attributes {stable_mosaic.version = 14 : i64} {
  func.func @_layer1_body(%arg0: i32, %arg1: memref<512x256xf32, #tpu.memory_space<vmem>>, %arg2: memref<512x256xf32, #tpu.memory_space<vmem>>, %arg3: memref<4096x256xf32, #tpu.memory_space<vmem>>, %arg4: memref<1x4096xf32, #tpu.memory_space<vmem>>, %arg5: memref<512x256xf32, #tpu.memory_space<vmem>>, %arg6: memref<512x256xf32, #tpu.memory_space<vmem>>, %arg7: memref<512x1xi32, #tpu.memory_space<vmem>>, %arg8: memref<1x1xf32, #tpu.memory_space<vmem>>) attributes {dimension_semantics = [#tpu.dimension_semantics<arbitrary>], iteration_bounds = array<i64: 16>, scalar_prefetch = 0 : i64, scratch_operands = 0 : i64, tpu.core_type = #tpu.core_type<tc>, window_params = [{transform_indices = @transform_0, window_bounds = array<i64: 512, 256>}, {transform_indices = @transform_1, window_bounds = array<i64: 512, 256>}, {pipeline_mode = #tpu.pipeline_mode<synchronous>, transform_indices = @transform_2, window_bounds = array<i64: 4096, 256>}, {pipeline_mode = #tpu.pipeline_mode<synchronous>, transform_indices = @transform_3, window_bounds = array<i64: 1, 4096>}, {transform_indices = @transform_4, window_bounds = array<i64: 512, 256>}, {transform_indices = @transform_5, window_bounds = array<i64: 512, 256>}, {transform_indices = @transform_6, window_bounds = array<i64: 512, 1>}, {pipeline_mode = #tpu.pipeline_mode<synchronous>, transform_indices = @transform_7, window_bounds = array<i64: 1, 1>}]} {
    %get3A = arith.constant 0 : index
    %get3A_0 = arith.constant 0 : index
    %get3A_1 = vector.load %arg1[%get3A, %get3A_0] : memref<512x256xf32, #tpu.memory_space<vmem>>, vector<512x256xf32>
    %get3A_2 = arith.constant 0 : index
    %get3A_3 = arith.constant 0 : index
    %get3A_4 = vector.load %arg2[%get3A_2, %get3A_3] : memref<512x256xf32, #tpu.memory_space<vmem>>, vector<512x256xf32>
    %sub3A = arith.subf %get3A_4, %get3A_1 : vector<512x256xf32>
    %add3A = arith.addf %get3A_1, %sub3A : vector<512x256xf32>
    %swap3A = arith.constant 0 : index
    %swap3A_5 = arith.constant 0 : index
    %swap3A_6 = vector.load %arg6[%swap3A, %swap3A_5] : memref<512x256xf32, #tpu.memory_space<vmem>>, vector<512x256xf32>
    tpu.vector_store %arg6[%swap3A, %swap3A_5], %add3A {strides = array<i32>} : memref<512x256xf32, #tpu.memory_space<vmem>>, vector<512x256xf32>,
    %sub3A_7 = arith.subf %get3A_1, %add3A : vector<512x256xf32>
    %swap3A_8 = arith.constant 0 : index
    %swap3A_9 = arith.constant 0 : index
    %swap3A_10 = vector.load %arg5[%swap3A_8, %swap3A_9] : memref<512x256xf32, #tpu.memory_space<vmem>>, vector<512x256xf32>
    tpu.vector_store %arg5[%swap3A_8, %swap3A_9], %sub3A_7 {strides = array<i32>} : memref<512x256xf32, #tpu.memory_space<vmem>>, vector<512x256xf32>,
    %get3A_11 = arith.constant 0 : index
    %get3A_12 = arith.constant 0 : index
    %get3A_13 = vector.load %arg3[%get3A_11, %get3A_12] : memref<4096x256xf32, #tpu.memory_space<vmem>>, vector<4096x256xf32>
    %get3A_14 = arith.constant 0 : index
    %get3A_15 = arith.constant 0 : index
    %get3A_16 = vector.load %arg4[%get3A_14, %get3A_15] : memref<1x4096xf32, #tpu.memory_space<vmem>>, vector<1x4096xf32>
    %mul3A = arith.constant -2.000000e+00 : f32
    %mul3A_17 = vector.broadcast %mul3A : f32 to vector<512x256xf32>
    %mul3A_18 = arith.mulf %sub3A_7, %mul3A_17 : vector<512x256xf32>
    %dot_general3A = arith.constant dense<0.000000e+00> : vector<512x4096xf32>
    %dot_general3A_19 = tpu.matmul %mul3A_18, %get3A_13, %dot_general3A {dimension_numbers = #tpu.dot_dimension_numbers<[1], [1], [0], [0], [0, 0, 1, 0], [], []>, transpose_lhs_hint = false} : vector<512x256xf32>, vector<4096x256xf32>, vector<512x4096xf32> -> vector<512x4096xf32>
    %mul3A_20 = arith.mulf %sub3A_7, %sub3A_7 : vector<512x256xf32>
    %reduce_sum3A = arith.constant dense<0.000000e+00> : vector<512xf32>
    %reduce_sum3A_21 = vector.multi_reduction <add>, %mul3A_20, %reduce_sum3A [1] : vector<512x256xf32> to vector<512xf32>
    %broadcast_in_dim3A = vector.shape_cast %reduce_sum3A_21 : vector<512xf32> to vector<512x1xf32>
    %add3A_22 = vector.broadcast %broadcast_in_dim3A : vector<512x1xf32> to vector<512x4096xf32>
    %add3A_23 = arith.addf %add3A_22, %dot_general3A_19 : vector<512x4096xf32>
    %add3A_24 = vector.broadcast %get3A_16 : vector<1x4096xf32> to vector<512x4096xf32>
    %add3A_25 = arith.addf %add3A_23, %add3A_24 : vector<512x4096xf32>
    %reduce_min3A = arith.constant dense<0x7F800000> : vector<512xf32>
    %reduce_min3A_26 = vector.multi_reduction <minimumf>, %add3A_25, %reduce_min3A [1] : vector<512x4096xf32> to vector<512xf32>
    %broadcast_in_dim3A_27 = vector.shape_cast %reduce_min3A_26 : vector<512xf32> to vector<512x1xf32>
    %iota3A = tpu.iota {dimensions = array<i32: 1>} : vector<1x4096xi32>
    %convert_element_type3A = arith.sitofp %iota3A : vector<1x4096xi32> to vector<1x4096xf32>
    %eq3A = vector.broadcast %broadcast_in_dim3A_27 : vector<512x1xf32> to vector<512x4096xf32>
    %eq3A_28 = arith.cmpf oeq, %add3A_25, %eq3A : vector<512x4096xf32>
    %jit3A = arith.constant 4.096000e+03 : f32
    %broadcast_in_dim3A_29 = vector.shape_cast %convert_element_type3A : vector<1x4096xf32> to vector<1x4096xf32>
    %broadcast_in_dim3A_30 = vector.broadcast %broadcast_in_dim3A_29 : vector<1x4096xf32> to vector<512x4096xf32>
    %broadcast_in_dim3A_31 = vector.broadcast %jit3A : f32 to vector<512x4096xf32>
    %select_n3A = arith.select %eq3A_28, %broadcast_in_dim3A_30, %broadcast_in_dim3A_31 : vector<512x4096xi1>, vector<512x4096xf32>
    %reduce_min3A_32 = arith.constant dense<0x7F800000> : vector<512xf32>
    %reduce_min3A_33 = vector.multi_reduction <minimumf>, %select_n3A, %reduce_min3A_32 [1] : vector<512x4096xf32> to vector<512xf32>
    %broadcast_in_dim3A_34 = vector.shape_cast %reduce_min3A_33 : vector<512xf32> to vector<512x1xf32>
    %convert_element_type3A_35 = arith.fptosi %broadcast_in_dim3A_34 : vector<512x1xf32> to vector<512x1xi32>
    %swap3A_36 = arith.constant 0 : index
    %swap3A_37 = arith.constant 0 : index
    %swap3A_38 = vector.load %arg7[%swap3A_36, %swap3A_37] : memref<512x1xi32, #tpu.memory_space<vmem>>, vector<512x1xi32>
    tpu.vector_store %arg7[%swap3A_36, %swap3A_37], %convert_element_type3A_35 {strides = array<i32>} : memref<512x1xi32, #tpu.memory_space<vmem>>, vector<512x1xi32>,
    %reduce_sum3A_39 = vector.shape_cast %broadcast_in_dim3A_27 : vector<512x1xf32> to vector<1x512x1xf32>
    %reduce_sum3A_40 = arith.constant dense<0.000000e+00> : vector<1xf32>
    %reduce_sum3A_41 = vector.multi_reduction <add>, %reduce_sum3A_39, %reduce_sum3A_40 [1, 2] : vector<1x512x1xf32> to vector<1xf32>
    %reduce_sum3A_42 = vector.shape_cast %reduce_sum3A_41 : vector<1xf32> to vector<1x1x1xf32>
    %reduce_sum3A_43 = vector.extract %reduce_sum3A_42[0, 0, 0] : f32 from vector<1x1x1xf32>
    %broadcast_in_dim3A_44 = vector.broadcast %reduce_sum3A_43 : f32 to vector<1x1xf32>
    %eq3A_45 = arith.constant 0 : i32
    %eq3A_46 = arith.cmpi eq, %arg0, %eq3A_45 : i32
    %convert_element_type3A_47 = arith.extui %eq3A_46 : i1 to i32
    %cond3A = arith.constant 0 : i32
    %cond3A_48 = arith.cmpi ne, %convert_element_type3A_47, %cond3A : i32
    scf.if %cond3A_48 {
      %swap3A_53 = arith.constant 0 : index
      %swap3A_54 = arith.constant 0 : index
      %swap3A_55 = vector.load %arg8[%swap3A_53, %swap3A_54] : memref<1x1xf32, #tpu.memory_space<vmem>>, vector<1x1xf32>
      tpu.vector_store %arg8[%swap3A_53, %swap3A_54], %broadcast_in_dim3A_44 {strides = array<i32>} : memref<1x1xf32, #tpu.memory_space<vmem>>, vector<1x1xf32>,
    } else {
    }
    %ne3A = arith.constant 0 : i32
    %ne3A_49 = arith.cmpi ne, %arg0, %ne3A : i32
    %convert_element_type3A_50 = arith.extui %ne3A_49 : i1 to i32
    %cond3A_51 = arith.constant 0 : i32
    %cond3A_52 = arith.cmpi ne, %convert_element_type3A_50, %cond3A_51 : i32
    scf.if %cond3A_52 {
      %get3A_53 = arith.constant 0 : index
      %get3A_54 = arith.constant 0 : index
      %get3A_55 = vector.load %arg8[%get3A_53, %get3A_54] : memref<1x1xf32, #tpu.memory_space<vmem>>, vector<1x1xf32>
      %add3A_56 = arith.addf %get3A_55, %broadcast_in_dim3A_44 : vector<1x1xf32>
      %swap3A_57 = arith.constant 0 : index
      %swap3A_58 = arith.constant 0 : index
      %swap3A_59 = vector.load %arg8[%swap3A_57, %swap3A_58] : memref<1x1xf32, #tpu.memory_space<vmem>>, vector<1x1xf32>
      tpu.vector_store %arg8[%swap3A_57, %swap3A_58], %add3A_56 {strides = array<i32>} : memref<1x1xf32, #tpu.memory_space<vmem>>, vector<1x1xf32>,
    } else {
    }
    return
  }
  func.func @transform_0(%arg0: i32) -> (i32, i32) {
    %c0_i32 = arith.constant 0 : i32
    %c0_i32_0 = arith.constant 0 : i32
    return %arg0, %c0_i32 : i32, i32
  }
  func.func @transform_1(%arg0: i32) -> (i32, i32) {
    %c0_i32 = arith.constant 0 : i32
    %c0_i32_0 = arith.constant 0 : i32
    return %arg0, %c0_i32 : i32, i32
  }
  func.func @transform_2(%arg0: i32) -> (i32, i32) {
    %c0_i32 = arith.constant 0 : i32
    %c0_i32_0 = arith.constant 0 : i32
    %c0_i32_1 = arith.constant 0 : i32
    return %c0_i32, %c0_i32_0 : i32, i32
  }
  func.func @transform_3(%arg0: i32) -> (i32, i32) {
    %c0_i32 = arith.constant 0 : i32
    %c0_i32_0 = arith.constant 0 : i32
    %c0_i32_1 = arith.constant 0 : i32
    return %c0_i32, %c0_i32_0 : i32, i32
  }
  func.func @transform_4(%arg0: i32) -> (i32, i32) {
    %c0_i32 = arith.constant 0 : i32
    %c0_i32_0 = arith.constant 0 : i32
    return %arg0, %c0_i32 : i32, i32
  }
  func.func @transform_5(%arg0: i32) -> (i32, i32) {
    %c0_i32 = arith.constant 0 : i32
    %c0_i32_0 = arith.constant 0 : i32
    return %arg0, %c0_i32 : i32, i32
  }
  func.func @transform_6(%arg0: i32) -> (i32, i32) {
    %c0_i32 = arith.constant 0 : i32
    %c0_i32_0 = arith.constant 0 : i32
    return %arg0, %c0_i32 : i32, i32
  }
  func.func @transform_7(%arg0: i32) -> (i32, i32) {
    %c0_i32 = arith.constant 0 : i32
    %c0_i32_0 = arith.constant 0 : i32
    %c0_i32_1 = arith.constant 0 : i32
    return %c0_i32, %c0_i32_0 : i32, i32
  }
}

module attributes {stable_mosaic.version = 14 : i64} {
  func.func @_layerN_body(%arg0: i32, %arg1: memref<512x256xf32, #tpu.memory_space<vmem>>, %arg2: memref<512x256xf32, #tpu.memory_space<vmem>>, %arg3: memref<512x256xf32, #tpu.memory_space<vmem>>, %arg4: memref<4096x256xf32, #tpu.memory_space<vmem>>, %arg5: memref<1x4096xf32, #tpu.memory_space<vmem>>, %arg6: memref<512x256xf32, #tpu.memory_space<vmem>>, %arg7: memref<512x256xf32, #tpu.memory_space<vmem>>, %arg8: memref<512x1xi32, #tpu.memory_space<vmem>>, %arg9: memref<1x1xf32, #tpu.memory_space<vmem>>) attributes {dimension_semantics = [#tpu.dimension_semantics<arbitrary>], iteration_bounds = array<i64: 16>, scalar_prefetch = 0 : i64, scratch_operands = 0 : i64, tpu.core_type = #tpu.core_type<tc>, window_params = [{transform_indices = @transform_0, window_bounds = array<i64: 512, 256>}, {transform_indices = @transform_1, window_bounds = array<i64: 512, 256>}, {transform_indices = @transform_2, window_bounds = array<i64: 512, 256>}, {pipeline_mode = #tpu.pipeline_mode<synchronous>, transform_indices = @transform_3, window_bounds = array<i64: 4096, 256>}, {pipeline_mode = #tpu.pipeline_mode<synchronous>, transform_indices = @transform_4, window_bounds = array<i64: 1, 4096>}, {transform_indices = @transform_5, window_bounds = array<i64: 512, 256>}, {transform_indices = @transform_6, window_bounds = array<i64: 512, 256>}, {transform_indices = @transform_7, window_bounds = array<i64: 512, 1>}, {pipeline_mode = #tpu.pipeline_mode<synchronous>, transform_indices = @transform_8, window_bounds = array<i64: 1, 1>}]} {
    %get3A = arith.constant 0 : index
    %get3A_0 = arith.constant 0 : index
    %get3A_1 = vector.load %arg1[%get3A, %get3A_0] : memref<512x256xf32, #tpu.memory_space<vmem>>, vector<512x256xf32>
    %get3A_2 = arith.constant 0 : index
    %get3A_3 = arith.constant 0 : index
    %get3A_4 = vector.load %arg2[%get3A_2, %get3A_3] : memref<512x256xf32, #tpu.memory_space<vmem>>, vector<512x256xf32>
    %sub3A = arith.subf %get3A_4, %get3A_1 : vector<512x256xf32>
    %add3A = arith.addf %get3A_1, %sub3A : vector<512x256xf32>
    %get3A_5 = arith.constant 0 : index
    %get3A_6 = arith.constant 0 : index
    %get3A_7 = vector.load %arg3[%get3A_5, %get3A_6] : memref<512x256xf32, #tpu.memory_space<vmem>>, vector<512x256xf32>
    %add3A_8 = arith.addf %get3A_7, %add3A : vector<512x256xf32>
    %swap3A = arith.constant 0 : index
    %swap3A_9 = arith.constant 0 : index
    %swap3A_10 = vector.load %arg7[%swap3A, %swap3A_9] : memref<512x256xf32, #tpu.memory_space<vmem>>, vector<512x256xf32>
    tpu.vector_store %arg7[%swap3A, %swap3A_9], %add3A_8 {strides = array<i32>} : memref<512x256xf32, #tpu.memory_space<vmem>>, vector<512x256xf32>,
    %sub3A_11 = arith.subf %get3A_1, %add3A : vector<512x256xf32>
    %swap3A_12 = arith.constant 0 : index
    %swap3A_13 = arith.constant 0 : index
    %swap3A_14 = vector.load %arg6[%swap3A_12, %swap3A_13] : memref<512x256xf32, #tpu.memory_space<vmem>>, vector<512x256xf32>
    tpu.vector_store %arg6[%swap3A_12, %swap3A_13], %sub3A_11 {strides = array<i32>} : memref<512x256xf32, #tpu.memory_space<vmem>>, vector<512x256xf32>,
    %get3A_15 = arith.constant 0 : index
    %get3A_16 = arith.constant 0 : index
    %get3A_17 = vector.load %arg4[%get3A_15, %get3A_16] : memref<4096x256xf32, #tpu.memory_space<vmem>>, vector<4096x256xf32>
    %get3A_18 = arith.constant 0 : index
    %get3A_19 = arith.constant 0 : index
    %get3A_20 = vector.load %arg5[%get3A_18, %get3A_19] : memref<1x4096xf32, #tpu.memory_space<vmem>>, vector<1x4096xf32>
    %mul3A = arith.constant -2.000000e+00 : f32
    %mul3A_21 = vector.broadcast %mul3A : f32 to vector<512x256xf32>
    %mul3A_22 = arith.mulf %sub3A_11, %mul3A_21 : vector<512x256xf32>
    %dot_general3A = arith.constant dense<0.000000e+00> : vector<512x4096xf32>
    %dot_general3A_23 = tpu.matmul %mul3A_22, %get3A_17, %dot_general3A {dimension_numbers = #tpu.dot_dimension_numbers<[1], [1], [0], [0], [0, 0, 1, 0], [], []>, transpose_lhs_hint = false} : vector<512x256xf32>, vector<4096x256xf32>, vector<512x4096xf32> -> vector<512x4096xf32>
    %mul3A_24 = arith.mulf %sub3A_11, %sub3A_11 : vector<512x256xf32>
    %reduce_sum3A = arith.constant dense<0.000000e+00> : vector<512xf32>
    %reduce_sum3A_25 = vector.multi_reduction <add>, %mul3A_24, %reduce_sum3A [1] : vector<512x256xf32> to vector<512xf32>
    %broadcast_in_dim3A = vector.shape_cast %reduce_sum3A_25 : vector<512xf32> to vector<512x1xf32>
    %add3A_26 = vector.broadcast %broadcast_in_dim3A : vector<512x1xf32> to vector<512x4096xf32>
    %add3A_27 = arith.addf %add3A_26, %dot_general3A_23 : vector<512x4096xf32>
    %add3A_28 = vector.broadcast %get3A_20 : vector<1x4096xf32> to vector<512x4096xf32>
    %add3A_29 = arith.addf %add3A_27, %add3A_28 : vector<512x4096xf32>
    %reduce_min3A = arith.constant dense<0x7F800000> : vector<512xf32>
    %reduce_min3A_30 = vector.multi_reduction <minimumf>, %add3A_29, %reduce_min3A [1] : vector<512x4096xf32> to vector<512xf32>
    %broadcast_in_dim3A_31 = vector.shape_cast %reduce_min3A_30 : vector<512xf32> to vector<512x1xf32>
    %iota3A = tpu.iota {dimensions = array<i32: 1>} : vector<1x4096xi32>
    %convert_element_type3A = arith.sitofp %iota3A : vector<1x4096xi32> to vector<1x4096xf32>
    %eq3A = vector.broadcast %broadcast_in_dim3A_31 : vector<512x1xf32> to vector<512x4096xf32>
    %eq3A_32 = arith.cmpf oeq, %add3A_29, %eq3A : vector<512x4096xf32>
    %jit3A = arith.constant 4.096000e+03 : f32
    %broadcast_in_dim3A_33 = vector.shape_cast %convert_element_type3A : vector<1x4096xf32> to vector<1x4096xf32>
    %broadcast_in_dim3A_34 = vector.broadcast %broadcast_in_dim3A_33 : vector<1x4096xf32> to vector<512x4096xf32>
    %broadcast_in_dim3A_35 = vector.broadcast %jit3A : f32 to vector<512x4096xf32>
    %select_n3A = arith.select %eq3A_32, %broadcast_in_dim3A_34, %broadcast_in_dim3A_35 : vector<512x4096xi1>, vector<512x4096xf32>
    %reduce_min3A_36 = arith.constant dense<0x7F800000> : vector<512xf32>
    %reduce_min3A_37 = vector.multi_reduction <minimumf>, %select_n3A, %reduce_min3A_36 [1] : vector<512x4096xf32> to vector<512xf32>
    %broadcast_in_dim3A_38 = vector.shape_cast %reduce_min3A_37 : vector<512xf32> to vector<512x1xf32>
    %convert_element_type3A_39 = arith.fptosi %broadcast_in_dim3A_38 : vector<512x1xf32> to vector<512x1xi32>
    %swap3A_40 = arith.constant 0 : index
    %swap3A_41 = arith.constant 0 : index
    %swap3A_42 = vector.load %arg8[%swap3A_40, %swap3A_41] : memref<512x1xi32, #tpu.memory_space<vmem>>, vector<512x1xi32>
    tpu.vector_store %arg8[%swap3A_40, %swap3A_41], %convert_element_type3A_39 {strides = array<i32>} : memref<512x1xi32, #tpu.memory_space<vmem>>, vector<512x1xi32>,
    %reduce_sum3A_43 = vector.shape_cast %broadcast_in_dim3A_31 : vector<512x1xf32> to vector<1x512x1xf32>
    %reduce_sum3A_44 = arith.constant dense<0.000000e+00> : vector<1xf32>
    %reduce_sum3A_45 = vector.multi_reduction <add>, %reduce_sum3A_43, %reduce_sum3A_44 [1, 2] : vector<1x512x1xf32> to vector<1xf32>
    %reduce_sum3A_46 = vector.shape_cast %reduce_sum3A_45 : vector<1xf32> to vector<1x1x1xf32>
    %reduce_sum3A_47 = vector.extract %reduce_sum3A_46[0, 0, 0] : f32 from vector<1x1x1xf32>
    %broadcast_in_dim3A_48 = vector.broadcast %reduce_sum3A_47 : f32 to vector<1x1xf32>
    %eq3A_49 = arith.constant 0 : i32
    %eq3A_50 = arith.cmpi eq, %arg0, %eq3A_49 : i32
    %convert_element_type3A_51 = arith.extui %eq3A_50 : i1 to i32
    %cond3A = arith.constant 0 : i32
    %cond3A_52 = arith.cmpi ne, %convert_element_type3A_51, %cond3A : i32
    scf.if %cond3A_52 {
      %swap3A_57 = arith.constant 0 : index
      %swap3A_58 = arith.constant 0 : index
      %swap3A_59 = vector.load %arg9[%swap3A_57, %swap3A_58] : memref<1x1xf32, #tpu.memory_space<vmem>>, vector<1x1xf32>
      tpu.vector_store %arg9[%swap3A_57, %swap3A_58], %broadcast_in_dim3A_48 {strides = array<i32>} : memref<1x1xf32, #tpu.memory_space<vmem>>, vector<1x1xf32>,
    } else {
    }
    %ne3A = arith.constant 0 : i32
    %ne3A_53 = arith.cmpi ne, %arg0, %ne3A : i32
    %convert_element_type3A_54 = arith.extui %ne3A_53 : i1 to i32
    %cond3A_55 = arith.constant 0 : i32
    %cond3A_56 = arith.cmpi ne, %convert_element_type3A_54, %cond3A_55 : i32
    scf.if %cond3A_56 {
      %get3A_57 = arith.constant 0 : index
      %get3A_58 = arith.constant 0 : index
      %get3A_59 = vector.load %arg9[%get3A_57, %get3A_58] : memref<1x1xf32, #tpu.memory_space<vmem>>, vector<1x1xf32>
      %add3A_60 = arith.addf %get3A_59, %broadcast_in_dim3A_48 : vector<1x1xf32>
      %swap3A_61 = arith.constant 0 : index
      %swap3A_62 = arith.constant 0 : index
      %swap3A_63 = vector.load %arg9[%swap3A_61, %swap3A_62] : memref<1x1xf32, #tpu.memory_space<vmem>>, vector<1x1xf32>
      tpu.vector_store %arg9[%swap3A_61, %swap3A_62], %add3A_60 {strides = array<i32>} : memref<1x1xf32, #tpu.memory_space<vmem>>, vector<1x1xf32>,
    } else {
    }
    return
  }
  func.func @transform_0(%arg0: i32) -> (i32, i32) {
    %c0_i32 = arith.constant 0 : i32
    %c0_i32_0 = arith.constant 0 : i32
    return %arg0, %c0_i32 : i32, i32
  }
  func.func @transform_1(%arg0: i32) -> (i32, i32) {
    %c0_i32 = arith.constant 0 : i32
    %c0_i32_0 = arith.constant 0 : i32
    return %arg0, %c0_i32 : i32, i32
  }
  func.func @transform_2(%arg0: i32) -> (i32, i32) {
    %c0_i32 = arith.constant 0 : i32
    %c0_i32_0 = arith.constant 0 : i32
    return %arg0, %c0_i32 : i32, i32
  }
  func.func @transform_3(%arg0: i32) -> (i32, i32) {
    %c0_i32 = arith.constant 0 : i32
    %c0_i32_0 = arith.constant 0 : i32
    %c0_i32_1 = arith.constant 0 : i32
    return %c0_i32, %c0_i32_0 : i32, i32
  }
  func.func @transform_4(%arg0: i32) -> (i32, i32) {
    %c0_i32 = arith.constant 0 : i32
    %c0_i32_0 = arith.constant 0 : i32
    %c0_i32_1 = arith.constant 0 : i32
    return %c0_i32, %c0_i32_0 : i32, i32
  }
  func.func @transform_5(%arg0: i32) -> (i32, i32) {
    %c0_i32 = arith.constant 0 : i32
    %c0_i32_0 = arith.constant 0 : i32
    return %arg0, %c0_i32 : i32, i32
  }
  func.func @transform_6(%arg0: i32) -> (i32, i32) {
    %c0_i32 = arith.constant 0 : i32
    %c0_i32_0 = arith.constant 0 : i32
    return %arg0, %c0_i32 : i32, i32
  }
  func.func @transform_7(%arg0: i32) -> (i32, i32) {
    %c0_i32 = arith.constant 0 : i32
    %c0_i32_0 = arith.constant 0 : i32
    return %arg0, %c0_i32 : i32, i32
  }
  func.func @transform_8(%arg0: i32) -> (i32, i32) {
    %c0_i32 = arith.constant 0 : i32
    %c0_i32_0 = arith.constant 0 : i32
    %c0_i32_1 = arith.constant 0 : i32
    return %c0_i32, %c0_i32_0 : i32, i32
  }
}

module attributes {stable_mosaic.version = 14 : i64} {
  func.func @_final_body(%arg0: i32, %arg1: memref<512x256xf32, #tpu.memory_space<vmem>>, %arg2: memref<512x256xf32, #tpu.memory_space<vmem>>, %arg3: memref<512x256xf32, #tpu.memory_space<vmem>>, %arg4: memref<4x2x4096xf32, #tpu.memory_space<vmem>>, %arg5: memref<1x4xf32, #tpu.memory_space<vmem>>, %arg6: memref<512x256xf32, #tpu.memory_space<vmem>>, %arg7: memref<1x1xf32, #tpu.memory_space<vmem>>, %arg8: memref<1x1xf32, #tpu.memory_space<vmem>>) attributes {dimension_semantics = [#tpu.dimension_semantics<arbitrary>], iteration_bounds = array<i64: 16>, scalar_prefetch = 0 : i64, scratch_operands = 0 : i64, tpu.core_type = #tpu.core_type<tc>, window_params = [{transform_indices = @transform_0, window_bounds = array<i64: 512, 256>}, {transform_indices = @transform_1, window_bounds = array<i64: 512, 256>}, {transform_indices = @transform_2, window_bounds = array<i64: 512, 256>}, {pipeline_mode = #tpu.pipeline_mode<synchronous>, transform_indices = @transform_3, window_bounds = array<i64: 4, 2, 4096>}, {pipeline_mode = #tpu.pipeline_mode<synchronous>, transform_indices = @transform_4, window_bounds = array<i64: 1, 4>}, {transform_indices = @transform_5, window_bounds = array<i64: 512, 256>}, {pipeline_mode = #tpu.pipeline_mode<synchronous>, transform_indices = @transform_6, window_bounds = array<i64: 1, 1>}, {pipeline_mode = #tpu.pipeline_mode<synchronous>, transform_indices = @transform_7, window_bounds = array<i64: 1, 1>}]} {
    %get3A = arith.constant 0 : index
    %get3A_0 = arith.constant 0 : index
    %get3A_1 = vector.load %arg1[%get3A, %get3A_0] : memref<512x256xf32, #tpu.memory_space<vmem>>, vector<512x256xf32>
    %get3A_2 = arith.constant 0 : index
    %get3A_3 = arith.constant 0 : index
    %get3A_4 = vector.load %arg2[%get3A_2, %get3A_3] : memref<512x256xf32, #tpu.memory_space<vmem>>, vector<512x256xf32>
    %sub3A = arith.subf %get3A_4, %get3A_1 : vector<512x256xf32>
    %add3A = arith.addf %get3A_1, %sub3A : vector<512x256xf32>
    %get3A_5 = arith.constant 0 : index
    %get3A_6 = arith.constant 0 : index
    %get3A_7 = vector.load %arg3[%get3A_5, %get3A_6] : memref<512x256xf32, #tpu.memory_space<vmem>>, vector<512x256xf32>
    %add3A_8 = arith.addf %get3A_7, %add3A : vector<512x256xf32>
    %swap3A = arith.constant 0 : index
    %swap3A_9 = arith.constant 0 : index
    %swap3A_10 = vector.load %arg6[%swap3A, %swap3A_9] : memref<512x256xf32, #tpu.memory_space<vmem>>, vector<512x256xf32>
    tpu.vector_store %arg6[%swap3A, %swap3A_9], %add3A_8 {strides = array<i32>} : memref<512x256xf32, #tpu.memory_space<vmem>>, vector<512x256xf32>,
    %eq3A = arith.constant 15 : i32
    %eq3A_11 = arith.cmpi eq, %arg0, %eq3A : i32
    %convert_element_type3A = arith.extui %eq3A_11 : i1 to i32
    %cond3A = arith.constant 0 : i32
    %cond3A_12 = arith.cmpi ne, %convert_element_type3A, %cond3A : i32
    scf.if %cond3A_12 {
      %get3A_18 = arith.constant 0 : index
      %get3A_19 = arith.constant 0 : index
      %get3A_20 = arith.constant 0 : index
      %get3A_21 = vector.load %arg4[%get3A_18, %get3A_19, %get3A_20] : memref<4x2x4096xf32, #tpu.memory_space<vmem>>, vector<4x2x4096xf32>
      %slice3A = vector.extract_strided_slice %get3A_21 {offsets = [0, 0, 0], sizes = [4, 1, 4096], strides = [1, 1, 1]} : vector<4x2x4096xf32> to vector<4x1x4096xf32>
      %squeeze3A = vector.shape_cast %slice3A : vector<4x1x4096xf32> to vector<4x4096xf32>
      %slice3A_22 = vector.extract_strided_slice %get3A_21 {offsets = [0, 1, 0], sizes = [4, 1, 4096], strides = [1, 1, 1]} : vector<4x2x4096xf32> to vector<4x1x4096xf32>
      %squeeze3A_23 = vector.shape_cast %slice3A_22 : vector<4x1x4096xf32> to vector<4x4096xf32>
      %add3A_24 = arith.addf %squeeze3A, %squeeze3A_23 : vector<4x4096xf32>
      %mul3A = arith.constant 1.22070313E-4 : f32
      %mul3A_25 = vector.broadcast %mul3A : f32 to vector<4x4096xf32>
      %mul3A_26 = arith.mulf %add3A_24, %mul3A_25 : vector<4x4096xf32>
      %add3A_27 = arith.constant 1.000000e-10 : f32
      %add3A_28 = vector.broadcast %add3A_27 : f32 to vector<4x4096xf32>
      %add3A_29 = arith.addf %mul3A_26, %add3A_28 : vector<4x4096xf32>
      %log3A = math.log %add3A_29 : vector<4x4096xf32>
      %mul3A_30 = arith.mulf %mul3A_26, %log3A : vector<4x4096xf32>
      %reduce_sum3A = arith.constant dense<0.000000e+00> : vector<4xf32>
      %reduce_sum3A_31 = vector.multi_reduction <add>, %mul3A_30, %reduce_sum3A [1] : vector<4x4096xf32> to vector<4xf32>
      %broadcast_in_dim3A = vector.shape_cast %reduce_sum3A_31 : vector<4xf32> to vector<4x1xf32>
      %neg3A = arith.constant 0.000000e+00 : f32
      %neg3A_32 = vector.broadcast %neg3A : f32 to vector<4x1xf32>
      %neg3A_33 = arith.subf %neg3A_32, %broadcast_in_dim3A : vector<4x1xf32>
      %exp3A = math.exp %neg3A_33 : vector<4x1xf32>
      %reduce_sum3A_34 = vector.shape_cast %exp3A : vector<4x1xf32> to vector<1x4x1xf32>
      %reduce_sum3A_35 = arith.constant dense<0.000000e+00> : vector<1xf32>
      %reduce_sum3A_36 = vector.multi_reduction <add>, %reduce_sum3A_34, %reduce_sum3A_35 [1, 2] : vector<1x4x1xf32> to vector<1xf32>
      %reduce_sum3A_37 = vector.shape_cast %reduce_sum3A_36 : vector<1xf32> to vector<1x1x1xf32>
      %reduce_sum3A_38 = vector.extract %reduce_sum3A_37[0, 0, 0] : f32 from vector<1x1x1xf32>
      %broadcast_in_dim3A_39 = vector.broadcast %reduce_sum3A_38 : f32 to vector<1x1xf32>
      %mul3A_40 = arith.constant 2.500000e-01 : f32
      %mul3A_41 = vector.broadcast %mul3A_40 : f32 to vector<1x1xf32>
      %mul3A_42 = arith.mulf %broadcast_in_dim3A_39, %mul3A_41 : vector<1x1xf32>
      %swap3A_43 = arith.constant 0 : index
      %swap3A_44 = arith.constant 0 : index
      %swap3A_45 = vector.load %arg8[%swap3A_43, %swap3A_44] : memref<1x1xf32, #tpu.memory_space<vmem>>, vector<1x1xf32>
      tpu.vector_store %arg8[%swap3A_43, %swap3A_44], %mul3A_42 {strides = array<i32>} : memref<1x1xf32, #tpu.memory_space<vmem>>, vector<1x1xf32>,
      %get3A_46 = arith.constant 0 : index
      %get3A_47 = arith.constant 0 : index
      %get3A_48 = vector.load %arg5[%get3A_46, %get3A_47] : memref<1x4xf32, #tpu.memory_space<vmem>>, vector<1x4xf32>
      %mul3A_49 = arith.constant 1.1920929E-7 : f32
      %mul3A_50 = vector.broadcast %mul3A_49 : f32 to vector<1x4xf32>
      %mul3A_51 = arith.mulf %get3A_48, %mul3A_50 : vector<1x4xf32>
      %reduce_sum3A_52 = vector.shape_cast %mul3A_51 : vector<1x4xf32> to vector<1x1x4xf32>
      %reduce_sum3A_53 = arith.constant dense<0.000000e+00> : vector<1xf32>
      %reduce_sum3A_54 = vector.multi_reduction <add>, %reduce_sum3A_52, %reduce_sum3A_53 [1, 2] : vector<1x1x4xf32> to vector<1xf32>
      %reduce_sum3A_55 = vector.shape_cast %reduce_sum3A_54 : vector<1xf32> to vector<1x1x1xf32>
      %reduce_sum3A_56 = vector.extract %reduce_sum3A_55[0, 0, 0] : f32 from vector<1x1x1xf32>
      %broadcast_in_dim3A_57 = vector.broadcast %reduce_sum3A_56 : f32 to vector<1x1xf32>
      %swap3A_58 = arith.constant 0 : index
      %swap3A_59 = arith.constant 0 : index
      %swap3A_60 = vector.load %arg7[%swap3A_58, %swap3A_59] : memref<1x1xf32, #tpu.memory_space<vmem>>, vector<1x1xf32>
      tpu.vector_store %arg7[%swap3A_58, %swap3A_59], %broadcast_in_dim3A_57 {strides = array<i32>} : memref<1x1xf32, #tpu.memory_space<vmem>>, vector<1x1xf32>,
    } else {
    }
    %eq3A_13 = arith.constant 0 : i32
    %eq3A_14 = arith.cmpi eq, %arg0, %eq3A_13 : i32
    %convert_element_type3A_15 = arith.extui %eq3A_14 : i1 to i32
    %cond3A_16 = arith.constant 0 : i32
    %cond3A_17 = arith.cmpi ne, %convert_element_type3A_15, %cond3A_16 : i32
    scf.if %cond3A_17 {
      %broadcast_in_dim3A = arith.constant 0.000000e+00 : f32
      %broadcast_in_dim3A_18 = vector.broadcast %broadcast_in_dim3A : f32 to vector<1x1xf32>
      %swap3A_19 = arith.constant 0 : index
      %swap3A_20 = arith.constant 0 : index
      %swap3A_21 = vector.load %arg7[%swap3A_19, %swap3A_20] : memref<1x1xf32, #tpu.memory_space<vmem>>, vector<1x1xf32>
      tpu.vector_store %arg7[%swap3A_19, %swap3A_20], %broadcast_in_dim3A_18 {strides = array<i32>} : memref<1x1xf32, #tpu.memory_space<vmem>>, vector<1x1xf32>,
      %broadcast_in_dim3A_22 = arith.constant 0.000000e+00 : f32
      %broadcast_in_dim3A_23 = vector.broadcast %broadcast_in_dim3A_22 : f32 to vector<1x1xf32>
      %swap3A_24 = arith.constant 0 : index
      %swap3A_25 = arith.constant 0 : index
      %swap3A_26 = vector.load %arg8[%swap3A_24, %swap3A_25] : memref<1x1xf32, #tpu.memory_space<vmem>>, vector<1x1xf32>
      tpu.vector_store %arg8[%swap3A_24, %swap3A_25], %broadcast_in_dim3A_23 {strides = array<i32>} : memref<1x1xf32, #tpu.memory_space<vmem>>, vector<1x1xf32>,
    } else {
    }
    return
  }
  func.func @transform_0(%arg0: i32) -> (i32, i32) {
    %c0_i32 = arith.constant 0 : i32
    %c0_i32_0 = arith.constant 0 : i32
    return %arg0, %c0_i32 : i32, i32
  }
  func.func @transform_1(%arg0: i32) -> (i32, i32) {
    %c0_i32 = arith.constant 0 : i32
    %c0_i32_0 = arith.constant 0 : i32
    return %arg0, %c0_i32 : i32, i32
  }
  func.func @transform_2(%arg0: i32) -> (i32, i32) {
    %c0_i32 = arith.constant 0 : i32
    %c0_i32_0 = arith.constant 0 : i32
    return %arg0, %c0_i32 : i32, i32
  }
  func.func @transform_3(%arg0: i32) -> (i32, i32, i32) {
    %c0_i32 = arith.constant 0 : i32
    %c0_i32_0 = arith.constant 0 : i32
    %c0_i32_1 = arith.constant 0 : i32
    %c0_i32_2 = arith.constant 0 : i32
    return %c0_i32, %c0_i32_0, %c0_i32_1 : i32, i32, i32
  }
  func.func @transform_4(%arg0: i32) -> (i32, i32) {
    %c0_i32 = arith.constant 0 : i32
    %c0_i32_0 = arith.constant 0 : i32
    %c0_i32_1 = arith.constant 0 : i32
    return %c0_i32, %c0_i32_0 : i32, i32
  }
  func.func @transform_5(%arg0: i32) -> (i32, i32) {
    %c0_i32 = arith.constant 0 : i32
    %c0_i32_0 = arith.constant 0 : i32
    return %arg0, %c0_i32 : i32, i32
  }
  func.func @transform_6(%arg0: i32) -> (i32, i32) {
    %c0_i32 = arith.constant 0 : i32
    %c0_i32_0 = arith.constant 0 : i32
    %c0_i32_1 = arith.constant 0 : i32
    return %c0_i32, %c0_i32_0 : i32, i32
  }
  func.func @transform_7(%arg0: i32) -> (i32, i32) {
    %c0_i32 = arith.constant 0 : i32
    %c0_i32_0 = arith.constant 0 : i32
    %c0_i32_1 = arith.constant 0 : i32
    return %c0_i32, %c0_i32_0 : i32, i32
  }
}

</mosaic_0001>

<sc_bundles>
// kernel: kernel.12.cloned.1.call-start
scs
__scs_entry_jumppad:
0x0: {  	(pc) =	sbr.rel $0x88, $3  }
0x1: {  	(tag) =	ssettag $0x0;
	lr =	simm.s32 $0x1  }
0x2: {  	[smem:$0x3F9F] =	sst lr;
	_ =	strace $0xD0000000  }
0x3: {  	_ = 	snop  }
0x4: {  	_ = 	snop  }
0x5: {  	_ = 	snop  }
0x6: {  	_ = 	snop  }
0x7: {  	_ = 	snop  }
__scs_overlays_trampoline_lowered:
0x8: {  	[smem:$0x3FAE] =	sst s0  }
0x9: {  	[smem:$0x3FAF] =	sst s1  }
0xa: {  	[smem:$0x3FB0] =	sst s2  }
0xb: {  	[smem:$0x3FB1] =	sst s3  }
0xc: {  	[smem:$0x3FB2] =	sst s4  }
0xd: {  	[smem:$0x3FB3] =	sst s5  }
0xe: {  	[smem:$0x3FB4] =	sst s6  }
0xf: {  	[smem:$0x3FB5] =	sst s7  }
0x10: {  	[smem:$0x3FB6] =	sst s8  }
0x11: {  	[smem:$0x3FB7] =	sst s9;
	s0 =	simm.s32 @!p0 $0x0  }
0x12: {  	s1 =	sld [smem:$0x3F9D];
	s0 =	simm.s32 @p0 $0x1  }
0x13: {  	[smem:$0x3FB8] =	sst s0;
	s0 =	simm.s32 @!p1 $0x0  }
0x14: {  	s2 =	sld [smem:$0x3F9C];
	s0 =	simm.s32 @p1 $0x1  }
0x15: {  	[smem:$0x3FB9] =	sst s0;
	s0 =	simm.s32 @!p2 $0x0  }
0x16: {  	s3 =	sld [smem:$0x3FDB];
	s0 =	simm.s32 @p2 $0x1  }
0x17: {  	s4 =	simm.s32 $0x1BF5;
	[smem:$0x3FBB] =	sst s0  }
0x18: {  	s0 =	sld [smem:$0x3F9E];
	_ =	swait.ge [sflag:s4], $0x0  }
0x19: {  	s7 =	sld [smem:$0x3F9F]  }
0x1a: {  	s8 =	sadd.s32 $0xFFFFE003, lr  }
0x1b: {  	s9 =	sadd.s32 $0xFFFFFEF7, lr;
	s5 =	simm.s32 $0xFFFFFFFF;
	p2 =	slt.u32 s8, $0xFFFFF086  }
0x1c: {  	p1 =	slt.u32 s9, $0xF7A;
	s5 =	simm.s32 @!p2 $0x0  }
0x1d: {  	s5 =	simm.s32 @p1 $0x1;
	p0 =	seq.s32 s7, s2  }
0x1e: {  	s7 =	smul.u32 @!p0 $0xF7A, s2;
	p2 =	seq.s32 @!p0 s5, $0x0  }
0x1f: {  	s9 =	smul.u32 $0xF7A, s1;
	s8 =	simm.s32 @!p0 $0x1BF5;
	p2 =	por !p2, p0  }
0x20: {  	[sflag:s8] =	ssyncset.s32 @!p0 $0xFFFFF086;
	s6 =	sadd.s32 @!p0 s3, s7;
	s7 =	simm.s32 @!p0 $0x108  }
0x21: {  	s3 =	sadd.s32 s3, s9;
	s6 =	sadd.s32 @!p0 $0x88, s6;
	s7 =	simm.s32 @p2 $0x1082  }
0x22: {  	[simem:s7], [sflag:s8] =	dma.local @!p0 [hbm:s6], $0xF7A  }
0x23: {  	s9 =	sor.u32 $0xD0000000, s2;
	s6 =	simm.s32 $0x108;
	_ =	swait.ge @!p0 [sflag:s8], $0x0  }
0x24: {  	s3 =	sadd.s32 $0x88, s3;
	s6 =	simm.s32 @!p1 $0x1082;
	[sflag:s4] =	ssyncset.s32 $0xFFFFF086  }
0x25: {  	[simem:s6], [sflag:s4] =	dma.local [hbm:s3], $0xF7A  }
0x26: {  	[smem:$0x3F9F] =	sst s1;
	(tag) =	ssettag s2;
	_ =	strace s9  }
0x27: {  	s1 =	sld [smem:$0x3FAF]  }
0x28: {  	s2 =	sld [smem:$0x3FB0]  }
0x29: {  	s4 =	sld [smem:$0x3FB2]  }
0x2a: {  	p0 =	seq.s32 s5, $0x0;
	s5 =	sld [smem:$0x3FB3]  }
0x2b: {  	s6 =	sld [smem:$0x3FB4]  }
0x2c: {  	s7 =	sld [smem:$0x3FB5]  }
0x2d: {  	s3 =	simm.s32 $0x108;
	s8 =	sld [smem:$0x3FB6]  }
0x2e: {  	s3 =	simm.s32 @!p0 $0x1082;
	s9 =	sld [smem:$0x3FB7]  }
0x2f: {  	lr =	sadd.s32 s0, s3;
	s0 =	sld [smem:$0x3FAE]  }
0x30: {  	s3 =	sld [smem:$0x3FB1]  }
0x31: {  	[smem:$0x3FBA] =	sst s10  }
0x32: {  	s10 =	sld [smem:$0x3FB8];
	_ =	sdelay $0x3  }
0x33: {  	p0 =	seq.s32 s10, $0x1;
	s10 =	sld [smem:$0x3FBA];
	_ =	sdelay $0x3  }
0x34: {  	[smem:$0x3FBA] =	sst s10  }
0x35: {  	s10 =	sld [smem:$0x3FB9];
	_ =	sdelay $0x3  }
0x36: {  	p1 =	seq.s32 s10, $0x1;
	s10 =	sld [smem:$0x3FBA];
	_ =	sdelay $0x3  }
0x37: {  	[smem:$0x3FBA] =	sst s10  }
0x38: {  	s10 =	sld [smem:$0x3FBB]  }
0x39: {  	_ = 	snop;
	(pc) =	sbr.ind lr, $3  }
0x3a: {  	_ = 	snop  }
0x3b: {  	_ = 	snop  }
0x3c: {  	p2 =	seq.s32 s10, $0x1;
	s10 =	sld [smem:$0x3FBA]  }
0x3d: {  	_ =	shalt  }
0x3e: {  	_ =	shalt  }
0x3f: {  	_ =	shalt  }
0x40: {  	_ =	shalt  }
0x41: {  	_ =	shalt  }
0x42: {  	_ =	shalt  }
0x43: {  	_ =	shalt  }
0x44: {  	_ =	shalt  }
0x45: {  	_ =	shalt  }
0x46: {  	_ =	shalt  }
0x47: {  	_ =	shalt  }
0x48: {  	_ =	shalt  }
0x49: {  	_ =	shalt  }
0x4a: {  	_ =	shalt  }
0x4b: {  	_ =	shalt  }
0x4c: {  	_ =	shalt  }
0x4d: {  	_ =	shalt  }
0x4e: {  	_ =	shalt  }
0x4f: {  	_ =	shalt  }
0x50: {  	_ =	shalt  }
0x51: {  	_ =	shalt  }
0x52: {  	_ =	shalt  }
0x53: {  	_ =	shalt  }
0x54: {  	_ =	shalt  }
0x55: {  	_ =	shalt  }
0x56: {  	_ =	shalt  }
0x57: {  	_ =	shalt  }
0x58: {  	_ =	shalt  }
0x59: {  	_ =	shalt  }
0x5a: {  	_ =	shalt  }
0x5b: {  	_ =	shalt  }
0x5c: {  	_ =	shalt  }
0x5d: {  	_ =	shalt  }
0x5e: {  	_ =	shalt  }
0x5f: {  	_ =	shalt  }
0x60: {  	_ =	shalt  }
0x61: {  	_ =	shalt  }
0x62: {  	_ =	shalt  }
0x63: {  	_ =	shalt  }
0x64: {  	_ =	shalt  }
0x65: {  	_ =	shalt  }
0x66: {  	_ =	shalt  }
0x67: {  	_ =	shalt  }
0x68: {  	_ =	shalt  }
0x69: {  	_ =	shalt  }
0x6a: {  	_ =	shalt  }
0x6b: {  	_ =	shalt  }
0x6c: {  	_ =	shalt  }
0x6d: {  	_ =	shalt  }
0x6e: {  	_ =	shalt  }
0x6f: {  	_ =	shalt  }
0x70: {  	_ =	shalt  }
0x71: {  	_ =	shalt  }
0x72: {  	_ =	shalt  }
0x73: {  	_ =	shalt  }
0x74: {  	_ =	shalt  }
0x75: {  	_ =	shalt  }
0x76: {  	_ =	shalt  }
0x77: {  	_ =	shalt  }
0x78: {  	_ =	shalt  }
0x79: {  	_ =	shalt  }
0x7a: {  	_ =	shalt  }
0x7b: {  	_ =	shalt  }
0x7c: {  	_ =	shalt  }
0x7d: {  	_ =	shalt  }
0x7e: {  	_ =	shalt  }
0x7f: {  	_ =	shalt  }
0x80: {  	_ =	shalt  }
0x81: {  	_ =	shalt  }
0x82: {  	_ =	shalt  }
0x83: {  	_ =	shalt  }
0x84: {  	_ =	shalt  }
0x85: {  	_ =	shalt  }
0x86: {  	_ =	shalt  }
0x87: {  	_ =	shalt  }
.Lfunc_end0:
.L_simem_size_0:
called_computation_lowered:
.L_overlay_start_0:
0x88: {  	s2 =	sld [smem:$0x3FD9]  }
0x89: {  	s3 =	sld [smem:$0x3FFE];
	_ =	sdelay $0x1  }
0x8a: {  	s1 =	srdreg.scid  }
0x8b: {  	s0 =	sand.u32 $0x1, s1  }
0x8c: {  	s14 =	sshll.u32 s0, $0xA;
	s2 =	sadd.s32 s3, s2  }
0x8d: {  	s2 =	sadd.s32 s2, s14  }
0x8e: {  	[smem:$0x3FC6] =	sst s2  }
0x8f: {  	_ = 	snop  }
0x90: {  	s2 =	sld [smem:$0x3FD0];
	_ =	sdelay $0x2  }
0x91: {  	s15 =	simm.s32 $0xA;
	s4 =	simm.s32 $0x10  }
0x92: {  	[smem:s4], [sflag:s15] =	dma.local [hbm:s2], $0x1  }
0x93: {  	_ =	swait.eq [sflag:s15], $0x1  }
0x94: {  	[sflag:s15] =	ssyncset.done $0x0  }
0x95: {  	s16 =	sld [smem:$0x10];
	[sflag:s15] =	ssyncadd.s32 $0xFFFFFFFF  }
0x96: {  	s17 =	sld [smem:$0x11];
	(tm) =	ssettm $0x1  }
0x97: {  	s18 =	sld [smem:$0x3FFB];
	_ =	sdelay $0x3  }
0x98: {  	_ =	strace s18  }
0x99: {  	s4 =	sld [smem:$0x3FFC];
	_ =	sdelay $0x3  }
0x9a: {  	_ =	strace s4  }
0x9b: {  	s4 =	sld [smem:$0x3FFD];
	_ =	sdelay $0x3  }
0x9c: {  	_ =	strace s4  }
0x9d: {  	_ =	strace $0x8FFFFFFF  }
0x9e: {  	s19 =	sld [smem:$0x3FDB];
	_ =	sdelay $0x1  }
0x9f: {  	s5 =	simm.s32 $_scs_section_size  }
0xa0: {  	s6 =	simm.s32 $_size__tile_overlayer_lowered;
	s7 =	simm.s32 $_tile_overlayer_lowered  }
0xa1: {  	s22 =	simm.s32 $0x1BFF;
	s21 =	sshll.u32 s7, $0x1;
	s4 =	sadd.s32 s5, s19  }
0xa2: {  	s8 =	simm.s32 $0x0;
	s20 =	sshll.u32 s6, $0x1;
	s6 =	sadd.s32 s21, s4  }
0xa3: {  	[timem:s8], [sflag:s22] =	dma.local [hbm:s6], s20  }
0xa4: {  	_ =	swait.ge [sflag:s22], s20  }
0xa5: {  	s5 =	ssub.s32 $0x0, s20;
	[sflag:s22] =	ssyncset.done $0x0  }
0xa6: {  	[sflag:s22] =	ssyncadd.s32 s5;
	_ =	sdelay $0x1  }
0xa7: {  	s23 =	simm.s32 $0x1B8B  }
0xa8: {  	_ =	swait.ge [sflag:s23], $0x1  }
0xa9: {  	[sflag:s23] =	ssyncset.done $0x0  }
0xaa: {  	s25 =	simm.s32 $0x1B8E;
	s24 =	sld [smem:$0x3FFE];
	[sflag:s23] =	ssyncadd.s32 $0xFFFFFFFF  }
0xab: {  	s26 =	simm.s32 $execute0_lowered;
	[smem:$0x3FD2] =	sst s25  }
0xac: {  	s6 =	sshll.u32 s26, $0x1;
	_ =	strace $0x80000046;
	[dreg:$0x1] =	wrdreg $0xFFFFFFFF  }
0xad: {  	s28 =	simm.s32 $_size_execute0_lowered;
	s4 =	sadd.s32 s4, s6;
	[dreg:$0x0] =	wrdreg $0x0  }
0xae: {  	s6 =	sshll.u32 s28, $0x1;
	[dreg:$0x2] =	wrdreg s4  }
0xaf: {  	[dreg:$0x3] =	wrdreg s6  }
0xb0: {  	[dreg:$0x4] =	wrdreg $0xC0  }
0xb1: {  	_ =	task [dreg:s8], $0x5FFFF  }
0xb2: {  	[dreg:$0x1] =	wrdreg $0xFFFFFFFF  }
0xb3: {  	[dreg:$0x0] =	wrdreg $0x60  }
0xb4: {  	[dreg:$0x2] =	wrdreg s16  }
0xb5: {  	[dreg:$0x3] =	wrdreg s17  }
0xb6: {  	[dreg:$0x4] =	wrdreg s24  }
0xb7: {  	[dreg:$0x5] =	wrdreg $0x182000  }
0xb8: {  	[dreg:$0x6] =	wrdreg $0x9  }
0xb9: {  	_ =	task.clear_ibuf [dreg:s8], $0x7FFFF;
	_ =	strace $0x90000046  }
0xba: {  	s29 =	simm.s32 $0x9;
	_ =	strace $0x80000048  }
0xbb: {  	_ =	swait.ge [sflag:s29], $0x1  }
0xbc: {  	[sflag:s29] =	ssyncadd.s32 $0xFFFFFFFF  }
0xbd: {  	_ =	strace $0x90000048  }
0xbe: {  	_ =	sfence  }
0xbf: {  	s30 =	sld [smem:$0x0];
	_ =	sdelay $0x2  }
0xc0: {  	s31 =	sshll.u32 s1, $0xD;
	s1 =	sshrl.u32 s1, $0x2  }
0xc1: {  	s3 =	sand.u32 $0x4000, s31;
	s1 =	sadd.s32 s1, s30  }
0xc2: {  	s0 =	sor.u32 s3, s0;
	s1 =	sshll.u32 s1, $0x11  }
0xc3: {  	s0 =	sor.u32 s1, s0  }
0xc4: {  	s0 =	sadd.s32 $0x8F2B, s0  }
0xc5: {  	[sflag:s0] =	ssyncadd.remote.s32 $0x1  }
0xc6: {  	_ =	sfence.sel $0xFFFF  }
0xc7: {  	[dreg:$0x0] =	wrdreg $0xFFFFFFFF;
	(pc) =	sbr.abs _section_cstart, $3  }
0xc8: {  	[dreg:$0x1] =	wrdreg $0xFFFFFFFF  }
0xc9: {  	_ =	task.clear_ibuf [dreg:s8], $0x2FFFF;
	_ =	strace $0x9FFFFFFF  }
0xca: {  	(tm) =	ssettm $0x7FFFFFFF  }
0xcb: {  	_ =	shalt  }
tec
execute0_lowered:
.L_overlay_start_1:
0x0: {  	(tag) =	ssettag $0x1  }
0x1: {  	s1 =	rddreg [dreg:$0x0]  }
0x2: {  	s0 =	rddreg [dreg:$0x1]  }
0x3: {  	s4 =	rddreg [dreg:$0x2]  }
0x4: {  	s2 =	rddreg [dreg:$0x3]  }
0x5: {  	s5 =	srdreg.scid;
	s10 =	stileid.u32;
	s3 =	simm.s32 $0x0  }
0x6: {  	s25 =	simm.s32 $0x1;
	s31 =	simm.s32 $0xA100;
	s12 =	simm.s32 $0xC100  }
0x7: {  	s13 =	simm.s32 $0xC900;
	s14 =	simm.s32 $0xD100;
	s15 =	simm.s32 $0xD900  }
0x8: {  	s16 =	simm.s32 $0xE100;
	s17 =	simm.s32 $0xE900;
	s18 =	simm.s32 $0xF100  }
0x9: {  	s19 =	simm.s32 $0xF900;
	s20 =	simm.s32 $0x10100;
	s21 =	simm.s32 $0x80  }
0xa: {  	s22 =	simm.s32 $0x18100;
	s23 =	simm.s32 $0x18180;
	s24 =	simm.s32 $0x14100  }
0xb: {  	v0 =	vlaneseq.u32;
	vm0 =	vmmov $0xffff;
	s26 =	simm.s32 $0x0;
	s5 =	sand.u32 $0x1, s5;
	s6 =	sshll.u32 s10, $0x1  }
0xc: {  	v4 =	vimm.f32 $0.0e+00;
	v5 =	vimm.f32 $1.000000000e+00;
	[smem:$0x7FF] =	sst s3;
	v2 =	vshrl.u32 v0, $0x3;
	p0 =	sne.s32 s10, $0x0;
	s10 =	simm.s32 $0xB100  }
0xd: {  	v1 =	vand.u32 $0x7, v0;
	v3 =	vor.u32 $0x8, v0;
	v6 =	vor.u32 $0x10, v0;
	s6 =	sor.u32 s5, s6;
	_ =	strace $0x80000047;
	s8 =	ssub.s32 $0x2, s5  }
0xe: {  	v7 =	vor.u32 $0x20, v0;
	v8 =	vor.u32 $0x30, v0;
	v9 =	vor.u32 $0x40, v0;
	s5 =	sshll.u32 s5, $0xC;
	s7 =	sshll.u32 s6, $0xD;
	s9 =	sshrl.u32 s8, $0x1  }
0xf: {  	v10 =	vor.u32 $0x50, v0;
	v11 =	vor.u32 $0x60, v0;
	v12 =	vor.u32 $0x70, v0;
	s11 =	sadd.s32 s5, s4;
	s30 =	sshll.u32 s6, $0x5;
	s7 =	sadd.s32 s7, s4  }
0x10: {  	v13 =	vor.u32 $0x80, v0;
	v14 =	vor.u32 $0x90, v0;
	v15 =	vor.u32 $0xA0, v0;
	s8 =	ssub.s32 s8, s9;
	s4 =	sadd.s32 s0, s30;
	s6 =	sadd.s32 $0xA3E00, s11  }
0x11: {  	v16 =	vor.u32 $0xB0, v0;
	v17 =	vor.u32 $0xC0, v0;
	v18 =	vor.u32 $0xD0, v0;
	s9 =	simm.s32 $0x100;
	s0 =	simm.s32 $0xA900;
	s11 =	simm.s32 $0xB900  }
0x12: {  	v19 =	vor.u32 $0xE0, v0;
	v20 =	vor.u32 $0xF0, v0;
	v2 =	vmul.u32 $0x8, v2;
	s5 =	sadd.s32 $0x63E00, s7;
	s7 =	smax.u32 s8, $0x1;
	s8 =	simm.s32 $0x2  }
.LBB2_1:
0x13: {  	[tilespmem:s3], [sflag:$0x2] =	stream.linear.gather [hbm4b:s4+s3], $0x100, $0x38;
	[tilespmem:$0x18300] =	vst v63  }
0x14: {  	_ =	swait.ge [sflag:s8], $0x100  }
0x15: {  	[sflag:s8] =	ssyncset.done $0x0  }
0x16: {  	[sflag:s8] =	ssyncadd.s32 $0xFFFFFF00  }
0x17: {  	v21 =	vld [tilespmem:$0x0];
	_ =	sdelay $0x4  }
0x18: {  	v22 =	vshll.u32 v21, $0x1  }
0x19: {  	v21 =	vand.u32 $0x7, v21;
	v22 =	vand.u32 $0xFFFFFFF0, v22  }
0x1a: {  	v21 =	vor.u32 v21, v22  }
0x1b: {  	v22 =	vperm.xlane v21, v1;
	_ =	sdelay $0x1  }
0x1c: {  	v21 =	vperm.xlane v21, v3;
	v22 =	vadd.s32 v2, v22;
	_ =	sdelay $0x1  }
0x1d: {  	v21 =	vadd.s32 v2, v21;
	_ =	sdelay $0x2  }
0x1e: {  	[tilespmem:s9], [sflag:$0x1] =	stream.indirect_vreg.gather [hbm4b:s1+s3], $0x80, v22, vm0, $0xb8;
	[tilespmem:$0x18300] =	vst v63  }
0x1f: {  	s28 =	simm.s32 $0x900  }
0x20: {  	[tilespmem:s28], [sflag:$0x1] =	stream.indirect_vreg.gather [hbm4b:s1+s3], $0x80, v21, vm0, $0xb8;
	[tilespmem:$0x18300] =	vst v63  }
0x21: {  	v21 =	vld [tilespmem:$0x10];
	_ =	sdelay $0x4  }
0x22: {  	v22 =	vshll.u32 v21, $0x1  }
0x23: {  	v21 =	vand.u32 $0x7, v21;
	v22 =	vand.u32 $0xFFFFFFF0, v22  }
0x24: {  	v21 =	vor.u32 v21, v22  }
0x25: {  	v22 =	vperm.xlane v21, v1;
	_ =	sdelay $0x1  }
0x26: {  	v21 =	vperm.xlane v21, v3;
	v22 =	vadd.s32 v2, v22;
	_ =	sdelay $0x1  }
0x27: {  	v21 =	vadd.s32 v2, v21;
	_ =	sdelay $0x1  }
0x28: {  	s28 =	simm.s32 $0x1100  }
0x29: {  	[tilespmem:s28], [sflag:$0x1] =	stream.indirect_vreg.gather [hbm4b:s1+s3], $0x80, v22, vm0, $0xb8;
	[tilespmem:$0x18300] =	vst v63  }
0x2a: {  	s28 =	simm.s32 $0x1900  }
0x2b: {  	[tilespmem:s28], [sflag:$0x1] =	stream.indirect_vreg.gather [hbm4b:s1+s3], $0x80, v21, vm0, $0xb8;
	[tilespmem:$0x18300] =	vst v63  }
0x2c: {  	v21 =	vld [tilespmem:$0x20];
	_ =	sdelay $0x4  }
0x2d: {  	v22 =	vshll.u32 v21, $0x1  }
0x2e: {  	v21 =	vand.u32 $0x7, v21;
	v22 =	vand.u32 $0xFFFFFFF0, v22  }
0x2f: {  	v21 =	vor.u32 v21, v22  }
0x30: {  	v22 =	vperm.xlane v21, v1;
	_ =	sdelay $0x1  }
0x31: {  	v21 =	vperm.xlane v21, v3;
	v22 =	vadd.s32 v2, v22;
	_ =	sdelay $0x1  }
0x32: {  	v21 =	vadd.s32 v2, v21;
	_ =	sdelay $0x1  }
0x33: {  	s28 =	simm.s32 $0x2100  }
0x34: {  	[tilespmem:s28], [sflag:$0x1] =	stream.indirect_vreg.gather [hbm4b:s1+s3], $0x80, v22, vm0, $0xb8;
	[tilespmem:$0x18300] =	vst v63  }
0x35: {  	s28 =	simm.s32 $0x2900  }
0x36: {  	[tilespmem:s28], [sflag:$0x1] =	stream.indirect_vreg.gather [hbm4b:s1+s3], $0x80, v21, vm0, $0xb8;
	[tilespmem:$0x18300] =	vst v63  }
0x37: {  	v21 =	vld [tilespmem:$0x30];
	_ =	sdelay $0x4  }
0x38: {  	v22 =	vshll.u32 v21, $0x1  }
0x39: {  	v21 =	vand.u32 $0x7, v21;
	v22 =	vand.u32 $0xFFFFFFF0, v22  }
0x3a: {  	v21 =	vor.u32 v21, v22  }
0x3b: {  	v22 =	vperm.xlane v21, v1;
	_ =	sdelay $0x1  }
0x3c: {  	v21 =	vperm.xlane v21, v3;
	v22 =	vadd.s32 v2, v22;
	_ =	sdelay $0x1  }
0x3d: {  	v21 =	vadd.s32 v2, v21;
	_ =	sdelay $0x1  }
0x3e: {  	s28 =	simm.s32 $0x3100  }
0x3f: {  	[tilespmem:s28], [sflag:$0x1] =	stream.indirect_vreg.gather [hbm4b:s1+s3], $0x80, v22, vm0, $0xb8;
	[tilespmem:$0x18300] =	vst v63  }
0x40: {  	s28 =	simm.s32 $0x3900  }
0x41: {  	[tilespmem:s28], [sflag:$0x1] =	stream.indirect_vreg.gather [hbm4b:s1+s3], $0x80, v21, vm0, $0xb8;
	[tilespmem:$0x18300] =	vst v63  }
0x42: {  	v21 =	vld [tilespmem:$0x40];
	_ =	sdelay $0x4  }
0x43: {  	v22 =	vshll.u32 v21, $0x1  }
0x44: {  	v21 =	vand.u32 $0x7, v21;
	v22 =	vand.u32 $0xFFFFFFF0, v22  }
0x45: {  	v21 =	vor.u32 v21, v22  }
0x46: {  	v22 =	vperm.xlane v21, v1;
	_ =	sdelay $0x1  }
0x47: {  	v21 =	vperm.xlane v21, v3;
	v22 =	vadd.s32 v2, v22;
	_ =	sdelay $0x1  }
0x48: {  	v21 =	vadd.s32 v2, v21;
	_ =	sdelay $0x1  }
0x49: {  	s28 =	simm.s32 $0x4100  }
0x4a: {  	[tilespmem:s28], [sflag:$0x1] =	stream.indirect_vreg.gather [hbm4b:s1+s3], $0x80, v22, vm0, $0xb8;
	[tilespmem:$0x18300] =	vst v63  }
0x4b: {  	s28 =	simm.s32 $0x4900  }
0x4c: {  	[tilespmem:s28], [sflag:$0x1] =	stream.indirect_vreg.gather [hbm4b:s1+s3], $0x80, v21, vm0, $0xb8;
	[tilespmem:$0x18300] =	vst v63  }
0x4d: {  	v21 =	vld [tilespmem:$0x50];
	_ =	sdelay $0x4  }
0x4e: {  	v22 =	vshll.u32 v21, $0x1  }
0x4f: {  	v21 =	vand.u32 $0x7, v21;
	v22 =	vand.u32 $0xFFFFFFF0, v22  }
0x50: {  	v21 =	vor.u32 v21, v22  }
0x51: {  	v22 =	vperm.xlane v21, v1;
	_ =	sdelay $0x1  }
0x52: {  	v21 =	vperm.xlane v21, v3;
	v22 =	vadd.s32 v2, v22;
	_ =	sdelay $0x1  }
0x53: {  	v21 =	vadd.s32 v2, v21;
	_ =	sdelay $0x1  }
0x54: {  	s28 =	simm.s32 $0x5100  }
0x55: {  	[tilespmem:s28], [sflag:$0x1] =	stream.indirect_vreg.gather [hbm4b:s1+s3], $0x80, v22, vm0, $0xb8;
	[tilespmem:$0x18300] =	vst v63  }
0x56: {  	s28 =	simm.s32 $0x5900  }
0x57: {  	[tilespmem:s28], [sflag:$0x1] =	stream.indirect_vreg.gather [hbm4b:s1+s3], $0x80, v21, vm0, $0xb8;
	[tilespmem:$0x18300] =	vst v63  }
0x58: {  	v21 =	vld [tilespmem:$0x60];
	_ =	sdelay $0x4  }
0x59: {  	v22 =	vshll.u32 v21, $0x1  }
0x5a: {  	v21 =	vand.u32 $0x7, v21;
	v22 =	vand.u32 $0xFFFFFFF0, v22  }
0x5b: {  	v21 =	vor.u32 v21, v22  }
0x5c: {  	v22 =	vperm.xlane v21, v1;
	_ =	sdelay $0x1  }
0x5d: {  	v21 =	vperm.xlane v21, v3;
	v22 =	vadd.s32 v2, v22;
	_ =	sdelay $0x1  }
0x5e: {  	v21 =	vadd.s32 v2, v21;
	_ =	sdelay $0x1  }
0x5f: {  	s28 =	simm.s32 $0x6100  }
0x60: {  	[tilespmem:s28], [sflag:$0x1] =	stream.indirect_vreg.gather [hbm4b:s1+s3], $0x80, v22, vm0, $0xb8;
	[tilespmem:$0x18300] =	vst v63  }
0x61: {  	s28 =	simm.s32 $0x6900  }
0x62: {  	[tilespmem:s28], [sflag:$0x1] =	stream.indirect_vreg.gather [hbm4b:s1+s3], $0x80, v21, vm0, $0xb8;
	[tilespmem:$0x18300] =	vst v63  }
0x63: {  	v21 =	vld [tilespmem:$0x70];
	_ =	sdelay $0x4  }
0x64: {  	v22 =	vshll.u32 v21, $0x1  }
0x65: {  	v21 =	vand.u32 $0x7, v21;
	v22 =	vand.u32 $0xFFFFFFF0, v22  }
0x66: {  	v21 =	vor.u32 v21, v22  }
0x67: {  	v22 =	vperm.xlane v21, v1;
	_ =	sdelay $0x1  }
0x68: {  	v21 =	vperm.xlane v21, v3;
	v22 =	vadd.s32 v2, v22;
	_ =	sdelay $0x1  }
0x69: {  	v21 =	vadd.s32 v2, v21;
	_ =	sdelay $0x1  }
0x6a: {  	s28 =	simm.s32 $0x7100  }
0x6b: {  	[tilespmem:s28], [sflag:$0x1] =	stream.indirect_vreg.gather [hbm4b:s1+s3], $0x80, v22, vm0, $0xb8;
	[tilespmem:$0x18300] =	vst v63  }
0x6c: {  	s28 =	simm.s32 $0x7900  }
0x6d: {  	[tilespmem:s28], [sflag:$0x1] =	stream.indirect_vreg.gather [hbm4b:s1+s3], $0x80, v21, vm0, $0xb8;
	[tilespmem:$0x18300] =	vst v63  }
0x6e: {  	_ =	swait.ge [sflag:s25], $0x8000  }
0x6f: {  	[sflag:s25] =	ssyncset.done $0x0  }
0x70: {  	[sflag:s25] =	ssyncadd.s32 $0xFFFF8000  }
0x71: {  	v21 =	vld [tilespmem:$0x80];
	_ =	sdelay $0x4  }
0x72: {  	v22 =	vshll.u32 v21, $0x1  }
0x73: {  	v21 =	vand.u32 $0x7, v21;
	v22 =	vand.u32 $0xFFFFFFF0, v22  }
0x74: {  	v21 =	vor.u32 v21, v22  }
0x75: {  	v22 =	vperm.xlane v21, v1;
	_ =	sdelay $0x1  }
0x76: {  	v21 =	vperm.xlane v21, v3;
	v22 =	vadd.s32 v2, v22;
	_ =	sdelay $0x1  }
0x77: {  	v21 =	vadd.s32 v2, v21;
	_ =	sdelay $0x1  }
0x78: {  	s28 =	simm.s32 $0x8100  }
0x79: {  	[tilespmem:s28], [sflag:$0x1] =	stream.indirect_vreg.gather [hbm4b:s1+s3], $0x80, v22, vm0, $0xb8;
	[tilespmem:$0x18300] =	vst v63  }
0x7a: {  	s28 =	simm.s32 $0x8900  }
0x7b: {  	[tilespmem:s28], [sflag:$0x1] =	stream.indirect_vreg.gather [hbm4b:s1+s3], $0x80, v21, vm0, $0xb8;
	[tilespmem:$0x18300] =	vst v63  }
0x7c: {  	v21 =	vld [tilespmem:$0x90];
	_ =	sdelay $0x4  }
0x7d: {  	v22 =	vshll.u32 v21, $0x1  }
0x7e: {  	v21 =	vand.u32 $0x7, v21;
	v22 =	vand.u32 $0xFFFFFFF0, v22  }
0x7f: {  	v21 =	vor.u32 v21, v22  }
0x80: {  	v22 =	vperm.xlane v21, v1;
	_ =	sdelay $0x1  }
0x81: {  	v21 =	vperm.xlane v21, v3;
	v22 =	vadd.s32 v2, v22;
	_ =	sdelay $0x1  }
0x82: {  	v21 =	vadd.s32 v2, v21;
	_ =	sdelay $0x1  }
0x83: {  	s28 =	simm.s32 $0x9100  }
0x84: {  	[tilespmem:s28], [sflag:$0x1] =	stream.indirect_vreg.gather [hbm4b:s1+s3], $0x80, v22, vm0, $0xb8;
	[tilespmem:$0x18300] =	vst v63  }
0x85: {  	s28 =	simm.s32 $0x9900  }
0x86: {  	[tilespmem:s28], [sflag:$0x1] =	stream.indirect_vreg.gather [hbm4b:s1+s3], $0x80, v21, vm0, $0xb8;
	[tilespmem:$0x18300] =	vst v63  }
0x87: {  	v21 =	vld [tilespmem:$0xA0];
	_ =	sdelay $0x4  }
0x88: {  	v22 =	vshll.u32 v21, $0x1  }
0x89: {  	v21 =	vand.u32 $0x7, v21;
	v22 =	vand.u32 $0xFFFFFFF0, v22  }
0x8a: {  	v21 =	vor.u32 v21, v22  }
0x8b: {  	v22 =	vperm.xlane v21, v1;
	_ =	sdelay $0x1  }
0x8c: {  	v21 =	vperm.xlane v21, v3;
	v22 =	vadd.s32 v2, v22;
	_ =	sdelay $0x1  }
0x8d: {  	v21 =	vadd.s32 v2, v21;
	_ =	sdelay $0x2  }
0x8e: {  	[tilespmem:s31], [sflag:$0x1] =	stream.indirect_vreg.gather [hbm4b:s1+s3], $0x80, v22, vm0, $0xb8;
	[tilespmem:$0x18300] =	vst v63  }
0x8f: {  	_ = 	snop  }
0x90: {  	[tilespmem:s0], [sflag:$0x1] =	stream.indirect_vreg.gather [hbm4b:s1+s3], $0x80, v21, vm0, $0xb8;
	[tilespmem:$0x18300] =	vst v63  }
0x91: {  	v21 =	vld [tilespmem:$0xB0];
	_ =	sdelay $0x4  }
0x92: {  	v22 =	vshll.u32 v21, $0x1  }
0x93: {  	v21 =	vand.u32 $0x7, v21;
	v22 =	vand.u32 $0xFFFFFFF0, v22  }
0x94: {  	v21 =	vor.u32 v21, v22  }
0x95: {  	v22 =	vperm.xlane v21, v1;
	_ =	sdelay $0x1  }
0x96: {  	v21 =	vperm.xlane v21, v3;
	v22 =	vadd.s32 v2, v22;
	_ =	sdelay $0x1  }
0x97: {  	v21 =	vadd.s32 v2, v21;
	_ =	sdelay $0x2  }
0x98: {  	[tilespmem:s10], [sflag:$0x1] =	stream.indirect_vreg.gather [hbm4b:s1+s3], $0x80, v22, vm0, $0xb8;
	[tilespmem:$0x18300] =	vst v63  }
0x99: {  	_ = 	snop  }
0x9a: {  	[tilespmem:s11], [sflag:$0x1] =	stream.indirect_vreg.gather [hbm4b:s1+s3], $0x80, v21, vm0, $0xb8;
	[tilespmem:$0x18300] =	vst v63  }
0x9b: {  	v21 =	vld [tilespmem:$0xC0];
	_ =	sdelay $0x4  }
0x9c: {  	v22 =	vshll.u32 v21, $0x1  }
0x9d: {  	v21 =	vand.u32 $0x7, v21;
	v22 =	vand.u32 $0xFFFFFFF0, v22  }
0x9e: {  	v21 =	vor.u32 v21, v22  }
0x9f: {  	v22 =	vperm.xlane v21, v1;
	_ =	sdelay $0x1  }
0xa0: {  	v21 =	vperm.xlane v21, v3;
	v22 =	vadd.s32 v2, v22;
	_ =	sdelay $0x1  }
0xa1: {  	v21 =	vadd.s32 v2, v21;
	_ =	sdelay $0x2  }
0xa2: {  	[tilespmem:s12], [sflag:$0x1] =	stream.indirect_vreg.gather [hbm4b:s1+s3], $0x80, v22, vm0, $0xb8;
	[tilespmem:$0x18300] =	vst v63  }
0xa3: {  	_ = 	snop  }
0xa4: {  	[tilespmem:s13], [sflag:$0x1] =	stream.indirect_vreg.gather [hbm4b:s1+s3], $0x80, v21, vm0, $0xb8;
	[tilespmem:$0x18300] =	vst v63  }
0xa5: {  	v21 =	vld [tilespmem:$0xD0];
	_ =	sdelay $0x4  }
0xa6: {  	v22 =	vshll.u32 v21, $0x1  }
0xa7: {  	v21 =	vand.u32 $0x7, v21;
	v22 =	vand.u32 $0xFFFFFFF0, v22  }
0xa8: {  	v21 =	vor.u32 v21, v22  }
0xa9: {  	v22 =	vperm.xlane v21, v1;
	_ =	sdelay $0x1  }
0xaa: {  	v21 =	vperm.xlane v21, v3;
	v22 =	vadd.s32 v2, v22;
	_ =	sdelay $0x1  }
0xab: {  	v21 =	vadd.s32 v2, v21;
	_ =	sdelay $0x2  }
0xac: {  	[tilespmem:s14], [sflag:$0x1] =	stream.indirect_vreg.gather [hbm4b:s1+s3], $0x80, v22, vm0, $0xb8;
	[tilespmem:$0x18300] =	vst v63  }
0xad: {  	_ = 	snop  }
0xae: {  	[tilespmem:s15], [sflag:$0x1] =	stream.indirect_vreg.gather [hbm4b:s1+s3], $0x80, v21, vm0, $0xb8;
	[tilespmem:$0x18300] =	vst v63  }
0xaf: {  	v21 =	vld [tilespmem:$0xE0];
	_ =	sdelay $0x4  }
0xb0: {  	v22 =	vshll.u32 v21, $0x1  }
0xb1: {  	v21 =	vand.u32 $0x7, v21;
	v22 =	vand.u32 $0xFFFFFFF0, v22  }
0xb2: {  	v21 =	vor.u32 v21, v22  }
0xb3: {  	v22 =	vperm.xlane v21, v1;
	_ =	sdelay $0x1  }
0xb4: {  	v21 =	vperm.xlane v21, v3;
	v22 =	vadd.s32 v2, v22;
	_ =	sdelay $0x1  }
0xb5: {  	v21 =	vadd.s32 v2, v21;
	_ =	sdelay $0x2  }
0xb6: {  	[tilespmem:s16], [sflag:$0x1] =	stream.indirect_vreg.gather [hbm4b:s1+s3], $0x80, v22, vm0, $0xb8;
	[tilespmem:$0x18300] =	vst v63  }
0xb7: {  	_ = 	snop  }
0xb8: {  	[tilespmem:s17], [sflag:$0x1] =	stream.indirect_vreg.gather [hbm4b:s1+s3], $0x80, v21, vm0, $0xb8;
	[tilespmem:$0x18300] =	vst v63  }
0xb9: {  	v21 =	vld [tilespmem:$0xF0];
	_ =	sdelay $0x4  }
0xba: {  	v22 =	vshll.u32 v21, $0x1  }
0xbb: {  	v21 =	vand.u32 $0x7, v21;
	v22 =	vand.u32 $0xFFFFFFF0, v22  }
0xbc: {  	v21 =	vor.u32 v21, v22  }
0xbd: {  	v22 =	vperm.xlane v21, v1;
	_ =	sdelay $0x1  }
0xbe: {  	v21 =	vperm.xlane v21, v3;
	v22 =	vadd.s32 v2, v22;
	_ =	sdelay $0x1  }
0xbf: {  	v21 =	vadd.s32 v2, v21;
	_ =	sdelay $0x2  }
0xc0: {  	[tilespmem:s18], [sflag:$0x1] =	stream.indirect_vreg.gather [hbm4b:s1+s3], $0x80, v22, vm0, $0xb8;
	[tilespmem:$0x18300] =	vst v63  }
0xc1: {  	_ = 	snop  }
0xc2: {  	[tilespmem:s19], [sflag:$0x1] =	stream.indirect_vreg.gather [hbm4b:s1+s3], $0x80, v21, vm0, $0xb8;
	[tilespmem:$0x18300] =	vst v63  }
0xc3: {  	_ =	swait.ge [sflag:s25], $0x8000  }
0xc4: {  	[sflag:s25] =	ssyncset.done $0x0  }
0xc5: {  	[sflag:s25] =	ssyncadd.s32 $0xFFFF8000  }
0xc6: {  	[hbm4b:s5+s3] =	stream.linear.scatter [tilespmem:s9], [sflag:$0x2], $0x10000, $0x38;
	[tilespmem:$0x18300] =	vst v63  }
0xc7: {  	_ =	swait.ge [sflag:s8], $0x10000  }
0xc8: {  	[sflag:s8] =	ssyncset.done $0x0  }
0xc9: {  	s29 =	simm.s32 $0x0;
	s28 =	simm.s32 $0x200;
	[sflag:s8] =	ssyncadd.s32 $0xFFFF0000  }
.LBB2_2:
0xca: {  	p1 =	sne.s32 s28, $0x1FE00;
	[tilespmem:s29+$0x10100] =	vst v4;
	s29 =	smov.u32 s28;
	s28 =	sadd.s32 $0x200, s28  }
.Ltmp0:
0xcb: {  	(pc) =	sbr.rel @p1 .LBB2_2-.Ltmp0, $2  }
0xcc: {  	_ =	sdelay $0x2  }
0xcd: {  	s29 =	sshra.s32 s29, $0x2  }
0xce: {  	[tilespmem:s29+$0x10100] =	vst v4;
	s28 =	simm.s32 @!p0 $0x10100  }
0xcf: {  	[spmem:s2] =	stream.linear.scatter @!p0 [tilespmem:s28], [sflag:$0x2], $0x8000, $0x38;
	[tilespmem:$0x18300] =	vst v63  }
0xd0: {  	s28 =	simm.s32 @!p0 $0x2  }
0xd1: {  	_ =	swait.ge @!p0 [sflag:s28], $0x8000  }
0xd2: {  	[sflag:s28] =	ssyncset.done @!p0 $0x0  }
0xd3: {  	[sflag:s28] =	ssyncadd.s32 @!p0 $0xFFFF8000  }
0xd4: {  	[bflag:$0x0] =	sbarrier.arrive $0xFFFF  }
0xd5: {  	v21 =	vld [tilespmem:$0x0];
	_ =	sdelay $0x4  }
0xd6: {  	v22 =	vshll.u32 v21, $0x3  }
0xd7: {  	v21 =	vand.u32 $0xF, v21;
	v22 =	vand.u32 $0xFFFFFF80, v22  }
0xd8: {  	v21 =	vor.u32 v21, v22;
	_ =	sdelay $0x4  }
0xd9: {  	[tilespmem:v21+s20+$0x0] =	vst.idx.add.f32.msk $0xffff, v5  }
0xda: {  	v21 =	vld [tilespmem:$0x10];
	_ =	sdelay $0x4  }
0xdb: {  	v22 =	vshll.u32 v21, $0x3  }
0xdc: {  	v21 =	vand.u32 $0xF, v21;
	v22 =	vand.u32 $0xFFFFFF80, v22  }
0xdd: {  	v21 =	vor.u32 v21, v22;
	_ =	sdelay $0x4  }
0xde: {  	[tilespmem:v21+s20+$0x0] =	vst.idx.add.f32.msk $0xffff, v5  }
0xdf: {  	v21 =	vld [tilespmem:$0x20];
	_ =	sdelay $0x4  }
0xe0: {  	v22 =	vshll.u32 v21, $0x3  }
0xe1: {  	v21 =	vand.u32 $0xF, v21;
	v22 =	vand.u32 $0xFFFFFF80, v22  }
0xe2: {  	v21 =	vor.u32 v21, v22;
	_ =	sdelay $0x4  }
0xe3: {  	[tilespmem:v21+s20+$0x0] =	vst.idx.add.f32.msk $0xffff, v5  }
0xe4: {  	v21 =	vld [tilespmem:$0x30];
	_ =	sdelay $0x4  }
0xe5: {  	v22 =	vshll.u32 v21, $0x3  }
0xe6: {  	v21 =	vand.u32 $0xF, v21;
	v22 =	vand.u32 $0xFFFFFF80, v22  }
0xe7: {  	v21 =	vor.u32 v21, v22;
	_ =	sdelay $0x4  }
0xe8: {  	[tilespmem:v21+s20+$0x0] =	vst.idx.add.f32.msk $0xffff, v5  }
0xe9: {  	v21 =	vld [tilespmem:$0x40];
	_ =	sdelay $0x4  }
0xea: {  	v22 =	vshll.u32 v21, $0x3  }
0xeb: {  	v21 =	vand.u32 $0xF, v21;
	v22 =	vand.u32 $0xFFFFFF80, v22  }
0xec: {  	v21 =	vor.u32 v21, v22;
	_ =	sdelay $0x4  }
0xed: {  	[tilespmem:v21+s20+$0x0] =	vst.idx.add.f32.msk $0xffff, v5  }
0xee: {  	v21 =	vld [tilespmem:$0x50];
	_ =	sdelay $0x4  }
0xef: {  	v22 =	vshll.u32 v21, $0x3  }
0xf0: {  	v21 =	vand.u32 $0xF, v21;
	v22 =	vand.u32 $0xFFFFFF80, v22  }
0xf1: {  	v21 =	vor.u32 v21, v22;
	_ =	sdelay $0x4  }
0xf2: {  	[tilespmem:v21+s20+$0x0] =	vst.idx.add.f32.msk $0xffff, v5  }
0xf3: {  	v21 =	vld [tilespmem:$0x60];
	_ =	sdelay $0x4  }
0xf4: {  	v22 =	vshll.u32 v21, $0x3  }
0xf5: {  	v21 =	vand.u32 $0xF, v21;
	v22 =	vand.u32 $0xFFFFFF80, v22  }
0xf6: {  	v21 =	vor.u32 v21, v22;
	_ =	sdelay $0x4  }
0xf7: {  	[tilespmem:v21+s20+$0x0] =	vst.idx.add.f32.msk $0xffff, v5  }
0xf8: {  	v21 =	vld [tilespmem:$0x70];
	_ =	sdelay $0x4  }
0xf9: {  	v22 =	vshll.u32 v21, $0x3  }
0xfa: {  	v21 =	vand.u32 $0xF, v21;
	v22 =	vand.u32 $0xFFFFFF80, v22  }
0xfb: {  	v21 =	vor.u32 v21, v22;
	_ =	sdelay $0x4  }
0xfc: {  	[tilespmem:v21+s20+$0x0] =	vst.idx.add.f32.msk $0xffff, v5  }
0xfd: {  	v21 =	vld [tilespmem:$0x80];
	_ =	sdelay $0x3  }
0xfe: {  	[tilespmem:$0x18100] =	vst v0  }
0xff: {  	[tilespmem:$0x18110] =	vst v6;
	v22 =	vshll.u32 v21, $0x3  }
0x100: {  	[tilespmem:$0x18120] =	vst v7;
	v21 =	vand.u32 $0xF, v21;
	v22 =	vand.u32 $0xFFFFFF80, v22  }
0x101: {  	[tilespmem:$0x18130] =	vst v8;
	v21 =	vor.u32 v21, v22  }
0x102: {  	[tilespmem:$0x18140] =	vst v9  }
0x103: {  	[tilespmem:$0x18150] =	vst v10  }
0x104: {  	[tilespmem:$0x18160] =	vst v11  }
0x105: {  	[tilespmem:$0x18170] =	vst v12  }
0x106: {  	[tilespmem:v21+s20+$0x0] =	vst.idx.add.f32.msk $0xffff, v5  }
0x107: {  	v21 =	vld [tilespmem:$0x90];
	_ =	sdelay $0x4  }
0x108: {  	v22 =	vshll.u32 v21, $0x3  }
0x109: {  	v21 =	vand.u32 $0xF, v21;
	v22 =	vand.u32 $0xFFFFFF80, v22  }
0x10a: {  	v21 =	vor.u32 v21, v22;
	_ =	sdelay $0x4  }
0x10b: {  	[tilespmem:v21+s20+$0x0] =	vst.idx.add.f32.msk $0xffff, v5  }
0x10c: {  	v21 =	vld [tilespmem:$0xA0];
	_ =	sdelay $0x4  }
0x10d: {  	v22 =	vshll.u32 v21, $0x3  }
0x10e: {  	v21 =	vand.u32 $0xF, v21;
	v22 =	vand.u32 $0xFFFFFF80, v22  }
0x10f: {  	v21 =	vor.u32 v21, v22;
	_ =	sdelay $0x4  }
0x110: {  	[tilespmem:v21+s20+$0x0] =	vst.idx.add.f32.msk $0xffff, v5  }
0x111: {  	v21 =	vld [tilespmem:$0xB0];
	_ =	sdelay $0x4  }
0x112: {  	v22 =	vshll.u32 v21, $0x3  }
0x113: {  	v21 =	vand.u32 $0xF, v21;
	v22 =	vand.u32 $0xFFFFFF80, v22  }
0x114: {  	v21 =	vor.u32 v21, v22;
	_ =	sdelay $0x4  }
0x115: {  	[tilespmem:v21+s20+$0x0] =	vst.idx.add.f32.msk $0xffff, v5  }
0x116: {  	v21 =	vld [tilespmem:$0xC0];
	_ =	sdelay $0x4  }
0x117: {  	v22 =	vshll.u32 v21, $0x3  }
0x118: {  	v21 =	vand.u32 $0xF, v21;
	v22 =	vand.u32 $0xFFFFFF80, v22  }
0x119: {  	v21 =	vor.u32 v21, v22;
	_ =	sdelay $0x4  }
0x11a: {  	[tilespmem:v21+s20+$0x0] =	vst.idx.add.f32.msk $0xffff, v5  }
0x11b: {  	v21 =	vld [tilespmem:$0xD0];
	_ =	sdelay $0x4  }
0x11c: {  	v22 =	vshll.u32 v21, $0x3  }
0x11d: {  	v21 =	vand.u32 $0xF, v21;
	v22 =	vand.u32 $0xFFFFFF80, v22  }
0x11e: {  	v21 =	vor.u32 v21, v22;
	_ =	sdelay $0x4  }
0x11f: {  	[tilespmem:v21+s20+$0x0] =	vst.idx.add.f32.msk $0xffff, v5  }
0x120: {  	v21 =	vld [tilespmem:$0xE0];
	_ =	sdelay $0x4  }
0x121: {  	v22 =	vshll.u32 v21, $0x3  }
0x122: {  	v21 =	vand.u32 $0xF, v21;
	v22 =	vand.u32 $0xFFFFFF80, v22  }
0x123: {  	v21 =	vor.u32 v21, v22;
	_ =	sdelay $0x4  }
0x124: {  	[tilespmem:v21+s20+$0x0] =	vst.idx.add.f32.msk $0xffff, v5  }
0x125: {  	v21 =	vld [tilespmem:$0xF0];
	_ =	sdelay $0x4  }
0x126: {  	v22 =	vshll.u32 v21, $0x3  }
0x127: {  	v21 =	vand.u32 $0xF, v21;
	v22 =	vand.u32 $0xFFFFFF80, v22  }
0x128: {  	v21 =	vor.u32 v21, v22;
	_ =	sdelay $0x4  }
0x129: {  	[tilespmem:v21+s20+$0x0] =	vst.idx.add.f32.msk $0xffff, v5  }
0x12a: {  	[tilespmem:$0x18180] =	vst v13  }
0x12b: {  	[tilespmem:$0x18190] =	vst v14  }
0x12c: {  	[tilespmem:$0x181A0] =	vst v15  }
0x12d: {  	[tilespmem:$0x181B0] =	vst v16  }
0x12e: {  	[tilespmem:$0x181C0] =	vst v17  }
0x12f: {  	[tilespmem:$0x181D0] =	vst v18  }
0x130: {  	[tilespmem:$0x181E0] =	vst v19  }
0x131: {  	[tilespmem:$0x181F0] =	vst v20  }
0x132: {  	[spmem:s2] =	stream.indirect.scatter.add.f32 [tilespmem:s20], [sflag:$0x2], $0x10, s22, s21, $0xb8;
	[tilespmem:$0x18300] =	vst v63  }
0x133: {  	_ =	swait.ge [sflag:s8], $0x800  }
0x134: {  	[sflag:s8] =	ssyncset.done $0x0  }
0x135: {  	[sflag:s8] =	ssyncadd.s32 $0xFFFFF800  }
0x136: {  	[spmem:s2] =	stream.indirect.scatter.add.f32 [tilespmem:s24], [sflag:$0x2], $0x10, s23, s21, $0xb8;
	[tilespmem:$0x18300] =	vst v63  }
0x137: {  	_ =	swait.ge [sflag:s8], $0x800  }
0x138: {  	s26 =	sadd.s32 $0x1, s26;
	[sflag:s8] =	ssyncset.done $0x0  }
0x139: {  	s29 =	sshrl.u32 @!p0 s2, $0x3;
	p1 =	sne.s32 s26, s7;
	[sflag:s8] =	ssyncadd.s32 $0xFFFFF800  }
.Ltmp1:
0x13a: {  	s30 =	simm.s32 @!p0 $0x1C02;
	[bflag:$0x0] =	sbarrier.arrive $0xFFFF;
	(pc) =	sbr.rel @p1 .LBB2_1-.Ltmp1, $4  }
0x13b: {  	[hbm:s6], [sflag:s30] =	dma.local @!p0 [spmem:s29], $0x1000  }
0x13c: {  	_ =	swait.ge @!p0 [sflag:s28], $0x1000  }
0x13d: {  	[sflag:s28] =	ssyncset.done @!p0 $0x0  }
0x13e: {  	[sflag:s28] =	ssyncadd.s32 @!p0 $0xFFFFF000  }
0x13f: {  	_ =	sfence.sel $0x180000  }
0x140: {  	[bflag:$0x0] =	sbarrier.arrive $0xFFFF  }
0x141: {  	_ =	strace $0x90000047  }
0x142: {  	[bflag:$0x2] =	sbarrier.arrive $0xFFFF  }
0x143: {  	s0 =	rddreg [dreg:$0x4]  }
0x144: {  	s0 =	sadd.s32 @!p0 $0x100000, s0  }
0x145: {  	[sflag:s0] =	ssyncadd.tile.s32 @!p0 $0x1;
	_ =	shalt  }
.Lfunc_end2:
_tile_overlayer_lowered:
.L_overlay_start_2:
0x146: {  	(tag) =	ssettag $0x2  }
0x147: {  	s0 =	rddreg [dreg:$0x0];
	s2 =	stileid.u32  }
0x148: {  	s1 =	rddreg [dreg:$0x1];
	p0 =	sne.s32 s2, $0x0  }
0x149: {  	s3 =	rddreg [dreg:$0x2];
	[bflag:$0x3] =	sbarrier.arrive $0xFFFF;
	s2 =	simm.s32 @!p0 $0x1C02  }
0x14a: {  	[timem:s3], [sflag:s2] =	dma.local @!p0 [hbm:s0], s1  }
0x14b: {  	s0 =	simm.s32 @!p0 $0x2  }
0x14c: {  	_ =	swait.ge @!p0 [sflag:s0], s1  }
0x14d: {  	s1 =	ssub.s32 @!p0 $0x0, s1;
	[sflag:s0] =	ssyncset.done @!p0 $0x0  }
0x14e: {  	[sflag:s0] =	ssyncadd.s32 @!p0 s1  }
0x14f: {  	[bflag:$0x3] =	sbarrier.arrive $0xFFFF  }
0x150: {  	_ =	shalt  }

// kernel: kernel.15.cloned.1.call-start
scs
__scs_entry_jumppad:
0x0: {  	(pc) =	sbr.rel $0x88, $3  }
0x1: {  	(tag) =	ssettag $0x0;
	lr =	simm.s32 $0x1  }
0x2: {  	[smem:$0x3F9F] =	sst lr;
	_ =	strace $0xD0000000  }
0x3: {  	_ = 	snop  }
0x4: {  	_ = 	snop  }
0x5: {  	_ = 	snop  }
0x6: {  	_ = 	snop  }
0x7: {  	_ = 	snop  }
__scs_overlays_trampoline_lowered:
0x8: {  	[smem:$0x3FAE] =	sst s0  }
0x9: {  	[smem:$0x3FAF] =	sst s1  }
0xa: {  	[smem:$0x3FB0] =	sst s2  }
0xb: {  	[smem:$0x3FB1] =	sst s3  }
0xc: {  	[smem:$0x3FB2] =	sst s4  }
0xd: {  	[smem:$0x3FB3] =	sst s5  }
0xe: {  	[smem:$0x3FB4] =	sst s6  }
0xf: {  	[smem:$0x3FB5] =	sst s7  }
0x10: {  	[smem:$0x3FB6] =	sst s8  }
0x11: {  	[smem:$0x3FB7] =	sst s9;
	s0 =	simm.s32 @!p0 $0x0  }
0x12: {  	s1 =	sld [smem:$0x3F9D];
	s0 =	simm.s32 @p0 $0x1  }
0x13: {  	[smem:$0x3FB8] =	sst s0;
	s0 =	simm.s32 @!p1 $0x0  }
0x14: {  	s2 =	sld [smem:$0x3F9C];
	s0 =	simm.s32 @p1 $0x1  }
0x15: {  	[smem:$0x3FB9] =	sst s0;
	s0 =	simm.s32 @!p2 $0x0  }
0x16: {  	s3 =	sld [smem:$0x3FDB];
	s0 =	simm.s32 @p2 $0x1  }
0x17: {  	s4 =	simm.s32 $0x1BF5;
	[smem:$0x3FBB] =	sst s0  }
0x18: {  	s0 =	sld [smem:$0x3F9E];
	_ =	swait.ge [sflag:s4], $0x0  }
0x19: {  	s7 =	sld [smem:$0x3F9F]  }
0x1a: {  	s8 =	sadd.s32 $0xFFFFE003, lr  }
0x1b: {  	s9 =	sadd.s32 $0xFFFFFEF7, lr;
	s5 =	simm.s32 $0xFFFFFFFF;
	p2 =	slt.u32 s8, $0xFFFFF086  }
0x1c: {  	p1 =	slt.u32 s9, $0xF7A;
	s5 =	simm.s32 @!p2 $0x0  }
0x1d: {  	s5 =	simm.s32 @p1 $0x1;
	p0 =	seq.s32 s7, s2  }
0x1e: {  	s7 =	smul.u32 @!p0 $0xF7A, s2;
	p2 =	seq.s32 @!p0 s5, $0x0  }
0x1f: {  	s9 =	smul.u32 $0xF7A, s1;
	s8 =	simm.s32 @!p0 $0x1BF5;
	p2 =	por !p2, p0  }
0x20: {  	[sflag:s8] =	ssyncset.s32 @!p0 $0xFFFFF086;
	s6 =	sadd.s32 @!p0 s3, s7;
	s7 =	simm.s32 @!p0 $0x108  }
0x21: {  	s3 =	sadd.s32 s3, s9;
	s6 =	sadd.s32 @!p0 $0x88, s6;
	s7 =	simm.s32 @p2 $0x1082  }
0x22: {  	[simem:s7], [sflag:s8] =	dma.local @!p0 [hbm:s6], $0xF7A  }
0x23: {  	s9 =	sor.u32 $0xD0000000, s2;
	s6 =	simm.s32 $0x108;
	_ =	swait.ge @!p0 [sflag:s8], $0x0  }
0x24: {  	s3 =	sadd.s32 $0x88, s3;
	s6 =	simm.s32 @!p1 $0x1082;
	[sflag:s4] =	ssyncset.s32 $0xFFFFF086  }
0x25: {  	[simem:s6], [sflag:s4] =	dma.local [hbm:s3], $0xF7A  }
0x26: {  	[smem:$0x3F9F] =	sst s1;
	(tag) =	ssettag s2;
	_ =	strace s9  }
0x27: {  	s1 =	sld [smem:$0x3FAF]  }
0x28: {  	s2 =	sld [smem:$0x3FB0]  }
0x29: {  	s4 =	sld [smem:$0x3FB2]  }
0x2a: {  	p0 =	seq.s32 s5, $0x0;
	s5 =	sld [smem:$0x3FB3]  }
0x2b: {  	s6 =	sld [smem:$0x3FB4]  }
0x2c: {  	s7 =	sld [smem:$0x3FB5]  }
0x2d: {  	s3 =	simm.s32 $0x108;
	s8 =	sld [smem:$0x3FB6]  }
0x2e: {  	s3 =	simm.s32 @!p0 $0x1082;
	s9 =	sld [smem:$0x3FB7]  }
0x2f: {  	lr =	sadd.s32 s0, s3;
	s0 =	sld [smem:$0x3FAE]  }
0x30: {  	s3 =	sld [smem:$0x3FB1]  }
0x31: {  	[smem:$0x3FBA] =	sst s10  }
0x32: {  	s10 =	sld [smem:$0x3FB8];
	_ =	sdelay $0x3  }
0x33: {  	p0 =	seq.s32 s10, $0x1;
	s10 =	sld [smem:$0x3FBA];
	_ =	sdelay $0x3  }
0x34: {  	[smem:$0x3FBA] =	sst s10  }
0x35: {  	s10 =	sld [smem:$0x3FB9];
	_ =	sdelay $0x3  }
0x36: {  	p1 =	seq.s32 s10, $0x1;
	s10 =	sld [smem:$0x3FBA];
	_ =	sdelay $0x3  }
0x37: {  	[smem:$0x3FBA] =	sst s10  }
0x38: {  	s10 =	sld [smem:$0x3FBB]  }
0x39: {  	_ = 	snop;
	(pc) =	sbr.ind lr, $3  }
0x3a: {  	_ = 	snop  }
0x3b: {  	_ = 	snop  }
0x3c: {  	p2 =	seq.s32 s10, $0x1;
	s10 =	sld [smem:$0x3FBA]  }
0x3d: {  	_ =	shalt  }
0x3e: {  	_ =	shalt  }
0x3f: {  	_ =	shalt  }
0x40: {  	_ =	shalt  }
0x41: {  	_ =	shalt  }
0x42: {  	_ =	shalt  }
0x43: {  	_ =	shalt  }
0x44: {  	_ =	shalt  }
0x45: {  	_ =	shalt  }
0x46: {  	_ =	shalt  }
0x47: {  	_ =	shalt  }
0x48: {  	_ =	shalt  }
0x49: {  	_ =	shalt  }
0x4a: {  	_ =	shalt  }
0x4b: {  	_ =	shalt  }
0x4c: {  	_ =	shalt  }
0x4d: {  	_ =	shalt  }
0x4e: {  	_ =	shalt  }
0x4f: {  	_ =	shalt  }
0x50: {  	_ =	shalt  }
0x51: {  	_ =	shalt  }
0x52: {  	_ =	shalt  }
0x53: {  	_ =	shalt  }
0x54: {  	_ =	shalt  }
0x55: {  	_ =	shalt  }
0x56: {  	_ =	shalt  }
0x57: {  	_ =	shalt  }
0x58: {  	_ =	shalt  }
0x59: {  	_ =	shalt  }
0x5a: {  	_ =	shalt  }
0x5b: {  	_ =	shalt  }
0x5c: {  	_ =	shalt  }
0x5d: {  	_ =	shalt  }
0x5e: {  	_ =	shalt  }
0x5f: {  	_ =	shalt  }
0x60: {  	_ =	shalt  }
0x61: {  	_ =	shalt  }
0x62: {  	_ =	shalt  }
0x63: {  	_ =	shalt  }
0x64: {  	_ =	shalt  }
0x65: {  	_ =	shalt  }
0x66: {  	_ =	shalt  }
0x67: {  	_ =	shalt  }
0x68: {  	_ =	shalt  }
0x69: {  	_ =	shalt  }
0x6a: {  	_ =	shalt  }
0x6b: {  	_ =	shalt  }
0x6c: {  	_ =	shalt  }
0x6d: {  	_ =	shalt  }
0x6e: {  	_ =	shalt  }
0x6f: {  	_ =	shalt  }
0x70: {  	_ =	shalt  }
0x71: {  	_ =	shalt  }
0x72: {  	_ =	shalt  }
0x73: {  	_ =	shalt  }
0x74: {  	_ =	shalt  }
0x75: {  	_ =	shalt  }
0x76: {  	_ =	shalt  }
0x77: {  	_ =	shalt  }
0x78: {  	_ =	shalt  }
0x79: {  	_ =	shalt  }
0x7a: {  	_ =	shalt  }
0x7b: {  	_ =	shalt  }
0x7c: {  	_ =	shalt  }
0x7d: {  	_ =	shalt  }
0x7e: {  	_ =	shalt  }
0x7f: {  	_ =	shalt  }
0x80: {  	_ =	shalt  }
0x81: {  	_ =	shalt  }
0x82: {  	_ =	shalt  }
0x83: {  	_ =	shalt  }
0x84: {  	_ =	shalt  }
0x85: {  	_ =	shalt  }
0x86: {  	_ =	shalt  }
0x87: {  	_ =	shalt  }
.Lfunc_end0:
.L_simem_size_0:
called_computation.1_lowered:
.L_overlay_start_0:
0x88: {  	s2 =	sld [smem:$0x3FD9]  }
0x89: {  	s3 =	sld [smem:$0x3FFE];
	_ =	sdelay $0x1  }
0x8a: {  	s1 =	srdreg.scid  }
0x8b: {  	s0 =	sand.u32 $0x1, s1  }
0x8c: {  	s16 =	sshll.u32 s0, $0xA;
	s2 =	sadd.s32 s3, s2  }
0x8d: {  	s2 =	sadd.s32 s2, s16  }
0x8e: {  	[smem:$0x3FC6] =	sst s2  }
0x8f: {  	_ = 	snop  }
0x90: {  	(tm) =	ssettm $0x1  }
0x91: {  	s17 =	sld [smem:$0x3FFB];
	_ =	sdelay $0x3  }
0x92: {  	_ =	strace s17  }
0x93: {  	s2 =	sld [smem:$0x3FFC];
	_ =	sdelay $0x3  }
0x94: {  	_ =	strace s2  }
0x95: {  	s2 =	sld [smem:$0x3FFD];
	_ =	sdelay $0x3  }
0x96: {  	_ =	strace s2  }
0x97: {  	_ =	strace $0x8FFFFFFF  }
0x98: {  	s18 =	sld [smem:$0x3FDB];
	_ =	sdelay $0x1  }
0x99: {  	s19 =	simm.s32 $_scs_section_size  }
0x9a: {  	s4 =	simm.s32 $_size__tile_overlayer_lowered;
	s5 =	simm.s32 $_tile_overlayer_lowered  }
0x9b: {  	s22 =	simm.s32 $0x1BFF;
	s21 =	sshll.u32 s5, $0x1;
	s2 =	sadd.s32 s19, s18  }
0x9c: {  	s6 =	simm.s32 $0x0;
	s20 =	sshll.u32 s4, $0x1;
	s4 =	sadd.s32 s21, s2  }
0x9d: {  	[timem:s6], [sflag:s22] =	dma.local [hbm:s4], s20  }
0x9e: {  	_ =	swait.ge [sflag:s22], s20  }
0x9f: {  	s3 =	ssub.s32 $0x0, s20;
	[sflag:s22] =	ssyncset.done $0x0  }
0xa0: {  	[sflag:s22] =	ssyncadd.s32 s3;
	_ =	sdelay $0x1  }
0xa1: {  	s23 =	simm.s32 $0x1B8B  }
0xa2: {  	_ =	swait.ge [sflag:s23], $0x1  }
0xa3: {  	[sflag:s23] =	ssyncset.done $0x0  }
0xa4: {  	s25 =	simm.s32 $0x1B8E;
	s24 =	sld [smem:$0x3FFE];
	[sflag:s23] =	ssyncadd.s32 $0xFFFFFFFF  }
0xa5: {  	s26 =	simm.s32 $execute0_lowered;
	[smem:$0x3FD2] =	sst s25  }
0xa6: {  	s4 =	sshll.u32 s26, $0x1;
	_ =	strace $0x80000049;
	[dreg:$0x1] =	wrdreg $0xFFFFFFFF  }
0xa7: {  	s28 =	simm.s32 $_size_execute0_lowered;
	s2 =	sadd.s32 s2, s4;
	[dreg:$0x0] =	wrdreg $0x0  }
0xa8: {  	s4 =	sshll.u32 s28, $0x1;
	[dreg:$0x2] =	wrdreg s2  }
0xa9: {  	[dreg:$0x3] =	wrdreg s4  }
0xaa: {  	[dreg:$0x4] =	wrdreg $0xC0  }
0xab: {  	_ =	task [dreg:s6], $0x5FFFF  }
0xac: {  	[dreg:$0x1] =	wrdreg $0xFFFFFFFF  }
0xad: {  	[dreg:$0x0] =	wrdreg $0x60  }
0xae: {  	[dreg:$0x2] =	wrdreg s24  }
0xaf: {  	[dreg:$0x3] =	wrdreg $0x182000  }
0xb0: {  	[dreg:$0x4] =	wrdreg $0x9  }
0xb1: {  	_ =	task.clear_ibuf [dreg:s6], $0x5FFFF;
	_ =	strace $0x90000049  }
0xb2: {  	s29 =	simm.s32 $0x9;
	_ =	strace $0x8000004B  }
0xb3: {  	_ =	swait.ge [sflag:s29], $0x1  }
0xb4: {  	[sflag:s29] =	ssyncadd.s32 $0xFFFFFFFF  }
0xb5: {  	_ =	strace $0x9000004B  }
0xb6: {  	_ =	sfence  }
0xb7: {  	s30 =	sld [smem:$0x0];
	_ =	sdelay $0x2  }
0xb8: {  	s31 =	sshll.u32 s1, $0xD;
	s1 =	sshrl.u32 s1, $0x2  }
0xb9: {  	s3 =	sand.u32 $0x4000, s31;
	s1 =	sadd.s32 s1, s30  }
0xba: {  	s0 =	sor.u32 s3, s0;
	s1 =	sshll.u32 s1, $0x11  }
0xbb: {  	s0 =	sor.u32 s1, s0  }
0xbc: {  	s0 =	sadd.s32 $0x8F2B, s0  }
0xbd: {  	[sflag:s0] =	ssyncadd.remote.s32 $0x1  }
0xbe: {  	_ =	sfence.sel $0xFFFF  }
0xbf: {  	[dreg:$0x0] =	wrdreg $0xFFFFFFFF;
	(pc) =	sbr.abs _section_cstart, $3  }
0xc0: {  	[dreg:$0x1] =	wrdreg $0xFFFFFFFF  }
0xc1: {  	_ =	task.clear_ibuf [dreg:s6], $0x2FFFF;
	_ =	strace $0x9FFFFFFF  }
0xc2: {  	(tm) =	ssettm $0x7FFFFFFF  }
0xc3: {  	_ =	shalt  }
tec
execute0_lowered:
.L_overlay_start_1:
0x0: {  	(tag) =	ssettag $0x1  }
0x1: {  	s0 =	rddreg [dreg:$0x0]  }
0x2: {  	s1 =	rddreg [dreg:$0x1]  }
0x3: {  	s3 =	srdreg.scid;
	s10 =	stileid.u32  }
0x4: {  	s2 =	simm.s32 $0x0;
	s9 =	simm.s32 $0x100;
	s25 =	simm.s32 $0x1  }
0x5: {  	s31 =	simm.s32 $0xA100;
	s11 =	simm.s32 $0xB900;
	s12 =	simm.s32 $0xC100  }
0x6: {  	s13 =	simm.s32 $0xC900;
	s14 =	simm.s32 $0xD100;
	s15 =	simm.s32 $0xD900  }
0x7: {  	s16 =	simm.s32 $0xE100;
	s17 =	simm.s32 $0xE900;
	s18 =	simm.s32 $0xF100  }
0x8: {  	s19 =	simm.s32 $0xF900;
	s20 =	simm.s32 $0x10100;
	s21 =	simm.s32 $0x80  }
0x9: {  	s22 =	simm.s32 $0x18100;
	s23 =	simm.s32 $0x18180;
	s24 =	simm.s32 $0x14100  }
0xa: {  	v0 =	vlaneseq.u32;
	vm0 =	vmmov $0xffff;
	s26 =	simm.s32 $0x0;
	s4 =	sand.u32 $0x1, s3;
	s30 =	sshll.u32 s10, $0x1  }
0xb: {  	v4 =	vimm.f32 $0.0e+00;
	v5 =	vimm.f32 $1.000000000e+00;
	[smem:$0x7FF] =	sst s2;
	s3 =	sadd.s32 $0x3E00, s0;
	v2 =	vshrl.u32 v0, $0x3;
	p0 =	sne.s32 s10, $0x0  }
0xc: {  	v1 =	vand.u32 $0x7, v0;
	v3 =	vor.u32 $0x8, v0;
	s10 =	simm.s32 $0xB100;
	v6 =	vor.u32 $0x10, v0;
	s5 =	sor.u32 s4, s30;
	_ =	strace $0x8000004A  }
0xd: {  	v7 =	vor.u32 $0x20, v0;
	v8 =	vor.u32 $0x30, v0;
	v9 =	vor.u32 $0x40, v0;
	s7 =	ssub.s32 $0x2, s4;
	s4 =	sshll.u32 s4, $0xC;
	s6 =	sshll.u32 s5, $0x5  }
0xe: {  	v10 =	vor.u32 $0x50, v0;
	v11 =	vor.u32 $0x60, v0;
	v12 =	vor.u32 $0x70, v0;
	s5 =	sshll.u32 s5, $0xD;
	s8 =	sshrl.u32 s7, $0x1;
	s6 =	sadd.s32 s6, s0  }
0xf: {  	v13 =	vor.u32 $0x80, v0;
	v14 =	vor.u32 $0x90, v0;
	v15 =	vor.u32 $0xA0, v0;
	s5 =	sadd.s32 s5, s0;
	s0 =	sadd.s32 s4, s0;
	s7 =	ssub.s32 s7, s8  }
0x10: {  	v16 =	vor.u32 $0xB0, v0;
	v17 =	vor.u32 $0xC0, v0;
	v18 =	vor.u32 $0xD0, v0;
	s8 =	simm.s32 $0x2;
	s4 =	sadd.s32 $0xA5E00, s6;
	s5 =	sadd.s32 $0xA6200, s5  }
0x11: {  	v19 =	vor.u32 $0xE0, v0;
	v20 =	vor.u32 $0xF0, v0;
	v2 =	vmul.u32 $0x8, v2;
	s6 =	sadd.s32 $0xE6200, s0;
	s7 =	smax.u32 s7, $0x1;
	s0 =	simm.s32 $0xA900  }
.LBB2_1:
0x12: {  	[tilespmem:s2], [sflag:$0x2] =	stream.linear.gather [hbm4b:s4+s2], $0x100, $0x38;
	[tilespmem:$0x18300] =	vst v63  }
0x13: {  	_ =	swait.ge [sflag:s8], $0x100  }
0x14: {  	[sflag:s8] =	ssyncset.done $0x0  }
0x15: {  	[sflag:s8] =	ssyncadd.s32 $0xFFFFFF00  }
0x16: {  	v21 =	vld [tilespmem:$0x0];
	_ =	sdelay $0x4  }
0x17: {  	v22 =	vshll.u32 v21, $0x1  }
0x18: {  	v21 =	vand.u32 $0x7, v21;
	v22 =	vand.u32 $0xFFFFFFF0, v22  }
0x19: {  	v21 =	vor.u32 v21, v22  }
0x1a: {  	v22 =	vperm.xlane v21, v1;
	_ =	sdelay $0x1  }
0x1b: {  	v21 =	vperm.xlane v21, v3;
	v22 =	vadd.s32 v2, v22;
	_ =	sdelay $0x1  }
0x1c: {  	v21 =	vadd.s32 v2, v21;
	_ =	sdelay $0x2  }
0x1d: {  	[tilespmem:s9], [sflag:$0x1] =	stream.indirect_vreg.gather [hbm4b:s3+s2], $0x80, v22, vm0, $0xb8;
	[tilespmem:$0x18300] =	vst v63  }
0x1e: {  	s28 =	simm.s32 $0x900  }
0x1f: {  	[tilespmem:s28], [sflag:$0x1] =	stream.indirect_vreg.gather [hbm4b:s3+s2], $0x80, v21, vm0, $0xb8;
	[tilespmem:$0x18300] =	vst v63  }
0x20: {  	v21 =	vld [tilespmem:$0x10];
	_ =	sdelay $0x4  }
0x21: {  	v22 =	vshll.u32 v21, $0x1  }
0x22: {  	v21 =	vand.u32 $0x7, v21;
	v22 =	vand.u32 $0xFFFFFFF0, v22  }
0x23: {  	v21 =	vor.u32 v21, v22  }
0x24: {  	v22 =	vperm.xlane v21, v1;
	_ =	sdelay $0x1  }
0x25: {  	v21 =	vperm.xlane v21, v3;
	v22 =	vadd.s32 v2, v22;
	_ =	sdelay $0x1  }
0x26: {  	v21 =	vadd.s32 v2, v21;
	_ =	sdelay $0x1  }
0x27: {  	s28 =	simm.s32 $0x1100  }
0x28: {  	[tilespmem:s28], [sflag:$0x1] =	stream.indirect_vreg.gather [hbm4b:s3+s2], $0x80, v22, vm0, $0xb8;
	[tilespmem:$0x18300] =	vst v63  }
0x29: {  	s28 =	simm.s32 $0x1900  }
0x2a: {  	[tilespmem:s28], [sflag:$0x1] =	stream.indirect_vreg.gather [hbm4b:s3+s2], $0x80, v21, vm0, $0xb8;
	[tilespmem:$0x18300] =	vst v63  }
0x2b: {  	v21 =	vld [tilespmem:$0x20];
	_ =	sdelay $0x4  }
0x2c: {  	v22 =	vshll.u32 v21, $0x1  }
0x2d: {  	v21 =	vand.u32 $0x7, v21;
	v22 =	vand.u32 $0xFFFFFFF0, v22  }
0x2e: {  	v21 =	vor.u32 v21, v22  }
0x2f: {  	v22 =	vperm.xlane v21, v1;
	_ =	sdelay $0x1  }
0x30: {  	v21 =	vperm.xlane v21, v3;
	v22 =	vadd.s32 v2, v22;
	_ =	sdelay $0x1  }
0x31: {  	v21 =	vadd.s32 v2, v21;
	_ =	sdelay $0x1  }
0x32: {  	s28 =	simm.s32 $0x2100  }
0x33: {  	[tilespmem:s28], [sflag:$0x1] =	stream.indirect_vreg.gather [hbm4b:s3+s2], $0x80, v22, vm0, $0xb8;
	[tilespmem:$0x18300] =	vst v63  }
0x34: {  	s28 =	simm.s32 $0x2900  }
0x35: {  	[tilespmem:s28], [sflag:$0x1] =	stream.indirect_vreg.gather [hbm4b:s3+s2], $0x80, v21, vm0, $0xb8;
	[tilespmem:$0x18300] =	vst v63  }
0x36: {  	v21 =	vld [tilespmem:$0x30];
	_ =	sdelay $0x4  }
0x37: {  	v22 =	vshll.u32 v21, $0x1  }
0x38: {  	v21 =	vand.u32 $0x7, v21;
	v22 =	vand.u32 $0xFFFFFFF0, v22  }
0x39: {  	v21 =	vor.u32 v21, v22  }
0x3a: {  	v22 =	vperm.xlane v21, v1;
	_ =	sdelay $0x1  }
0x3b: {  	v21 =	vperm.xlane v21, v3;
	v22 =	vadd.s32 v2, v22;
	_ =	sdelay $0x1  }
0x3c: {  	v21 =	vadd.s32 v2, v21;
	_ =	sdelay $0x1  }
0x3d: {  	s28 =	simm.s32 $0x3100  }
0x3e: {  	[tilespmem:s28], [sflag:$0x1] =	stream.indirect_vreg.gather [hbm4b:s3+s2], $0x80, v22, vm0, $0xb8;
	[tilespmem:$0x18300] =	vst v63  }
0x3f: {  	s28 =	simm.s32 $0x3900  }
0x40: {  	[tilespmem:s28], [sflag:$0x1] =	stream.indirect_vreg.gather [hbm4b:s3+s2], $0x80, v21, vm0, $0xb8;
	[tilespmem:$0x18300] =	vst v63  }
0x41: {  	v21 =	vld [tilespmem:$0x40];
	_ =	sdelay $0x4  }
0x42: {  	v22 =	vshll.u32 v21, $0x1  }
0x43: {  	v21 =	vand.u32 $0x7, v21;
	v22 =	vand.u32 $0xFFFFFFF0, v22  }
0x44: {  	v21 =	vor.u32 v21, v22  }
0x45: {  	v22 =	vperm.xlane v21, v1;
	_ =	sdelay $0x1  }
0x46: {  	v21 =	vperm.xlane v21, v3;
	v22 =	vadd.s32 v2, v22;
	_ =	sdelay $0x1  }
0x47: {  	v21 =	vadd.s32 v2, v21;
	_ =	sdelay $0x1  }
0x48: {  	s28 =	simm.s32 $0x4100  }
0x49: {  	[tilespmem:s28], [sflag:$0x1] =	stream.indirect_vreg.gather [hbm4b:s3+s2], $0x80, v22, vm0, $0xb8;
	[tilespmem:$0x18300] =	vst v63  }
0x4a: {  	s28 =	simm.s32 $0x4900  }
0x4b: {  	[tilespmem:s28], [sflag:$0x1] =	stream.indirect_vreg.gather [hbm4b:s3+s2], $0x80, v21, vm0, $0xb8;
	[tilespmem:$0x18300] =	vst v63  }
0x4c: {  	v21 =	vld [tilespmem:$0x50];
	_ =	sdelay $0x4  }
0x4d: {  	v22 =	vshll.u32 v21, $0x1  }
0x4e: {  	v21 =	vand.u32 $0x7, v21;
	v22 =	vand.u32 $0xFFFFFFF0, v22  }
0x4f: {  	v21 =	vor.u32 v21, v22  }
0x50: {  	v22 =	vperm.xlane v21, v1;
	_ =	sdelay $0x1  }
0x51: {  	v21 =	vperm.xlane v21, v3;
	v22 =	vadd.s32 v2, v22;
	_ =	sdelay $0x1  }
0x52: {  	v21 =	vadd.s32 v2, v21;
	_ =	sdelay $0x1  }
0x53: {  	s28 =	simm.s32 $0x5100  }
0x54: {  	[tilespmem:s28], [sflag:$0x1] =	stream.indirect_vreg.gather [hbm4b:s3+s2], $0x80, v22, vm0, $0xb8;
	[tilespmem:$0x18300] =	vst v63  }
0x55: {  	s28 =	simm.s32 $0x5900  }
0x56: {  	[tilespmem:s28], [sflag:$0x1] =	stream.indirect_vreg.gather [hbm4b:s3+s2], $0x80, v21, vm0, $0xb8;
	[tilespmem:$0x18300] =	vst v63  }
0x57: {  	v21 =	vld [tilespmem:$0x60];
	_ =	sdelay $0x4  }
0x58: {  	v22 =	vshll.u32 v21, $0x1  }
0x59: {  	v21 =	vand.u32 $0x7, v21;
	v22 =	vand.u32 $0xFFFFFFF0, v22  }
0x5a: {  	v21 =	vor.u32 v21, v22  }
0x5b: {  	v22 =	vperm.xlane v21, v1;
	_ =	sdelay $0x1  }
0x5c: {  	v21 =	vperm.xlane v21, v3;
	v22 =	vadd.s32 v2, v22;
	_ =	sdelay $0x1  }
0x5d: {  	v21 =	vadd.s32 v2, v21;
	_ =	sdelay $0x1  }
0x5e: {  	s28 =	simm.s32 $0x6100  }
0x5f: {  	[tilespmem:s28], [sflag:$0x1] =	stream.indirect_vreg.gather [hbm4b:s3+s2], $0x80, v22, vm0, $0xb8;
	[tilespmem:$0x18300] =	vst v63  }
0x60: {  	s28 =	simm.s32 $0x6900  }
0x61: {  	[tilespmem:s28], [sflag:$0x1] =	stream.indirect_vreg.gather [hbm4b:s3+s2], $0x80, v21, vm0, $0xb8;
	[tilespmem:$0x18300] =	vst v63  }
0x62: {  	v21 =	vld [tilespmem:$0x70];
	_ =	sdelay $0x4  }
0x63: {  	v22 =	vshll.u32 v21, $0x1  }
0x64: {  	v21 =	vand.u32 $0x7, v21;
	v22 =	vand.u32 $0xFFFFFFF0, v22  }
0x65: {  	v21 =	vor.u32 v21, v22  }
0x66: {  	v22 =	vperm.xlane v21, v1;
	_ =	sdelay $0x1  }
0x67: {  	v21 =	vperm.xlane v21, v3;
	v22 =	vadd.s32 v2, v22;
	_ =	sdelay $0x1  }
0x68: {  	v21 =	vadd.s32 v2, v21;
	_ =	sdelay $0x1  }
0x69: {  	s28 =	simm.s32 $0x7100  }
0x6a: {  	[tilespmem:s28], [sflag:$0x1] =	stream.indirect_vreg.gather [hbm4b:s3+s2], $0x80, v22, vm0, $0xb8;
	[tilespmem:$0x18300] =	vst v63  }
0x6b: {  	s28 =	simm.s32 $0x7900  }
0x6c: {  	[tilespmem:s28], [sflag:$0x1] =	stream.indirect_vreg.gather [hbm4b:s3+s2], $0x80, v21, vm0, $0xb8;
	[tilespmem:$0x18300] =	vst v63  }
0x6d: {  	_ =	swait.ge [sflag:s25], $0x8000  }
0x6e: {  	[sflag:s25] =	ssyncset.done $0x0  }
0x6f: {  	[sflag:s25] =	ssyncadd.s32 $0xFFFF8000  }
0x70: {  	v21 =	vld [tilespmem:$0x80];
	_ =	sdelay $0x4  }
0x71: {  	v22 =	vshll.u32 v21, $0x1  }
0x72: {  	v21 =	vand.u32 $0x7, v21;
	v22 =	vand.u32 $0xFFFFFFF0, v22  }
0x73: {  	v21 =	vor.u32 v21, v22  }
0x74: {  	v22 =	vperm.xlane v21, v1;
	_ =	sdelay $0x1  }
0x75: {  	v21 =	vperm.xlane v21, v3;
	v22 =	vadd.s32 v2, v22;
	_ =	sdelay $0x1  }
0x76: {  	v21 =	vadd.s32 v2, v21;
	_ =	sdelay $0x1  }
0x77: {  	s28 =	simm.s32 $0x8100  }
0x78: {  	[tilespmem:s28], [sflag:$0x1] =	stream.indirect_vreg.gather [hbm4b:s3+s2], $0x80, v22, vm0, $0xb8;
	[tilespmem:$0x18300] =	vst v63  }
0x79: {  	s28 =	simm.s32 $0x8900  }
0x7a: {  	[tilespmem:s28], [sflag:$0x1] =	stream.indirect_vreg.gather [hbm4b:s3+s2], $0x80, v21, vm0, $0xb8;
	[tilespmem:$0x18300] =	vst v63  }
0x7b: {  	v21 =	vld [tilespmem:$0x90];
	_ =	sdelay $0x4  }
0x7c: {  	v22 =	vshll.u32 v21, $0x1  }
0x7d: {  	v21 =	vand.u32 $0x7, v21;
	v22 =	vand.u32 $0xFFFFFFF0, v22  }
0x7e: {  	v21 =	vor.u32 v21, v22  }
0x7f: {  	v22 =	vperm.xlane v21, v1;
	_ =	sdelay $0x1  }
0x80: {  	v21 =	vperm.xlane v21, v3;
	v22 =	vadd.s32 v2, v22;
	_ =	sdelay $0x1  }
0x81: {  	v21 =	vadd.s32 v2, v21;
	_ =	sdelay $0x1  }
0x82: {  	s28 =	simm.s32 $0x9100  }
0x83: {  	[tilespmem:s28], [sflag:$0x1] =	stream.indirect_vreg.gather [hbm4b:s3+s2], $0x80, v22, vm0, $0xb8;
	[tilespmem:$0x18300] =	vst v63  }
0x84: {  	s28 =	simm.s32 $0x9900  }
0x85: {  	[tilespmem:s28], [sflag:$0x1] =	stream.indirect_vreg.gather [hbm4b:s3+s2], $0x80, v21, vm0, $0xb8;
	[tilespmem:$0x18300] =	vst v63  }
0x86: {  	v21 =	vld [tilespmem:$0xA0];
	_ =	sdelay $0x4  }
0x87: {  	v22 =	vshll.u32 v21, $0x1  }
0x88: {  	v21 =	vand.u32 $0x7, v21;
	v22 =	vand.u32 $0xFFFFFFF0, v22  }
0x89: {  	v21 =	vor.u32 v21, v22  }
0x8a: {  	v22 =	vperm.xlane v21, v1;
	_ =	sdelay $0x1  }
0x8b: {  	v21 =	vperm.xlane v21, v3;
	v22 =	vadd.s32 v2, v22;
	_ =	sdelay $0x1  }
0x8c: {  	v21 =	vadd.s32 v2, v21;
	_ =	sdelay $0x2  }
0x8d: {  	[tilespmem:s31], [sflag:$0x1] =	stream.indirect_vreg.gather [hbm4b:s3+s2], $0x80, v22, vm0, $0xb8;
	[tilespmem:$0x18300] =	vst v63  }
0x8e: {  	_ = 	snop  }
0x8f: {  	[tilespmem:s0], [sflag:$0x1] =	stream.indirect_vreg.gather [hbm4b:s3+s2], $0x80, v21, vm0, $0xb8;
	[tilespmem:$0x18300] =	vst v63  }
0x90: {  	v21 =	vld [tilespmem:$0xB0];
	_ =	sdelay $0x4  }
0x91: {  	v22 =	vshll.u32 v21, $0x1  }
0x92: {  	v21 =	vand.u32 $0x7, v21;
	v22 =	vand.u32 $0xFFFFFFF0, v22  }
0x93: {  	v21 =	vor.u32 v21, v22  }
0x94: {  	v22 =	vperm.xlane v21, v1;
	_ =	sdelay $0x1  }
0x95: {  	v21 =	vperm.xlane v21, v3;
	v22 =	vadd.s32 v2, v22;
	_ =	sdelay $0x1  }
0x96: {  	v21 =	vadd.s32 v2, v21;
	_ =	sdelay $0x2  }
0x97: {  	[tilespmem:s10], [sflag:$0x1] =	stream.indirect_vreg.gather [hbm4b:s3+s2], $0x80, v22, vm0, $0xb8;
	[tilespmem:$0x18300] =	vst v63  }
0x98: {  	_ = 	snop  }
0x99: {  	[tilespmem:s11], [sflag:$0x1] =	stream.indirect_vreg.gather [hbm4b:s3+s2], $0x80, v21, vm0, $0xb8;
	[tilespmem:$0x18300] =	vst v63  }
0x9a: {  	v21 =	vld [tilespmem:$0xC0];
	_ =	sdelay $0x4  }
0x9b: {  	v22 =	vshll.u32 v21, $0x1  }
0x9c: {  	v21 =	vand.u32 $0x7, v21;
	v22 =	vand.u32 $0xFFFFFFF0, v22  }
0x9d: {  	v21 =	vor.u32 v21, v22  }
0x9e: {  	v22 =	vperm.xlane v21, v1;
	_ =	sdelay $0x1  }
0x9f: {  	v21 =	vperm.xlane v21, v3;
	v22 =	vadd.s32 v2, v22;
	_ =	sdelay $0x1  }
0xa0: {  	v21 =	vadd.s32 v2, v21;
	_ =	sdelay $0x2  }
0xa1: {  	[tilespmem:s12], [sflag:$0x1] =	stream.indirect_vreg.gather [hbm4b:s3+s2], $0x80, v22, vm0, $0xb8;
	[tilespmem:$0x18300] =	vst v63  }
0xa2: {  	_ = 	snop  }
0xa3: {  	[tilespmem:s13], [sflag:$0x1] =	stream.indirect_vreg.gather [hbm4b:s3+s2], $0x80, v21, vm0, $0xb8;
	[tilespmem:$0x18300] =	vst v63  }
0xa4: {  	v21 =	vld [tilespmem:$0xD0];
	_ =	sdelay $0x4  }
0xa5: {  	v22 =	vshll.u32 v21, $0x1  }
0xa6: {  	v21 =	vand.u32 $0x7, v21;
	v22 =	vand.u32 $0xFFFFFFF0, v22  }
0xa7: {  	v21 =	vor.u32 v21, v22  }
0xa8: {  	v22 =	vperm.xlane v21, v1;
	_ =	sdelay $0x1  }
0xa9: {  	v21 =	vperm.xlane v21, v3;
	v22 =	vadd.s32 v2, v22;
	_ =	sdelay $0x1  }
0xaa: {  	v21 =	vadd.s32 v2, v21;
	_ =	sdelay $0x2  }
0xab: {  	[tilespmem:s14], [sflag:$0x1] =	stream.indirect_vreg.gather [hbm4b:s3+s2], $0x80, v22, vm0, $0xb8;
	[tilespmem:$0x18300] =	vst v63  }
0xac: {  	_ = 	snop  }
0xad: {  	[tilespmem:s15], [sflag:$0x1] =	stream.indirect_vreg.gather [hbm4b:s3+s2], $0x80, v21, vm0, $0xb8;
	[tilespmem:$0x18300] =	vst v63  }
0xae: {  	v21 =	vld [tilespmem:$0xE0];
	_ =	sdelay $0x4  }
0xaf: {  	v22 =	vshll.u32 v21, $0x1  }
0xb0: {  	v21 =	vand.u32 $0x7, v21;
	v22 =	vand.u32 $0xFFFFFFF0, v22  }
0xb1: {  	v21 =	vor.u32 v21, v22  }
0xb2: {  	v22 =	vperm.xlane v21, v1;
	_ =	sdelay $0x1  }
0xb3: {  	v21 =	vperm.xlane v21, v3;
	v22 =	vadd.s32 v2, v22;
	_ =	sdelay $0x1  }
0xb4: {  	v21 =	vadd.s32 v2, v21;
	_ =	sdelay $0x2  }
0xb5: {  	[tilespmem:s16], [sflag:$0x1] =	stream.indirect_vreg.gather [hbm4b:s3+s2], $0x80, v22, vm0, $0xb8;
	[tilespmem:$0x18300] =	vst v63  }
0xb6: {  	_ = 	snop  }
0xb7: {  	[tilespmem:s17], [sflag:$0x1] =	stream.indirect_vreg.gather [hbm4b:s3+s2], $0x80, v21, vm0, $0xb8;
	[tilespmem:$0x18300] =	vst v63  }
0xb8: {  	v21 =	vld [tilespmem:$0xF0];
	_ =	sdelay $0x4  }
0xb9: {  	v22 =	vshll.u32 v21, $0x1  }
0xba: {  	v21 =	vand.u32 $0x7, v21;
	v22 =	vand.u32 $0xFFFFFFF0, v22  }
0xbb: {  	v21 =	vor.u32 v21, v22  }
0xbc: {  	v22 =	vperm.xlane v21, v1;
	_ =	sdelay $0x1  }
0xbd: {  	v21 =	vperm.xlane v21, v3;
	v22 =	vadd.s32 v2, v22;
	_ =	sdelay $0x1  }
0xbe: {  	v21 =	vadd.s32 v2, v21;
	_ =	sdelay $0x2  }
0xbf: {  	[tilespmem:s18], [sflag:$0x1] =	stream.indirect_vreg.gather [hbm4b:s3+s2], $0x80, v22, vm0, $0xb8;
	[tilespmem:$0x18300] =	vst v63  }
0xc0: {  	_ = 	snop  }
0xc1: {  	[tilespmem:s19], [sflag:$0x1] =	stream.indirect_vreg.gather [hbm4b:s3+s2], $0x80, v21, vm0, $0xb8;
	[tilespmem:$0x18300] =	vst v63  }
0xc2: {  	_ =	swait.ge [sflag:s25], $0x8000  }
0xc3: {  	[sflag:s25] =	ssyncset.done $0x0  }
0xc4: {  	[sflag:s25] =	ssyncadd.s32 $0xFFFF8000  }
0xc5: {  	[hbm4b:s5+s2] =	stream.linear.scatter [tilespmem:s9], [sflag:$0x2], $0x10000, $0x38;
	[tilespmem:$0x18300] =	vst v63  }
0xc6: {  	_ =	swait.ge [sflag:s8], $0x10000  }
0xc7: {  	[sflag:s8] =	ssyncset.done $0x0  }
0xc8: {  	s29 =	simm.s32 $0x0;
	s28 =	simm.s32 $0x200;
	[sflag:s8] =	ssyncadd.s32 $0xFFFF0000  }
.LBB2_2:
0xc9: {  	p1 =	sne.s32 s28, $0x1FE00;
	[tilespmem:s29+$0x10100] =	vst v4;
	s29 =	smov.u32 s28;
	s28 =	sadd.s32 $0x200, s28  }
.Ltmp0:
0xca: {  	(pc) =	sbr.rel @p1 .LBB2_2-.Ltmp0, $2  }
0xcb: {  	_ =	sdelay $0x2  }
0xcc: {  	s29 =	sshra.s32 s29, $0x2  }
0xcd: {  	[tilespmem:s29+$0x10100] =	vst v4;
	s28 =	simm.s32 @!p0 $0x10100  }
0xce: {  	[spmem:s1] =	stream.linear.scatter @!p0 [tilespmem:s28], [sflag:$0x2], $0x8000, $0x38;
	[tilespmem:$0x18300] =	vst v63  }
0xcf: {  	s28 =	simm.s32 @!p0 $0x2  }
0xd0: {  	_ =	swait.ge @!p0 [sflag:s28], $0x8000  }
0xd1: {  	[sflag:s28] =	ssyncset.done @!p0 $0x0  }
0xd2: {  	[sflag:s28] =	ssyncadd.s32 @!p0 $0xFFFF8000  }
0xd3: {  	[bflag:$0x0] =	sbarrier.arrive $0xFFFF  }
0xd4: {  	v21 =	vld [tilespmem:$0x0];
	_ =	sdelay $0x4  }
0xd5: {  	v22 =	vshll.u32 v21, $0x3  }
0xd6: {  	v21 =	vand.u32 $0xF, v21;
	v22 =	vand.u32 $0xFFFFFF80, v22  }
0xd7: {  	v21 =	vor.u32 v21, v22;
	_ =	sdelay $0x4  }
0xd8: {  	[tilespmem:v21+s20+$0x0] =	vst.idx.add.f32.msk $0xffff, v5  }
0xd9: {  	v21 =	vld [tilespmem:$0x10];
	_ =	sdelay $0x4  }
0xda: {  	v22 =	vshll.u32 v21, $0x3  }
0xdb: {  	v21 =	vand.u32 $0xF, v21;
	v22 =	vand.u32 $0xFFFFFF80, v22  }
0xdc: {  	v21 =	vor.u32 v21, v22;
	_ =	sdelay $0x4  }
0xdd: {  	[tilespmem:v21+s20+$0x0] =	vst.idx.add.f32.msk $0xffff, v5  }
0xde: {  	v21 =	vld [tilespmem:$0x20];
	_ =	sdelay $0x4  }
0xdf: {  	v22 =	vshll.u32 v21, $0x3  }
0xe0: {  	v21 =	vand.u32 $0xF, v21;
	v22 =	vand.u32 $0xFFFFFF80, v22  }
0xe1: {  	v21 =	vor.u32 v21, v22;
	_ =	sdelay $0x4  }
0xe2: {  	[tilespmem:v21+s20+$0x0] =	vst.idx.add.f32.msk $0xffff, v5  }
0xe3: {  	v21 =	vld [tilespmem:$0x30];
	_ =	sdelay $0x4  }
0xe4: {  	v22 =	vshll.u32 v21, $0x3  }
0xe5: {  	v21 =	vand.u32 $0xF, v21;
	v22 =	vand.u32 $0xFFFFFF80, v22  }
0xe6: {  	v21 =	vor.u32 v21, v22;
	_ =	sdelay $0x4  }
0xe7: {  	[tilespmem:v21+s20+$0x0] =	vst.idx.add.f32.msk $0xffff, v5  }
0xe8: {  	v21 =	vld [tilespmem:$0x40];
	_ =	sdelay $0x4  }
0xe9: {  	v22 =	vshll.u32 v21, $0x3  }
0xea: {  	v21 =	vand.u32 $0xF, v21;
	v22 =	vand.u32 $0xFFFFFF80, v22  }
0xeb: {  	v21 =	vor.u32 v21, v22;
	_ =	sdelay $0x4  }
0xec: {  	[tilespmem:v21+s20+$0x0] =	vst.idx.add.f32.msk $0xffff, v5  }
0xed: {  	v21 =	vld [tilespmem:$0x50];
	_ =	sdelay $0x4  }
0xee: {  	v22 =	vshll.u32 v21, $0x3  }
0xef: {  	v21 =	vand.u32 $0xF, v21;
	v22 =	vand.u32 $0xFFFFFF80, v22  }
0xf0: {  	v21 =	vor.u32 v21, v22;
	_ =	sdelay $0x4  }
0xf1: {  	[tilespmem:v21+s20+$0x0] =	vst.idx.add.f32.msk $0xffff, v5  }
0xf2: {  	v21 =	vld [tilespmem:$0x60];
	_ =	sdelay $0x4  }
0xf3: {  	v22 =	vshll.u32 v21, $0x3  }
0xf4: {  	v21 =	vand.u32 $0xF, v21;
	v22 =	vand.u32 $0xFFFFFF80, v22  }
0xf5: {  	v21 =	vor.u32 v21, v22;
	_ =	sdelay $0x4  }
0xf6: {  	[tilespmem:v21+s20+$0x0] =	vst.idx.add.f32.msk $0xffff, v5  }
0xf7: {  	v21 =	vld [tilespmem:$0x70];
	_ =	sdelay $0x4  }
0xf8: {  	v22 =	vshll.u32 v21, $0x3  }
0xf9: {  	v21 =	vand.u32 $0xF, v21;
	v22 =	vand.u32 $0xFFFFFF80, v22  }
0xfa: {  	v21 =	vor.u32 v21, v22;
	_ =	sdelay $0x4  }
0xfb: {  	[tilespmem:v21+s20+$0x0] =	vst.idx.add.f32.msk $0xffff, v5  }
0xfc: {  	v21 =	vld [tilespmem:$0x80];
	_ =	sdelay $0x3  }
0xfd: {  	[tilespmem:$0x18100] =	vst v0  }
0xfe: {  	[tilespmem:$0x18110] =	vst v6;
	v22 =	vshll.u32 v21, $0x3  }
0xff: {  	[tilespmem:$0x18120] =	vst v7;
	v21 =	vand.u32 $0xF, v21;
	v22 =	vand.u32 $0xFFFFFF80, v22  }
0x100: {  	[tilespmem:$0x18130] =	vst v8;
	v21 =	vor.u32 v21, v22  }
0x101: {  	[tilespmem:$0x18140] =	vst v9  }
0x102: {  	[tilespmem:$0x18150] =	vst v10  }
0x103: {  	[tilespmem:$0x18160] =	vst v11  }
0x104: {  	[tilespmem:$0x18170] =	vst v12  }
0x105: {  	[tilespmem:v21+s20+$0x0] =	vst.idx.add.f32.msk $0xffff, v5  }
0x106: {  	v21 =	vld [tilespmem:$0x90];
	_ =	sdelay $0x4  }
0x107: {  	v22 =	vshll.u32 v21, $0x3  }
0x108: {  	v21 =	vand.u32 $0xF, v21;
	v22 =	vand.u32 $0xFFFFFF80, v22  }
0x109: {  	v21 =	vor.u32 v21, v22;
	_ =	sdelay $0x4  }
0x10a: {  	[tilespmem:v21+s20+$0x0] =	vst.idx.add.f32.msk $0xffff, v5  }
0x10b: {  	v21 =	vld [tilespmem:$0xA0];
	_ =	sdelay $0x4  }
0x10c: {  	v22 =	vshll.u32 v21, $0x3  }
0x10d: {  	v21 =	vand.u32 $0xF, v21;
	v22 =	vand.u32 $0xFFFFFF80, v22  }
0x10e: {  	v21 =	vor.u32 v21, v22;
	_ =	sdelay $0x4  }
0x10f: {  	[tilespmem:v21+s20+$0x0] =	vst.idx.add.f32.msk $0xffff, v5  }
0x110: {  	v21 =	vld [tilespmem:$0xB0];
	_ =	sdelay $0x4  }
0x111: {  	v22 =	vshll.u32 v21, $0x3  }
0x112: {  	v21 =	vand.u32 $0xF, v21;
	v22 =	vand.u32 $0xFFFFFF80, v22  }
0x113: {  	v21 =	vor.u32 v21, v22;
	_ =	sdelay $0x4  }
0x114: {  	[tilespmem:v21+s20+$0x0] =	vst.idx.add.f32.msk $0xffff, v5  }
0x115: {  	v21 =	vld [tilespmem:$0xC0];
	_ =	sdelay $0x4  }
0x116: {  	v22 =	vshll.u32 v21, $0x3  }
0x117: {  	v21 =	vand.u32 $0xF, v21;
	v22 =	vand.u32 $0xFFFFFF80, v22  }
0x118: {  	v21 =	vor.u32 v21, v22;
	_ =	sdelay $0x4  }
0x119: {  	[tilespmem:v21+s20+$0x0] =	vst.idx.add.f32.msk $0xffff, v5  }
0x11a: {  	v21 =	vld [tilespmem:$0xD0];
	_ =	sdelay $0x4  }
0x11b: {  	v22 =	vshll.u32 v21, $0x3  }
0x11c: {  	v21 =	vand.u32 $0xF, v21;
	v22 =	vand.u32 $0xFFFFFF80, v22  }
0x11d: {  	v21 =	vor.u32 v21, v22;
	_ =	sdelay $0x4  }
0x11e: {  	[tilespmem:v21+s20+$0x0] =	vst.idx.add.f32.msk $0xffff, v5  }
0x11f: {  	v21 =	vld [tilespmem:$0xE0];
	_ =	sdelay $0x4  }
0x120: {  	v22 =	vshll.u32 v21, $0x3  }
0x121: {  	v21 =	vand.u32 $0xF, v21;
	v22 =	vand.u32 $0xFFFFFF80, v22  }
0x122: {  	v21 =	vor.u32 v21, v22;
	_ =	sdelay $0x4  }
0x123: {  	[tilespmem:v21+s20+$0x0] =	vst.idx.add.f32.msk $0xffff, v5  }
0x124: {  	v21 =	vld [tilespmem:$0xF0];
	_ =	sdelay $0x4  }
0x125: {  	v22 =	vshll.u32 v21, $0x3  }
0x126: {  	v21 =	vand.u32 $0xF, v21;
	v22 =	vand.u32 $0xFFFFFF80, v22  }
0x127: {  	v21 =	vor.u32 v21, v22;
	_ =	sdelay $0x4  }
0x128: {  	[tilespmem:v21+s20+$0x0] =	vst.idx.add.f32.msk $0xffff, v5  }
0x129: {  	[tilespmem:$0x18180] =	vst v13  }
0x12a: {  	[tilespmem:$0x18190] =	vst v14  }
0x12b: {  	[tilespmem:$0x181A0] =	vst v15  }
0x12c: {  	[tilespmem:$0x181B0] =	vst v16  }
0x12d: {  	[tilespmem:$0x181C0] =	vst v17  }
0x12e: {  	[tilespmem:$0x181D0] =	vst v18  }
0x12f: {  	[tilespmem:$0x181E0] =	vst v19  }
0x130: {  	[tilespmem:$0x181F0] =	vst v20  }
0x131: {  	[spmem:s1] =	stream.indirect.scatter.add.f32 [tilespmem:s20], [sflag:$0x2], $0x10, s22, s21, $0xb8;
	[tilespmem:$0x18300] =	vst v63  }
0x132: {  	_ =	swait.ge [sflag:s8], $0x800  }
0x133: {  	[sflag:s8] =	ssyncset.done $0x0  }
0x134: {  	[sflag:s8] =	ssyncadd.s32 $0xFFFFF800  }
0x135: {  	[spmem:s1] =	stream.indirect.scatter.add.f32 [tilespmem:s24], [sflag:$0x2], $0x10, s23, s21, $0xb8;
	[tilespmem:$0x18300] =	vst v63  }
0x136: {  	_ =	swait.ge [sflag:s8], $0x800  }
0x137: {  	s26 =	sadd.s32 $0x1, s26;
	[sflag:s8] =	ssyncset.done $0x0  }
0x138: {  	s29 =	sshrl.u32 @!p0 s1, $0x3;
	p1 =	sne.s32 s26, s7;
	[sflag:s8] =	ssyncadd.s32 $0xFFFFF800  }
.Ltmp1:
0x139: {  	s30 =	simm.s32 @!p0 $0x1C02;
	[bflag:$0x0] =	sbarrier.arrive $0xFFFF;
	(pc) =	sbr.rel @p1 .LBB2_1-.Ltmp1, $4  }
0x13a: {  	[hbm:s6], [sflag:s30] =	dma.local @!p0 [spmem:s29], $0x1000  }
0x13b: {  	_ =	swait.ge @!p0 [sflag:s28], $0x1000  }
0x13c: {  	[sflag:s28] =	ssyncset.done @!p0 $0x0  }
0x13d: {  	[sflag:s28] =	ssyncadd.s32 @!p0 $0xFFFFF000  }
0x13e: {  	_ =	sfence.sel $0x180000  }
0x13f: {  	[bflag:$0x0] =	sbarrier.arrive $0xFFFF  }
0x140: {  	_ =	strace $0x9000004A  }
0x141: {  	[bflag:$0x2] =	sbarrier.arrive $0xFFFF  }
0x142: {  	s0 =	rddreg [dreg:$0x2]  }
0x143: {  	s0 =	sadd.s32 @!p0 $0x100000, s0  }
0x144: {  	[sflag:s0] =	ssyncadd.tile.s32 @!p0 $0x1;
	_ =	shalt  }
.Lfunc_end2:
_tile_overlayer_lowered:
.L_overlay_start_2:
0x145: {  	(tag) =	ssettag $0x2  }
0x146: {  	s0 =	rddreg [dreg:$0x0];
	s2 =	stileid.u32  }
0x147: {  	s1 =	rddreg [dreg:$0x1];
	p0 =	sne.s32 s2, $0x0  }
0x148: {  	s3 =	rddreg [dreg:$0x2];
	[bflag:$0x3] =	sbarrier.arrive $0xFFFF;
	s2 =	simm.s32 @!p0 $0x1C02  }
0x149: {  	[timem:s3], [sflag:s2] =	dma.local @!p0 [hbm:s0], s1  }
0x14a: {  	s0 =	simm.s32 @!p0 $0x2  }
0x14b: {  	_ =	swait.ge @!p0 [sflag:s0], s1  }
0x14c: {  	s1 =	ssub.s32 @!p0 $0x0, s1;
	[sflag:s0] =	ssyncset.done @!p0 $0x0  }
0x14d: {  	[sflag:s0] =	ssyncadd.s32 @!p0 s1  }
0x14e: {  	[bflag:$0x3] =	sbarrier.arrive $0xFFFF  }
0x14f: {  	_ =	shalt  }

// kernel: kernel.18.cloned.1.call-start
scs
__scs_entry_jumppad:
0x0: {  	(pc) =	sbr.rel $0x88, $3  }
0x1: {  	(tag) =	ssettag $0x0;
	lr =	simm.s32 $0x1  }
0x2: {  	[smem:$0x3F9F] =	sst lr;
	_ =	strace $0xD0000000  }
0x3: {  	_ = 	snop  }
0x4: {  	_ = 	snop  }
0x5: {  	_ = 	snop  }
0x6: {  	_ = 	snop  }
0x7: {  	_ = 	snop  }
__scs_overlays_trampoline_lowered:
0x8: {  	[smem:$0x3FAE] =	sst s0  }
0x9: {  	[smem:$0x3FAF] =	sst s1  }
0xa: {  	[smem:$0x3FB0] =	sst s2  }
0xb: {  	[smem:$0x3FB1] =	sst s3  }
0xc: {  	[smem:$0x3FB2] =	sst s4  }
0xd: {  	[smem:$0x3FB3] =	sst s5  }
0xe: {  	[smem:$0x3FB4] =	sst s6  }
0xf: {  	[smem:$0x3FB5] =	sst s7  }
0x10: {  	[smem:$0x3FB6] =	sst s8  }
0x11: {  	[smem:$0x3FB7] =	sst s9;
	s0 =	simm.s32 @!p0 $0x0  }
0x12: {  	s1 =	sld [smem:$0x3F9D];
	s0 =	simm.s32 @p0 $0x1  }
0x13: {  	[smem:$0x3FB8] =	sst s0;
	s0 =	simm.s32 @!p1 $0x0  }
0x14: {  	s2 =	sld [smem:$0x3F9C];
	s0 =	simm.s32 @p1 $0x1  }
0x15: {  	[smem:$0x3FB9] =	sst s0;
	s0 =	simm.s32 @!p2 $0x0  }
0x16: {  	s3 =	sld [smem:$0x3FDB];
	s0 =	simm.s32 @p2 $0x1  }
0x17: {  	s4 =	simm.s32 $0x1BF5;
	[smem:$0x3FBB] =	sst s0  }
0x18: {  	s0 =	sld [smem:$0x3F9E];
	_ =	swait.ge [sflag:s4], $0x0  }
0x19: {  	s7 =	sld [smem:$0x3F9F]  }
0x1a: {  	s8 =	sadd.s32 $0xFFFFE003, lr  }
0x1b: {  	s9 =	sadd.s32 $0xFFFFFEF7, lr;
	s5 =	simm.s32 $0xFFFFFFFF;
	p2 =	slt.u32 s8, $0xFFFFF086  }
0x1c: {  	p1 =	slt.u32 s9, $0xF7A;
	s5 =	simm.s32 @!p2 $0x0  }
0x1d: {  	s5 =	simm.s32 @p1 $0x1;
	p0 =	seq.s32 s7, s2  }
0x1e: {  	s7 =	smul.u32 @!p0 $0xF7A, s2;
	p2 =	seq.s32 @!p0 s5, $0x0  }
0x1f: {  	s9 =	smul.u32 $0xF7A, s1;
	s8 =	simm.s32 @!p0 $0x1BF5;
	p2 =	por !p2, p0  }
0x20: {  	[sflag:s8] =	ssyncset.s32 @!p0 $0xFFFFF086;
	s6 =	sadd.s32 @!p0 s3, s7;
	s7 =	simm.s32 @!p0 $0x108  }
0x21: {  	s3 =	sadd.s32 s3, s9;
	s6 =	sadd.s32 @!p0 $0x88, s6;
	s7 =	simm.s32 @p2 $0x1082  }
0x22: {  	[simem:s7], [sflag:s8] =	dma.local @!p0 [hbm:s6], $0xF7A  }
0x23: {  	s9 =	sor.u32 $0xD0000000, s2;
	s6 =	simm.s32 $0x108;
	_ =	swait.ge @!p0 [sflag:s8], $0x0  }
0x24: {  	s3 =	sadd.s32 $0x88, s3;
	s6 =	simm.s32 @!p1 $0x1082;
	[sflag:s4] =	ssyncset.s32 $0xFFFFF086  }
0x25: {  	[simem:s6], [sflag:s4] =	dma.local [hbm:s3], $0xF7A  }
0x26: {  	[smem:$0x3F9F] =	sst s1;
	(tag) =	ssettag s2;
	_ =	strace s9  }
0x27: {  	s1 =	sld [smem:$0x3FAF]  }
0x28: {  	s2 =	sld [smem:$0x3FB0]  }
0x29: {  	s4 =	sld [smem:$0x3FB2]  }
0x2a: {  	p0 =	seq.s32 s5, $0x0;
	s5 =	sld [smem:$0x3FB3]  }
0x2b: {  	s6 =	sld [smem:$0x3FB4]  }
0x2c: {  	s7 =	sld [smem:$0x3FB5]  }
0x2d: {  	s3 =	simm.s32 $0x108;
	s8 =	sld [smem:$0x3FB6]  }
0x2e: {  	s3 =	simm.s32 @!p0 $0x1082;
	s9 =	sld [smem:$0x3FB7]  }
0x2f: {  	lr =	sadd.s32 s0, s3;
	s0 =	sld [smem:$0x3FAE]  }
0x30: {  	s3 =	sld [smem:$0x3FB1]  }
0x31: {  	[smem:$0x3FBA] =	sst s10  }
0x32: {  	s10 =	sld [smem:$0x3FB8];
	_ =	sdelay $0x3  }
0x33: {  	p0 =	seq.s32 s10, $0x1;
	s10 =	sld [smem:$0x3FBA];
	_ =	sdelay $0x3  }
0x34: {  	[smem:$0x3FBA] =	sst s10  }
0x35: {  	s10 =	sld [smem:$0x3FB9];
	_ =	sdelay $0x3  }
0x36: {  	p1 =	seq.s32 s10, $0x1;
	s10 =	sld [smem:$0x3FBA];
	_ =	sdelay $0x3  }
0x37: {  	[smem:$0x3FBA] =	sst s10  }
0x38: {  	s10 =	sld [smem:$0x3FBB]  }
0x39: {  	_ = 	snop;
	(pc) =	sbr.ind lr, $3  }
0x3a: {  	_ = 	snop  }
0x3b: {  	_ = 	snop  }
0x3c: {  	p2 =	seq.s32 s10, $0x1;
	s10 =	sld [smem:$0x3FBA]  }
0x3d: {  	_ =	shalt  }
0x3e: {  	_ =	shalt  }
0x3f: {  	_ =	shalt  }
0x40: {  	_ =	shalt  }
0x41: {  	_ =	shalt  }
0x42: {  	_ =	shalt  }
0x43: {  	_ =	shalt  }
0x44: {  	_ =	shalt  }
0x45: {  	_ =	shalt  }
0x46: {  	_ =	shalt  }
0x47: {  	_ =	shalt  }
0x48: {  	_ =	shalt  }
0x49: {  	_ =	shalt  }
0x4a: {  	_ =	shalt  }
0x4b: {  	_ =	shalt  }
0x4c: {  	_ =	shalt  }
0x4d: {  	_ =	shalt  }
0x4e: {  	_ =	shalt  }
0x4f: {  	_ =	shalt  }
0x50: {  	_ =	shalt  }
0x51: {  	_ =	shalt  }
0x52: {  	_ =	shalt  }
0x53: {  	_ =	shalt  }
0x54: {  	_ =	shalt  }
0x55: {  	_ =	shalt  }
0x56: {  	_ =	shalt  }
0x57: {  	_ =	shalt  }
0x58: {  	_ =	shalt  }
0x59: {  	_ =	shalt  }
0x5a: {  	_ =	shalt  }
0x5b: {  	_ =	shalt  }
0x5c: {  	_ =	shalt  }
0x5d: {  	_ =	shalt  }
0x5e: {  	_ =	shalt  }
0x5f: {  	_ =	shalt  }
0x60: {  	_ =	shalt  }
0x61: {  	_ =	shalt  }
0x62: {  	_ =	shalt  }
0x63: {  	_ =	shalt  }
0x64: {  	_ =	shalt  }
0x65: {  	_ =	shalt  }
0x66: {  	_ =	shalt  }
0x67: {  	_ =	shalt  }
0x68: {  	_ =	shalt  }
0x69: {  	_ =	shalt  }
0x6a: {  	_ =	shalt  }
0x6b: {  	_ =	shalt  }
0x6c: {  	_ =	shalt  }
0x6d: {  	_ =	shalt  }
0x6e: {  	_ =	shalt  }
0x6f: {  	_ =	shalt  }
0x70: {  	_ =	shalt  }
0x71: {  	_ =	shalt  }
0x72: {  	_ =	shalt  }
0x73: {  	_ =	shalt  }
0x74: {  	_ =	shalt  }
0x75: {  	_ =	shalt  }
0x76: {  	_ =	shalt  }
0x77: {  	_ =	shalt  }
0x78: {  	_ =	shalt  }
0x79: {  	_ =	shalt  }
0x7a: {  	_ =	shalt  }
0x7b: {  	_ =	shalt  }
0x7c: {  	_ =	shalt  }
0x7d: {  	_ =	shalt  }
0x7e: {  	_ =	shalt  }
0x7f: {  	_ =	shalt  }
0x80: {  	_ =	shalt  }
0x81: {  	_ =	shalt  }
0x82: {  	_ =	shalt  }
0x83: {  	_ =	shalt  }
0x84: {  	_ =	shalt  }
0x85: {  	_ =	shalt  }
0x86: {  	_ =	shalt  }
0x87: {  	_ =	shalt  }
.Lfunc_end0:
.L_simem_size_0:
called_computation.2_lowered:
.L_overlay_start_0:
0x88: {  	s2 =	sld [smem:$0x3FD9]  }
0x89: {  	s3 =	sld [smem:$0x3FFE];
	_ =	sdelay $0x1  }
0x8a: {  	s1 =	srdreg.scid  }
0x8b: {  	s0 =	sand.u32 $0x1, s1  }
0x8c: {  	s16 =	sshll.u32 s0, $0xA;
	s2 =	sadd.s32 s3, s2  }
0x8d: {  	s2 =	sadd.s32 s2, s16  }
0x8e: {  	[smem:$0x3FC6] =	sst s2  }
0x8f: {  	_ = 	snop  }
0x90: {  	(tm) =	ssettm $0x1  }
0x91: {  	s17 =	sld [smem:$0x3FFB];
	_ =	sdelay $0x3  }
0x92: {  	_ =	strace s17  }
0x93: {  	s2 =	sld [smem:$0x3FFC];
	_ =	sdelay $0x3  }
0x94: {  	_ =	strace s2  }
0x95: {  	s2 =	sld [smem:$0x3FFD];
	_ =	sdelay $0x3  }
0x96: {  	_ =	strace s2  }
0x97: {  	_ =	strace $0x8FFFFFFF  }
0x98: {  	s18 =	sld [smem:$0x3FDB];
	_ =	sdelay $0x1  }
0x99: {  	s19 =	simm.s32 $_scs_section_size  }
0x9a: {  	s4 =	simm.s32 $_size__tile_overlayer_lowered;
	s5 =	simm.s32 $_tile_overlayer_lowered  }
0x9b: {  	s22 =	simm.s32 $0x1BFF;
	s21 =	sshll.u32 s5, $0x1;
	s2 =	sadd.s32 s19, s18  }
0x9c: {  	s6 =	simm.s32 $0x0;
	s20 =	sshll.u32 s4, $0x1;
	s4 =	sadd.s32 s21, s2  }
0x9d: {  	[timem:s6], [sflag:s22] =	dma.local [hbm:s4], s20  }
0x9e: {  	_ =	swait.ge [sflag:s22], s20  }
0x9f: {  	s3 =	ssub.s32 $0x0, s20;
	[sflag:s22] =	ssyncset.done $0x0  }
0xa0: {  	[sflag:s22] =	ssyncadd.s32 s3;
	_ =	sdelay $0x1  }
0xa1: {  	s23 =	simm.s32 $0x1B8B  }
0xa2: {  	_ =	swait.ge [sflag:s23], $0x1  }
0xa3: {  	[sflag:s23] =	ssyncset.done $0x0  }
0xa4: {  	s25 =	simm.s32 $0x1B8E;
	s24 =	sld [smem:$0x3FFE];
	[sflag:s23] =	ssyncadd.s32 $0xFFFFFFFF  }
0xa5: {  	s26 =	simm.s32 $execute0_lowered;
	[smem:$0x3FD2] =	sst s25  }
0xa6: {  	s4 =	sshll.u32 s26, $0x1;
	_ =	strace $0x8000004C;
	[dreg:$0x1] =	wrdreg $0xFFFFFFFF  }
0xa7: {  	s28 =	simm.s32 $_size_execute0_lowered;
	s2 =	sadd.s32 s2, s4;
	[dreg:$0x0] =	wrdreg $0x0  }
0xa8: {  	s4 =	sshll.u32 s28, $0x1;
	[dreg:$0x2] =	wrdreg s2  }
0xa9: {  	[dreg:$0x3] =	wrdreg s4  }
0xaa: {  	[dreg:$0x4] =	wrdreg $0xC0  }
0xab: {  	_ =	task [dreg:s6], $0x5FFFF  }
0xac: {  	[dreg:$0x1] =	wrdreg $0xFFFFFFFF  }
0xad: {  	[dreg:$0x0] =	wrdreg $0x60  }
0xae: {  	[dreg:$0x2] =	wrdreg s24  }
0xaf: {  	[dreg:$0x3] =	wrdreg $0x182000  }
0xb0: {  	[dreg:$0x4] =	wrdreg $0x9  }
0xb1: {  	_ =	task.clear_ibuf [dreg:s6], $0x5FFFF;
	_ =	strace $0x9000004C  }
0xb2: {  	s29 =	simm.s32 $0x9;
	_ =	strace $0x8000004E  }
0xb3: {  	_ =	swait.ge [sflag:s29], $0x1  }
0xb4: {  	[sflag:s29] =	ssyncadd.s32 $0xFFFFFFFF  }
0xb5: {  	_ =	strace $0x9000004E  }
0xb6: {  	_ =	sfence  }
0xb7: {  	s30 =	sld [smem:$0x0];
	_ =	sdelay $0x2  }
0xb8: {  	s31 =	sshll.u32 s1, $0xD;
	s1 =	sshrl.u32 s1, $0x2  }
0xb9: {  	s3 =	sand.u32 $0x4000, s31;
	s1 =	sadd.s32 s1, s30  }
0xba: {  	s0 =	sor.u32 s3, s0;
	s1 =	sshll.u32 s1, $0x11  }
0xbb: {  	s0 =	sor.u32 s1, s0  }
0xbc: {  	s0 =	sadd.s32 $0x8F2B, s0  }
0xbd: {  	[sflag:s0] =	ssyncadd.remote.s32 $0x1  }
0xbe: {  	_ =	sfence.sel $0xFFFF  }
0xbf: {  	[dreg:$0x0] =	wrdreg $0xFFFFFFFF;
	(pc) =	sbr.abs _section_cstart, $3  }
0xc0: {  	[dreg:$0x1] =	wrdreg $0xFFFFFFFF  }
0xc1: {  	_ =	task.clear_ibuf [dreg:s6], $0x2FFFF;
	_ =	strace $0x9FFFFFFF  }
0xc2: {  	(tm) =	ssettm $0x7FFFFFFF  }
0xc3: {  	_ =	shalt  }
tec
execute0_lowered:
.L_overlay_start_1:
0x0: {  	(tag) =	ssettag $0x1  }
0x1: {  	s0 =	rddreg [dreg:$0x0]  }
0x2: {  	s1 =	rddreg [dreg:$0x1]  }
0x3: {  	s3 =	srdreg.scid;
	s10 =	stileid.u32  }
0x4: {  	s2 =	simm.s32 $0x0;
	s9 =	simm.s32 $0x100;
	s25 =	simm.s32 $0x1  }
0x5: {  	s31 =	simm.s32 $0xA100;
	s11 =	simm.s32 $0xB900;
	s12 =	simm.s32 $0xC100  }
0x6: {  	s13 =	simm.s32 $0xC900;
	s14 =	simm.s32 $0xD100;
	s15 =	simm.s32 $0xD900  }
0x7: {  	s16 =	simm.s32 $0xE100;
	s17 =	simm.s32 $0xE900;
	s18 =	simm.s32 $0xF100  }
0x8: {  	s19 =	simm.s32 $0xF900;
	s20 =	simm.s32 $0x10100;
	s21 =	simm.s32 $0x80  }
0x9: {  	s22 =	simm.s32 $0x18100;
	s23 =	simm.s32 $0x18180;
	s24 =	simm.s32 $0x14100  }
0xa: {  	v0 =	vlaneseq.u32;
	vm0 =	vmmov $0xffff;
	s26 =	simm.s32 $0x0;
	s4 =	sand.u32 $0x1, s3;
	s30 =	sshll.u32 s10, $0x1  }
0xb: {  	v4 =	vimm.f32 $0.0e+00;
	v5 =	vimm.f32 $1.000000000e+00;
	[smem:$0x7FF] =	sst s2;
	s3 =	sadd.s32 $0x23E00, s0;
	v2 =	vshrl.u32 v0, $0x3;
	p0 =	sne.s32 s10, $0x0  }
0xc: {  	v1 =	vand.u32 $0x7, v0;
	v3 =	vor.u32 $0x8, v0;
	s10 =	simm.s32 $0xB100;
	v6 =	vor.u32 $0x10, v0;
	s5 =	sor.u32 s4, s30;
	_ =	strace $0x8000004D  }
0xd: {  	v7 =	vor.u32 $0x20, v0;
	v8 =	vor.u32 $0x30, v0;
	v9 =	vor.u32 $0x40, v0;
	s7 =	ssub.s32 $0x2, s4;
	s4 =	sshll.u32 s4, $0xC;
	s6 =	sshll.u32 s5, $0x5  }
0xe: {  	v10 =	vor.u32 $0x50, v0;
	v11 =	vor.u32 $0x60, v0;
	v12 =	vor.u32 $0x70, v0;
	s5 =	sshll.u32 s5, $0xD;
	s8 =	sshrl.u32 s7, $0x1;
	s6 =	sadd.s32 s6, s0  }
0xf: {  	v13 =	vor.u32 $0x80, v0;
	v14 =	vor.u32 $0x90, v0;
	v15 =	vor.u32 $0xA0, v0;
	s5 =	sadd.s32 s5, s0;
	s0 =	sadd.s32 s4, s0;
	s7 =	ssub.s32 s7, s8  }
0x10: {  	v16 =	vor.u32 $0xB0, v0;
	v17 =	vor.u32 $0xC0, v0;
	v18 =	vor.u32 $0xD0, v0;
	s8 =	simm.s32 $0x2;
	s4 =	sadd.s32 $0x3E00, s6;
	s5 =	sadd.s32 $0x63E00, s5  }
0x11: {  	v19 =	vor.u32 $0xE0, v0;
	v20 =	vor.u32 $0xF0, v0;
	v2 =	vmul.u32 $0x8, v2;
	s6 =	sadd.s32 $0x4200, s0;
	s7 =	smax.u32 s7, $0x1;
	s0 =	simm.s32 $0xA900  }
.LBB2_1:
0x12: {  	[tilespmem:s2], [sflag:$0x2] =	stream.linear.gather [hbm4b:s4+s2], $0x100, $0x38;
	[tilespmem:$0x18300] =	vst v63  }
0x13: {  	_ =	swait.ge [sflag:s8], $0x100  }
0x14: {  	[sflag:s8] =	ssyncset.done $0x0  }
0x15: {  	[sflag:s8] =	ssyncadd.s32 $0xFFFFFF00  }
0x16: {  	v21 =	vld [tilespmem:$0x0];
	_ =	sdelay $0x4  }
0x17: {  	v22 =	vshll.u32 v21, $0x1  }
0x18: {  	v21 =	vand.u32 $0x7, v21;
	v22 =	vand.u32 $0xFFFFFFF0, v22  }
0x19: {  	v21 =	vor.u32 v21, v22  }
0x1a: {  	v22 =	vperm.xlane v21, v1;
	_ =	sdelay $0x1  }
0x1b: {  	v21 =	vperm.xlane v21, v3;
	v22 =	vadd.s32 v2, v22;
	_ =	sdelay $0x1  }
0x1c: {  	v21 =	vadd.s32 v2, v21;
	_ =	sdelay $0x2  }
0x1d: {  	[tilespmem:s9], [sflag:$0x1] =	stream.indirect_vreg.gather [hbm4b:s3+s2], $0x80, v22, vm0, $0xb8;
	[tilespmem:$0x18300] =	vst v63  }
0x1e: {  	s28 =	simm.s32 $0x900  }
0x1f: {  	[tilespmem:s28], [sflag:$0x1] =	stream.indirect_vreg.gather [hbm4b:s3+s2], $0x80, v21, vm0, $0xb8;
	[tilespmem:$0x18300] =	vst v63  }
0x20: {  	v21 =	vld [tilespmem:$0x10];
	_ =	sdelay $0x4  }
0x21: {  	v22 =	vshll.u32 v21, $0x1  }
0x22: {  	v21 =	vand.u32 $0x7, v21;
	v22 =	vand.u32 $0xFFFFFFF0, v22  }
0x23: {  	v21 =	vor.u32 v21, v22  }
0x24: {  	v22 =	vperm.xlane v21, v1;
	_ =	sdelay $0x1  }
0x25: {  	v21 =	vperm.xlane v21, v3;
	v22 =	vadd.s32 v2, v22;
	_ =	sdelay $0x1  }
0x26: {  	v21 =	vadd.s32 v2, v21;
	_ =	sdelay $0x1  }
0x27: {  	s28 =	simm.s32 $0x1100  }
0x28: {  	[tilespmem:s28], [sflag:$0x1] =	stream.indirect_vreg.gather [hbm4b:s3+s2], $0x80, v22, vm0, $0xb8;
	[tilespmem:$0x18300] =	vst v63  }
0x29: {  	s28 =	simm.s32 $0x1900  }
0x2a: {  	[tilespmem:s28], [sflag:$0x1] =	stream.indirect_vreg.gather [hbm4b:s3+s2], $0x80, v21, vm0, $0xb8;
	[tilespmem:$0x18300] =	vst v63  }
0x2b: {  	v21 =	vld [tilespmem:$0x20];
	_ =	sdelay $0x4  }
0x2c: {  	v22 =	vshll.u32 v21, $0x1  }
0x2d: {  	v21 =	vand.u32 $0x7, v21;
	v22 =	vand.u32 $0xFFFFFFF0, v22  }
0x2e: {  	v21 =	vor.u32 v21, v22  }
0x2f: {  	v22 =	vperm.xlane v21, v1;
	_ =	sdelay $0x1  }
0x30: {  	v21 =	vperm.xlane v21, v3;
	v22 =	vadd.s32 v2, v22;
	_ =	sdelay $0x1  }
0x31: {  	v21 =	vadd.s32 v2, v21;
	_ =	sdelay $0x1  }
0x32: {  	s28 =	simm.s32 $0x2100  }
0x33: {  	[tilespmem:s28], [sflag:$0x1] =	stream.indirect_vreg.gather [hbm4b:s3+s2], $0x80, v22, vm0, $0xb8;
	[tilespmem:$0x18300] =	vst v63  }
0x34: {  	s28 =	simm.s32 $0x2900  }
0x35: {  	[tilespmem:s28], [sflag:$0x1] =	stream.indirect_vreg.gather [hbm4b:s3+s2], $0x80, v21, vm0, $0xb8;
	[tilespmem:$0x18300] =	vst v63  }
0x36: {  	v21 =	vld [tilespmem:$0x30];
	_ =	sdelay $0x4  }
0x37: {  	v22 =	vshll.u32 v21, $0x1  }
0x38: {  	v21 =	vand.u32 $0x7, v21;
	v22 =	vand.u32 $0xFFFFFFF0, v22  }
0x39: {  	v21 =	vor.u32 v21, v22  }
0x3a: {  	v22 =	vperm.xlane v21, v1;
	_ =	sdelay $0x1  }
0x3b: {  	v21 =	vperm.xlane v21, v3;
	v22 =	vadd.s32 v2, v22;
	_ =	sdelay $0x1  }
0x3c: {  	v21 =	vadd.s32 v2, v21;
	_ =	sdelay $0x1  }
0x3d: {  	s28 =	simm.s32 $0x3100  }
0x3e: {  	[tilespmem:s28], [sflag:$0x1] =	stream.indirect_vreg.gather [hbm4b:s3+s2], $0x80, v22, vm0, $0xb8;
	[tilespmem:$0x18300] =	vst v63  }
0x3f: {  	s28 =	simm.s32 $0x3900  }
0x40: {  	[tilespmem:s28], [sflag:$0x1] =	stream.indirect_vreg.gather [hbm4b:s3+s2], $0x80, v21, vm0, $0xb8;
	[tilespmem:$0x18300] =	vst v63  }
0x41: {  	v21 =	vld [tilespmem:$0x40];
	_ =	sdelay $0x4  }
0x42: {  	v22 =	vshll.u32 v21, $0x1  }
0x43: {  	v21 =	vand.u32 $0x7, v21;
	v22 =	vand.u32 $0xFFFFFFF0, v22  }
0x44: {  	v21 =	vor.u32 v21, v22  }
0x45: {  	v22 =	vperm.xlane v21, v1;
	_ =	sdelay $0x1  }
0x46: {  	v21 =	vperm.xlane v21, v3;
	v22 =	vadd.s32 v2, v22;
	_ =	sdelay $0x1  }
0x47: {  	v21 =	vadd.s32 v2, v21;
	_ =	sdelay $0x1  }
0x48: {  	s28 =	simm.s32 $0x4100  }
0x49: {  	[tilespmem:s28], [sflag:$0x1] =	stream.indirect_vreg.gather [hbm4b:s3+s2], $0x80, v22, vm0, $0xb8;
	[tilespmem:$0x18300] =	vst v63  }
0x4a: {  	s28 =	simm.s32 $0x4900  }
0x4b: {  	[tilespmem:s28], [sflag:$0x1] =	stream.indirect_vreg.gather [hbm4b:s3+s2], $0x80, v21, vm0, $0xb8;
	[tilespmem:$0x18300] =	vst v63  }
0x4c: {  	v21 =	vld [tilespmem:$0x50];
	_ =	sdelay $0x4  }
0x4d: {  	v22 =	vshll.u32 v21, $0x1  }
0x4e: {  	v21 =	vand.u32 $0x7, v21;
	v22 =	vand.u32 $0xFFFFFFF0, v22  }
0x4f: {  	v21 =	vor.u32 v21, v22  }
0x50: {  	v22 =	vperm.xlane v21, v1;
	_ =	sdelay $0x1  }
0x51: {  	v21 =	vperm.xlane v21, v3;
	v22 =	vadd.s32 v2, v22;
	_ =	sdelay $0x1  }
0x52: {  	v21 =	vadd.s32 v2, v21;
	_ =	sdelay $0x1  }
0x53: {  	s28 =	simm.s32 $0x5100  }
0x54: {  	[tilespmem:s28], [sflag:$0x1] =	stream.indirect_vreg.gather [hbm4b:s3+s2], $0x80, v22, vm0, $0xb8;
	[tilespmem:$0x18300] =	vst v63  }
0x55: {  	s28 =	simm.s32 $0x5900  }
0x56: {  	[tilespmem:s28], [sflag:$0x1] =	stream.indirect_vreg.gather [hbm4b:s3+s2], $0x80, v21, vm0, $0xb8;
	[tilespmem:$0x18300] =	vst v63  }
0x57: {  	v21 =	vld [tilespmem:$0x60];
	_ =	sdelay $0x4  }
0x58: {  	v22 =	vshll.u32 v21, $0x1  }
0x59: {  	v21 =	vand.u32 $0x7, v21;
	v22 =	vand.u32 $0xFFFFFFF0, v22  }
0x5a: {  	v21 =	vor.u32 v21, v22  }
0x5b: {  	v22 =	vperm.xlane v21, v1;
	_ =	sdelay $0x1  }
0x5c: {  	v21 =	vperm.xlane v21, v3;
	v22 =	vadd.s32 v2, v22;
	_ =	sdelay $0x1  }
0x5d: {  	v21 =	vadd.s32 v2, v21;
	_ =	sdelay $0x1  }
0x5e: {  	s28 =	simm.s32 $0x6100  }
0x5f: {  	[tilespmem:s28], [sflag:$0x1] =	stream.indirect_vreg.gather [hbm4b:s3+s2], $0x80, v22, vm0, $0xb8;
	[tilespmem:$0x18300] =	vst v63  }
0x60: {  	s28 =	simm.s32 $0x6900  }
0x61: {  	[tilespmem:s28], [sflag:$0x1] =	stream.indirect_vreg.gather [hbm4b:s3+s2], $0x80, v21, vm0, $0xb8;
	[tilespmem:$0x18300] =	vst v63  }
0x62: {  	v21 =	vld [tilespmem:$0x70];
	_ =	sdelay $0x4  }
0x63: {  	v22 =	vshll.u32 v21, $0x1  }
0x64: {  	v21 =	vand.u32 $0x7, v21;
	v22 =	vand.u32 $0xFFFFFFF0, v22  }
0x65: {  	v21 =	vor.u32 v21, v22  }
0x66: {  	v22 =	vperm.xlane v21, v1;
	_ =	sdelay $0x1  }
0x67: {  	v21 =	vperm.xlane v21, v3;
	v22 =	vadd.s32 v2, v22;
	_ =	sdelay $0x1  }
0x68: {  	v21 =	vadd.s32 v2, v21;
	_ =	sdelay $0x1  }
0x69: {  	s28 =	simm.s32 $0x7100  }
0x6a: {  	[tilespmem:s28], [sflag:$0x1] =	stream.indirect_vreg.gather [hbm4b:s3+s2], $0x80, v22, vm0, $0xb8;
	[tilespmem:$0x18300] =	vst v63  }
0x6b: {  	s28 =	simm.s32 $0x7900  }
0x6c: {  	[tilespmem:s28], [sflag:$0x1] =	stream.indirect_vreg.gather [hbm4b:s3+s2], $0x80, v21, vm0, $0xb8;
	[tilespmem:$0x18300] =	vst v63  }
0x6d: {  	_ =	swait.ge [sflag:s25], $0x8000  }
0x6e: {  	[sflag:s25] =	ssyncset.done $0x0  }
0x6f: {  	[sflag:s25] =	ssyncadd.s32 $0xFFFF8000  }
0x70: {  	v21 =	vld [tilespmem:$0x80];
	_ =	sdelay $0x4  }
0x71: {  	v22 =	vshll.u32 v21, $0x1  }
0x72: {  	v21 =	vand.u32 $0x7, v21;
	v22 =	vand.u32 $0xFFFFFFF0, v22  }
0x73: {  	v21 =	vor.u32 v21, v22  }
0x74: {  	v22 =	vperm.xlane v21, v1;
	_ =	sdelay $0x1  }
0x75: {  	v21 =	vperm.xlane v21, v3;
	v22 =	vadd.s32 v2, v22;
	_ =	sdelay $0x1  }
0x76: {  	v21 =	vadd.s32 v2, v21;
	_ =	sdelay $0x1  }
0x77: {  	s28 =	simm.s32 $0x8100  }
0x78: {  	[tilespmem:s28], [sflag:$0x1] =	stream.indirect_vreg.gather [hbm4b:s3+s2], $0x80, v22, vm0, $0xb8;
	[tilespmem:$0x18300] =	vst v63  }
0x79: {  	s28 =	simm.s32 $0x8900  }
0x7a: {  	[tilespmem:s28], [sflag:$0x1] =	stream.indirect_vreg.gather [hbm4b:s3+s2], $0x80, v21, vm0, $0xb8;
	[tilespmem:$0x18300] =	vst v63  }
0x7b: {  	v21 =	vld [tilespmem:$0x90];
	_ =	sdelay $0x4  }
0x7c: {  	v22 =	vshll.u32 v21, $0x1  }
0x7d: {  	v21 =	vand.u32 $0x7, v21;
	v22 =	vand.u32 $0xFFFFFFF0, v22  }
0x7e: {  	v21 =	vor.u32 v21, v22  }
0x7f: {  	v22 =	vperm.xlane v21, v1;
	_ =	sdelay $0x1  }
0x80: {  	v21 =	vperm.xlane v21, v3;
	v22 =	vadd.s32 v2, v22;
	_ =	sdelay $0x1  }
0x81: {  	v21 =	vadd.s32 v2, v21;
	_ =	sdelay $0x1  }
0x82: {  	s28 =	simm.s32 $0x9100  }
0x83: {  	[tilespmem:s28], [sflag:$0x1] =	stream.indirect_vreg.gather [hbm4b:s3+s2], $0x80, v22, vm0, $0xb8;
	[tilespmem:$0x18300] =	vst v63  }
0x84: {  	s28 =	simm.s32 $0x9900  }
0x85: {  	[tilespmem:s28], [sflag:$0x1] =	stream.indirect_vreg.gather [hbm4b:s3+s2], $0x80, v21, vm0, $0xb8;
	[tilespmem:$0x18300] =	vst v63  }
0x86: {  	v21 =	vld [tilespmem:$0xA0];
	_ =	sdelay $0x4  }
0x87: {  	v22 =	vshll.u32 v21, $0x1  }
0x88: {  	v21 =	vand.u32 $0x7, v21;
	v22 =	vand.u32 $0xFFFFFFF0, v22  }
0x89: {  	v21 =	vor.u32 v21, v22  }
0x8a: {  	v22 =	vperm.xlane v21, v1;
	_ =	sdelay $0x1  }
0x8b: {  	v21 =	vperm.xlane v21, v3;
	v22 =	vadd.s32 v2, v22;
	_ =	sdelay $0x1  }
0x8c: {  	v21 =	vadd.s32 v2, v21;
	_ =	sdelay $0x2  }
0x8d: {  	[tilespmem:s31], [sflag:$0x1] =	stream.indirect_vreg.gather [hbm4b:s3+s2], $0x80, v22, vm0, $0xb8;
	[tilespmem:$0x18300] =	vst v63  }
0x8e: {  	_ = 	snop  }
0x8f: {  	[tilespmem:s0], [sflag:$0x1] =	stream.indirect_vreg.gather [hbm4b:s3+s2], $0x80, v21, vm0, $0xb8;
	[tilespmem:$0x18300] =	vst v63  }
0x90: {  	v21 =	vld [tilespmem:$0xB0];
	_ =	sdelay $0x4  }
0x91: {  	v22 =	vshll.u32 v21, $0x1  }
0x92: {  	v21 =	vand.u32 $0x7, v21;
	v22 =	vand.u32 $0xFFFFFFF0, v22  }
0x93: {  	v21 =	vor.u32 v21, v22  }
0x94: {  	v22 =	vperm.xlane v21, v1;
	_ =	sdelay $0x1  }
0x95: {  	v21 =	vperm.xlane v21, v3;
	v22 =	vadd.s32 v2, v22;
	_ =	sdelay $0x1  }
0x96: {  	v21 =	vadd.s32 v2, v21;
	_ =	sdelay $0x2  }
0x97: {  	[tilespmem:s10], [sflag:$0x1] =	stream.indirect_vreg.gather [hbm4b:s3+s2], $0x80, v22, vm0, $0xb8;
	[tilespmem:$0x18300] =	vst v63  }
0x98: {  	_ = 	snop  }
0x99: {  	[tilespmem:s11], [sflag:$0x1] =	stream.indirect_vreg.gather [hbm4b:s3+s2], $0x80, v21, vm0, $0xb8;
	[tilespmem:$0x18300] =	vst v63  }
0x9a: {  	v21 =	vld [tilespmem:$0xC0];
	_ =	sdelay $0x4  }
0x9b: {  	v22 =	vshll.u32 v21, $0x1  }
0x9c: {  	v21 =	vand.u32 $0x7, v21;
	v22 =	vand.u32 $0xFFFFFFF0, v22  }
0x9d: {  	v21 =	vor.u32 v21, v22  }
0x9e: {  	v22 =	vperm.xlane v21, v1;
	_ =	sdelay $0x1  }
0x9f: {  	v21 =	vperm.xlane v21, v3;
	v22 =	vadd.s32 v2, v22;
	_ =	sdelay $0x1  }
0xa0: {  	v21 =	vadd.s32 v2, v21;
	_ =	sdelay $0x2  }
0xa1: {  	[tilespmem:s12], [sflag:$0x1] =	stream.indirect_vreg.gather [hbm4b:s3+s2], $0x80, v22, vm0, $0xb8;
	[tilespmem:$0x18300] =	vst v63  }
0xa2: {  	_ = 	snop  }
0xa3: {  	[tilespmem:s13], [sflag:$0x1] =	stream.indirect_vreg.gather [hbm4b:s3+s2], $0x80, v21, vm0, $0xb8;
	[tilespmem:$0x18300] =	vst v63  }
0xa4: {  	v21 =	vld [tilespmem:$0xD0];
	_ =	sdelay $0x4  }
0xa5: {  	v22 =	vshll.u32 v21, $0x1  }
0xa6: {  	v21 =	vand.u32 $0x7, v21;
	v22 =	vand.u32 $0xFFFFFFF0, v22  }
0xa7: {  	v21 =	vor.u32 v21, v22  }
0xa8: {  	v22 =	vperm.xlane v21, v1;
	_ =	sdelay $0x1  }
0xa9: {  	v21 =	vperm.xlane v21, v3;
	v22 =	vadd.s32 v2, v22;
	_ =	sdelay $0x1  }
0xaa: {  	v21 =	vadd.s32 v2, v21;
	_ =	sdelay $0x2  }
0xab: {  	[tilespmem:s14], [sflag:$0x1] =	stream.indirect_vreg.gather [hbm4b:s3+s2], $0x80, v22, vm0, $0xb8;
	[tilespmem:$0x18300] =	vst v63  }
0xac: {  	_ = 	snop  }
0xad: {  	[tilespmem:s15], [sflag:$0x1] =	stream.indirect_vreg.gather [hbm4b:s3+s2], $0x80, v21, vm0, $0xb8;
	[tilespmem:$0x18300] =	vst v63  }
0xae: {  	v21 =	vld [tilespmem:$0xE0];
	_ =	sdelay $0x4  }
0xaf: {  	v22 =	vshll.u32 v21, $0x1  }
0xb0: {  	v21 =	vand.u32 $0x7, v21;
	v22 =	vand.u32 $0xFFFFFFF0, v22  }
0xb1: {  	v21 =	vor.u32 v21, v22  }
0xb2: {  	v22 =	vperm.xlane v21, v1;
	_ =	sdelay $0x1  }
0xb3: {  	v21 =	vperm.xlane v21, v3;
	v22 =	vadd.s32 v2, v22;
	_ =	sdelay $0x1  }
0xb4: {  	v21 =	vadd.s32 v2, v21;
	_ =	sdelay $0x2  }
0xb5: {  	[tilespmem:s16], [sflag:$0x1] =	stream.indirect_vreg.gather [hbm4b:s3+s2], $0x80, v22, vm0, $0xb8;
	[tilespmem:$0x18300] =	vst v63  }
0xb6: {  	_ = 	snop  }
0xb7: {  	[tilespmem:s17], [sflag:$0x1] =	stream.indirect_vreg.gather [hbm4b:s3+s2], $0x80, v21, vm0, $0xb8;
	[tilespmem:$0x18300] =	vst v63  }
0xb8: {  	v21 =	vld [tilespmem:$0xF0];
	_ =	sdelay $0x4  }
0xb9: {  	v22 =	vshll.u32 v21, $0x1  }
0xba: {  	v21 =	vand.u32 $0x7, v21;
	v22 =	vand.u32 $0xFFFFFFF0, v22  }
0xbb: {  	v21 =	vor.u32 v21, v22  }
0xbc: {  	v22 =	vperm.xlane v21, v1;
	_ =	sdelay $0x1  }
0xbd: {  	v21 =	vperm.xlane v21, v3;
	v22 =	vadd.s32 v2, v22;
	_ =	sdelay $0x1  }
0xbe: {  	v21 =	vadd.s32 v2, v21;
	_ =	sdelay $0x2  }
0xbf: {  	[tilespmem:s18], [sflag:$0x1] =	stream.indirect_vreg.gather [hbm4b:s3+s2], $0x80, v22, vm0, $0xb8;
	[tilespmem:$0x18300] =	vst v63  }
0xc0: {  	_ = 	snop  }
0xc1: {  	[tilespmem:s19], [sflag:$0x1] =	stream.indirect_vreg.gather [hbm4b:s3+s2], $0x80, v21, vm0, $0xb8;
	[tilespmem:$0x18300] =	vst v63  }
0xc2: {  	_ =	swait.ge [sflag:s25], $0x8000  }
0xc3: {  	[sflag:s25] =	ssyncset.done $0x0  }
0xc4: {  	[sflag:s25] =	ssyncadd.s32 $0xFFFF8000  }
0xc5: {  	[hbm4b:s5+s2] =	stream.linear.scatter [tilespmem:s9], [sflag:$0x2], $0x10000, $0x38;
	[tilespmem:$0x18300] =	vst v63  }
0xc6: {  	_ =	swait.ge [sflag:s8], $0x10000  }
0xc7: {  	[sflag:s8] =	ssyncset.done $0x0  }
0xc8: {  	s29 =	simm.s32 $0x0;
	s28 =	simm.s32 $0x200;
	[sflag:s8] =	ssyncadd.s32 $0xFFFF0000  }
.LBB2_2:
0xc9: {  	p1 =	sne.s32 s28, $0x1FE00;
	[tilespmem:s29+$0x10100] =	vst v4;
	s29 =	smov.u32 s28;
	s28 =	sadd.s32 $0x200, s28  }
.Ltmp0:
0xca: {  	(pc) =	sbr.rel @p1 .LBB2_2-.Ltmp0, $2  }
0xcb: {  	_ =	sdelay $0x2  }
0xcc: {  	s29 =	sshra.s32 s29, $0x2  }
0xcd: {  	[tilespmem:s29+$0x10100] =	vst v4;
	s28 =	simm.s32 @!p0 $0x10100  }
0xce: {  	[spmem:s1] =	stream.linear.scatter @!p0 [tilespmem:s28], [sflag:$0x2], $0x8000, $0x38;
	[tilespmem:$0x18300] =	vst v63  }
0xcf: {  	s28 =	simm.s32 @!p0 $0x2  }
0xd0: {  	_ =	swait.ge @!p0 [sflag:s28], $0x8000  }
0xd1: {  	[sflag:s28] =	ssyncset.done @!p0 $0x0  }
0xd2: {  	[sflag:s28] =	ssyncadd.s32 @!p0 $0xFFFF8000  }
0xd3: {  	[bflag:$0x0] =	sbarrier.arrive $0xFFFF  }
0xd4: {  	v21 =	vld [tilespmem:$0x0];
	_ =	sdelay $0x4  }
0xd5: {  	v22 =	vshll.u32 v21, $0x3  }
0xd6: {  	v21 =	vand.u32 $0xF, v21;
	v22 =	vand.u32 $0xFFFFFF80, v22  }
0xd7: {  	v21 =	vor.u32 v21, v22;
	_ =	sdelay $0x4  }
0xd8: {  	[tilespmem:v21+s20+$0x0] =	vst.idx.add.f32.msk $0xffff, v5  }
0xd9: {  	v21 =	vld [tilespmem:$0x10];
	_ =	sdelay $0x4  }
0xda: {  	v22 =	vshll.u32 v21, $0x3  }
0xdb: {  	v21 =	vand.u32 $0xF, v21;
	v22 =	vand.u32 $0xFFFFFF80, v22  }
0xdc: {  	v21 =	vor.u32 v21, v22;
	_ =	sdelay $0x4  }
0xdd: {  	[tilespmem:v21+s20+$0x0] =	vst.idx.add.f32.msk $0xffff, v5  }
0xde: {  	v21 =	vld [tilespmem:$0x20];
	_ =	sdelay $0x4  }
0xdf: {  	v22 =	vshll.u32 v21, $0x3  }
0xe0: {  	v21 =	vand.u32 $0xF, v21;
	v22 =	vand.u32 $0xFFFFFF80, v22  }
0xe1: {  	v21 =	vor.u32 v21, v22;
	_ =	sdelay $0x4  }
0xe2: {  	[tilespmem:v21+s20+$0x0] =	vst.idx.add.f32.msk $0xffff, v5  }
0xe3: {  	v21 =	vld [tilespmem:$0x30];
	_ =	sdelay $0x4  }
0xe4: {  	v22 =	vshll.u32 v21, $0x3  }
0xe5: {  	v21 =	vand.u32 $0xF, v21;
	v22 =	vand.u32 $0xFFFFFF80, v22  }
0xe6: {  	v21 =	vor.u32 v21, v22;
	_ =	sdelay $0x4  }
0xe7: {  	[tilespmem:v21+s20+$0x0] =	vst.idx.add.f32.msk $0xffff, v5  }
0xe8: {  	v21 =	vld [tilespmem:$0x40];
	_ =	sdelay $0x4  }
0xe9: {  	v22 =	vshll.u32 v21, $0x3  }
0xea: {  	v21 =	vand.u32 $0xF, v21;
	v22 =	vand.u32 $0xFFFFFF80, v22  }
0xeb: {  	v21 =	vor.u32 v21, v22;
	_ =	sdelay $0x4  }
0xec: {  	[tilespmem:v21+s20+$0x0] =	vst.idx.add.f32.msk $0xffff, v5  }
0xed: {  	v21 =	vld [tilespmem:$0x50];
	_ =	sdelay $0x4  }
0xee: {  	v22 =	vshll.u32 v21, $0x3  }
0xef: {  	v21 =	vand.u32 $0xF, v21;
	v22 =	vand.u32 $0xFFFFFF80, v22  }
0xf0: {  	v21 =	vor.u32 v21, v22;
	_ =	sdelay $0x4  }
0xf1: {  	[tilespmem:v21+s20+$0x0] =	vst.idx.add.f32.msk $0xffff, v5  }
0xf2: {  	v21 =	vld [tilespmem:$0x60];
	_ =	sdelay $0x4  }
0xf3: {  	v22 =	vshll.u32 v21, $0x3  }
0xf4: {  	v21 =	vand.u32 $0xF, v21;
	v22 =	vand.u32 $0xFFFFFF80, v22  }
0xf5: {  	v21 =	vor.u32 v21, v22;
	_ =	sdelay $0x4  }
0xf6: {  	[tilespmem:v21+s20+$0x0] =	vst.idx.add.f32.msk $0xffff, v5  }
0xf7: {  	v21 =	vld [tilespmem:$0x70];
	_ =	sdelay $0x4  }
0xf8: {  	v22 =	vshll.u32 v21, $0x3  }
0xf9: {  	v21 =	vand.u32 $0xF, v21;
	v22 =	vand.u32 $0xFFFFFF80, v22  }
0xfa: {  	v21 =	vor.u32 v21, v22;
	_ =	sdelay $0x4  }
0xfb: {  	[tilespmem:v21+s20+$0x0] =	vst.idx.add.f32.msk $0xffff, v5  }
0xfc: {  	v21 =	vld [tilespmem:$0x80];
	_ =	sdelay $0x3  }
0xfd: {  	[tilespmem:$0x18100] =	vst v0  }
0xfe: {  	[tilespmem:$0x18110] =	vst v6;
	v22 =	vshll.u32 v21, $0x3  }
0xff: {  	[tilespmem:$0x18120] =	vst v7;
	v21 =	vand.u32 $0xF, v21;
	v22 =	vand.u32 $0xFFFFFF80, v22  }
0x100: {  	[tilespmem:$0x18130] =	vst v8;
	v21 =	vor.u32 v21, v22  }
0x101: {  	[tilespmem:$0x18140] =	vst v9  }
0x102: {  	[tilespmem:$0x18150] =	vst v10  }
0x103: {  	[tilespmem:$0x18160] =	vst v11  }
0x104: {  	[tilespmem:$0x18170] =	vst v12  }
0x105: {  	[tilespmem:v21+s20+$0x0] =	vst.idx.add.f32.msk $0xffff, v5  }
0x106: {  	v21 =	vld [tilespmem:$0x90];
	_ =	sdelay $0x4  }
0x107: {  	v22 =	vshll.u32 v21, $0x3  }
0x108: {  	v21 =	vand.u32 $0xF, v21;
	v22 =	vand.u32 $0xFFFFFF80, v22  }
0x109: {  	v21 =	vor.u32 v21, v22;
	_ =	sdelay $0x4  }
0x10a: {  	[tilespmem:v21+s20+$0x0] =	vst.idx.add.f32.msk $0xffff, v5  }
0x10b: {  	v21 =	vld [tilespmem:$0xA0];
	_ =	sdelay $0x4  }
0x10c: {  	v22 =	vshll.u32 v21, $0x3  }
0x10d: {  	v21 =	vand.u32 $0xF, v21;
	v22 =	vand.u32 $0xFFFFFF80, v22  }
0x10e: {  	v21 =	vor.u32 v21, v22;
	_ =	sdelay $0x4  }
0x10f: {  	[tilespmem:v21+s20+$0x0] =	vst.idx.add.f32.msk $0xffff, v5  }
0x110: {  	v21 =	vld [tilespmem:$0xB0];
	_ =	sdelay $0x4  }
0x111: {  	v22 =	vshll.u32 v21, $0x3  }
0x112: {  	v21 =	vand.u32 $0xF, v21;
	v22 =	vand.u32 $0xFFFFFF80, v22  }
0x113: {  	v21 =	vor.u32 v21, v22;
	_ =	sdelay $0x4  }
0x114: {  	[tilespmem:v21+s20+$0x0] =	vst.idx.add.f32.msk $0xffff, v5  }
0x115: {  	v21 =	vld [tilespmem:$0xC0];
	_ =	sdelay $0x4  }
0x116: {  	v22 =	vshll.u32 v21, $0x3  }
0x117: {  	v21 =	vand.u32 $0xF, v21;
	v22 =	vand.u32 $0xFFFFFF80, v22  }
0x118: {  	v21 =	vor.u32 v21, v22;
	_ =	sdelay $0x4  }
0x119: {  	[tilespmem:v21+s20+$0x0] =	vst.idx.add.f32.msk $0xffff, v5  }
0x11a: {  	v21 =	vld [tilespmem:$0xD0];
	_ =	sdelay $0x4  }
0x11b: {  	v22 =	vshll.u32 v21, $0x3  }
0x11c: {  	v21 =	vand.u32 $0xF, v21;
	v22 =	vand.u32 $0xFFFFFF80, v22  }
0x11d: {  	v21 =	vor.u32 v21, v22;
	_ =	sdelay $0x4  }
0x11e: {  	[tilespmem:v21+s20+$0x0] =	vst.idx.add.f32.msk $0xffff, v5  }
0x11f: {  	v21 =	vld [tilespmem:$0xE0];
	_ =	sdelay $0x4  }
0x120: {  	v22 =	vshll.u32 v21, $0x3  }
0x121: {  	v21 =	vand.u32 $0xF, v21;
	v22 =	vand.u32 $0xFFFFFF80, v22  }
0x122: {  	v21 =	vor.u32 v21, v22;
	_ =	sdelay $0x4  }
0x123: {  	[tilespmem:v21+s20+$0x0] =	vst.idx.add.f32.msk $0xffff, v5  }
0x124: {  	v21 =	vld [tilespmem:$0xF0];
	_ =	sdelay $0x4  }
0x125: {  	v22 =	vshll.u32 v21, $0x3  }
0x126: {  	v21 =	vand.u32 $0xF, v21;
	v22 =	vand.u32 $0xFFFFFF80, v22  }
0x127: {  	v21 =	vor.u32 v21, v22;
	_ =	sdelay $0x4  }
0x128: {  	[tilespmem:v21+s20+$0x0] =	vst.idx.add.f32.msk $0xffff, v5  }
0x129: {  	[tilespmem:$0x18180] =	vst v13  }
0x12a: {  	[tilespmem:$0x18190] =	vst v14  }
0x12b: {  	[tilespmem:$0x181A0] =	vst v15  }
0x12c: {  	[tilespmem:$0x181B0] =	vst v16  }
0x12d: {  	[tilespmem:$0x181C0] =	vst v17  }
0x12e: {  	[tilespmem:$0x181D0] =	vst v18  }
0x12f: {  	[tilespmem:$0x181E0] =	vst v19  }
0x130: {  	[tilespmem:$0x181F0] =	vst v20  }
0x131: {  	[spmem:s1] =	stream.indirect.scatter.add.f32 [tilespmem:s20], [sflag:$0x2], $0x10, s22, s21, $0xb8;
	[tilespmem:$0x18300] =	vst v63  }
0x132: {  	_ =	swait.ge [sflag:s8], $0x800  }
0x133: {  	[sflag:s8] =	ssyncset.done $0x0  }
0x134: {  	[sflag:s8] =	ssyncadd.s32 $0xFFFFF800  }
0x135: {  	[spmem:s1] =	stream.indirect.scatter.add.f32 [tilespmem:s24], [sflag:$0x2], $0x10, s23, s21, $0xb8;
	[tilespmem:$0x18300] =	vst v63  }
0x136: {  	_ =	swait.ge [sflag:s8], $0x800  }
0x137: {  	s26 =	sadd.s32 $0x1, s26;
	[sflag:s8] =	ssyncset.done $0x0  }
0x138: {  	s29 =	sshrl.u32 @!p0 s1, $0x3;
	p1 =	sne.s32 s26, s7;
	[sflag:s8] =	ssyncadd.s32 $0xFFFFF800  }
.Ltmp1:
0x139: {  	s30 =	simm.s32 @!p0 $0x1C02;
	[bflag:$0x0] =	sbarrier.arrive $0xFFFF;
	(pc) =	sbr.rel @p1 .LBB2_1-.Ltmp1, $4  }
0x13a: {  	[hbm:s6], [sflag:s30] =	dma.local @!p0 [spmem:s29], $0x1000  }
0x13b: {  	_ =	swait.ge @!p0 [sflag:s28], $0x1000  }
0x13c: {  	[sflag:s28] =	ssyncset.done @!p0 $0x0  }
0x13d: {  	[sflag:s28] =	ssyncadd.s32 @!p0 $0xFFFFF000  }
0x13e: {  	_ =	sfence.sel $0x180000  }
0x13f: {  	[bflag:$0x0] =	sbarrier.arrive $0xFFFF  }
0x140: {  	_ =	strace $0x9000004D  }
0x141: {  	[bflag:$0x2] =	sbarrier.arrive $0xFFFF  }
0x142: {  	s0 =	rddreg [dreg:$0x2]  }
0x143: {  	s0 =	sadd.s32 @!p0 $0x100000, s0  }
0x144: {  	[sflag:s0] =	ssyncadd.tile.s32 @!p0 $0x1;
	_ =	shalt  }
.Lfunc_end2:
_tile_overlayer_lowered:
.L_overlay_start_2:
0x145: {  	(tag) =	ssettag $0x2  }
0x146: {  	s0 =	rddreg [dreg:$0x0];
	s2 =	stileid.u32  }
0x147: {  	s1 =	rddreg [dreg:$0x1];
	p0 =	sne.s32 s2, $0x0  }
0x148: {  	s3 =	rddreg [dreg:$0x2];
	[bflag:$0x3] =	sbarrier.arrive $0xFFFF;
	s2 =	simm.s32 @!p0 $0x1C02  }
0x149: {  	[timem:s3], [sflag:s2] =	dma.local @!p0 [hbm:s0], s1  }
0x14a: {  	s0 =	simm.s32 @!p0 $0x2  }
0x14b: {  	_ =	swait.ge @!p0 [sflag:s0], s1  }
0x14c: {  	s1 =	ssub.s32 @!p0 $0x0, s1;
	[sflag:s0] =	ssyncset.done @!p0 $0x0  }
0x14d: {  	[sflag:s0] =	ssyncadd.s32 @!p0 s1  }
0x14e: {  	[bflag:$0x3] =	sbarrier.arrive $0xFFFF  }
0x14f: {  	_ =	shalt  }

// kernel: kernel.21.cloned.1.call-start
scs
__scs_entry_jumppad:
0x0: {  	(pc) =	sbr.rel $0x88, $3  }
0x1: {  	(tag) =	ssettag $0x0;
	lr =	simm.s32 $0x1  }
0x2: {  	[smem:$0x3F9F] =	sst lr;
	_ =	strace $0xD0000000  }
0x3: {  	_ = 	snop  }
0x4: {  	_ = 	snop  }
0x5: {  	_ = 	snop  }
0x6: {  	_ = 	snop  }
0x7: {  	_ = 	snop  }
__scs_overlays_trampoline_lowered:
0x8: {  	[smem:$0x3FAE] =	sst s0  }
0x9: {  	[smem:$0x3FAF] =	sst s1  }
0xa: {  	[smem:$0x3FB0] =	sst s2  }
0xb: {  	[smem:$0x3FB1] =	sst s3  }
0xc: {  	[smem:$0x3FB2] =	sst s4  }
0xd: {  	[smem:$0x3FB3] =	sst s5  }
0xe: {  	[smem:$0x3FB4] =	sst s6  }
0xf: {  	[smem:$0x3FB5] =	sst s7  }
0x10: {  	[smem:$0x3FB6] =	sst s8  }
0x11: {  	[smem:$0x3FB7] =	sst s9;
	s0 =	simm.s32 @!p0 $0x0  }
0x12: {  	s1 =	sld [smem:$0x3F9D];
	s0 =	simm.s32 @p0 $0x1  }
0x13: {  	[smem:$0x3FB8] =	sst s0;
	s0 =	simm.s32 @!p1 $0x0  }
0x14: {  	s2 =	sld [smem:$0x3F9C];
	s0 =	simm.s32 @p1 $0x1  }
0x15: {  	[smem:$0x3FB9] =	sst s0;
	s0 =	simm.s32 @!p2 $0x0  }
0x16: {  	s3 =	sld [smem:$0x3FDB];
	s0 =	simm.s32 @p2 $0x1  }
0x17: {  	s4 =	simm.s32 $0x1BF5;
	[smem:$0x3FBB] =	sst s0  }
0x18: {  	s0 =	sld [smem:$0x3F9E];
	_ =	swait.ge [sflag:s4], $0x0  }
0x19: {  	s7 =	sld [smem:$0x3F9F]  }
0x1a: {  	s8 =	sadd.s32 $0xFFFFE003, lr  }
0x1b: {  	s9 =	sadd.s32 $0xFFFFFEF7, lr;
	s5 =	simm.s32 $0xFFFFFFFF;
	p2 =	slt.u32 s8, $0xFFFFF086  }
0x1c: {  	p1 =	slt.u32 s9, $0xF7A;
	s5 =	simm.s32 @!p2 $0x0  }
0x1d: {  	s5 =	simm.s32 @p1 $0x1;
	p0 =	seq.s32 s7, s2  }
0x1e: {  	s7 =	smul.u32 @!p0 $0xF7A, s2;
	p2 =	seq.s32 @!p0 s5, $0x0  }
0x1f: {  	s9 =	smul.u32 $0xF7A, s1;
	s8 =	simm.s32 @!p0 $0x1BF5;
	p2 =	por !p2, p0  }
0x20: {  	[sflag:s8] =	ssyncset.s32 @!p0 $0xFFFFF086;
	s6 =	sadd.s32 @!p0 s3, s7;
	s7 =	simm.s32 @!p0 $0x108  }
0x21: {  	s3 =	sadd.s32 s3, s9;
	s6 =	sadd.s32 @!p0 $0x88, s6;
	s7 =	simm.s32 @p2 $0x1082  }
0x22: {  	[simem:s7], [sflag:s8] =	dma.local @!p0 [hbm:s6], $0xF7A  }
0x23: {  	s9 =	sor.u32 $0xD0000000, s2;
	s6 =	simm.s32 $0x108;
	_ =	swait.ge @!p0 [sflag:s8], $0x0  }
0x24: {  	s3 =	sadd.s32 $0x88, s3;
	s6 =	simm.s32 @!p1 $0x1082;
	[sflag:s4] =	ssyncset.s32 $0xFFFFF086  }
0x25: {  	[simem:s6], [sflag:s4] =	dma.local [hbm:s3], $0xF7A  }
0x26: {  	[smem:$0x3F9F] =	sst s1;
	(tag) =	ssettag s2;
	_ =	strace s9  }
0x27: {  	s1 =	sld [smem:$0x3FAF]  }
0x28: {  	s2 =	sld [smem:$0x3FB0]  }
0x29: {  	s4 =	sld [smem:$0x3FB2]  }
0x2a: {  	p0 =	seq.s32 s5, $0x0;
	s5 =	sld [smem:$0x3FB3]  }
0x2b: {  	s6 =	sld [smem:$0x3FB4]  }
0x2c: {  	s7 =	sld [smem:$0x3FB5]  }
0x2d: {  	s3 =	simm.s32 $0x108;
	s8 =	sld [smem:$0x3FB6]  }
0x2e: {  	s3 =	simm.s32 @!p0 $0x1082;
	s9 =	sld [smem:$0x3FB7]  }
0x2f: {  	lr =	sadd.s32 s0, s3;
	s0 =	sld [smem:$0x3FAE]  }
0x30: {  	s3 =	sld [smem:$0x3FB1]  }
0x31: {  	[smem:$0x3FBA] =	sst s10  }
0x32: {  	s10 =	sld [smem:$0x3FB8];
	_ =	sdelay $0x3  }
0x33: {  	p0 =	seq.s32 s10, $0x1;
	s10 =	sld [smem:$0x3FBA];
	_ =	sdelay $0x3  }
0x34: {  	[smem:$0x3FBA] =	sst s10  }
0x35: {  	s10 =	sld [smem:$0x3FB9];
	_ =	sdelay $0x3  }
0x36: {  	p1 =	seq.s32 s10, $0x1;
	s10 =	sld [smem:$0x3FBA];
	_ =	sdelay $0x3  }
0x37: {  	[smem:$0x3FBA] =	sst s10  }
0x38: {  	s10 =	sld [smem:$0x3FBB]  }
0x39: {  	_ = 	snop;
	(pc) =	sbr.ind lr, $3  }
0x3a: {  	_ = 	snop  }
0x3b: {  	_ = 	snop  }
0x3c: {  	p2 =	seq.s32 s10, $0x1;
	s10 =	sld [smem:$0x3FBA]  }
0x3d: {  	_ =	shalt  }
0x3e: {  	_ =	shalt  }
0x3f: {  	_ =	shalt  }
0x40: {  	_ =	shalt  }
0x41: {  	_ =	shalt  }
0x42: {  	_ =	shalt  }
0x43: {  	_ =	shalt  }
0x44: {  	_ =	shalt  }
0x45: {  	_ =	shalt  }
0x46: {  	_ =	shalt  }
0x47: {  	_ =	shalt  }
0x48: {  	_ =	shalt  }
0x49: {  	_ =	shalt  }
0x4a: {  	_ =	shalt  }
0x4b: {  	_ =	shalt  }
0x4c: {  	_ =	shalt  }
0x4d: {  	_ =	shalt  }
0x4e: {  	_ =	shalt  }
0x4f: {  	_ =	shalt  }
0x50: {  	_ =	shalt  }
0x51: {  	_ =	shalt  }
0x52: {  	_ =	shalt  }
0x53: {  	_ =	shalt  }
0x54: {  	_ =	shalt  }
0x55: {  	_ =	shalt  }
0x56: {  	_ =	shalt  }
0x57: {  	_ =	shalt  }
0x58: {  	_ =	shalt  }
0x59: {  	_ =	shalt  }
0x5a: {  	_ =	shalt  }
0x5b: {  	_ =	shalt  }
0x5c: {  	_ =	shalt  }
0x5d: {  	_ =	shalt  }
0x5e: {  	_ =	shalt  }
0x5f: {  	_ =	shalt  }
0x60: {  	_ =	shalt  }
0x61: {  	_ =	shalt  }
0x62: {  	_ =	shalt  }
0x63: {  	_ =	shalt  }
0x64: {  	_ =	shalt  }
0x65: {  	_ =	shalt  }
0x66: {  	_ =	shalt  }
0x67: {  	_ =	shalt  }
0x68: {  	_ =	shalt  }
0x69: {  	_ =	shalt  }
0x6a: {  	_ =	shalt  }
0x6b: {  	_ =	shalt  }
0x6c: {  	_ =	shalt  }
0x6d: {  	_ =	shalt  }
0x6e: {  	_ =	shalt  }
0x6f: {  	_ =	shalt  }
0x70: {  	_ =	shalt  }
0x71: {  	_ =	shalt  }
0x72: {  	_ =	shalt  }
0x73: {  	_ =	shalt  }
0x74: {  	_ =	shalt  }
0x75: {  	_ =	shalt  }
0x76: {  	_ =	shalt  }
0x77: {  	_ =	shalt  }
0x78: {  	_ =	shalt  }
0x79: {  	_ =	shalt  }
0x7a: {  	_ =	shalt  }
0x7b: {  	_ =	shalt  }
0x7c: {  	_ =	shalt  }
0x7d: {  	_ =	shalt  }
0x7e: {  	_ =	shalt  }
0x7f: {  	_ =	shalt  }
0x80: {  	_ =	shalt  }
0x81: {  	_ =	shalt  }
0x82: {  	_ =	shalt  }
0x83: {  	_ =	shalt  }
0x84: {  	_ =	shalt  }
0x85: {  	_ =	shalt  }
0x86: {  	_ =	shalt  }
0x87: {  	_ =	shalt  }
.Lfunc_end0:
.L_simem_size_0:
called_computation.3_lowered:
.L_overlay_start_0:
0x88: {  	s2 =	sld [smem:$0x3FD9]  }
0x89: {  	s3 =	sld [smem:$0x3FFE];
	_ =	sdelay $0x1  }
0x8a: {  	s1 =	srdreg.scid  }
0x8b: {  	s0 =	sand.u32 $0x1, s1  }
0x8c: {  	s14 =	sshll.u32 s0, $0xA;
	s2 =	sadd.s32 s3, s2  }
0x8d: {  	s2 =	sadd.s32 s2, s14  }
0x8e: {  	[smem:$0x3FC6] =	sst s2  }
0x8f: {  	_ = 	snop  }
0x90: {  	s2 =	sld [smem:$0x3FD0];
	_ =	sdelay $0x2  }
0x91: {  	s15 =	simm.s32 $0xA;
	s4 =	simm.s32 $0x10  }
0x92: {  	[smem:s4], [sflag:s15] =	dma.local [hbm:s2], $0x1  }
0x93: {  	_ =	swait.eq [sflag:s15], $0x1  }
0x94: {  	[sflag:s15] =	ssyncset.done $0x0  }
0x95: {  	[sflag:s15] =	ssyncadd.s32 $0xFFFFFFFF  }
0x96: {  	s16 =	sld [smem:$0x10];
	(tm) =	ssettm $0x1  }
0x97: {  	s17 =	sld [smem:$0x3FFB];
	_ =	sdelay $0x3  }
0x98: {  	_ =	strace s17  }
0x99: {  	s3 =	sld [smem:$0x3FFC];
	_ =	sdelay $0x3  }
0x9a: {  	_ =	strace s3  }
0x9b: {  	s3 =	sld [smem:$0x3FFD];
	_ =	sdelay $0x3  }
0x9c: {  	_ =	strace s3  }
0x9d: {  	_ =	strace $0x8FFFFFFF  }
0x9e: {  	s18 =	sld [smem:$0x3FDB];
	_ =	sdelay $0x1  }
0x9f: {  	s19 =	simm.s32 $_scs_section_size  }
0xa0: {  	s5 =	simm.s32 $_size__tile_overlayer_lowered;
	s6 =	simm.s32 $_tile_overlayer_lowered  }
0xa1: {  	s22 =	simm.s32 $0x1BFF;
	s21 =	sshll.u32 s6, $0x1;
	s3 =	sadd.s32 s19, s18  }
0xa2: {  	s7 =	simm.s32 $0x0;
	s20 =	sshll.u32 s5, $0x1;
	s5 =	sadd.s32 s21, s3  }
0xa3: {  	[timem:s7], [sflag:s22] =	dma.local [hbm:s5], s20  }
0xa4: {  	_ =	swait.ge [sflag:s22], s20  }
0xa5: {  	s4 =	ssub.s32 $0x0, s20;
	[sflag:s22] =	ssyncset.done $0x0  }
0xa6: {  	[sflag:s22] =	ssyncadd.s32 s4;
	_ =	sdelay $0x1  }
0xa7: {  	s23 =	simm.s32 $0x1B8B  }
0xa8: {  	_ =	swait.ge [sflag:s23], $0x1  }
0xa9: {  	[sflag:s23] =	ssyncset.done $0x0  }
0xaa: {  	s25 =	simm.s32 $0x1B8E;
	s24 =	sld [smem:$0x3FFE];
	[sflag:s23] =	ssyncadd.s32 $0xFFFFFFFF  }
0xab: {  	s26 =	simm.s32 $execute0_lowered;
	[smem:$0x3FD2] =	sst s25  }
0xac: {  	s5 =	sshll.u32 s26, $0x1;
	_ =	strace $0x8000004F;
	[dreg:$0x1] =	wrdreg $0xFFFFFFFF  }
0xad: {  	s28 =	simm.s32 $_size_execute0_lowered;
	s3 =	sadd.s32 s3, s5;
	[dreg:$0x0] =	wrdreg $0x0  }
0xae: {  	s5 =	sshll.u32 s28, $0x1;
	[dreg:$0x2] =	wrdreg s3  }
0xaf: {  	[dreg:$0x3] =	wrdreg s5  }
0xb0: {  	[dreg:$0x4] =	wrdreg $0xC0  }
0xb1: {  	_ =	task [dreg:s7], $0x5FFFF  }
0xb2: {  	[dreg:$0x1] =	wrdreg $0xFFFFFFFF  }
0xb3: {  	[dreg:$0x0] =	wrdreg $0x60  }
0xb4: {  	[dreg:$0x2] =	wrdreg s24  }
0xb5: {  	[dreg:$0x3] =	wrdreg s16  }
0xb6: {  	[dreg:$0x4] =	wrdreg $0x182000  }
0xb7: {  	[dreg:$0x5] =	wrdreg $0x9  }
0xb8: {  	_ =	task.clear_ibuf [dreg:s7], $0x6FFFF;
	_ =	strace $0x9000004F  }
0xb9: {  	s29 =	simm.s32 $0x9;
	_ =	strace $0x80000051  }
0xba: {  	_ =	swait.ge [sflag:s29], $0x1  }
0xbb: {  	[sflag:s29] =	ssyncadd.s32 $0xFFFFFFFF  }
0xbc: {  	_ =	strace $0x90000051  }
0xbd: {  	_ =	sfence  }
0xbe: {  	s30 =	sld [smem:$0x0];
	_ =	sdelay $0x2  }
0xbf: {  	s31 =	sshll.u32 s1, $0xD;
	s1 =	sshrl.u32 s1, $0x2  }
0xc0: {  	s3 =	sand.u32 $0x4000, s31;
	s1 =	sadd.s32 s1, s30  }
0xc1: {  	s0 =	sor.u32 s3, s0;
	s1 =	sshll.u32 s1, $0x11  }
0xc2: {  	s0 =	sor.u32 s1, s0  }
0xc3: {  	s0 =	sadd.s32 $0x8F2B, s0  }
0xc4: {  	[sflag:s0] =	ssyncadd.remote.s32 $0x1  }
0xc5: {  	_ =	sfence.sel $0xFFFF  }
0xc6: {  	[dreg:$0x0] =	wrdreg $0xFFFFFFFF;
	(pc) =	sbr.abs _section_cstart, $3  }
0xc7: {  	[dreg:$0x1] =	wrdreg $0xFFFFFFFF  }
0xc8: {  	_ =	task.clear_ibuf [dreg:s7], $0x2FFFF;
	_ =	strace $0x9FFFFFFF  }
0xc9: {  	(tm) =	ssettm $0x7FFFFFFF  }
tec
execute0_lowered:
.L_overlay_start_1:
0x0: {  	(tag) =	ssettag $0x1  }
0x1: {  	s0 =	rddreg [dreg:$0x0]  }
0x2: {  	s5 =	rddreg [dreg:$0x1]  }
0x3: {  	s1 =	rddreg [dreg:$0x2];
	s2 =	simm.s32 $0x0  }
0x4: {  	s3 =	srdreg.scid;
	s10 =	stileid.u32;
	s25 =	simm.s32 $0x1  }
0x5: {  	s31 =	simm.s32 $0xA100;
	s11 =	simm.s32 $0xB900;
	s12 =	simm.s32 $0xC100  }
0x6: {  	s13 =	simm.s32 $0xC900;
	s14 =	simm.s32 $0xD100;
	s15 =	simm.s32 $0xD900  }
0x7: {  	s16 =	simm.s32 $0xE100;
	s17 =	simm.s32 $0xE900;
	s18 =	simm.s32 $0xF100  }
0x8: {  	s19 =	simm.s32 $0xF900;
	s20 =	simm.s32 $0x10100;
	s21 =	simm.s32 $0x80  }
0x9: {  	s22 =	simm.s32 $0x18100;
	s23 =	simm.s32 $0x18180;
	s24 =	simm.s32 $0x14100  }
0xa: {  	v0 =	vlaneseq.u32;
	vm0 =	vmmov $0xffff;
	s26 =	simm.s32 $0x0;
	[smem:$0x7FF] =	sst s2;
	s4 =	sand.u32 $0x1, s3  }
0xb: {  	v4 =	vimm.f32 $0.0e+00;
	v5 =	vimm.f32 $1.000000000e+00;
	s30 =	sshll.u32 s10, $0x1;
	s3 =	sadd.s32 $0x43E00, s0;
	v2 =	vshrl.u32 v0, $0x3;
	p0 =	sne.s32 s10, $0x0  }
0xc: {  	v1 =	vand.u32 $0x7, v0;
	v3 =	vor.u32 $0x8, v0;
	s10 =	simm.s32 $0xB100;
	v6 =	vor.u32 $0x10, v0;
	_ =	strace $0x80000050;
	s6 =	sor.u32 s4, s30  }
0xd: {  	v7 =	vor.u32 $0x20, v0;
	v8 =	vor.u32 $0x30, v0;
	v9 =	vor.u32 $0x40, v0;
	s8 =	ssub.s32 $0x2, s4;
	s4 =	sshll.u32 s4, $0xC;
	s7 =	sshll.u32 s6, $0x5  }
0xe: {  	v10 =	vor.u32 $0x50, v0;
	v11 =	vor.u32 $0x60, v0;
	v12 =	vor.u32 $0x70, v0;
	s9 =	sshrl.u32 s8, $0x1;
	s6 =	sshll.u32 s6, $0xD;
	s7 =	sadd.s32 s7, s0  }
0xf: {  	v13 =	vor.u32 $0x80, v0;
	v14 =	vor.u32 $0x90, v0;
	v15 =	vor.u32 $0xA0, v0;
	s0 =	sadd.s32 s4, s0;
	s8 =	ssub.s32 s8, s9;
	s5 =	sadd.s32 s5, s6  }
0x10: {  	v16 =	vor.u32 $0xB0, v0;
	v17 =	vor.u32 $0xC0, v0;
	v18 =	vor.u32 $0xD0, v0;
	s9 =	simm.s32 $0x100;
	s4 =	sadd.s32 $0x6400, s7;
	s6 =	sadd.s32 $0x6800, s0  }
0x11: {  	v19 =	vor.u32 $0xE0, v0;
	v20 =	vor.u32 $0xF0, v0;
	v2 =	vmul.u32 $0x8, v2;
	s7 =	smax.u32 s8, $0x1;
	s8 =	simm.s32 $0x2;
	s0 =	simm.s32 $0xA900  }
.LBB2_1:
0x12: {  	[tilespmem:s2], [sflag:$0x2] =	stream.linear.gather [hbm4b:s4+s2], $0x100, $0x38;
	[tilespmem:$0x18300] =	vst v63  }
0x13: {  	_ =	swait.ge [sflag:s8], $0x100  }
0x14: {  	[sflag:s8] =	ssyncset.done $0x0  }
0x15: {  	[sflag:s8] =	ssyncadd.s32 $0xFFFFFF00  }
0x16: {  	v21 =	vld [tilespmem:$0x0];
	_ =	sdelay $0x4  }
0x17: {  	v22 =	vshll.u32 v21, $0x1  }
0x18: {  	v21 =	vand.u32 $0x7, v21;
	v22 =	vand.u32 $0xFFFFFFF0, v22  }
0x19: {  	v21 =	vor.u32 v21, v22  }
0x1a: {  	v22 =	vperm.xlane v21, v1;
	_ =	sdelay $0x1  }
0x1b: {  	v21 =	vperm.xlane v21, v3;
	v22 =	vadd.s32 v2, v22;
	_ =	sdelay $0x1  }
0x1c: {  	v21 =	vadd.s32 v2, v21;
	_ =	sdelay $0x2  }
0x1d: {  	[tilespmem:s9], [sflag:$0x1] =	stream.indirect_vreg.gather [hbm4b:s3+s2], $0x80, v22, vm0, $0xb8;
	[tilespmem:$0x18300] =	vst v63  }
0x1e: {  	s28 =	simm.s32 $0x900  }
0x1f: {  	[tilespmem:s28], [sflag:$0x1] =	stream.indirect_vreg.gather [hbm4b:s3+s2], $0x80, v21, vm0, $0xb8;
	[tilespmem:$0x18300] =	vst v63  }
0x20: {  	v21 =	vld [tilespmem:$0x10];
	_ =	sdelay $0x4  }
0x21: {  	v22 =	vshll.u32 v21, $0x1  }
0x22: {  	v21 =	vand.u32 $0x7, v21;
	v22 =	vand.u32 $0xFFFFFFF0, v22  }
0x23: {  	v21 =	vor.u32 v21, v22  }
0x24: {  	v22 =	vperm.xlane v21, v1;
	_ =	sdelay $0x1  }
0x25: {  	v21 =	vperm.xlane v21, v3;
	v22 =	vadd.s32 v2, v22;
	_ =	sdelay $0x1  }
0x26: {  	v21 =	vadd.s32 v2, v21;
	_ =	sdelay $0x1  }
0x27: {  	s28 =	simm.s32 $0x1100  }
0x28: {  	[tilespmem:s28], [sflag:$0x1] =	stream.indirect_vreg.gather [hbm4b:s3+s2], $0x80, v22, vm0, $0xb8;
	[tilespmem:$0x18300] =	vst v63  }
0x29: {  	s28 =	simm.s32 $0x1900  }
0x2a: {  	[tilespmem:s28], [sflag:$0x1] =	stream.indirect_vreg.gather [hbm4b:s3+s2], $0x80, v21, vm0, $0xb8;
	[tilespmem:$0x18300] =	vst v63  }
0x2b: {  	v21 =	vld [tilespmem:$0x20];
	_ =	sdelay $0x4  }
0x2c: {  	v22 =	vshll.u32 v21, $0x1  }
0x2d: {  	v21 =	vand.u32 $0x7, v21;
	v22 =	vand.u32 $0xFFFFFFF0, v22  }
0x2e: {  	v21 =	vor.u32 v21, v22  }
0x2f: {  	v22 =	vperm.xlane v21, v1;
	_ =	sdelay $0x1  }
0x30: {  	v21 =	vperm.xlane v21, v3;
	v22 =	vadd.s32 v2, v22;
	_ =	sdelay $0x1  }
0x31: {  	v21 =	vadd.s32 v2, v21;
	_ =	sdelay $0x1  }
0x32: {  	s28 =	simm.s32 $0x2100  }
0x33: {  	[tilespmem:s28], [sflag:$0x1] =	stream.indirect_vreg.gather [hbm4b:s3+s2], $0x80, v22, vm0, $0xb8;
	[tilespmem:$0x18300] =	vst v63  }
0x34: {  	s28 =	simm.s32 $0x2900  }
0x35: {  	[tilespmem:s28], [sflag:$0x1] =	stream.indirect_vreg.gather [hbm4b:s3+s2], $0x80, v21, vm0, $0xb8;
	[tilespmem:$0x18300] =	vst v63  }
0x36: {  	v21 =	vld [tilespmem:$0x30];
	_ =	sdelay $0x4  }
0x37: {  	v22 =	vshll.u32 v21, $0x1  }
0x38: {  	v21 =	vand.u32 $0x7, v21;
	v22 =	vand.u32 $0xFFFFFFF0, v22  }
0x39: {  	v21 =	vor.u32 v21, v22  }
0x3a: {  	v22 =	vperm.xlane v21, v1;
	_ =	sdelay $0x1  }
0x3b: {  	v21 =	vperm.xlane v21, v3;
	v22 =	vadd.s32 v2, v22;
	_ =	sdelay $0x1  }
0x3c: {  	v21 =	vadd.s32 v2, v21;
	_ =	sdelay $0x1  }
0x3d: {  	s28 =	simm.s32 $0x3100  }
0x3e: {  	[tilespmem:s28], [sflag:$0x1] =	stream.indirect_vreg.gather [hbm4b:s3+s2], $0x80, v22, vm0, $0xb8;
	[tilespmem:$0x18300] =	vst v63  }
0x3f: {  	s28 =	simm.s32 $0x3900  }
0x40: {  	[tilespmem:s28], [sflag:$0x1] =	stream.indirect_vreg.gather [hbm4b:s3+s2], $0x80, v21, vm0, $0xb8;
	[tilespmem:$0x18300] =	vst v63  }
0x41: {  	v21 =	vld [tilespmem:$0x40];
	_ =	sdelay $0x4  }
0x42: {  	v22 =	vshll.u32 v21, $0x1  }
0x43: {  	v21 =	vand.u32 $0x7, v21;
	v22 =	vand.u32 $0xFFFFFFF0, v22  }
0x44: {  	v21 =	vor.u32 v21, v22  }
0x45: {  	v22 =	vperm.xlane v21, v1;
	_ =	sdelay $0x1  }
0x46: {  	v21 =	vperm.xlane v21, v3;
	v22 =	vadd.s32 v2, v22;
	_ =	sdelay $0x1  }
0x47: {  	v21 =	vadd.s32 v2, v21;
	_ =	sdelay $0x1  }
0x48: {  	s28 =	simm.s32 $0x4100  }
0x49: {  	[tilespmem:s28], [sflag:$0x1] =	stream.indirect_vreg.gather [hbm4b:s3+s2], $0x80, v22, vm0, $0xb8;
	[tilespmem:$0x18300] =	vst v63  }
0x4a: {  	s28 =	simm.s32 $0x4900  }
0x4b: {  	[tilespmem:s28], [sflag:$0x1] =	stream.indirect_vreg.gather [hbm4b:s3+s2], $0x80, v21, vm0, $0xb8;
	[tilespmem:$0x18300] =	vst v63  }
0x4c: {  	v21 =	vld [tilespmem:$0x50];
	_ =	sdelay $0x4  }
0x4d: {  	v22 =	vshll.u32 v21, $0x1  }
0x4e: {  	v21 =	vand.u32 $0x7, v21;
	v22 =	vand.u32 $0xFFFFFFF0, v22  }
0x4f: {  	v21 =	vor.u32 v21, v22  }
0x50: {  	v22 =	vperm.xlane v21, v1;
	_ =	sdelay $0x1  }
0x51: {  	v21 =	vperm.xlane v21, v3;
	v22 =	vadd.s32 v2, v22;
	_ =	sdelay $0x1  }
0x52: {  	v21 =	vadd.s32 v2, v21;
	_ =	sdelay $0x1  }
0x53: {  	s28 =	simm.s32 $0x5100  }
0x54: {  	[tilespmem:s28], [sflag:$0x1] =	stream.indirect_vreg.gather [hbm4b:s3+s2], $0x80, v22, vm0, $0xb8;
	[tilespmem:$0x18300] =	vst v63  }
0x55: {  	s28 =	simm.s32 $0x5900  }
0x56: {  	[tilespmem:s28], [sflag:$0x1] =	stream.indirect_vreg.gather [hbm4b:s3+s2], $0x80, v21, vm0, $0xb8;
	[tilespmem:$0x18300] =	vst v63  }
0x57: {  	v21 =	vld [tilespmem:$0x60];
	_ =	sdelay $0x4  }
0x58: {  	v22 =	vshll.u32 v21, $0x1  }
0x59: {  	v21 =	vand.u32 $0x7, v21;
	v22 =	vand.u32 $0xFFFFFFF0, v22  }
0x5a: {  	v21 =	vor.u32 v21, v22  }
0x5b: {  	v22 =	vperm.xlane v21, v1;
	_ =	sdelay $0x1  }
0x5c: {  	v21 =	vperm.xlane v21, v3;
	v22 =	vadd.s32 v2, v22;
	_ =	sdelay $0x1  }
0x5d: {  	v21 =	vadd.s32 v2, v21;
	_ =	sdelay $0x1  }
0x5e: {  	s28 =	simm.s32 $0x6100  }
0x5f: {  	[tilespmem:s28], [sflag:$0x1] =	stream.indirect_vreg.gather [hbm4b:s3+s2], $0x80, v22, vm0, $0xb8;
	[tilespmem:$0x18300] =	vst v63  }
0x60: {  	s28 =	simm.s32 $0x6900  }
0x61: {  	[tilespmem:s28], [sflag:$0x1] =	stream.indirect_vreg.gather [hbm4b:s3+s2], $0x80, v21, vm0, $0xb8;
	[tilespmem:$0x18300] =	vst v63  }
0x62: {  	v21 =	vld [tilespmem:$0x70];
	_ =	sdelay $0x4  }
0x63: {  	v22 =	vshll.u32 v21, $0x1  }
0x64: {  	v21 =	vand.u32 $0x7, v21;
	v22 =	vand.u32 $0xFFFFFFF0, v22  }
0x65: {  	v21 =	vor.u32 v21, v22  }
0x66: {  	v22 =	vperm.xlane v21, v1;
	_ =	sdelay $0x1  }
0x67: {  	v21 =	vperm.xlane v21, v3;
	v22 =	vadd.s32 v2, v22;
	_ =	sdelay $0x1  }
0x68: {  	v21 =	vadd.s32 v2, v21;
	_ =	sdelay $0x1  }
0x69: {  	s28 =	simm.s32 $0x7100  }
0x6a: {  	[tilespmem:s28], [sflag:$0x1] =	stream.indirect_vreg.gather [hbm4b:s3+s2], $0x80, v22, vm0, $0xb8;
	[tilespmem:$0x18300] =	vst v63  }
0x6b: {  	s28 =	simm.s32 $0x7900  }
0x6c: {  	[tilespmem:s28], [sflag:$0x1] =	stream.indirect_vreg.gather [hbm4b:s3+s2], $0x80, v21, vm0, $0xb8;
	[tilespmem:$0x18300] =	vst v63  }
0x6d: {  	_ =	swait.ge [sflag:s25], $0x8000  }
0x6e: {  	[sflag:s25] =	ssyncset.done $0x0  }
0x6f: {  	[sflag:s25] =	ssyncadd.s32 $0xFFFF8000  }
0x70: {  	v21 =	vld [tilespmem:$0x80];
	_ =	sdelay $0x4  }
0x71: {  	v22 =	vshll.u32 v21, $0x1  }
0x72: {  	v21 =	vand.u32 $0x7, v21;
	v22 =	vand.u32 $0xFFFFFFF0, v22  }
0x73: {  	v21 =	vor.u32 v21, v22  }
0x74: {  	v22 =	vperm.xlane v21, v1;
	_ =	sdelay $0x1  }
0x75: {  	v21 =	vperm.xlane v21, v3;
	v22 =	vadd.s32 v2, v22;
	_ =	sdelay $0x1  }
0x76: {  	v21 =	vadd.s32 v2, v21;
	_ =	sdelay $0x1  }
0x77: {  	s28 =	simm.s32 $0x8100  }
0x78: {  	[tilespmem:s28], [sflag:$0x1] =	stream.indirect_vreg.gather [hbm4b:s3+s2], $0x80, v22, vm0, $0xb8;
	[tilespmem:$0x18300] =	vst v63  }
0x79: {  	s28 =	simm.s32 $0x8900  }
0x7a: {  	[tilespmem:s28], [sflag:$0x1] =	stream.indirect_vreg.gather [hbm4b:s3+s2], $0x80, v21, vm0, $0xb8;
	[tilespmem:$0x18300] =	vst v63  }
0x7b: {  	v21 =	vld [tilespmem:$0x90];
	_ =	sdelay $0x4  }
0x7c: {  	v22 =	vshll.u32 v21, $0x1  }
0x7d: {  	v21 =	vand.u32 $0x7, v21;
	v22 =	vand.u32 $0xFFFFFFF0, v22  }
0x7e: {  	v21 =	vor.u32 v21, v22  }
0x7f: {  	v22 =	vperm.xlane v21, v1;
	_ =	sdelay $0x1  }
0x80: {  	v21 =	vperm.xlane v21, v3;
	v22 =	vadd.s32 v2, v22;
	_ =	sdelay $0x1  }
0x81: {  	v21 =	vadd.s32 v2, v21;
	_ =	sdelay $0x1  }
0x82: {  	s28 =	simm.s32 $0x9100  }
0x83: {  	[tilespmem:s28], [sflag:$0x1] =	stream.indirect_vreg.gather [hbm4b:s3+s2], $0x80, v22, vm0, $0xb8;
	[tilespmem:$0x18300] =	vst v63  }
0x84: {  	s28 =	simm.s32 $0x9900  }
0x85: {  	[tilespmem:s28], [sflag:$0x1] =	stream.indirect_vreg.gather [hbm4b:s3+s2], $0x80, v21, vm0, $0xb8;
	[tilespmem:$0x18300] =	vst v63  }
0x86: {  	v21 =	vld [tilespmem:$0xA0];
	_ =	sdelay $0x4  }
0x87: {  	v22 =	vshll.u32 v21, $0x1  }
0x88: {  	v21 =	vand.u32 $0x7, v21;
	v22 =	vand.u32 $0xFFFFFFF0, v22  }
0x89: {  	v21 =	vor.u32 v21, v22  }
0x8a: {  	v22 =	vperm.xlane v21, v1;
	_ =	sdelay $0x1  }
0x8b: {  	v21 =	vperm.xlane v21, v3;
	v22 =	vadd.s32 v2, v22;
	_ =	sdelay $0x1  }
0x8c: {  	v21 =	vadd.s32 v2, v21;
	_ =	sdelay $0x2  }
0x8d: {  	[tilespmem:s31], [sflag:$0x1] =	stream.indirect_vreg.gather [hbm4b:s3+s2], $0x80, v22, vm0, $0xb8;
	[tilespmem:$0x18300] =	vst v63  }
0x8e: {  	_ = 	snop  }
0x8f: {  	[tilespmem:s0], [sflag:$0x1] =	stream.indirect_vreg.gather [hbm4b:s3+s2], $0x80, v21, vm0, $0xb8;
	[tilespmem:$0x18300] =	vst v63  }
0x90: {  	v21 =	vld [tilespmem:$0xB0];
	_ =	sdelay $0x4  }
0x91: {  	v22 =	vshll.u32 v21, $0x1  }
0x92: {  	v21 =	vand.u32 $0x7, v21;
	v22 =	vand.u32 $0xFFFFFFF0, v22  }
0x93: {  	v21 =	vor.u32 v21, v22  }
0x94: {  	v22 =	vperm.xlane v21, v1;
	_ =	sdelay $0x1  }
0x95: {  	v21 =	vperm.xlane v21, v3;
	v22 =	vadd.s32 v2, v22;
	_ =	sdelay $0x1  }
0x96: {  	v21 =	vadd.s32 v2, v21;
	_ =	sdelay $0x2  }
0x97: {  	[tilespmem:s10], [sflag:$0x1] =	stream.indirect_vreg.gather [hbm4b:s3+s2], $0x80, v22, vm0, $0xb8;
	[tilespmem:$0x18300] =	vst v63  }
0x98: {  	_ = 	snop  }
0x99: {  	[tilespmem:s11], [sflag:$0x1] =	stream.indirect_vreg.gather [hbm4b:s3+s2], $0x80, v21, vm0, $0xb8;
	[tilespmem:$0x18300] =	vst v63  }
0x9a: {  	v21 =	vld [tilespmem:$0xC0];
	_ =	sdelay $0x4  }
0x9b: {  	v22 =	vshll.u32 v21, $0x1  }
0x9c: {  	v21 =	vand.u32 $0x7, v21;
	v22 =	vand.u32 $0xFFFFFFF0, v22  }
0x9d: {  	v21 =	vor.u32 v21, v22  }
0x9e: {  	v22 =	vperm.xlane v21, v1;
	_ =	sdelay $0x1  }
0x9f: {  	v21 =	vperm.xlane v21, v3;
	v22 =	vadd.s32 v2, v22;
	_ =	sdelay $0x1  }
0xa0: {  	v21 =	vadd.s32 v2, v21;
	_ =	sdelay $0x2  }
0xa1: {  	[tilespmem:s12], [sflag:$0x1] =	stream.indirect_vreg.gather [hbm4b:s3+s2], $0x80, v22, vm0, $0xb8;
	[tilespmem:$0x18300] =	vst v63  }
0xa2: {  	_ = 	snop  }
0xa3: {  	[tilespmem:s13], [sflag:$0x1] =	stream.indirect_vreg.gather [hbm4b:s3+s2], $0x80, v21, vm0, $0xb8;
	[tilespmem:$0x18300] =	vst v63  }
0xa4: {  	v21 =	vld [tilespmem:$0xD0];
	_ =	sdelay $0x4  }
0xa5: {  	v22 =	vshll.u32 v21, $0x1  }
0xa6: {  	v21 =	vand.u32 $0x7, v21;
	v22 =	vand.u32 $0xFFFFFFF0, v22  }
0xa7: {  	v21 =	vor.u32 v21, v22  }
0xa8: {  	v22 =	vperm.xlane v21, v1;
	_ =	sdelay $0x1  }
0xa9: {  	v21 =	vperm.xlane v21, v3;
	v22 =	vadd.s32 v2, v22;
	_ =	sdelay $0x1  }
0xaa: {  	v21 =	vadd.s32 v2, v21;
	_ =	sdelay $0x2  }
0xab: {  	[tilespmem:s14], [sflag:$0x1] =	stream.indirect_vreg.gather [hbm4b:s3+s2], $0x80, v22, vm0, $0xb8;
	[tilespmem:$0x18300] =	vst v63  }
0xac: {  	_ = 	snop  }
0xad: {  	[tilespmem:s15], [sflag:$0x1] =	stream.indirect_vreg.gather [hbm4b:s3+s2], $0x80, v21, vm0, $0xb8;
	[tilespmem:$0x18300] =	vst v63  }
0xae: {  	v21 =	vld [tilespmem:$0xE0];
	_ =	sdelay $0x4  }
0xaf: {  	v22 =	vshll.u32 v21, $0x1  }
0xb0: {  	v21 =	vand.u32 $0x7, v21;
	v22 =	vand.u32 $0xFFFFFFF0, v22  }
0xb1: {  	v21 =	vor.u32 v21, v22  }
0xb2: {  	v22 =	vperm.xlane v21, v1;
	_ =	sdelay $0x1  }
0xb3: {  	v21 =	vperm.xlane v21, v3;
	v22 =	vadd.s32 v2, v22;
	_ =	sdelay $0x1  }
0xb4: {  	v21 =	vadd.s32 v2, v21;
	_ =	sdelay $0x2  }
0xb5: {  	[tilespmem:s16], [sflag:$0x1] =	stream.indirect_vreg.gather [hbm4b:s3+s2], $0x80, v22, vm0, $0xb8;
	[tilespmem:$0x18300] =	vst v63  }
0xb6: {  	_ = 	snop  }
0xb7: {  	[tilespmem:s17], [sflag:$0x1] =	stream.indirect_vreg.gather [hbm4b:s3+s2], $0x80, v21, vm0, $0xb8;
	[tilespmem:$0x18300] =	vst v63  }
0xb8: {  	v21 =	vld [tilespmem:$0xF0];
	_ =	sdelay $0x4  }
0xb9: {  	v22 =	vshll.u32 v21, $0x1  }
0xba: {  	v21 =	vand.u32 $0x7, v21;
	v22 =	vand.u32 $0xFFFFFFF0, v22  }
0xbb: {  	v21 =	vor.u32 v21, v22  }
0xbc: {  	v22 =	vperm.xlane v21, v1;
	_ =	sdelay $0x1  }
0xbd: {  	v21 =	vperm.xlane v21, v3;
	v22 =	vadd.s32 v2, v22;
	_ =	sdelay $0x1  }
0xbe: {  	v21 =	vadd.s32 v2, v21;
	_ =	sdelay $0x2  }
0xbf: {  	[tilespmem:s18], [sflag:$0x1] =	stream.indirect_vreg.gather [hbm4b:s3+s2], $0x80, v22, vm0, $0xb8;
	[tilespmem:$0x18300] =	vst v63  }
0xc0: {  	_ = 	snop  }
0xc1: {  	[tilespmem:s19], [sflag:$0x1] =	stream.indirect_vreg.gather [hbm4b:s3+s2], $0x80, v21, vm0, $0xb8;
	[tilespmem:$0x18300] =	vst v63  }
0xc2: {  	_ =	swait.ge [sflag:s25], $0x8000  }
0xc3: {  	[sflag:s25] =	ssyncset.done $0x0  }
0xc4: {  	[sflag:s25] =	ssyncadd.s32 $0xFFFF8000  }
0xc5: {  	[hbm4b:s5+s2] =	stream.linear.scatter [tilespmem:s9], [sflag:$0x2], $0x10000, $0x38;
	[tilespmem:$0x18300] =	vst v63  }
0xc6: {  	_ =	swait.ge [sflag:s8], $0x10000  }
0xc7: {  	[sflag:s8] =	ssyncset.done $0x0  }
0xc8: {  	s29 =	simm.s32 $0x0;
	s28 =	simm.s32 $0x200;
	[sflag:s8] =	ssyncadd.s32 $0xFFFF0000  }
.LBB2_2:
0xc9: {  	p1 =	sne.s32 s28, $0x1FE00;
	[tilespmem:s29+$0x10100] =	vst v4;
	s29 =	smov.u32 s28;
	s28 =	sadd.s32 $0x200, s28  }
.Ltmp0:
0xca: {  	(pc) =	sbr.rel @p1 .LBB2_2-.Ltmp0, $2  }
0xcb: {  	_ =	sdelay $0x2  }
0xcc: {  	s29 =	sshra.s32 s29, $0x2  }
0xcd: {  	[tilespmem:s29+$0x10100] =	vst v4;
	s28 =	simm.s32 @!p0 $0x10100  }
0xce: {  	[spmem:s1] =	stream.linear.scatter @!p0 [tilespmem:s28], [sflag:$0x2], $0x8000, $0x38;
	[tilespmem:$0x18300] =	vst v63  }
0xcf: {  	s28 =	simm.s32 @!p0 $0x2  }
0xd0: {  	_ =	swait.ge @!p0 [sflag:s28], $0x8000  }
0xd1: {  	[sflag:s28] =	ssyncset.done @!p0 $0x0  }
0xd2: {  	[sflag:s28] =	ssyncadd.s32 @!p0 $0xFFFF8000  }
0xd3: {  	[bflag:$0x0] =	sbarrier.arrive $0xFFFF  }
0xd4: {  	v21 =	vld [tilespmem:$0x0];
	_ =	sdelay $0x4  }
0xd5: {  	v22 =	vshll.u32 v21, $0x3  }
0xd6: {  	v21 =	vand.u32 $0xF, v21;
	v22 =	vand.u32 $0xFFFFFF80, v22  }
0xd7: {  	v21 =	vor.u32 v21, v22;
	_ =	sdelay $0x4  }
0xd8: {  	[tilespmem:v21+s20+$0x0] =	vst.idx.add.f32.msk $0xffff, v5  }
0xd9: {  	v21 =	vld [tilespmem:$0x10];
	_ =	sdelay $0x4  }
0xda: {  	v22 =	vshll.u32 v21, $0x3  }
0xdb: {  	v21 =	vand.u32 $0xF, v21;
	v22 =	vand.u32 $0xFFFFFF80, v22  }
0xdc: {  	v21 =	vor.u32 v21, v22;
	_ =	sdelay $0x4  }
0xdd: {  	[tilespmem:v21+s20+$0x0] =	vst.idx.add.f32.msk $0xffff, v5  }
0xde: {  	v21 =	vld [tilespmem:$0x20];
	_ =	sdelay $0x4  }
0xdf: {  	v22 =	vshll.u32 v21, $0x3  }
0xe0: {  	v21 =	vand.u32 $0xF, v21;
	v22 =	vand.u32 $0xFFFFFF80, v22  }
0xe1: {  	v21 =	vor.u32 v21, v22;
	_ =	sdelay $0x4  }
0xe2: {  	[tilespmem:v21+s20+$0x0] =	vst.idx.add.f32.msk $0xffff, v5  }
0xe3: {  	v21 =	vld [tilespmem:$0x30];
	_ =	sdelay $0x4  }
0xe4: {  	v22 =	vshll.u32 v21, $0x3  }
0xe5: {  	v21 =	vand.u32 $0xF, v21;
	v22 =	vand.u32 $0xFFFFFF80, v22  }
0xe6: {  	v21 =	vor.u32 v21, v22;
	_ =	sdelay $0x4  }
0xe7: {  	[tilespmem:v21+s20+$0x0] =	vst.idx.add.f32.msk $0xffff, v5  }
0xe8: {  	v21 =	vld [tilespmem:$0x40];
	_ =	sdelay $0x4  }
0xe9: {  	v22 =	vshll.u32 v21, $0x3  }
0xea: {  	v21 =	vand.u32 $0xF, v21;
	v22 =	vand.u32 $0xFFFFFF80, v22  }
0xeb: {  	v21 =	vor.u32 v21, v22;
	_ =	sdelay $0x4  }
0xec: {  	[tilespmem:v21+s20+$0x0] =	vst.idx.add.f32.msk $0xffff, v5  }
0xed: {  	v21 =	vld [tilespmem:$0x50];
	_ =	sdelay $0x4  }
0xee: {  	v22 =	vshll.u32 v21, $0x3  }
0xef: {  	v21 =	vand.u32 $0xF, v21;
	v22 =	vand.u32 $0xFFFFFF80, v22  }
0xf0: {  	v21 =	vor.u32 v21, v22;
	_ =	sdelay $0x4  }
0xf1: {  	[tilespmem:v21+s20+$0x0] =	vst.idx.add.f32.msk $0xffff, v5  }
0xf2: {  	v21 =	vld [tilespmem:$0x60];
	_ =	sdelay $0x4  }
0xf3: {  	v22 =	vshll.u32 v21, $0x3  }
0xf4: {  	v21 =	vand.u32 $0xF, v21;
	v22 =	vand.u32 $0xFFFFFF80, v22  }
0xf5: {  	v21 =	vor.u32 v21, v22;
	_ =	sdelay $0x4  }
0xf6: {  	[tilespmem:v21+s20+$0x0] =	vst.idx.add.f32.msk $0xffff, v5  }
0xf7: {  	v21 =	vld [tilespmem:$0x70];
	_ =	sdelay $0x4  }
0xf8: {  	v22 =	vshll.u32 v21, $0x3  }
0xf9: {  	v21 =	vand.u32 $0xF, v21;
	v22 =	vand.u32 $0xFFFFFF80, v22  }
0xfa: {  	v21 =	vor.u32 v21, v22;
	_ =	sdelay $0x4  }
0xfb: {  	[tilespmem:v21+s20+$0x0] =	vst.idx.add.f32.msk $0xffff, v5  }
0xfc: {  	v21 =	vld [tilespmem:$0x80];
	_ =	sdelay $0x3  }
0xfd: {  	[tilespmem:$0x18100] =	vst v0  }
0xfe: {  	[tilespmem:$0x18110] =	vst v6;
	v22 =	vshll.u32 v21, $0x3  }
0xff: {  	[tilespmem:$0x18120] =	vst v7;
	v21 =	vand.u32 $0xF, v21;
	v22 =	vand.u32 $0xFFFFFF80, v22  }
0x100: {  	[tilespmem:$0x18130] =	vst v8;
	v21 =	vor.u32 v21, v22  }
0x101: {  	[tilespmem:$0x18140] =	vst v9  }
0x102: {  	[tilespmem:$0x18150] =	vst v10  }
0x103: {  	[tilespmem:$0x18160] =	vst v11  }
0x104: {  	[tilespmem:$0x18170] =	vst v12  }
0x105: {  	[tilespmem:v21+s20+$0x0] =	vst.idx.add.f32.msk $0xffff, v5  }
0x106: {  	v21 =	vld [tilespmem:$0x90];
	_ =	sdelay $0x4  }
0x107: {  	v22 =	vshll.u32 v21, $0x3  }
0x108: {  	v21 =	vand.u32 $0xF, v21;
	v22 =	vand.u32 $0xFFFFFF80, v22  }
0x109: {  	v21 =	vor.u32 v21, v22;
	_ =	sdelay $0x4  }
0x10a: {  	[tilespmem:v21+s20+$0x0] =	vst.idx.add.f32.msk $0xffff, v5  }
0x10b: {  	v21 =	vld [tilespmem:$0xA0];
	_ =	sdelay $0x4  }
0x10c: {  	v22 =	vshll.u32 v21, $0x3  }
0x10d: {  	v21 =	vand.u32 $0xF, v21;
	v22 =	vand.u32 $0xFFFFFF80, v22  }
0x10e: {  	v21 =	vor.u32 v21, v22;
	_ =	sdelay $0x4  }
0x10f: {  	[tilespmem:v21+s20+$0x0] =	vst.idx.add.f32.msk $0xffff, v5  }
0x110: {  	v21 =	vld [tilespmem:$0xB0];
	_ =	sdelay $0x4  }
0x111: {  	v22 =	vshll.u32 v21, $0x3  }
0x112: {  	v21 =	vand.u32 $0xF, v21;
	v22 =	vand.u32 $0xFFFFFF80, v22  }
0x113: {  	v21 =	vor.u32 v21, v22;
	_ =	sdelay $0x4  }
0x114: {  	[tilespmem:v21+s20+$0x0] =	vst.idx.add.f32.msk $0xffff, v5  }
0x115: {  	v21 =	vld [tilespmem:$0xC0];
	_ =	sdelay $0x4  }
0x116: {  	v22 =	vshll.u32 v21, $0x3  }
0x117: {  	v21 =	vand.u32 $0xF, v21;
	v22 =	vand.u32 $0xFFFFFF80, v22  }
0x118: {  	v21 =	vor.u32 v21, v22;
	_ =	sdelay $0x4  }
0x119: {  	[tilespmem:v21+s20+$0x0] =	vst.idx.add.f32.msk $0xffff, v5  }
0x11a: {  	v21 =	vld [tilespmem:$0xD0];
	_ =	sdelay $0x4  }
0x11b: {  	v22 =	vshll.u32 v21, $0x3  }
0x11c: {  	v21 =	vand.u32 $0xF, v21;
	v22 =	vand.u32 $0xFFFFFF80, v22  }
0x11d: {  	v21 =	vor.u32 v21, v22;
	_ =	sdelay $0x4  }
0x11e: {  	[tilespmem:v21+s20+$0x0] =	vst.idx.add.f32.msk $0xffff, v5  }
0x11f: {  	v21 =	vld [tilespmem:$0xE0];
	_ =	sdelay $0x4  }
0x120: {  	v22 =	vshll.u32 v21, $0x3  }
0x121: {  	v21 =	vand.u32 $0xF, v21;
	v22 =	vand.u32 $0xFFFFFF80, v22  }
0x122: {  	v21 =	vor.u32 v21, v22;
	_ =	sdelay $0x4  }
0x123: {  	[tilespmem:v21+s20+$0x0] =	vst.idx.add.f32.msk $0xffff, v5  }
0x124: {  	v21 =	vld [tilespmem:$0xF0];
	_ =	sdelay $0x4  }
0x125: {  	v22 =	vshll.u32 v21, $0x3  }
0x126: {  	v21 =	vand.u32 $0xF, v21;
	v22 =	vand.u32 $0xFFFFFF80, v22  }
0x127: {  	v21 =	vor.u32 v21, v22;
	_ =	sdelay $0x4  }
0x128: {  	[tilespmem:v21+s20+$0x0] =	vst.idx.add.f32.msk $0xffff, v5  }
0x129: {  	[tilespmem:$0x18180] =	vst v13  }
0x12a: {  	[tilespmem:$0x18190] =	vst v14  }
0x12b: {  	[tilespmem:$0x181A0] =	vst v15  }
0x12c: {  	[tilespmem:$0x181B0] =	vst v16  }
0x12d: {  	[tilespmem:$0x181C0] =	vst v17  }
0x12e: {  	[tilespmem:$0x181D0] =	vst v18  }
0x12f: {  	[tilespmem:$0x181E0] =	vst v19  }
0x130: {  	[tilespmem:$0x181F0] =	vst v20  }
0x131: {  	[spmem:s1] =	stream.indirect.scatter.add.f32 [tilespmem:s20], [sflag:$0x2], $0x10, s22, s21, $0xb8;
	[tilespmem:$0x18300] =	vst v63  }
0x132: {  	_ =	swait.ge [sflag:s8], $0x800  }
0x133: {  	[sflag:s8] =	ssyncset.done $0x0  }
0x134: {  	[sflag:s8] =	ssyncadd.s32 $0xFFFFF800  }
0x135: {  	[spmem:s1] =	stream.indirect.scatter.add.f32 [tilespmem:s24], [sflag:$0x2], $0x10, s23, s21, $0xb8;
	[tilespmem:$0x18300] =	vst v63  }
0x136: {  	_ =	swait.ge [sflag:s8], $0x800  }
0x137: {  	s26 =	sadd.s32 $0x1, s26;
	[sflag:s8] =	ssyncset.done $0x0  }
0x138: {  	s29 =	sshrl.u32 @!p0 s1, $0x3;
	p1 =	sne.s32 s26, s7;
	[sflag:s8] =	ssyncadd.s32 $0xFFFFF800  }
.Ltmp1:
0x139: {  	s30 =	simm.s32 @!p0 $0x1C02;
	[bflag:$0x0] =	sbarrier.arrive $0xFFFF;
	(pc) =	sbr.rel @p1 .LBB2_1-.Ltmp1, $4  }
0x13a: {  	[hbm:s6], [sflag:s30] =	dma.local @!p0 [spmem:s29], $0x1000  }
0x13b: {  	_ =	swait.ge @!p0 [sflag:s28], $0x1000  }
0x13c: {  	[sflag:s28] =	ssyncset.done @!p0 $0x0  }
0x13d: {  	[sflag:s28] =	ssyncadd.s32 @!p0 $0xFFFFF000  }
0x13e: {  	_ =	sfence.sel $0x180000  }
0x13f: {  	[bflag:$0x0] =	sbarrier.arrive $0xFFFF  }
0x140: {  	_ =	strace $0x90000050  }
0x141: {  	[bflag:$0x2] =	sbarrier.arrive $0xFFFF  }
0x142: {  	s0 =	rddreg [dreg:$0x3]  }
0x143: {  	s0 =	sadd.s32 @!p0 $0x100000, s0  }
0x144: {  	[sflag:s0] =	ssyncadd.tile.s32 @!p0 $0x1;
	_ =	shalt  }
.Lfunc_end2:
_tile_overlayer_lowered:
.L_overlay_start_2:
0x145: {  	(tag) =	ssettag $0x2  }
0x146: {  	s0 =	rddreg [dreg:$0x0];
	s2 =	stileid.u32  }
0x147: {  	s1 =	rddreg [dreg:$0x1];
	p0 =	sne.s32 s2, $0x0  }
0x148: {  	s3 =	rddreg [dreg:$0x2];
	[bflag:$0x3] =	sbarrier.arrive $0xFFFF;
	s2 =	simm.s32 @!p0 $0x1C02  }
0x149: {  	[timem:s3], [sflag:s2] =	dma.local @!p0 [hbm:s0], s1  }
0x14a: {  	s0 =	simm.s32 @!p0 $0x2  }
0x14b: {  	_ =	swait.ge @!p0 [sflag:s0], s1  }
0x14c: {  	s1 =	ssub.s32 @!p0 $0x0, s1;
	[sflag:s0] =	ssyncset.done @!p0 $0x0  }
0x14d: {  	[sflag:s0] =	ssyncadd.s32 @!p0 s1  }
0x14e: {  	[bflag:$0x3] =	sbarrier.arrive $0xFFFF  }
0x14f: {  	_ =	shalt  }

</sc_bundles>
